<compile_context>
chip_gen: v7x
topology: tpu7x:2x2x1
jax: 0.10.2.dev20260603
libtpu: 0.0.44.dev20260713+nightly
codegen_flags: <defaults>
</compile_context>

<pallas_src>
import functools

import jax
import jax.numpy as jnp
from jax import lax
from jax.experimental import pallas as pl
from jax.experimental.pallas import tpu as pltpu
from jax.experimental.pallas import tpu_sc as plsc

N = 10000
E = 320000
NP = 10112
NW = 32
CHUNK = 125
NCHUNK = 80
ROWS_PER_TILE = NP // 16
NBUF = 8
DIST = 4


def _mesh():
    return plsc.VectorSubcoreMesh(core_axis_name="c", subcore_axis_name="s",
                                  num_cores=2, num_subcores=16)


def _sc_edge_sweep():

    @functools.partial(
        pl.kernel,
        mesh=_mesh(),
        compiler_params=pltpu.CompilerParams(use_tc_tiling_on_sc=False),
        out_type=jax.ShapeDtypeStruct((2, NP, 16), jnp.float32),
        scratch_types=(
            [pltpu.VMEM((NCHUNK, CHUNK), jnp.int32)] * 2
            + [pltpu.VMEM((CHUNK, 16), jnp.float32)] * NBUF
            + [pltpu.VMEM((ROWS_PER_TILE, 16), jnp.float32)]
            + [pltpu.VMEM_SHARED((NP, 16), jnp.float32)] * 2
            + [pltpu.SemaphoreType.DMA] * (2 * NBUF)
        ),
    )
    def sweep(y_hbm, eidx_hbm, out_hbm, sidx, didx, *rest):
        gbufs = rest[:NBUF]
        stage = rest[NBUF]
        ytab = rest[NBUF + 1]
        acc = rest[NBUF + 2]
        gsems = rest[NBUF + 3:NBUF + 3 + NBUF]
        ssems = rest[NBUF + 3 + NBUF:]
        cid = lax.axis_index("c")
        sid = lax.axis_index("s")
        wid = cid * 16 + sid
        base = sid * ROWS_PER_TILE

        pltpu.sync_copy(eidx_hbm.at[0, pl.ds(wid * NCHUNK, NCHUNK)], sidx)
        pltpu.sync_copy(eidx_hbm.at[1, pl.ds(wid * NCHUNK, NCHUNK)], didx)
        pltpu.sync_copy(y_hbm.at[pl.ds(base, ROWS_PER_TILE)], stage)
        pltpu.sync_copy(stage, ytab.at[pl.ds(base, ROWS_PER_TILE)])
        pltpu.sync_copy(stage, acc.at[pl.ds(base, ROWS_PER_TILE)])
        plsc.subcore_barrier()

        for b in range(DIST):
            pltpu.async_copy(ytab.at[sidx.at[b]], gbufs[b], gsems[b])

        def body(g, carry):
            for b in range(NBUF):
                j = g * NBUF + b
                t = (b + DIST) % NBUF
                pltpu.make_async_copy(ytab.at[sidx.at[j]], gbufs[b], gsems[b]).wait()
                pltpu.async_copy(gbufs[b], acc.at[didx.at[j]], ssems[b], add=True)

                @pl.when(j >= DIST)
                def _():
                    pltpu.make_async_copy(
                        gbufs[t], acc.at[didx.at[j - DIST]], ssems[t]).wait()

                @pl.when(j + DIST < NCHUNK)
                def _():
                    pltpu.async_copy(ytab.at[sidx.at[j + DIST]], gbufs[t], gsems[t])

            return carry

        lax.fori_loop(0, NCHUNK // NBUF, body, 0, unroll=False)
        for i in range(DIST):
            j = NCHUNK - DIST + i
            s = j % NBUF
            pltpu.make_async_copy(gbufs[s], acc.at[didx.at[j]], ssems[s]).wait()
        plsc.subcore_barrier()

        pltpu.sync_copy(acc.at[pl.ds(base, ROWS_PER_TILE)], stage)
        pltpu.sync_copy(stage, out_hbm.at[cid, pl.ds(base, ROWS_PER_TILE)])

    return sweep


def _sc_fused_sweep():

    @functools.partial(
        pl.kernel,
        mesh=_mesh(),
        compiler_params=pltpu.CompilerParams(use_tc_tiling_on_sc=False),
        out_type=(jax.ShapeDtypeStruct((2, NP, 16), jnp.float32),
                  jax.ShapeDtypeStruct((NP, 16), jnp.float32)),
        scratch_types=(
            [pltpu.VMEM((NCHUNK, CHUNK), jnp.int32)] * 2
            + [pltpu.VMEM((CHUNK, 16), jnp.float32)] * NBUF
            + [pltpu.VMEM((ROWS_PER_TILE, 16), jnp.float32)] * 5
            + [pltpu.VMEM((16,), jnp.float32)]
            + [pltpu.VMEM_SHARED((NP, 16), jnp.float32)] * 2
            + [pltpu.SemaphoreType.DMA] * (2 * NBUF)
        ),
    )
    def sweep(zp_hbm, y1_hbm, dinv_hbm, b_hbm, eidx_hbm, out_hbm, y2_hbm,
              sidx, didx, *rest):
        gbufs = rest[:NBUF]
        p0b, p1b, y1b, db, y2b, bb = rest[NBUF:NBUF + 6]
        ytab = rest[NBUF + 6]
        acc = rest[NBUF + 7]
        gsems = rest[NBUF + 8:NBUF + 8 + NBUF]
        ssems = rest[NBUF + 8 + NBUF:]
        cid = lax.axis_index("c")
        sid = lax.axis_index("s")
        wid = cid * 16 + sid
        base = sid * ROWS_PER_TILE

        pltpu.sync_copy(eidx_hbm.at[0, pl.ds(wid * NCHUNK, NCHUNK)], sidx)
        pltpu.sync_copy(eidx_hbm.at[1, pl.ds(wid * NCHUNK, NCHUNK)], didx)
        pltpu.sync_copy(zp_hbm.at[0, pl.ds(base, ROWS_PER_TILE)], p0b)
        pltpu.sync_copy(zp_hbm.at[1, pl.ds(base, ROWS_PER_TILE)], p1b)
        pltpu.sync_copy(y1_hbm.at[pl.ds(base, ROWS_PER_TILE)], y1b)
        pltpu.sync_copy(dinv_hbm.at[pl.ds(base, ROWS_PER_TILE)], db)
        pltpu.sync_copy(b_hbm, bb)
        bvec = bb[...]

        def rows(r, carry):
            d = db[r]
            z = p0b[r] + p1b[r] - y1b[r]
            y2b[r] = _elu(z * d + bvec) * d
            return carry

        lax.fori_loop(0, ROWS_PER_TILE, rows, 0, unroll=False)
        pltpu.sync_copy(y2b, ytab.at[pl.ds(base, ROWS_PER_TILE)])
        pltpu.sync_copy(y2b, acc.at[pl.ds(base, ROWS_PER_TILE)])
        pltpu.sync_copy(y2b, y2_hbm.at[pl.ds(base, ROWS_PER_TILE)])
        plsc.subcore_barrier()

        for b in range(DIST):
            pltpu.async_copy(ytab.at[sidx.at[b]], gbufs[b], gsems[b])

        def body(g, carry):
            for b in range(NBUF):
                j = g * NBUF + b
                t = (b + DIST) % NBUF
                pltpu.make_async_copy(ytab.at[sidx.at[j]], gbufs[b], gsems[b]).wait()
                pltpu.async_copy(gbufs[b], acc.at[didx.at[j]], ssems[b], add=True)

                @pl.when(j >= DIST)
                def _():
                    pltpu.make_async_copy(
                        gbufs[t], acc.at[didx.at[j - DIST]], ssems[t]).wait()

                @pl.when(j + DIST < NCHUNK)
                def _():
                    pltpu.async_copy(ytab.at[sidx.at[j + DIST]], gbufs[t], gsems[t])

            return carry

        lax.fori_loop(0, NCHUNK // NBUF, body, 0, unroll=False)
        for i in range(DIST):
            j = NCHUNK - DIST + i
            s = j % NBUF
            pltpu.make_async_copy(gbufs[s], acc.at[didx.at[j]], ssems[s]).wait()
        plsc.subcore_barrier()

        pltpu.sync_copy(acc.at[pl.ds(base, ROWS_PER_TILE)], p0b)
        pltpu.sync_copy(p0b, out_hbm.at[cid, pl.ds(base, ROWS_PER_TILE)])

    return sweep


def _sc_deg_sweep():

    @functools.partial(
        pl.kernel,
        mesh=_mesh(),
        compiler_params=pltpu.CompilerParams(use_tc_tiling_on_sc=False),
        out_type=jax.ShapeDtypeStruct((2, NP, 8), jnp.float32),
        scratch_types=[
            pltpu.VMEM((NCHUNK, CHUNK), jnp.int32),
            pltpu.VMEM((CHUNK, 8), jnp.float32),
            pltpu.VMEM((ROWS_PER_TILE, 8), jnp.float32),
            pltpu.VMEM_SHARED((NP, 8), jnp.float32),
            pltpu.SemaphoreType.DMA,
        ],
    )
    def sweep(ones_hbm, eidx_hbm, out_hbm, didx, obuf, stage, acc, sem):
        cid = lax.axis_index("c")
        sid = lax.axis_index("s")
        wid = cid * 16 + sid
        base = sid * ROWS_PER_TILE

        pltpu.sync_copy(eidx_hbm.at[1, pl.ds(wid * NCHUNK, NCHUNK)], didx)
        pltpu.sync_copy(ones_hbm.at[pl.ds(0, CHUNK)], obuf)
        pltpu.sync_copy(ones_hbm.at[pl.ds(base, ROWS_PER_TILE)], stage)
        pltpu.sync_copy(stage, acc.at[pl.ds(base, ROWS_PER_TILE)])
        plsc.subcore_barrier()

        def body(j, carry):
            pltpu.async_copy(obuf, acc.at[didx.at[j]], sem, add=True)

            @pl.when(j >= NBUF)
            def _():
                pltpu.make_async_copy(obuf, acc.at[didx.at[j - NBUF]], sem).wait()

            return carry

        lax.fori_loop(0, NCHUNK, body, 0, unroll=False)

        def drain(j, carry):
            pltpu.make_async_copy(obuf, acc.at[didx.at[j]], sem).wait()
            return carry

        lax.fori_loop(NCHUNK - NBUF, NCHUNK, drain, 0, unroll=False)
        plsc.subcore_barrier()

        pltpu.sync_copy(acc.at[pl.ds(base, ROWS_PER_TILE)], stage)
        pltpu.sync_copy(stage, out_hbm.at[cid, pl.ds(base, ROWS_PER_TILE)])

    return sweep


def _elu(v):
    return jnp.where(v > 0, v, jnp.exp(jnp.minimum(v, 0.0)) - 1.0)


def _dinv_from(degp_0, degp_1):
    deg = degp_0[:, :1] + degp_1[:, :1] - 1.0
    return lax.rsqrt(jnp.maximum(deg, 1.0))


def _pad_rows(y):
    rows = lax.broadcasted_iota(jnp.int32, (NP, 1), 0)
    return jnp.where(rows < N, y, 0.0)


def _t1_body(x_ref, w_ref, degp_ref, o_ref, d_ref):
    dinv = _dinv_from(degp_ref[0], degp_ref[1])
    y = jnp.dot(x_ref[...], w_ref[...], preferred_element_type=jnp.float32)
    y = y * dinv[:N]
    o_ref[0:N, :] = y
    o_ref[N:NP, :] = jnp.zeros((NP - N, 16), jnp.float32)
    d_ref[...] = jnp.broadcast_to(dinv, (NP, 16))


def _t3_body(zp_ref, y_ref, dinv_ref, b_ref, w_ref, o_ref):
    dinv = dinv_ref[...]
    z = (zp_ref[0] + zp_ref[1] - y_ref[...]) * dinv
    pre = jnp.dot(z, w_ref[...], preferred_element_type=jnp.float32) + b_ref[...]
    u = _elu(pre) * dinv
    o_ref[...] = _pad_rows(u)


def _t4_body(zp_ref, u_ref, dinv_ref, w_ref, b_ref, o_ref):
    zu = ((zp_ref[0] + zp_ref[1] - u_ref[...]) * dinv_ref[...])[:N]
    o = _elu(jnp.dot(zu, w_ref[...], preferred_element_type=jnp.float32)
             + b_ref[...])
    m = jnp.max(o, axis=1, keepdims=True)
    e = o - m
    lse = jnp.log(jnp.sum(jnp.exp(e), axis=1, keepdims=True))
    o_ref[...] = e - lse


def _tc(body, out_shape):
    return pl.pallas_call(body, out_shape=out_shape)


def kernel(x, edge_index, W1, b1, W2, b2, W3, b3):
    eidx3 = edge_index.astype(jnp.int32).reshape(2, NW * NCHUNK, CHUNK)
    ones8 = jnp.ones((NP, 8), jnp.float32)

    f16 = jax.ShapeDtypeStruct((NP, 16), jnp.float32)
    degp = _sc_deg_sweep()(ones8, eidx3)

    y1, dinv16 = _tc(_t1_body, (f16, f16))(x, W1, degp)
    zp1 = _sc_edge_sweep()(y1, eidx3)

    zp2, y2 = _sc_fused_sweep()(zp1, y1, dinv16, b1, eidx3)

    y3 = _tc(_t3_body, f16)(zp2, y2, dinv16, b2, W2)
    zp3 = _sc_edge_sweep()(y3, eidx3)

    out = _tc(_t4_body, jax.ShapeDtypeStruct((N, 40), jnp.float32))(
        zp3, y3, dinv16, W3, b3)
    return out

# --- scband reference (transcript-rebuilt; emitter-appended) ---
"""Pipeline reference for scband-gcn-25134148616642 (READ-ONLY COPY).

The authoritative reference and input builder live on the scoring server;
editing this copy changes nothing except your own understanding.
"""

import jax, jax.numpy as jnp
import numpy as np

N_NODES = 10000


def gcn_conv(x, edge_index, W, b):
    n = x.shape[0]
    loop = jnp.arange(n, dtype=edge_index.dtype)
    src = jnp.concatenate([edge_index[0], loop])
    dst = jnp.concatenate([edge_index[1], loop])
    xw = x @ W
    deg = jnp.zeros((n,), dtype=xw.dtype).at[dst].add(1.0)
    dinv = jax.lax.rsqrt(jnp.maximum(deg, 1.0))
    norm = dinv[src] * dinv[dst]
    msg = xw[src] * norm[:, None]
    out = jnp.zeros((n, xw.shape[1]), dtype=xw.dtype).at[dst].add(msg)
    return out + b


def setup_inputs(seed: int = 0) -> dict:
    key = jax.random.key(seed)
    ks = jax.random.split(key, 8)
    x = jax.random.normal(ks[0], (N_NODES, 128), dtype=jnp.float32)
    edge_index = jax.random.randint(ks[1], (2, 320000), 0, N_NODES, dtype=jnp.int64)
    W1 = jax.random.normal(ks[2], (128, 16), dtype=jnp.float32) * (1.0 / np.sqrt(128))
    b1 = jnp.zeros((16,), dtype=jnp.float32)
    W2 = jax.random.normal(ks[3], (16, 16), dtype=jnp.float32) * (1.0 / np.sqrt(16))
    b2 = jnp.zeros((16,), dtype=jnp.float32)
    W3 = jax.random.normal(ks[4], (16, 40), dtype=jnp.float32) * (1.0 / np.sqrt(16))
    b3 = jnp.zeros((40,), dtype=jnp.float32)
    return {"x": x, "edge_index": edge_index, "W1": W1, "b1": b1, "W2": W2, "b2": b2, "W3": W3, "b3": b3}


def reference(x, edge_index, W1, b1, W2, b2, W3, b3):
    # eval mode: dropout(p=0.4, training=False) is identity
    h = gcn_conv(x, edge_index, W1, b1)
    h = jax.nn.elu(h)
    h = gcn_conv(h, edge_index, W2, b2)
    h = jax.nn.elu(h)
    h = gcn_conv(h, edge_index, W3, b3)
    h = jax.nn.elu(h)
    return jax.nn.log_softmax(h, axis=1)

if __name__ == "__main__":
    import jax
    _d = setup_inputs()
    print(jax.jit(kernel)(*tuple(_d.values())))

</pallas_src>

<mosaic_0001>
#map = affine_map<(d0, d1) -> (0, 0)>
#map1 = affine_map<(d0, d1) -> (0, 0, 0)>
module attributes {stable_mosaic.version = 14 : i64} {
  func.func @sweep(%arg0: i32, %arg1: i32, %arg2: memref<10112x16xf32, #tpu.memory_space<hbm>>, %arg3: memref<2x2560x125xi32, #tpu.memory_space<hbm>>, %arg4: memref<2x10112x16xf32, #tpu.memory_space<hbm>>, %arg5: memref<80x125xi32, #tpu.memory_space<vmem>>, %arg6: memref<80x125xi32, #tpu.memory_space<vmem>>, %arg7: memref<125x16xf32, #tpu.memory_space<vmem>>, %arg8: memref<125x16xf32, #tpu.memory_space<vmem>>, %arg9: memref<125x16xf32, #tpu.memory_space<vmem>>, %arg10: memref<125x16xf32, #tpu.memory_space<vmem>>, %arg11: memref<125x16xf32, #tpu.memory_space<vmem>>, %arg12: memref<125x16xf32, #tpu.memory_space<vmem>>, %arg13: memref<125x16xf32, #tpu.memory_space<vmem>>, %arg14: memref<125x16xf32, #tpu.memory_space<vmem>>, %arg15: memref<632x16xf32, #tpu.memory_space<vmem>>, %arg16: memref<10112x16xf32, #tpu.memory_space<vmem_shared>>, %arg17: memref<10112x16xf32, #tpu.memory_space<vmem_shared>>, %arg18: memref<!tpu.dma_semaphore, #tpu.memory_space<semaphore_mem>>, %arg19: memref<!tpu.dma_semaphore, #tpu.memory_space<semaphore_mem>>, %arg20: memref<!tpu.dma_semaphore, #tpu.memory_space<semaphore_mem>>, %arg21: memref<!tpu.dma_semaphore, #tpu.memory_space<semaphore_mem>>, %arg22: memref<!tpu.dma_semaphore, #tpu.memory_space<semaphore_mem>>, %arg23: memref<!tpu.dma_semaphore, #tpu.memory_space<semaphore_mem>>, %arg24: memref<!tpu.dma_semaphore, #tpu.memory_space<semaphore_mem>>, %arg25: memref<!tpu.dma_semaphore, #tpu.memory_space<semaphore_mem>>, %arg26: memref<!tpu.dma_semaphore, #tpu.memory_space<semaphore_mem>>, %arg27: memref<!tpu.dma_semaphore, #tpu.memory_space<semaphore_mem>>, %arg28: memref<!tpu.dma_semaphore, #tpu.memory_space<semaphore_mem>>, %arg29: memref<!tpu.dma_semaphore, #tpu.memory_space<semaphore_mem>>, %arg30: memref<!tpu.dma_semaphore, #tpu.memory_space<semaphore_mem>>, %arg31: memref<!tpu.dma_semaphore, #tpu.memory_space<semaphore_mem>>, %arg32: memref<!tpu.dma_semaphore, #tpu.memory_space<semaphore_mem>>, %arg33: memref<!tpu.dma_semaphore, #tpu.memory_space<semaphore_mem>>) attributes {dimension_semantics = [#tpu.dimension_semantics<core_parallel>, #tpu.dimension_semantics<subcore_parallel>], iteration_bounds = array<i64: 2, 16>, scalar_prefetch = 0 : i64, scratch_operands = 29 : i64, tpu.core_type = #tpu.core_type<sc_vector_subcore>, window_params = [{transform_indices = #map}, {transform_indices = #map1}, {transform_indices = #map1}]} {
    %mul3A = arith.constant 16 : i32
    %mul3A_0 = arith.muli %arg0, %mul3A : i32
    %add3A = arith.addi %mul3A_0, %arg1 : i32
    %mul3A_1 = arith.constant 632 : i32
    %mul3A_2 = arith.muli %arg1, %mul3A_1 : i32
    %mul3A_3 = arith.constant 80 : i32
    %mul3A_4 = arith.muli %add3A, %mul3A_3 : i32
    %run_scoped3A = arith.constant 0 : i32
    "tpu.region"() ({
      %run_scoped3A_68 = tpu.sem_alloc : memref<!tpu.dma_semaphore, #tpu.memory_space<semaphore_mem>>
      %dma_start3A_69 = arith.constant 0 : i32
      %dma_start3A_70 = tpu.memref_slice %arg3[%run_scoped3A, %mul3A_4, %dma_start3A_69] : memref<2x2560x125xi32, #tpu.memory_space<hbm>> -> memref<1x80x125xi32, #tpu.memory_space<hbm>>
      %dma_start3A_71 = tpu.memref_squeeze %dma_start3A_70 : memref<1x80x125xi32, #tpu.memory_space<hbm>> -> memref<80x125xi32, #tpu.memory_space<hbm>>
      %dma_start3A_72 = arith.constant 0 : i32
      %dma_start3A_73 = tpu.memref_slice %arg3[%run_scoped3A, %mul3A_4, %dma_start3A_72] : memref<2x2560x125xi32, #tpu.memory_space<hbm>> -> memref<1x80x125xi32, #tpu.memory_space<hbm>>
      %dma_start3A_74 = tpu.memref_squeeze %dma_start3A_73 : memref<1x80x125xi32, #tpu.memory_space<hbm>> -> memref<80x125xi32, #tpu.memory_space<hbm>>
      tpu.enqueue_dma source(%dma_start3A_74 : memref<80x125xi32, #tpu.memory_space<hbm>>) target(%arg5 : memref<80x125xi32, #tpu.memory_space<vmem>>) target_semaphore(%run_scoped3A_68 : memref<!tpu.dma_semaphore, #tpu.memory_space<semaphore_mem>>)
      %dma_wait3A_75 = arith.constant 0 : i32
      %dma_wait3A_76 = tpu.memref_slice %arg3[%run_scoped3A, %mul3A_4, %dma_wait3A_75] : memref<2x2560x125xi32, #tpu.memory_space<hbm>> -> memref<1x80x125xi32, #tpu.memory_space<hbm>>
      %dma_wait3A_77 = tpu.memref_squeeze %dma_wait3A_76 : memref<1x80x125xi32, #tpu.memory_space<hbm>> -> memref<80x125xi32, #tpu.memory_space<hbm>>
      %dma_wait3A_78 = arith.constant 0 : i32
      %dma_wait3A_79 = tpu.memref_slice %arg3[%run_scoped3A, %mul3A_4, %dma_wait3A_78] : memref<2x2560x125xi32, #tpu.memory_space<hbm>> -> memref<1x80x125xi32, #tpu.memory_space<hbm>>
      %dma_wait3A_80 = tpu.memref_squeeze %dma_wait3A_79 : memref<1x80x125xi32, #tpu.memory_space<hbm>> -> memref<80x125xi32, #tpu.memory_space<hbm>>
      tpu.wait_dma2 semaphore(%run_scoped3A_68 : memref<!tpu.dma_semaphore, #tpu.memory_space<semaphore_mem>>) src(%dma_wait3A_80 : memref<80x125xi32, #tpu.memory_space<hbm>>) dst(%arg5 : memref<80x125xi32, #tpu.memory_space<vmem>>)
      tpu.yield
    }) : () -> ()
    %mul3A_5 = arith.constant 80 : i32
    %mul3A_6 = arith.muli %add3A, %mul3A_5 : i32
    %run_scoped3A_7 = arith.constant 1 : i32
    "tpu.region"() ({
      %run_scoped3A_68 = tpu.sem_alloc : memref<!tpu.dma_semaphore, #tpu.memory_space<semaphore_mem>>
      %dma_start3A_69 = arith.constant 0 : i32
      %dma_start3A_70 = tpu.memref_slice %arg3[%run_scoped3A_7, %mul3A_6, %dma_start3A_69] : memref<2x2560x125xi32, #tpu.memory_space<hbm>> -> memref<1x80x125xi32, #tpu.memory_space<hbm>>
      %dma_start3A_71 = tpu.memref_squeeze %dma_start3A_70 : memref<1x80x125xi32, #tpu.memory_space<hbm>> -> memref<80x125xi32, #tpu.memory_space<hbm>>
      %dma_start3A_72 = arith.constant 0 : i32
      %dma_start3A_73 = tpu.memref_slice %arg3[%run_scoped3A_7, %mul3A_6, %dma_start3A_72] : memref<2x2560x125xi32, #tpu.memory_space<hbm>> -> memref<1x80x125xi32, #tpu.memory_space<hbm>>
      %dma_start3A_74 = tpu.memref_squeeze %dma_start3A_73 : memref<1x80x125xi32, #tpu.memory_space<hbm>> -> memref<80x125xi32, #tpu.memory_space<hbm>>
      tpu.enqueue_dma source(%dma_start3A_74 : memref<80x125xi32, #tpu.memory_space<hbm>>) target(%arg6 : memref<80x125xi32, #tpu.memory_space<vmem>>) target_semaphore(%run_scoped3A_68 : memref<!tpu.dma_semaphore, #tpu.memory_space<semaphore_mem>>)
      %dma_wait3A_75 = arith.constant 0 : i32
      %dma_wait3A_76 = tpu.memref_slice %arg3[%run_scoped3A_7, %mul3A_6, %dma_wait3A_75] : memref<2x2560x125xi32, #tpu.memory_space<hbm>> -> memref<1x80x125xi32, #tpu.memory_space<hbm>>
      %dma_wait3A_77 = tpu.memref_squeeze %dma_wait3A_76 : memref<1x80x125xi32, #tpu.memory_space<hbm>> -> memref<80x125xi32, #tpu.memory_space<hbm>>
      %dma_wait3A_78 = arith.constant 0 : i32
      %dma_wait3A_79 = tpu.memref_slice %arg3[%run_scoped3A_7, %mul3A_6, %dma_wait3A_78] : memref<2x2560x125xi32, #tpu.memory_space<hbm>> -> memref<1x80x125xi32, #tpu.memory_space<hbm>>
      %dma_wait3A_80 = tpu.memref_squeeze %dma_wait3A_79 : memref<1x80x125xi32, #tpu.memory_space<hbm>> -> memref<80x125xi32, #tpu.memory_space<hbm>>
      tpu.wait_dma2 semaphore(%run_scoped3A_68 : memref<!tpu.dma_semaphore, #tpu.memory_space<semaphore_mem>>) src(%dma_wait3A_80 : memref<80x125xi32, #tpu.memory_space<hbm>>) dst(%arg6 : memref<80x125xi32, #tpu.memory_space<vmem>>)
      tpu.yield
    }) : () -> ()
    "tpu.region"() ({
      %run_scoped3A_68 = tpu.sem_alloc : memref<!tpu.dma_semaphore, #tpu.memory_space<semaphore_mem>>
      %dma_start3A_69 = arith.constant 0 : i32
      %dma_start3A_70 = tpu.memref_slice %arg2[%mul3A_2, %dma_start3A_69] : memref<10112x16xf32, #tpu.memory_space<hbm>> -> memref<632x16xf32, #tpu.memory_space<hbm>>
      %dma_start3A_71 = arith.constant 0 : i32
      %dma_start3A_72 = tpu.memref_slice %arg2[%mul3A_2, %dma_start3A_71] : memref<10112x16xf32, #tpu.memory_space<hbm>> -> memref<632x16xf32, #tpu.memory_space<hbm>>
      tpu.enqueue_dma source(%dma_start3A_72 : memref<632x16xf32, #tpu.memory_space<hbm>>) target(%arg15 : memref<632x16xf32, #tpu.memory_space<vmem>>) target_semaphore(%run_scoped3A_68 : memref<!tpu.dma_semaphore, #tpu.memory_space<semaphore_mem>>)
      %dma_wait3A_73 = arith.constant 0 : i32
      %dma_wait3A_74 = tpu.memref_slice %arg2[%mul3A_2, %dma_wait3A_73] : memref<10112x16xf32, #tpu.memory_space<hbm>> -> memref<632x16xf32, #tpu.memory_space<hbm>>
      %dma_wait3A_75 = arith.constant 0 : i32
      %dma_wait3A_76 = tpu.memref_slice %arg2[%mul3A_2, %dma_wait3A_75] : memref<10112x16xf32, #tpu.memory_space<hbm>> -> memref<632x16xf32, #tpu.memory_space<hbm>>
      tpu.wait_dma2 semaphore(%run_scoped3A_68 : memref<!tpu.dma_semaphore, #tpu.memory_space<semaphore_mem>>) src(%dma_wait3A_76 : memref<632x16xf32, #tpu.memory_space<hbm>>) dst(%arg15 : memref<632x16xf32, #tpu.memory_space<vmem>>)
      tpu.yield
    }) : () -> ()
    "tpu.region"() ({
      %run_scoped3A_68 = tpu.sem_alloc : memref<!tpu.dma_semaphore, #tpu.memory_space<semaphore_mem>>
      %dma_start3A_69 = arith.constant 0 : i32
      %dma_start3A_70 = tpu.memref_slice %arg16[%mul3A_2, %dma_start3A_69] : memref<10112x16xf32, #tpu.memory_space<vmem_shared>> -> memref<632x16xf32, #tpu.memory_space<vmem_shared>>
      %dma_start3A_71 = arith.constant 0 : i32
      %dma_start3A_72 = tpu.memref_slice %arg16[%mul3A_2, %dma_start3A_71] : memref<10112x16xf32, #tpu.memory_space<vmem_shared>> -> memref<632x16xf32, #tpu.memory_space<vmem_shared>>
      tpu.enqueue_dma source(%arg15 : memref<632x16xf32, #tpu.memory_space<vmem>>) target(%dma_start3A_72 : memref<632x16xf32, #tpu.memory_space<vmem_shared>>) target_semaphore(%run_scoped3A_68 : memref<!tpu.dma_semaphore, #tpu.memory_space<semaphore_mem>>)
      %dma_wait3A_73 = arith.constant 0 : i32
      %dma_wait3A_74 = tpu.memref_slice %arg16[%mul3A_2, %dma_wait3A_73] : memref<10112x16xf32, #tpu.memory_space<vmem_shared>> -> memref<632x16xf32, #tpu.memory_space<vmem_shared>>
      %dma_wait3A_75 = arith.constant 0 : i32
      %dma_wait3A_76 = tpu.memref_slice %arg16[%mul3A_2, %dma_wait3A_75] : memref<10112x16xf32, #tpu.memory_space<vmem_shared>> -> memref<632x16xf32, #tpu.memory_space<vmem_shared>>
      tpu.wait_dma2 semaphore(%run_scoped3A_68 : memref<!tpu.dma_semaphore, #tpu.memory_space<semaphore_mem>>) src(%arg15 : memref<632x16xf32, #tpu.memory_space<vmem>>) dst(%dma_wait3A_76 : memref<632x16xf32, #tpu.memory_space<vmem_shared>>)
      tpu.yield
    }) : () -> ()
    "tpu.region"() ({
      %run_scoped3A_68 = tpu.sem_alloc : memref<!tpu.dma_semaphore, #tpu.memory_space<semaphore_mem>>
      %dma_start3A_69 = arith.constant 0 : i32
      %dma_start3A_70 = tpu.memref_slice %arg17[%mul3A_2, %dma_start3A_69] : memref<10112x16xf32, #tpu.memory_space<vmem_shared>> -> memref<632x16xf32, #tpu.memory_space<vmem_shared>>
      %dma_start3A_71 = arith.constant 0 : i32
      %dma_start3A_72 = tpu.memref_slice %arg17[%mul3A_2, %dma_start3A_71] : memref<10112x16xf32, #tpu.memory_space<vmem_shared>> -> memref<632x16xf32, #tpu.memory_space<vmem_shared>>
      tpu.enqueue_dma source(%arg15 : memref<632x16xf32, #tpu.memory_space<vmem>>) target(%dma_start3A_72 : memref<632x16xf32, #tpu.memory_space<vmem_shared>>) target_semaphore(%run_scoped3A_68 : memref<!tpu.dma_semaphore, #tpu.memory_space<semaphore_mem>>)
      %dma_wait3A_73 = arith.constant 0 : i32
      %dma_wait3A_74 = tpu.memref_slice %arg17[%mul3A_2, %dma_wait3A_73] : memref<10112x16xf32, #tpu.memory_space<vmem_shared>> -> memref<632x16xf32, #tpu.memory_space<vmem_shared>>
      %dma_wait3A_75 = arith.constant 0 : i32
      %dma_wait3A_76 = tpu.memref_slice %arg17[%mul3A_2, %dma_wait3A_75] : memref<10112x16xf32, #tpu.memory_space<vmem_shared>> -> memref<632x16xf32, #tpu.memory_space<vmem_shared>>
      tpu.wait_dma2 semaphore(%run_scoped3A_68 : memref<!tpu.dma_semaphore, #tpu.memory_space<semaphore_mem>>) src(%arg15 : memref<632x16xf32, #tpu.memory_space<vmem>>) dst(%dma_wait3A_76 : memref<632x16xf32, #tpu.memory_space<vmem_shared>>)
      tpu.yield
    }) : () -> ()
    %barrier3A = arith.constant 0 : index
    tpu.barrier barrier_id(%barrier3A)
    %dma_start3A = arith.constant 0 : i32
    %dma_start3A_8 = arith.constant 0 : i32
    %dma_start3A_9 = tpu.memref_slice %arg5[%dma_start3A, %dma_start3A_8] : memref<80x125xi32, #tpu.memory_space<vmem>> -> memref<1x125xi32, #tpu.memory_space<vmem>>
    %dma_start3A_10 = tpu.memref_squeeze %dma_start3A_9 : memref<1x125xi32, #tpu.memory_space<vmem>> -> memref<125xi32, #tpu.memory_space<vmem>>
    %dma_start3A_11 = arith.constant 0 : i32
    %dma_start3A_12 = arith.constant 0 : i32
    %dma_start3A_13 = tpu.memref_slice %arg16[%dma_start3A_11, %dma_start3A_12] : memref<10112x16xf32, #tpu.memory_space<vmem_shared>> -> memref<10112x16xf32, #tpu.memory_space<vmem_shared>>
    tpu.enqueue_indirect_dma source(%dma_start3A_13 : memref<10112x16xf32, #tpu.memory_space<vmem_shared>>) target(%arg7 : memref<125x16xf32, #tpu.memory_space<vmem>>) offsets(%dma_start3A_10 : memref<125xi32, #tpu.memory_space<vmem>>) semaphore(%arg18 : memref<!tpu.dma_semaphore, #tpu.memory_space<semaphore_mem>>)
    %dma_start3A_14 = arith.constant 1 : i32
    %dma_start3A_15 = arith.constant 0 : i32
    %dma_start3A_16 = tpu.memref_slice %arg5[%dma_start3A_14, %dma_start3A_15] : memref<80x125xi32, #tpu.memory_space<vmem>> -> memref<1x125xi32, #tpu.memory_space<vmem>>
    %dma_start3A_17 = tpu.memref_squeeze %dma_start3A_16 : memref<1x125xi32, #tpu.memory_space<vmem>> -> memref<125xi32, #tpu.memory_space<vmem>>
    %dma_start3A_18 = arith.constant 0 : i32
    %dma_start3A_19 = arith.constant 0 : i32
    %dma_start3A_20 = tpu.memref_slice %arg16[%dma_start3A_18, %dma_start3A_19] : memref<10112x16xf32, #tpu.memory_space<vmem_shared>> -> memref<10112x16xf32, #tpu.memory_space<vmem_shared>>
    tpu.enqueue_indirect_dma source(%dma_start3A_20 : memref<10112x16xf32, #tpu.memory_space<vmem_shared>>) target(%arg8 : memref<125x16xf32, #tpu.memory_space<vmem>>) offsets(%dma_start3A_17 : memref<125xi32, #tpu.memory_space<vmem>>) semaphore(%arg19 : memref<!tpu.dma_semaphore, #tpu.memory_space<semaphore_mem>>)
    %dma_start3A_21 = arith.constant 2 : i32
    %dma_start3A_22 = arith.constant 0 : i32
    %dma_start3A_23 = tpu.memref_slice %arg5[%dma_start3A_21, %dma_start3A_22] : memref<80x125xi32, #tpu.memory_space<vmem>> -> memref<1x125xi32, #tpu.memory_space<vmem>>
    %dma_start3A_24 = tpu.memref_squeeze %dma_start3A_23 : memref<1x125xi32, #tpu.memory_space<vmem>> -> memref<125xi32, #tpu.memory_space<vmem>>
    %dma_start3A_25 = arith.constant 0 : i32
    %dma_start3A_26 = arith.constant 0 : i32
    %dma_start3A_27 = tpu.memref_slice %arg16[%dma_start3A_25, %dma_start3A_26] : memref<10112x16xf32, #tpu.memory_space<vmem_shared>> -> memref<10112x16xf32, #tpu.memory_space<vmem_shared>>
    tpu.enqueue_indirect_dma source(%dma_start3A_27 : memref<10112x16xf32, #tpu.memory_space<vmem_shared>>) target(%arg9 : memref<125x16xf32, #tpu.memory_space<vmem>>) offsets(%dma_start3A_24 : memref<125xi32, #tpu.memory_space<vmem>>) semaphore(%arg20 : memref<!tpu.dma_semaphore, #tpu.memory_space<semaphore_mem>>)
    %dma_start3A_28 = arith.constant 3 : i32
    %dma_start3A_29 = arith.constant 0 : i32
    %dma_start3A_30 = tpu.memref_slice %arg5[%dma_start3A_28, %dma_start3A_29] : memref<80x125xi32, #tpu.memory_space<vmem>> -> memref<1x125xi32, #tpu.memory_space<vmem>>
    %dma_start3A_31 = tpu.memref_squeeze %dma_start3A_30 : memref<1x125xi32, #tpu.memory_space<vmem>> -> memref<125xi32, #tpu.memory_space<vmem>>
    %dma_start3A_32 = arith.constant 0 : i32
    %dma_start3A_33 = arith.constant 0 : i32
    %dma_start3A_34 = tpu.memref_slice %arg16[%dma_start3A_32, %dma_start3A_33] : memref<10112x16xf32, #tpu.memory_space<vmem_shared>> -> memref<10112x16xf32, #tpu.memory_space<vmem_shared>>
    tpu.enqueue_indirect_dma source(%dma_start3A_34 : memref<10112x16xf32, #tpu.memory_space<vmem_shared>>) target(%arg10 : memref<125x16xf32, #tpu.memory_space<vmem>>) offsets(%dma_start3A_31 : memref<125xi32, #tpu.memory_space<vmem>>) semaphore(%arg21 : memref<!tpu.dma_semaphore, #tpu.memory_space<semaphore_mem>>)
    %scan3A = arith.constant 0 : i32
    %scan3A_35 = arith.constant 0 : i32
    %scan3A_36 = arith.constant 10 : i32
    %scan3A_37 = arith.addi %scan3A_35, %scan3A_36 : i32
    %scan3A_38 = arith.constant 1 : i32
    scf.for %scan3A_68 = %scan3A_35 to %scan3A_37 step %scan3A_38  : i32 {
      %mul3A_69 = arith.constant 8 : i32
      %mul3A_70 = arith.muli %scan3A_68, %mul3A_69 : i32
      %add3A_71 = arith.constant 0 : i32
      %add3A_72 = arith.addi %mul3A_70, %add3A_71 : i32
      %dma_wait3A_73 = arith.constant 0 : i32
      %dma_wait3A_74 = tpu.memref_slice %arg5[%add3A_72, %dma_wait3A_73] : memref<80x125xi32, #tpu.memory_space<vmem>> -> memref<1x125xi32, #tpu.memory_space<vmem>>
      %dma_wait3A_75 = tpu.memref_squeeze %dma_wait3A_74 : memref<1x125xi32, #tpu.memory_space<vmem>> -> memref<125xi32, #tpu.memory_space<vmem>>
      %dma_wait3A_76 = arith.constant 0 : i32
      %dma_wait3A_77 = arith.constant 0 : i32
      %dma_wait3A_78 = tpu.memref_slice %arg16[%dma_wait3A_76, %dma_wait3A_77] : memref<10112x16xf32, #tpu.memory_space<vmem_shared>> -> memref<10112x16xf32, #tpu.memory_space<vmem_shared>>
      tpu.wait_indirect_dma semaphore(%arg18 : memref<!tpu.dma_semaphore, #tpu.memory_space<semaphore_mem>>) src(%dma_wait3A_78 : memref<10112x16xf32, #tpu.memory_space<vmem_shared>>) dst(%arg7 : memref<125x16xf32, #tpu.memory_space<vmem>>)
      %dma_start3A_79 = arith.constant 0 : i32
      %dma_start3A_80 = tpu.memref_slice %arg6[%add3A_72, %dma_start3A_79] : memref<80x125xi32, #tpu.memory_space<vmem>> -> memref<1x125xi32, #tpu.memory_space<vmem>>
      %dma_start3A_81 = tpu.memref_squeeze %dma_start3A_80 : memref<1x125xi32, #tpu.memory_space<vmem>> -> memref<125xi32, #tpu.memory_space<vmem>>
      %dma_start3A_82 = arith.constant 0 : i32
      %dma_start3A_83 = arith.constant 0 : i32
      %dma_start3A_84 = tpu.memref_slice %arg17[%dma_start3A_82, %dma_start3A_83] : memref<10112x16xf32, #tpu.memory_space<vmem_shared>> -> memref<10112x16xf32, #tpu.memory_space<vmem_shared>>
      tpu.enqueue_indirect_dma source(%arg7 : memref<125x16xf32, #tpu.memory_space<vmem>>) target(%dma_start3A_84 : memref<10112x16xf32, #tpu.memory_space<vmem_shared>>) offsets(%dma_start3A_81 : memref<125xi32, #tpu.memory_space<vmem>>) semaphore(%arg26 : memref<!tpu.dma_semaphore, #tpu.memory_space<semaphore_mem>>) {add = true}
      %ge3A = arith.constant 4 : i32
      %ge3A_85 = arith.cmpi sge, %add3A_72, %ge3A : i32
      %convert_element_type3A = arith.extui %ge3A_85 : i1 to i32
      %cond3A = arith.constant 0 : i32
      %cond3A_86 = arith.cmpi ne, %convert_element_type3A, %cond3A : i32
      scf.if %cond3A_86 {
        %sub3A = arith.constant 4 : i32
        %sub3A_289 = arith.subi %add3A_72, %sub3A : i32
        %dma_wait3A_290 = arith.constant 0 : i32
        %dma_wait3A_291 = tpu.memref_slice %arg6[%sub3A_289, %dma_wait3A_290] : memref<80x125xi32, #tpu.memory_space<vmem>> -> memref<1x125xi32, #tpu.memory_space<vmem>>
        %dma_wait3A_292 = tpu.memref_squeeze %dma_wait3A_291 : memref<1x125xi32, #tpu.memory_space<vmem>> -> memref<125xi32, #tpu.memory_space<vmem>>
        %dma_wait3A_293 = arith.constant 0 : i32
        %dma_wait3A_294 = arith.constant 0 : i32
        %dma_wait3A_295 = tpu.memref_slice %arg17[%dma_wait3A_293, %dma_wait3A_294] : memref<10112x16xf32, #tpu.memory_space<vmem_shared>> -> memref<10112x16xf32, #tpu.memory_space<vmem_shared>>
        tpu.wait_indirect_dma semaphore(%arg30 : memref<!tpu.dma_semaphore, #tpu.memory_space<semaphore_mem>>) src(%arg11 : memref<125x16xf32, #tpu.memory_space<vmem>>) dst(%dma_wait3A_295 : memref<10112x16xf32, #tpu.memory_space<vmem_shared>>)
      } else {
      }
      %add3A_87 = arith.constant 4 : i32
      %add3A_88 = arith.addi %add3A_72, %add3A_87 : i32
      %lt3A = arith.constant 80 : i32
      %lt3A_89 = arith.cmpi slt, %add3A_88, %lt3A : i32
      %convert_element_type3A_90 = arith.extui %lt3A_89 : i1 to i32
      %cond3A_91 = arith.constant 0 : i32
      %cond3A_92 = arith.cmpi ne, %convert_element_type3A_90, %cond3A_91 : i32
      scf.if %cond3A_92 {
        %add3A_289 = arith.constant 4 : i32
        %add3A_290 = arith.addi %add3A_72, %add3A_289 : i32
        %dma_start3A_291 = arith.constant 0 : i32
        %dma_start3A_292 = tpu.memref_slice %arg5[%add3A_290, %dma_start3A_291] : memref<80x125xi32, #tpu.memory_space<vmem>> -> memref<1x125xi32, #tpu.memory_space<vmem>>
        %dma_start3A_293 = tpu.memref_squeeze %dma_start3A_292 : memref<1x125xi32, #tpu.memory_space<vmem>> -> memref<125xi32, #tpu.memory_space<vmem>>
        %dma_start3A_294 = arith.constant 0 : i32
        %dma_start3A_295 = arith.constant 0 : i32
        %dma_start3A_296 = tpu.memref_slice %arg16[%dma_start3A_294, %dma_start3A_295] : memref<10112x16xf32, #tpu.memory_space<vmem_shared>> -> memref<10112x16xf32, #tpu.memory_space<vmem_shared>>
        tpu.enqueue_indirect_dma source(%dma_start3A_296 : memref<10112x16xf32, #tpu.memory_space<vmem_shared>>) target(%arg11 : memref<125x16xf32, #tpu.memory_space<vmem>>) offsets(%dma_start3A_293 : memref<125xi32, #tpu.memory_space<vmem>>) semaphore(%arg22 : memref<!tpu.dma_semaphore, #tpu.memory_space<semaphore_mem>>)
      } else {
      }
      %mul3A_93 = arith.constant 8 : i32
      %mul3A_94 = arith.muli %scan3A_68, %mul3A_93 : i32
      %add3A_95 = arith.constant 1 : i32
      %add3A_96 = arith.addi %mul3A_94, %add3A_95 : i32
      %dma_wait3A_97 = arith.constant 0 : i32
      %dma_wait3A_98 = tpu.memref_slice %arg5[%add3A_96, %dma_wait3A_97] : memref<80x125xi32, #tpu.memory_space<vmem>> -> memref<1x125xi32, #tpu.memory_space<vmem>>
      %dma_wait3A_99 = tpu.memref_squeeze %dma_wait3A_98 : memref<1x125xi32, #tpu.memory_space<vmem>> -> memref<125xi32, #tpu.memory_space<vmem>>
      %dma_wait3A_100 = arith.constant 0 : i32
      %dma_wait3A_101 = arith.constant 0 : i32
      %dma_wait3A_102 = tpu.memref_slice %arg16[%dma_wait3A_100, %dma_wait3A_101] : memref<10112x16xf32, #tpu.memory_space<vmem_shared>> -> memref<10112x16xf32, #tpu.memory_space<vmem_shared>>
      tpu.wait_indirect_dma semaphore(%arg19 : memref<!tpu.dma_semaphore, #tpu.memory_space<semaphore_mem>>) src(%dma_wait3A_102 : memref<10112x16xf32, #tpu.memory_space<vmem_shared>>) dst(%arg8 : memref<125x16xf32, #tpu.memory_space<vmem>>)
      %dma_start3A_103 = arith.constant 0 : i32
      %dma_start3A_104 = tpu.memref_slice %arg6[%add3A_96, %dma_start3A_103] : memref<80x125xi32, #tpu.memory_space<vmem>> -> memref<1x125xi32, #tpu.memory_space<vmem>>
      %dma_start3A_105 = tpu.memref_squeeze %dma_start3A_104 : memref<1x125xi32, #tpu.memory_space<vmem>> -> memref<125xi32, #tpu.memory_space<vmem>>
      %dma_start3A_106 = arith.constant 0 : i32
      %dma_start3A_107 = arith.constant 0 : i32
      %dma_start3A_108 = tpu.memref_slice %arg17[%dma_start3A_106, %dma_start3A_107] : memref<10112x16xf32, #tpu.memory_space<vmem_shared>> -> memref<10112x16xf32, #tpu.memory_space<vmem_shared>>
      tpu.enqueue_indirect_dma source(%arg8 : memref<125x16xf32, #tpu.memory_space<vmem>>) target(%dma_start3A_108 : memref<10112x16xf32, #tpu.memory_space<vmem_shared>>) offsets(%dma_start3A_105 : memref<125xi32, #tpu.memory_space<vmem>>) semaphore(%arg27 : memref<!tpu.dma_semaphore, #tpu.memory_space<semaphore_mem>>) {add = true}
      %ge3A_109 = arith.constant 4 : i32
      %ge3A_110 = arith.cmpi sge, %add3A_96, %ge3A_109 : i32
      %convert_element_type3A_111 = arith.extui %ge3A_110 : i1 to i32
      %cond3A_112 = arith.constant 0 : i32
      %cond3A_113 = arith.cmpi ne, %convert_element_type3A_111, %cond3A_112 : i32
      scf.if %cond3A_113 {
        %sub3A = arith.constant 4 : i32
        %sub3A_289 = arith.subi %add3A_96, %sub3A : i32
        %dma_wait3A_290 = arith.constant 0 : i32
        %dma_wait3A_291 = tpu.memref_slice %arg6[%sub3A_289, %dma_wait3A_290] : memref<80x125xi32, #tpu.memory_space<vmem>> -> memref<1x125xi32, #tpu.memory_space<vmem>>
        %dma_wait3A_292 = tpu.memref_squeeze %dma_wait3A_291 : memref<1x125xi32, #tpu.memory_space<vmem>> -> memref<125xi32, #tpu.memory_space<vmem>>
        %dma_wait3A_293 = arith.constant 0 : i32
        %dma_wait3A_294 = arith.constant 0 : i32
        %dma_wait3A_295 = tpu.memref_slice %arg17[%dma_wait3A_293, %dma_wait3A_294] : memref<10112x16xf32, #tpu.memory_space<vmem_shared>> -> memref<10112x16xf32, #tpu.memory_space<vmem_shared>>
        tpu.wait_indirect_dma semaphore(%arg31 : memref<!tpu.dma_semaphore, #tpu.memory_space<semaphore_mem>>) src(%arg12 : memref<125x16xf32, #tpu.memory_space<vmem>>) dst(%dma_wait3A_295 : memref<10112x16xf32, #tpu.memory_space<vmem_shared>>)
      } else {
      }
      %add3A_114 = arith.constant 4 : i32
      %add3A_115 = arith.addi %add3A_96, %add3A_114 : i32
      %lt3A_116 = arith.constant 80 : i32
      %lt3A_117 = arith.cmpi slt, %add3A_115, %lt3A_116 : i32
      %convert_element_type3A_118 = arith.extui %lt3A_117 : i1 to i32
      %cond3A_119 = arith.constant 0 : i32
      %cond3A_120 = arith.cmpi ne, %convert_element_type3A_118, %cond3A_119 : i32
      scf.if %cond3A_120 {
        %add3A_289 = arith.constant 4 : i32
        %add3A_290 = arith.addi %add3A_96, %add3A_289 : i32
        %dma_start3A_291 = arith.constant 0 : i32
        %dma_start3A_292 = tpu.memref_slice %arg5[%add3A_290, %dma_start3A_291] : memref<80x125xi32, #tpu.memory_space<vmem>> -> memref<1x125xi32, #tpu.memory_space<vmem>>
        %dma_start3A_293 = tpu.memref_squeeze %dma_start3A_292 : memref<1x125xi32, #tpu.memory_space<vmem>> -> memref<125xi32, #tpu.memory_space<vmem>>
        %dma_start3A_294 = arith.constant 0 : i32
        %dma_start3A_295 = arith.constant 0 : i32
        %dma_start3A_296 = tpu.memref_slice %arg16[%dma_start3A_294, %dma_start3A_295] : memref<10112x16xf32, #tpu.memory_space<vmem_shared>> -> memref<10112x16xf32, #tpu.memory_space<vmem_shared>>
        tpu.enqueue_indirect_dma source(%dma_start3A_296 : memref<10112x16xf32, #tpu.memory_space<vmem_shared>>) target(%arg12 : memref<125x16xf32, #tpu.memory_space<vmem>>) offsets(%dma_start3A_293 : memref<125xi32, #tpu.memory_space<vmem>>) semaphore(%arg23 : memref<!tpu.dma_semaphore, #tpu.memory_space<semaphore_mem>>)
      } else {
      }
      %mul3A_121 = arith.constant 8 : i32
      %mul3A_122 = arith.muli %scan3A_68, %mul3A_121 : i32
      %add3A_123 = arith.constant 2 : i32
      %add3A_124 = arith.addi %mul3A_122, %add3A_123 : i32
      %dma_wait3A_125 = arith.constant 0 : i32
      %dma_wait3A_126 = tpu.memref_slice %arg5[%add3A_124, %dma_wait3A_125] : memref<80x125xi32, #tpu.memory_space<vmem>> -> memref<1x125xi32, #tpu.memory_space<vmem>>
      %dma_wait3A_127 = tpu.memref_squeeze %dma_wait3A_126 : memref<1x125xi32, #tpu.memory_space<vmem>> -> memref<125xi32, #tpu.memory_space<vmem>>
      %dma_wait3A_128 = arith.constant 0 : i32
      %dma_wait3A_129 = arith.constant 0 : i32
      %dma_wait3A_130 = tpu.memref_slice %arg16[%dma_wait3A_128, %dma_wait3A_129] : memref<10112x16xf32, #tpu.memory_space<vmem_shared>> -> memref<10112x16xf32, #tpu.memory_space<vmem_shared>>
      tpu.wait_indirect_dma semaphore(%arg20 : memref<!tpu.dma_semaphore, #tpu.memory_space<semaphore_mem>>) src(%dma_wait3A_130 : memref<10112x16xf32, #tpu.memory_space<vmem_shared>>) dst(%arg9 : memref<125x16xf32, #tpu.memory_space<vmem>>)
      %dma_start3A_131 = arith.constant 0 : i32
      %dma_start3A_132 = tpu.memref_slice %arg6[%add3A_124, %dma_start3A_131] : memref<80x125xi32, #tpu.memory_space<vmem>> -> memref<1x125xi32, #tpu.memory_space<vmem>>
      %dma_start3A_133 = tpu.memref_squeeze %dma_start3A_132 : memref<1x125xi32, #tpu.memory_space<vmem>> -> memref<125xi32, #tpu.memory_space<vmem>>
      %dma_start3A_134 = arith.constant 0 : i32
      %dma_start3A_135 = arith.constant 0 : i32
      %dma_start3A_136 = tpu.memref_slice %arg17[%dma_start3A_134, %dma_start3A_135] : memref<10112x16xf32, #tpu.memory_space<vmem_shared>> -> memref<10112x16xf32, #tpu.memory_space<vmem_shared>>
      tpu.enqueue_indirect_dma source(%arg9 : memref<125x16xf32, #tpu.memory_space<vmem>>) target(%dma_start3A_136 : memref<10112x16xf32, #tpu.memory_space<vmem_shared>>) offsets(%dma_start3A_133 : memref<125xi32, #tpu.memory_space<vmem>>) semaphore(%arg28 : memref<!tpu.dma_semaphore, #tpu.memory_space<semaphore_mem>>) {add = true}
      %ge3A_137 = arith.constant 4 : i32
      %ge3A_138 = arith.cmpi sge, %add3A_124, %ge3A_137 : i32
      %convert_element_type3A_139 = arith.extui %ge3A_138 : i1 to i32
      %cond3A_140 = arith.constant 0 : i32
      %cond3A_141 = arith.cmpi ne, %convert_element_type3A_139, %cond3A_140 : i32
      scf.if %cond3A_141 {
        %sub3A = arith.constant 4 : i32
        %sub3A_289 = arith.subi %add3A_124, %sub3A : i32
        %dma_wait3A_290 = arith.constant 0 : i32
        %dma_wait3A_291 = tpu.memref_slice %arg6[%sub3A_289, %dma_wait3A_290] : memref<80x125xi32, #tpu.memory_space<vmem>> -> memref<1x125xi32, #tpu.memory_space<vmem>>
        %dma_wait3A_292 = tpu.memref_squeeze %dma_wait3A_291 : memref<1x125xi32, #tpu.memory_space<vmem>> -> memref<125xi32, #tpu.memory_space<vmem>>
        %dma_wait3A_293 = arith.constant 0 : i32
        %dma_wait3A_294 = arith.constant 0 : i32
        %dma_wait3A_295 = tpu.memref_slice %arg17[%dma_wait3A_293, %dma_wait3A_294] : memref<10112x16xf32, #tpu.memory_space<vmem_shared>> -> memref<10112x16xf32, #tpu.memory_space<vmem_shared>>
        tpu.wait_indirect_dma semaphore(%arg32 : memref<!tpu.dma_semaphore, #tpu.memory_space<semaphore_mem>>) src(%arg13 : memref<125x16xf32, #tpu.memory_space<vmem>>) dst(%dma_wait3A_295 : memref<10112x16xf32, #tpu.memory_space<vmem_shared>>)
      } else {
      }
      %add3A_142 = arith.constant 4 : i32
      %add3A_143 = arith.addi %add3A_124, %add3A_142 : i32
      %lt3A_144 = arith.constant 80 : i32
      %lt3A_145 = arith.cmpi slt, %add3A_143, %lt3A_144 : i32
      %convert_element_type3A_146 = arith.extui %lt3A_145 : i1 to i32
      %cond3A_147 = arith.constant 0 : i32
      %cond3A_148 = arith.cmpi ne, %convert_element_type3A_146, %cond3A_147 : i32
      scf.if %cond3A_148 {
        %add3A_289 = arith.constant 4 : i32
        %add3A_290 = arith.addi %add3A_124, %add3A_289 : i32
        %dma_start3A_291 = arith.constant 0 : i32
        %dma_start3A_292 = tpu.memref_slice %arg5[%add3A_290, %dma_start3A_291] : memref<80x125xi32, #tpu.memory_space<vmem>> -> memref<1x125xi32, #tpu.memory_space<vmem>>
        %dma_start3A_293 = tpu.memref_squeeze %dma_start3A_292 : memref<1x125xi32, #tpu.memory_space<vmem>> -> memref<125xi32, #tpu.memory_space<vmem>>
        %dma_start3A_294 = arith.constant 0 : i32
        %dma_start3A_295 = arith.constant 0 : i32
        %dma_start3A_296 = tpu.memref_slice %arg16[%dma_start3A_294, %dma_start3A_295] : memref<10112x16xf32, #tpu.memory_space<vmem_shared>> -> memref<10112x16xf32, #tpu.memory_space<vmem_shared>>
        tpu.enqueue_indirect_dma source(%dma_start3A_296 : memref<10112x16xf32, #tpu.memory_space<vmem_shared>>) target(%arg13 : memref<125x16xf32, #tpu.memory_space<vmem>>) offsets(%dma_start3A_293 : memref<125xi32, #tpu.memory_space<vmem>>) semaphore(%arg24 : memref<!tpu.dma_semaphore, #tpu.memory_space<semaphore_mem>>)
      } else {
      }
      %mul3A_149 = arith.constant 8 : i32
      %mul3A_150 = arith.muli %scan3A_68, %mul3A_149 : i32
      %add3A_151 = arith.constant 3 : i32
      %add3A_152 = arith.addi %mul3A_150, %add3A_151 : i32
      %dma_wait3A_153 = arith.constant 0 : i32
      %dma_wait3A_154 = tpu.memref_slice %arg5[%add3A_152, %dma_wait3A_153] : memref<80x125xi32, #tpu.memory_space<vmem>> -> memref<1x125xi32, #tpu.memory_space<vmem>>
      %dma_wait3A_155 = tpu.memref_squeeze %dma_wait3A_154 : memref<1x125xi32, #tpu.memory_space<vmem>> -> memref<125xi32, #tpu.memory_space<vmem>>
      %dma_wait3A_156 = arith.constant 0 : i32
      %dma_wait3A_157 = arith.constant 0 : i32
      %dma_wait3A_158 = tpu.memref_slice %arg16[%dma_wait3A_156, %dma_wait3A_157] : memref<10112x16xf32, #tpu.memory_space<vmem_shared>> -> memref<10112x16xf32, #tpu.memory_space<vmem_shared>>
      tpu.wait_indirect_dma semaphore(%arg21 : memref<!tpu.dma_semaphore, #tpu.memory_space<semaphore_mem>>) src(%dma_wait3A_158 : memref<10112x16xf32, #tpu.memory_space<vmem_shared>>) dst(%arg10 : memref<125x16xf32, #tpu.memory_space<vmem>>)
      %dma_start3A_159 = arith.constant 0 : i32
      %dma_start3A_160 = tpu.memref_slice %arg6[%add3A_152, %dma_start3A_159] : memref<80x125xi32, #tpu.memory_space<vmem>> -> memref<1x125xi32, #tpu.memory_space<vmem>>
      %dma_start3A_161 = tpu.memref_squeeze %dma_start3A_160 : memref<1x125xi32, #tpu.memory_space<vmem>> -> memref<125xi32, #tpu.memory_space<vmem>>
      %dma_start3A_162 = arith.constant 0 : i32
      %dma_start3A_163 = arith.constant 0 : i32
      %dma_start3A_164 = tpu.memref_slice %arg17[%dma_start3A_162, %dma_start3A_163] : memref<10112x16xf32, #tpu.memory_space<vmem_shared>> -> memref<10112x16xf32, #tpu.memory_space<vmem_shared>>
      tpu.enqueue_indirect_dma source(%arg10 : memref<125x16xf32, #tpu.memory_space<vmem>>) target(%dma_start3A_164 : memref<10112x16xf32, #tpu.memory_space<vmem_shared>>) offsets(%dma_start3A_161 : memref<125xi32, #tpu.memory_space<vmem>>) semaphore(%arg29 : memref<!tpu.dma_semaphore, #tpu.memory_space<semaphore_mem>>) {add = true}
      %ge3A_165 = arith.constant 4 : i32
      %ge3A_166 = arith.cmpi sge, %add3A_152, %ge3A_165 : i32
      %convert_element_type3A_167 = arith.extui %ge3A_166 : i1 to i32
      %cond3A_168 = arith.constant 0 : i32
      %cond3A_169 = arith.cmpi ne, %convert_element_type3A_167, %cond3A_168 : i32
      scf.if %cond3A_169 {
        %sub3A = arith.constant 4 : i32
        %sub3A_289 = arith.subi %add3A_152, %sub3A : i32
        %dma_wait3A_290 = arith.constant 0 : i32
        %dma_wait3A_291 = tpu.memref_slice %arg6[%sub3A_289, %dma_wait3A_290] : memref<80x125xi32, #tpu.memory_space<vmem>> -> memref<1x125xi32, #tpu.memory_space<vmem>>
        %dma_wait3A_292 = tpu.memref_squeeze %dma_wait3A_291 : memref<1x125xi32, #tpu.memory_space<vmem>> -> memref<125xi32, #tpu.memory_space<vmem>>
        %dma_wait3A_293 = arith.constant 0 : i32
        %dma_wait3A_294 = arith.constant 0 : i32
        %dma_wait3A_295 = tpu.memref_slice %arg17[%dma_wait3A_293, %dma_wait3A_294] : memref<10112x16xf32, #tpu.memory_space<vmem_shared>> -> memref<10112x16xf32, #tpu.memory_space<vmem_shared>>
        tpu.wait_indirect_dma semaphore(%arg33 : memref<!tpu.dma_semaphore, #tpu.memory_space<semaphore_mem>>) src(%arg14 : memref<125x16xf32, #tpu.memory_space<vmem>>) dst(%dma_wait3A_295 : memref<10112x16xf32, #tpu.memory_space<vmem_shared>>)
      } else {
      }
      %add3A_170 = arith.constant 4 : i32
      %add3A_171 = arith.addi %add3A_152, %add3A_170 : i32
      %lt3A_172 = arith.constant 80 : i32
      %lt3A_173 = arith.cmpi slt, %add3A_171, %lt3A_172 : i32
      %convert_element_type3A_174 = arith.extui %lt3A_173 : i1 to i32
      %cond3A_175 = arith.constant 0 : i32
      %cond3A_176 = arith.cmpi ne, %convert_element_type3A_174, %cond3A_175 : i32
      scf.if %cond3A_176 {
        %add3A_289 = arith.constant 4 : i32
        %add3A_290 = arith.addi %add3A_152, %add3A_289 : i32
        %dma_start3A_291 = arith.constant 0 : i32
        %dma_start3A_292 = tpu.memref_slice %arg5[%add3A_290, %dma_start3A_291] : memref<80x125xi32, #tpu.memory_space<vmem>> -> memref<1x125xi32, #tpu.memory_space<vmem>>
        %dma_start3A_293 = tpu.memref_squeeze %dma_start3A_292 : memref<1x125xi32, #tpu.memory_space<vmem>> -> memref<125xi32, #tpu.memory_space<vmem>>
        %dma_start3A_294 = arith.constant 0 : i32
        %dma_start3A_295 = arith.constant 0 : i32
        %dma_start3A_296 = tpu.memref_slice %arg16[%dma_start3A_294, %dma_start3A_295] : memref<10112x16xf32, #tpu.memory_space<vmem_shared>> -> memref<10112x16xf32, #tpu.memory_space<vmem_shared>>
        tpu.enqueue_indirect_dma source(%dma_start3A_296 : memref<10112x16xf32, #tpu.memory_space<vmem_shared>>) target(%arg14 : memref<125x16xf32, #tpu.memory_space<vmem>>) offsets(%dma_start3A_293 : memref<125xi32, #tpu.memory_space<vmem>>) semaphore(%arg25 : memref<!tpu.dma_semaphore, #tpu.memory_space<semaphore_mem>>)
      } else {
      }
      %mul3A_177 = arith.constant 8 : i32
      %mul3A_178 = arith.muli %scan3A_68, %mul3A_177 : i32
      %add3A_179 = arith.constant 4 : i32
      %add3A_180 = arith.addi %mul3A_178, %add3A_179 : i32
      %dma_wait3A_181 = arith.constant 0 : i32
      %dma_wait3A_182 = tpu.memref_slice %arg5[%add3A_180, %dma_wait3A_181] : memref<80x125xi32, #tpu.memory_space<vmem>> -> memref<1x125xi32, #tpu.memory_space<vmem>>
      %dma_wait3A_183 = tpu.memref_squeeze %dma_wait3A_182 : memref<1x125xi32, #tpu.memory_space<vmem>> -> memref<125xi32, #tpu.memory_space<vmem>>
      %dma_wait3A_184 = arith.constant 0 : i32
      %dma_wait3A_185 = arith.constant 0 : i32
      %dma_wait3A_186 = tpu.memref_slice %arg16[%dma_wait3A_184, %dma_wait3A_185] : memref<10112x16xf32, #tpu.memory_space<vmem_shared>> -> memref<10112x16xf32, #tpu.memory_space<vmem_shared>>
      tpu.wait_indirect_dma semaphore(%arg22 : memref<!tpu.dma_semaphore, #tpu.memory_space<semaphore_mem>>) src(%dma_wait3A_186 : memref<10112x16xf32, #tpu.memory_space<vmem_shared>>) dst(%arg11 : memref<125x16xf32, #tpu.memory_space<vmem>>)
      %dma_start3A_187 = arith.constant 0 : i32
      %dma_start3A_188 = tpu.memref_slice %arg6[%add3A_180, %dma_start3A_187] : memref<80x125xi32, #tpu.memory_space<vmem>> -> memref<1x125xi32, #tpu.memory_space<vmem>>
      %dma_start3A_189 = tpu.memref_squeeze %dma_start3A_188 : memref<1x125xi32, #tpu.memory_space<vmem>> -> memref<125xi32, #tpu.memory_space<vmem>>
      %dma_start3A_190 = arith.constant 0 : i32
      %dma_start3A_191 = arith.constant 0 : i32
      %dma_start3A_192 = tpu.memref_slice %arg17[%dma_start3A_190, %dma_start3A_191] : memref<10112x16xf32, #tpu.memory_space<vmem_shared>> -> memref<10112x16xf32, #tpu.memory_space<vmem_shared>>
      tpu.enqueue_indirect_dma source(%arg11 : memref<125x16xf32, #tpu.memory_space<vmem>>) target(%dma_start3A_192 : memref<10112x16xf32, #tpu.memory_space<vmem_shared>>) offsets(%dma_start3A_189 : memref<125xi32, #tpu.memory_space<vmem>>) semaphore(%arg30 : memref<!tpu.dma_semaphore, #tpu.memory_space<semaphore_mem>>) {add = true}
      %ge3A_193 = arith.constant 4 : i32
      %ge3A_194 = arith.cmpi sge, %add3A_180, %ge3A_193 : i32
      %convert_element_type3A_195 = arith.extui %ge3A_194 : i1 to i32
      %cond3A_196 = arith.constant 0 : i32
      %cond3A_197 = arith.cmpi ne, %convert_element_type3A_195, %cond3A_196 : i32
      scf.if %cond3A_197 {
        %sub3A = arith.constant 4 : i32
        %sub3A_289 = arith.subi %add3A_180, %sub3A : i32
        %dma_wait3A_290 = arith.constant 0 : i32
        %dma_wait3A_291 = tpu.memref_slice %arg6[%sub3A_289, %dma_wait3A_290] : memref<80x125xi32, #tpu.memory_space<vmem>> -> memref<1x125xi32, #tpu.memory_space<vmem>>
        %dma_wait3A_292 = tpu.memref_squeeze %dma_wait3A_291 : memref<1x125xi32, #tpu.memory_space<vmem>> -> memref<125xi32, #tpu.memory_space<vmem>>
        %dma_wait3A_293 = arith.constant 0 : i32
        %dma_wait3A_294 = arith.constant 0 : i32
        %dma_wait3A_295 = tpu.memref_slice %arg17[%dma_wait3A_293, %dma_wait3A_294] : memref<10112x16xf32, #tpu.memory_space<vmem_shared>> -> memref<10112x16xf32, #tpu.memory_space<vmem_shared>>
        tpu.wait_indirect_dma semaphore(%arg26 : memref<!tpu.dma_semaphore, #tpu.memory_space<semaphore_mem>>) src(%arg7 : memref<125x16xf32, #tpu.memory_space<vmem>>) dst(%dma_wait3A_295 : memref<10112x16xf32, #tpu.memory_space<vmem_shared>>)
      } else {
      }
      %add3A_198 = arith.constant 4 : i32
      %add3A_199 = arith.addi %add3A_180, %add3A_198 : i32
      %lt3A_200 = arith.constant 80 : i32
      %lt3A_201 = arith.cmpi slt, %add3A_199, %lt3A_200 : i32
      %convert_element_type3A_202 = arith.extui %lt3A_201 : i1 to i32
      %cond3A_203 = arith.constant 0 : i32
      %cond3A_204 = arith.cmpi ne, %convert_element_type3A_202, %cond3A_203 : i32
      scf.if %cond3A_204 {
        %add3A_289 = arith.constant 4 : i32
        %add3A_290 = arith.addi %add3A_180, %add3A_289 : i32
        %dma_start3A_291 = arith.constant 0 : i32
        %dma_start3A_292 = tpu.memref_slice %arg5[%add3A_290, %dma_start3A_291] : memref<80x125xi32, #tpu.memory_space<vmem>> -> memref<1x125xi32, #tpu.memory_space<vmem>>
        %dma_start3A_293 = tpu.memref_squeeze %dma_start3A_292 : memref<1x125xi32, #tpu.memory_space<vmem>> -> memref<125xi32, #tpu.memory_space<vmem>>
        %dma_start3A_294 = arith.constant 0 : i32
        %dma_start3A_295 = arith.constant 0 : i32
        %dma_start3A_296 = tpu.memref_slice %arg16[%dma_start3A_294, %dma_start3A_295] : memref<10112x16xf32, #tpu.memory_space<vmem_shared>> -> memref<10112x16xf32, #tpu.memory_space<vmem_shared>>
        tpu.enqueue_indirect_dma source(%dma_start3A_296 : memref<10112x16xf32, #tpu.memory_space<vmem_shared>>) target(%arg7 : memref<125x16xf32, #tpu.memory_space<vmem>>) offsets(%dma_start3A_293 : memref<125xi32, #tpu.memory_space<vmem>>) semaphore(%arg18 : memref<!tpu.dma_semaphore, #tpu.memory_space<semaphore_mem>>)
      } else {
      }
      %mul3A_205 = arith.constant 8 : i32
      %mul3A_206 = arith.muli %scan3A_68, %mul3A_205 : i32
      %add3A_207 = arith.constant 5 : i32
      %add3A_208 = arith.addi %mul3A_206, %add3A_207 : i32
      %dma_wait3A_209 = arith.constant 0 : i32
      %dma_wait3A_210 = tpu.memref_slice %arg5[%add3A_208, %dma_wait3A_209] : memref<80x125xi32, #tpu.memory_space<vmem>> -> memref<1x125xi32, #tpu.memory_space<vmem>>
      %dma_wait3A_211 = tpu.memref_squeeze %dma_wait3A_210 : memref<1x125xi32, #tpu.memory_space<vmem>> -> memref<125xi32, #tpu.memory_space<vmem>>
      %dma_wait3A_212 = arith.constant 0 : i32
      %dma_wait3A_213 = arith.constant 0 : i32
      %dma_wait3A_214 = tpu.memref_slice %arg16[%dma_wait3A_212, %dma_wait3A_213] : memref<10112x16xf32, #tpu.memory_space<vmem_shared>> -> memref<10112x16xf32, #tpu.memory_space<vmem_shared>>
      tpu.wait_indirect_dma semaphore(%arg23 : memref<!tpu.dma_semaphore, #tpu.memory_space<semaphore_mem>>) src(%dma_wait3A_214 : memref<10112x16xf32, #tpu.memory_space<vmem_shared>>) dst(%arg12 : memref<125x16xf32, #tpu.memory_space<vmem>>)
      %dma_start3A_215 = arith.constant 0 : i32
      %dma_start3A_216 = tpu.memref_slice %arg6[%add3A_208, %dma_start3A_215] : memref<80x125xi32, #tpu.memory_space<vmem>> -> memref<1x125xi32, #tpu.memory_space<vmem>>
      %dma_start3A_217 = tpu.memref_squeeze %dma_start3A_216 : memref<1x125xi32, #tpu.memory_space<vmem>> -> memref<125xi32, #tpu.memory_space<vmem>>
      %dma_start3A_218 = arith.constant 0 : i32
      %dma_start3A_219 = arith.constant 0 : i32
      %dma_start3A_220 = tpu.memref_slice %arg17[%dma_start3A_218, %dma_start3A_219] : memref<10112x16xf32, #tpu.memory_space<vmem_shared>> -> memref<10112x16xf32, #tpu.memory_space<vmem_shared>>
      tpu.enqueue_indirect_dma source(%arg12 : memref<125x16xf32, #tpu.memory_space<vmem>>) target(%dma_start3A_220 : memref<10112x16xf32, #tpu.memory_space<vmem_shared>>) offsets(%dma_start3A_217 : memref<125xi32, #tpu.memory_space<vmem>>) semaphore(%arg31 : memref<!tpu.dma_semaphore, #tpu.memory_space<semaphore_mem>>) {add = true}
      %ge3A_221 = arith.constant 4 : i32
      %ge3A_222 = arith.cmpi sge, %add3A_208, %ge3A_221 : i32
      %convert_element_type3A_223 = arith.extui %ge3A_222 : i1 to i32
      %cond3A_224 = arith.constant 0 : i32
      %cond3A_225 = arith.cmpi ne, %convert_element_type3A_223, %cond3A_224 : i32
      scf.if %cond3A_225 {
        %sub3A = arith.constant 4 : i32
        %sub3A_289 = arith.subi %add3A_208, %sub3A : i32
        %dma_wait3A_290 = arith.constant 0 : i32
        %dma_wait3A_291 = tpu.memref_slice %arg6[%sub3A_289, %dma_wait3A_290] : memref<80x125xi32, #tpu.memory_space<vmem>> -> memref<1x125xi32, #tpu.memory_space<vmem>>
        %dma_wait3A_292 = tpu.memref_squeeze %dma_wait3A_291 : memref<1x125xi32, #tpu.memory_space<vmem>> -> memref<125xi32, #tpu.memory_space<vmem>>
        %dma_wait3A_293 = arith.constant 0 : i32
        %dma_wait3A_294 = arith.constant 0 : i32
        %dma_wait3A_295 = tpu.memref_slice %arg17[%dma_wait3A_293, %dma_wait3A_294] : memref<10112x16xf32, #tpu.memory_space<vmem_shared>> -> memref<10112x16xf32, #tpu.memory_space<vmem_shared>>
        tpu.wait_indirect_dma semaphore(%arg27 : memref<!tpu.dma_semaphore, #tpu.memory_space<semaphore_mem>>) src(%arg8 : memref<125x16xf32, #tpu.memory_space<vmem>>) dst(%dma_wait3A_295 : memref<10112x16xf32, #tpu.memory_space<vmem_shared>>)
      } else {
      }
      %add3A_226 = arith.constant 4 : i32
      %add3A_227 = arith.addi %add3A_208, %add3A_226 : i32
      %lt3A_228 = arith.constant 80 : i32
      %lt3A_229 = arith.cmpi slt, %add3A_227, %lt3A_228 : i32
      %convert_element_type3A_230 = arith.extui %lt3A_229 : i1 to i32
      %cond3A_231 = arith.constant 0 : i32
      %cond3A_232 = arith.cmpi ne, %convert_element_type3A_230, %cond3A_231 : i32
      scf.if %cond3A_232 {
        %add3A_289 = arith.constant 4 : i32
        %add3A_290 = arith.addi %add3A_208, %add3A_289 : i32
        %dma_start3A_291 = arith.constant 0 : i32
        %dma_start3A_292 = tpu.memref_slice %arg5[%add3A_290, %dma_start3A_291] : memref<80x125xi32, #tpu.memory_space<vmem>> -> memref<1x125xi32, #tpu.memory_space<vmem>>
        %dma_start3A_293 = tpu.memref_squeeze %dma_start3A_292 : memref<1x125xi32, #tpu.memory_space<vmem>> -> memref<125xi32, #tpu.memory_space<vmem>>
        %dma_start3A_294 = arith.constant 0 : i32
        %dma_start3A_295 = arith.constant 0 : i32
        %dma_start3A_296 = tpu.memref_slice %arg16[%dma_start3A_294, %dma_start3A_295] : memref<10112x16xf32, #tpu.memory_space<vmem_shared>> -> memref<10112x16xf32, #tpu.memory_space<vmem_shared>>
        tpu.enqueue_indirect_dma source(%dma_start3A_296 : memref<10112x16xf32, #tpu.memory_space<vmem_shared>>) target(%arg8 : memref<125x16xf32, #tpu.memory_space<vmem>>) offsets(%dma_start3A_293 : memref<125xi32, #tpu.memory_space<vmem>>) semaphore(%arg19 : memref<!tpu.dma_semaphore, #tpu.memory_space<semaphore_mem>>)
      } else {
      }
      %mul3A_233 = arith.constant 8 : i32
      %mul3A_234 = arith.muli %scan3A_68, %mul3A_233 : i32
      %add3A_235 = arith.constant 6 : i32
      %add3A_236 = arith.addi %mul3A_234, %add3A_235 : i32
      %dma_wait3A_237 = arith.constant 0 : i32
      %dma_wait3A_238 = tpu.memref_slice %arg5[%add3A_236, %dma_wait3A_237] : memref<80x125xi32, #tpu.memory_space<vmem>> -> memref<1x125xi32, #tpu.memory_space<vmem>>
      %dma_wait3A_239 = tpu.memref_squeeze %dma_wait3A_238 : memref<1x125xi32, #tpu.memory_space<vmem>> -> memref<125xi32, #tpu.memory_space<vmem>>
      %dma_wait3A_240 = arith.constant 0 : i32
      %dma_wait3A_241 = arith.constant 0 : i32
      %dma_wait3A_242 = tpu.memref_slice %arg16[%dma_wait3A_240, %dma_wait3A_241] : memref<10112x16xf32, #tpu.memory_space<vmem_shared>> -> memref<10112x16xf32, #tpu.memory_space<vmem_shared>>
      tpu.wait_indirect_dma semaphore(%arg24 : memref<!tpu.dma_semaphore, #tpu.memory_space<semaphore_mem>>) src(%dma_wait3A_242 : memref<10112x16xf32, #tpu.memory_space<vmem_shared>>) dst(%arg13 : memref<125x16xf32, #tpu.memory_space<vmem>>)
      %dma_start3A_243 = arith.constant 0 : i32
      %dma_start3A_244 = tpu.memref_slice %arg6[%add3A_236, %dma_start3A_243] : memref<80x125xi32, #tpu.memory_space<vmem>> -> memref<1x125xi32, #tpu.memory_space<vmem>>
      %dma_start3A_245 = tpu.memref_squeeze %dma_start3A_244 : memref<1x125xi32, #tpu.memory_space<vmem>> -> memref<125xi32, #tpu.memory_space<vmem>>
      %dma_start3A_246 = arith.constant 0 : i32
      %dma_start3A_247 = arith.constant 0 : i32
      %dma_start3A_248 = tpu.memref_slice %arg17[%dma_start3A_246, %dma_start3A_247] : memref<10112x16xf32, #tpu.memory_space<vmem_shared>> -> memref<10112x16xf32, #tpu.memory_space<vmem_shared>>
      tpu.enqueue_indirect_dma source(%arg13 : memref<125x16xf32, #tpu.memory_space<vmem>>) target(%dma_start3A_248 : memref<10112x16xf32, #tpu.memory_space<vmem_shared>>) offsets(%dma_start3A_245 : memref<125xi32, #tpu.memory_space<vmem>>) semaphore(%arg32 : memref<!tpu.dma_semaphore, #tpu.memory_space<semaphore_mem>>) {add = true}
      %ge3A_249 = arith.constant 4 : i32
      %ge3A_250 = arith.cmpi sge, %add3A_236, %ge3A_249 : i32
      %convert_element_type3A_251 = arith.extui %ge3A_250 : i1 to i32
      %cond3A_252 = arith.constant 0 : i32
      %cond3A_253 = arith.cmpi ne, %convert_element_type3A_251, %cond3A_252 : i32
      scf.if %cond3A_253 {
        %sub3A = arith.constant 4 : i32
        %sub3A_289 = arith.subi %add3A_236, %sub3A : i32
        %dma_wait3A_290 = arith.constant 0 : i32
        %dma_wait3A_291 = tpu.memref_slice %arg6[%sub3A_289, %dma_wait3A_290] : memref<80x125xi32, #tpu.memory_space<vmem>> -> memref<1x125xi32, #tpu.memory_space<vmem>>
        %dma_wait3A_292 = tpu.memref_squeeze %dma_wait3A_291 : memref<1x125xi32, #tpu.memory_space<vmem>> -> memref<125xi32, #tpu.memory_space<vmem>>
        %dma_wait3A_293 = arith.constant 0 : i32
        %dma_wait3A_294 = arith.constant 0 : i32
        %dma_wait3A_295 = tpu.memref_slice %arg17[%dma_wait3A_293, %dma_wait3A_294] : memref<10112x16xf32, #tpu.memory_space<vmem_shared>> -> memref<10112x16xf32, #tpu.memory_space<vmem_shared>>
        tpu.wait_indirect_dma semaphore(%arg28 : memref<!tpu.dma_semaphore, #tpu.memory_space<semaphore_mem>>) src(%arg9 : memref<125x16xf32, #tpu.memory_space<vmem>>) dst(%dma_wait3A_295 : memref<10112x16xf32, #tpu.memory_space<vmem_shared>>)
      } else {
      }
      %add3A_254 = arith.constant 4 : i32
      %add3A_255 = arith.addi %add3A_236, %add3A_254 : i32
      %lt3A_256 = arith.constant 80 : i32
      %lt3A_257 = arith.cmpi slt, %add3A_255, %lt3A_256 : i32
      %convert_element_type3A_258 = arith.extui %lt3A_257 : i1 to i32
      %cond3A_259 = arith.constant 0 : i32
      %cond3A_260 = arith.cmpi ne, %convert_element_type3A_258, %cond3A_259 : i32
      scf.if %cond3A_260 {
        %add3A_289 = arith.constant 4 : i32
        %add3A_290 = arith.addi %add3A_236, %add3A_289 : i32
        %dma_start3A_291 = arith.constant 0 : i32
        %dma_start3A_292 = tpu.memref_slice %arg5[%add3A_290, %dma_start3A_291] : memref<80x125xi32, #tpu.memory_space<vmem>> -> memref<1x125xi32, #tpu.memory_space<vmem>>
        %dma_start3A_293 = tpu.memref_squeeze %dma_start3A_292 : memref<1x125xi32, #tpu.memory_space<vmem>> -> memref<125xi32, #tpu.memory_space<vmem>>
        %dma_start3A_294 = arith.constant 0 : i32
        %dma_start3A_295 = arith.constant 0 : i32
        %dma_start3A_296 = tpu.memref_slice %arg16[%dma_start3A_294, %dma_start3A_295] : memref<10112x16xf32, #tpu.memory_space<vmem_shared>> -> memref<10112x16xf32, #tpu.memory_space<vmem_shared>>
        tpu.enqueue_indirect_dma source(%dma_start3A_296 : memref<10112x16xf32, #tpu.memory_space<vmem_shared>>) target(%arg9 : memref<125x16xf32, #tpu.memory_space<vmem>>) offsets(%dma_start3A_293 : memref<125xi32, #tpu.memory_space<vmem>>) semaphore(%arg20 : memref<!tpu.dma_semaphore, #tpu.memory_space<semaphore_mem>>)
      } else {
      }
      %mul3A_261 = arith.constant 8 : i32
      %mul3A_262 = arith.muli %scan3A_68, %mul3A_261 : i32
      %add3A_263 = arith.constant 7 : i32
      %add3A_264 = arith.addi %mul3A_262, %add3A_263 : i32
      %dma_wait3A_265 = arith.constant 0 : i32
      %dma_wait3A_266 = tpu.memref_slice %arg5[%add3A_264, %dma_wait3A_265] : memref<80x125xi32, #tpu.memory_space<vmem>> -> memref<1x125xi32, #tpu.memory_space<vmem>>
      %dma_wait3A_267 = tpu.memref_squeeze %dma_wait3A_266 : memref<1x125xi32, #tpu.memory_space<vmem>> -> memref<125xi32, #tpu.memory_space<vmem>>
      %dma_wait3A_268 = arith.constant 0 : i32
      %dma_wait3A_269 = arith.constant 0 : i32
      %dma_wait3A_270 = tpu.memref_slice %arg16[%dma_wait3A_268, %dma_wait3A_269] : memref<10112x16xf32, #tpu.memory_space<vmem_shared>> -> memref<10112x16xf32, #tpu.memory_space<vmem_shared>>
      tpu.wait_indirect_dma semaphore(%arg25 : memref<!tpu.dma_semaphore, #tpu.memory_space<semaphore_mem>>) src(%dma_wait3A_270 : memref<10112x16xf32, #tpu.memory_space<vmem_shared>>) dst(%arg14 : memref<125x16xf32, #tpu.memory_space<vmem>>)
      %dma_start3A_271 = arith.constant 0 : i32
      %dma_start3A_272 = tpu.memref_slice %arg6[%add3A_264, %dma_start3A_271] : memref<80x125xi32, #tpu.memory_space<vmem>> -> memref<1x125xi32, #tpu.memory_space<vmem>>
      %dma_start3A_273 = tpu.memref_squeeze %dma_start3A_272 : memref<1x125xi32, #tpu.memory_space<vmem>> -> memref<125xi32, #tpu.memory_space<vmem>>
      %dma_start3A_274 = arith.constant 0 : i32
      %dma_start3A_275 = arith.constant 0 : i32
      %dma_start3A_276 = tpu.memref_slice %arg17[%dma_start3A_274, %dma_start3A_275] : memref<10112x16xf32, #tpu.memory_space<vmem_shared>> -> memref<10112x16xf32, #tpu.memory_space<vmem_shared>>
      tpu.enqueue_indirect_dma source(%arg14 : memref<125x16xf32, #tpu.memory_space<vmem>>) target(%dma_start3A_276 : memref<10112x16xf32, #tpu.memory_space<vmem_shared>>) offsets(%dma_start3A_273 : memref<125xi32, #tpu.memory_space<vmem>>) semaphore(%arg33 : memref<!tpu.dma_semaphore, #tpu.memory_space<semaphore_mem>>) {add = true}
      %ge3A_277 = arith.constant 4 : i32
      %ge3A_278 = arith.cmpi sge, %add3A_264, %ge3A_277 : i32
      %convert_element_type3A_279 = arith.extui %ge3A_278 : i1 to i32
      %cond3A_280 = arith.constant 0 : i32
      %cond3A_281 = arith.cmpi ne, %convert_element_type3A_279, %cond3A_280 : i32
      scf.if %cond3A_281 {
        %sub3A = arith.constant 4 : i32
        %sub3A_289 = arith.subi %add3A_264, %sub3A : i32
        %dma_wait3A_290 = arith.constant 0 : i32
        %dma_wait3A_291 = tpu.memref_slice %arg6[%sub3A_289, %dma_wait3A_290] : memref<80x125xi32, #tpu.memory_space<vmem>> -> memref<1x125xi32, #tpu.memory_space<vmem>>
        %dma_wait3A_292 = tpu.memref_squeeze %dma_wait3A_291 : memref<1x125xi32, #tpu.memory_space<vmem>> -> memref<125xi32, #tpu.memory_space<vmem>>
        %dma_wait3A_293 = arith.constant 0 : i32
        %dma_wait3A_294 = arith.constant 0 : i32
        %dma_wait3A_295 = tpu.memref_slice %arg17[%dma_wait3A_293, %dma_wait3A_294] : memref<10112x16xf32, #tpu.memory_space<vmem_shared>> -> memref<10112x16xf32, #tpu.memory_space<vmem_shared>>
        tpu.wait_indirect_dma semaphore(%arg29 : memref<!tpu.dma_semaphore, #tpu.memory_space<semaphore_mem>>) src(%arg10 : memref<125x16xf32, #tpu.memory_space<vmem>>) dst(%dma_wait3A_295 : memref<10112x16xf32, #tpu.memory_space<vmem_shared>>)
      } else {
      }
      %add3A_282 = arith.constant 4 : i32
      %add3A_283 = arith.addi %add3A_264, %add3A_282 : i32
      %lt3A_284 = arith.constant 80 : i32
      %lt3A_285 = arith.cmpi slt, %add3A_283, %lt3A_284 : i32
      %convert_element_type3A_286 = arith.extui %lt3A_285 : i1 to i32
      %cond3A_287 = arith.constant 0 : i32
      %cond3A_288 = arith.cmpi ne, %convert_element_type3A_286, %cond3A_287 : i32
      scf.if %cond3A_288 {
        %add3A_289 = arith.constant 4 : i32
        %add3A_290 = arith.addi %add3A_264, %add3A_289 : i32
        %dma_start3A_291 = arith.constant 0 : i32
        %dma_start3A_292 = tpu.memref_slice %arg5[%add3A_290, %dma_start3A_291] : memref<80x125xi32, #tpu.memory_space<vmem>> -> memref<1x125xi32, #tpu.memory_space<vmem>>
        %dma_start3A_293 = tpu.memref_squeeze %dma_start3A_292 : memref<1x125xi32, #tpu.memory_space<vmem>> -> memref<125xi32, #tpu.memory_space<vmem>>
        %dma_start3A_294 = arith.constant 0 : i32
        %dma_start3A_295 = arith.constant 0 : i32
        %dma_start3A_296 = tpu.memref_slice %arg16[%dma_start3A_294, %dma_start3A_295] : memref<10112x16xf32, #tpu.memory_space<vmem_shared>> -> memref<10112x16xf32, #tpu.memory_space<vmem_shared>>
        tpu.enqueue_indirect_dma source(%dma_start3A_296 : memref<10112x16xf32, #tpu.memory_space<vmem_shared>>) target(%arg10 : memref<125x16xf32, #tpu.memory_space<vmem>>) offsets(%dma_start3A_293 : memref<125xi32, #tpu.memory_space<vmem>>) semaphore(%arg21 : memref<!tpu.dma_semaphore, #tpu.memory_space<semaphore_mem>>)
      } else {
      }
    }
    %scan3A_39 = arith.constant 10 : i32
    %dma_wait3A = arith.constant 76 : i32
    %dma_wait3A_40 = arith.constant 0 : i32
    %dma_wait3A_41 = tpu.memref_slice %arg6[%dma_wait3A, %dma_wait3A_40] : memref<80x125xi32, #tpu.memory_space<vmem>> -> memref<1x125xi32, #tpu.memory_space<vmem>>
    %dma_wait3A_42 = tpu.memref_squeeze %dma_wait3A_41 : memref<1x125xi32, #tpu.memory_space<vmem>> -> memref<125xi32, #tpu.memory_space<vmem>>
    %dma_wait3A_43 = arith.constant 0 : i32
    %dma_wait3A_44 = arith.constant 0 : i32
    %dma_wait3A_45 = tpu.memref_slice %arg17[%dma_wait3A_43, %dma_wait3A_44] : memref<10112x16xf32, #tpu.memory_space<vmem_shared>> -> memref<10112x16xf32, #tpu.memory_space<vmem_shared>>
    tpu.wait_indirect_dma semaphore(%arg30 : memref<!tpu.dma_semaphore, #tpu.memory_space<semaphore_mem>>) src(%arg11 : memref<125x16xf32, #tpu.memory_space<vmem>>) dst(%dma_wait3A_45 : memref<10112x16xf32, #tpu.memory_space<vmem_shared>>)
    %dma_wait3A_46 = arith.constant 77 : i32
    %dma_wait3A_47 = arith.constant 0 : i32
    %dma_wait3A_48 = tpu.memref_slice %arg6[%dma_wait3A_46, %dma_wait3A_47] : memref<80x125xi32, #tpu.memory_space<vmem>> -> memref<1x125xi32, #tpu.memory_space<vmem>>
    %dma_wait3A_49 = tpu.memref_squeeze %dma_wait3A_48 : memref<1x125xi32, #tpu.memory_space<vmem>> -> memref<125xi32, #tpu.memory_space<vmem>>
    %dma_wait3A_50 = arith.constant 0 : i32
    %dma_wait3A_51 = arith.constant 0 : i32
    %dma_wait3A_52 = tpu.memref_slice %arg17[%dma_wait3A_50, %dma_wait3A_51] : memref<10112x16xf32, #tpu.memory_space<vmem_shared>> -> memref<10112x16xf32, #tpu.memory_space<vmem_shared>>
    tpu.wait_indirect_dma semaphore(%arg31 : memref<!tpu.dma_semaphore, #tpu.memory_space<semaphore_mem>>) src(%arg12 : memref<125x16xf32, #tpu.memory_space<vmem>>) dst(%dma_wait3A_52 : memref<10112x16xf32, #tpu.memory_space<vmem_shared>>)
    %dma_wait3A_53 = arith.constant 78 : i32
    %dma_wait3A_54 = arith.constant 0 : i32
    %dma_wait3A_55 = tpu.memref_slice %arg6[%dma_wait3A_53, %dma_wait3A_54] : memref<80x125xi32, #tpu.memory_space<vmem>> -> memref<1x125xi32, #tpu.memory_space<vmem>>
    %dma_wait3A_56 = tpu.memref_squeeze %dma_wait3A_55 : memref<1x125xi32, #tpu.memory_space<vmem>> -> memref<125xi32, #tpu.memory_space<vmem>>
    %dma_wait3A_57 = arith.constant 0 : i32
    %dma_wait3A_58 = arith.constant 0 : i32
    %dma_wait3A_59 = tpu.memref_slice %arg17[%dma_wait3A_57, %dma_wait3A_58] : memref<10112x16xf32, #tpu.memory_space<vmem_shared>> -> memref<10112x16xf32, #tpu.memory_space<vmem_shared>>
    tpu.wait_indirect_dma semaphore(%arg32 : memref<!tpu.dma_semaphore, #tpu.memory_space<semaphore_mem>>) src(%arg13 : memref<125x16xf32, #tpu.memory_space<vmem>>) dst(%dma_wait3A_59 : memref<10112x16xf32, #tpu.memory_space<vmem_shared>>)
    %dma_wait3A_60 = arith.constant 79 : i32
    %dma_wait3A_61 = arith.constant 0 : i32
    %dma_wait3A_62 = tpu.memref_slice %arg6[%dma_wait3A_60, %dma_wait3A_61] : memref<80x125xi32, #tpu.memory_space<vmem>> -> memref<1x125xi32, #tpu.memory_space<vmem>>
    %dma_wait3A_63 = tpu.memref_squeeze %dma_wait3A_62 : memref<1x125xi32, #tpu.memory_space<vmem>> -> memref<125xi32, #tpu.memory_space<vmem>>
    %dma_wait3A_64 = arith.constant 0 : i32
    %dma_wait3A_65 = arith.constant 0 : i32
    %dma_wait3A_66 = tpu.memref_slice %arg17[%dma_wait3A_64, %dma_wait3A_65] : memref<10112x16xf32, #tpu.memory_space<vmem_shared>> -> memref<10112x16xf32, #tpu.memory_space<vmem_shared>>
    tpu.wait_indirect_dma semaphore(%arg33 : memref<!tpu.dma_semaphore, #tpu.memory_space<semaphore_mem>>) src(%arg14 : memref<125x16xf32, #tpu.memory_space<vmem>>) dst(%dma_wait3A_66 : memref<10112x16xf32, #tpu.memory_space<vmem_shared>>)
    %barrier3A_67 = arith.constant 0 : index
    tpu.barrier barrier_id(%barrier3A_67)
    "tpu.region"() ({
      %run_scoped3A_68 = tpu.sem_alloc : memref<!tpu.dma_semaphore, #tpu.memory_space<semaphore_mem>>
      %dma_start3A_69 = arith.constant 0 : i32
      %dma_start3A_70 = tpu.memref_slice %arg17[%mul3A_2, %dma_start3A_69] : memref<10112x16xf32, #tpu.memory_space<vmem_shared>> -> memref<632x16xf32, #tpu.memory_space<vmem_shared>>
      %dma_start3A_71 = arith.constant 0 : i32
      %dma_start3A_72 = tpu.memref_slice %arg17[%mul3A_2, %dma_start3A_71] : memref<10112x16xf32, #tpu.memory_space<vmem_shared>> -> memref<632x16xf32, #tpu.memory_space<vmem_shared>>
      tpu.enqueue_dma source(%dma_start3A_72 : memref<632x16xf32, #tpu.memory_space<vmem_shared>>) target(%arg15 : memref<632x16xf32, #tpu.memory_space<vmem>>) target_semaphore(%run_scoped3A_68 : memref<!tpu.dma_semaphore, #tpu.memory_space<semaphore_mem>>)
      %dma_wait3A_73 = arith.constant 0 : i32
      %dma_wait3A_74 = tpu.memref_slice %arg17[%mul3A_2, %dma_wait3A_73] : memref<10112x16xf32, #tpu.memory_space<vmem_shared>> -> memref<632x16xf32, #tpu.memory_space<vmem_shared>>
      %dma_wait3A_75 = arith.constant 0 : i32
      %dma_wait3A_76 = tpu.memref_slice %arg17[%mul3A_2, %dma_wait3A_75] : memref<10112x16xf32, #tpu.memory_space<vmem_shared>> -> memref<632x16xf32, #tpu.memory_space<vmem_shared>>
      tpu.wait_dma2 semaphore(%run_scoped3A_68 : memref<!tpu.dma_semaphore, #tpu.memory_space<semaphore_mem>>) src(%dma_wait3A_76 : memref<632x16xf32, #tpu.memory_space<vmem_shared>>) dst(%arg15 : memref<632x16xf32, #tpu.memory_space<vmem>>)
      tpu.yield
    }) : () -> ()
    "tpu.region"() ({
      %run_scoped3A_68 = tpu.sem_alloc : memref<!tpu.dma_semaphore, #tpu.memory_space<semaphore_mem>>
      %dma_start3A_69 = arith.constant 0 : i32
      %dma_start3A_70 = tpu.memref_slice %arg4[%arg0, %mul3A_2, %dma_start3A_69] : memref<2x10112x16xf32, #tpu.memory_space<hbm>> -> memref<1x632x16xf32, #tpu.memory_space<hbm>>
      %dma_start3A_71 = tpu.memref_squeeze %dma_start3A_70 : memref<1x632x16xf32, #tpu.memory_space<hbm>> -> memref<632x16xf32, #tpu.memory_space<hbm>>
      %dma_start3A_72 = arith.constant 0 : i32
      %dma_start3A_73 = tpu.memref_slice %arg4[%arg0, %mul3A_2, %dma_start3A_72] : memref<2x10112x16xf32, #tpu.memory_space<hbm>> -> memref<1x632x16xf32, #tpu.memory_space<hbm>>
      %dma_start3A_74 = tpu.memref_squeeze %dma_start3A_73 : memref<1x632x16xf32, #tpu.memory_space<hbm>> -> memref<632x16xf32, #tpu.memory_space<hbm>>
      tpu.enqueue_dma source(%arg15 : memref<632x16xf32, #tpu.memory_space<vmem>>) target(%dma_start3A_74 : memref<632x16xf32, #tpu.memory_space<hbm>>) target_semaphore(%run_scoped3A_68 : memref<!tpu.dma_semaphore, #tpu.memory_space<semaphore_mem>>)
      %dma_wait3A_75 = arith.constant 0 : i32
      %dma_wait3A_76 = tpu.memref_slice %arg4[%arg0, %mul3A_2, %dma_wait3A_75] : memref<2x10112x16xf32, #tpu.memory_space<hbm>> -> memref<1x632x16xf32, #tpu.memory_space<hbm>>
      %dma_wait3A_77 = tpu.memref_squeeze %dma_wait3A_76 : memref<1x632x16xf32, #tpu.memory_space<hbm>> -> memref<632x16xf32, #tpu.memory_space<hbm>>
      %dma_wait3A_78 = arith.constant 0 : i32
      %dma_wait3A_79 = tpu.memref_slice %arg4[%arg0, %mul3A_2, %dma_wait3A_78] : memref<2x10112x16xf32, #tpu.memory_space<hbm>> -> memref<1x632x16xf32, #tpu.memory_space<hbm>>
      %dma_wait3A_80 = tpu.memref_squeeze %dma_wait3A_79 : memref<1x632x16xf32, #tpu.memory_space<hbm>> -> memref<632x16xf32, #tpu.memory_space<hbm>>
      tpu.wait_dma2 semaphore(%run_scoped3A_68 : memref<!tpu.dma_semaphore, #tpu.memory_space<semaphore_mem>>) src(%arg15 : memref<632x16xf32, #tpu.memory_space<vmem>>) dst(%dma_wait3A_80 : memref<632x16xf32, #tpu.memory_space<hbm>>)
      tpu.yield
    }) : () -> ()
    return
  }
}

#map = affine_map<(d0, d1) -> (0, 0, 0)>
#map1 = affine_map<(d0, d1) -> (0, 0)>
#map2 = affine_map<(d0, d1) -> (0)>
module attributes {stable_mosaic.version = 14 : i64} {
  func.func @sweep(%arg0: i32, %arg1: i32, %arg2: memref<2x10112x16xf32, #tpu.memory_space<hbm>>, %arg3: memref<10112x16xf32, #tpu.memory_space<hbm>>, %arg4: memref<10112x16xf32, #tpu.memory_space<hbm>>, %arg5: memref<16xf32, #tpu.memory_space<hbm>>, %arg6: memref<2x2560x125xi32, #tpu.memory_space<hbm>>, %arg7: memref<2x10112x16xf32, #tpu.memory_space<hbm>>, %arg8: memref<10112x16xf32, #tpu.memory_space<hbm>>, %arg9: memref<80x125xi32, #tpu.memory_space<vmem>>, %arg10: memref<80x125xi32, #tpu.memory_space<vmem>>, %arg11: memref<125x16xf32, #tpu.memory_space<vmem>>, %arg12: memref<125x16xf32, #tpu.memory_space<vmem>>, %arg13: memref<125x16xf32, #tpu.memory_space<vmem>>, %arg14: memref<125x16xf32, #tpu.memory_space<vmem>>, %arg15: memref<125x16xf32, #tpu.memory_space<vmem>>, %arg16: memref<125x16xf32, #tpu.memory_space<vmem>>, %arg17: memref<125x16xf32, #tpu.memory_space<vmem>>, %arg18: memref<125x16xf32, #tpu.memory_space<vmem>>, %arg19: memref<632x16xf32, #tpu.memory_space<vmem>>, %arg20: memref<632x16xf32, #tpu.memory_space<vmem>>, %arg21: memref<632x16xf32, #tpu.memory_space<vmem>>, %arg22: memref<632x16xf32, #tpu.memory_space<vmem>>, %arg23: memref<632x16xf32, #tpu.memory_space<vmem>>, %arg24: memref<16xf32, #tpu.memory_space<vmem>>, %arg25: memref<10112x16xf32, #tpu.memory_space<vmem_shared>>, %arg26: memref<10112x16xf32, #tpu.memory_space<vmem_shared>>, %arg27: memref<!tpu.dma_semaphore, #tpu.memory_space<semaphore_mem>>, %arg28: memref<!tpu.dma_semaphore, #tpu.memory_space<semaphore_mem>>, %arg29: memref<!tpu.dma_semaphore, #tpu.memory_space<semaphore_mem>>, %arg30: memref<!tpu.dma_semaphore, #tpu.memory_space<semaphore_mem>>, %arg31: memref<!tpu.dma_semaphore, #tpu.memory_space<semaphore_mem>>, %arg32: memref<!tpu.dma_semaphore, #tpu.memory_space<semaphore_mem>>, %arg33: memref<!tpu.dma_semaphore, #tpu.memory_space<semaphore_mem>>, %arg34: memref<!tpu.dma_semaphore, #tpu.memory_space<semaphore_mem>>, %arg35: memref<!tpu.dma_semaphore, #tpu.memory_space<semaphore_mem>>, %arg36: memref<!tpu.dma_semaphore, #tpu.memory_space<semaphore_mem>>, %arg37: memref<!tpu.dma_semaphore, #tpu.memory_space<semaphore_mem>>, %arg38: memref<!tpu.dma_semaphore, #tpu.memory_space<semaphore_mem>>, %arg39: memref<!tpu.dma_semaphore, #tpu.memory_space<semaphore_mem>>, %arg40: memref<!tpu.dma_semaphore, #tpu.memory_space<semaphore_mem>>, %arg41: memref<!tpu.dma_semaphore, #tpu.memory_space<semaphore_mem>>, %arg42: memref<!tpu.dma_semaphore, #tpu.memory_space<semaphore_mem>>) attributes {dimension_semantics = [#tpu.dimension_semantics<core_parallel>, #tpu.dimension_semantics<subcore_parallel>], iteration_bounds = array<i64: 2, 16>, scalar_prefetch = 0 : i64, scratch_operands = 34 : i64, tpu.core_type = #tpu.core_type<sc_vector_subcore>, window_params = [{transform_indices = #map}, {transform_indices = #map1}, {transform_indices = #map1}, {transform_indices = #map2}, {transform_indices = #map}, {transform_indices = #map}, {transform_indices = #map1}]} {
    %mul3A = arith.constant 16 : i32
    %mul3A_0 = arith.muli %arg0, %mul3A : i32
    %add3A = arith.addi %mul3A_0, %arg1 : i32
    %mul3A_1 = arith.constant 632 : i32
    %mul3A_2 = arith.muli %arg1, %mul3A_1 : i32
    %mul3A_3 = arith.constant 80 : i32
    %mul3A_4 = arith.muli %add3A, %mul3A_3 : i32
    %run_scoped3A = arith.constant 0 : i32
    "tpu.region"() ({
      %run_scoped3A_78 = tpu.sem_alloc : memref<!tpu.dma_semaphore, #tpu.memory_space<semaphore_mem>>
      %dma_start3A_79 = arith.constant 0 : i32
      %dma_start3A_80 = tpu.memref_slice %arg6[%run_scoped3A, %mul3A_4, %dma_start3A_79] : memref<2x2560x125xi32, #tpu.memory_space<hbm>> -> memref<1x80x125xi32, #tpu.memory_space<hbm>>
      %dma_start3A_81 = tpu.memref_squeeze %dma_start3A_80 : memref<1x80x125xi32, #tpu.memory_space<hbm>> -> memref<80x125xi32, #tpu.memory_space<hbm>>
      %dma_start3A_82 = arith.constant 0 : i32
      %dma_start3A_83 = tpu.memref_slice %arg6[%run_scoped3A, %mul3A_4, %dma_start3A_82] : memref<2x2560x125xi32, #tpu.memory_space<hbm>> -> memref<1x80x125xi32, #tpu.memory_space<hbm>>
      %dma_start3A_84 = tpu.memref_squeeze %dma_start3A_83 : memref<1x80x125xi32, #tpu.memory_space<hbm>> -> memref<80x125xi32, #tpu.memory_space<hbm>>
      tpu.enqueue_dma source(%dma_start3A_84 : memref<80x125xi32, #tpu.memory_space<hbm>>) target(%arg9 : memref<80x125xi32, #tpu.memory_space<vmem>>) target_semaphore(%run_scoped3A_78 : memref<!tpu.dma_semaphore, #tpu.memory_space<semaphore_mem>>)
      %dma_wait3A_85 = arith.constant 0 : i32
      %dma_wait3A_86 = tpu.memref_slice %arg6[%run_scoped3A, %mul3A_4, %dma_wait3A_85] : memref<2x2560x125xi32, #tpu.memory_space<hbm>> -> memref<1x80x125xi32, #tpu.memory_space<hbm>>
      %dma_wait3A_87 = tpu.memref_squeeze %dma_wait3A_86 : memref<1x80x125xi32, #tpu.memory_space<hbm>> -> memref<80x125xi32, #tpu.memory_space<hbm>>
      %dma_wait3A_88 = arith.constant 0 : i32
      %dma_wait3A_89 = tpu.memref_slice %arg6[%run_scoped3A, %mul3A_4, %dma_wait3A_88] : memref<2x2560x125xi32, #tpu.memory_space<hbm>> -> memref<1x80x125xi32, #tpu.memory_space<hbm>>
      %dma_wait3A_90 = tpu.memref_squeeze %dma_wait3A_89 : memref<1x80x125xi32, #tpu.memory_space<hbm>> -> memref<80x125xi32, #tpu.memory_space<hbm>>
      tpu.wait_dma2 semaphore(%run_scoped3A_78 : memref<!tpu.dma_semaphore, #tpu.memory_space<semaphore_mem>>) src(%dma_wait3A_90 : memref<80x125xi32, #tpu.memory_space<hbm>>) dst(%arg9 : memref<80x125xi32, #tpu.memory_space<vmem>>)
      tpu.yield
    }) : () -> ()
    %mul3A_5 = arith.constant 80 : i32
    %mul3A_6 = arith.muli %add3A, %mul3A_5 : i32
    %run_scoped3A_7 = arith.constant 1 : i32
    "tpu.region"() ({
      %run_scoped3A_78 = tpu.sem_alloc : memref<!tpu.dma_semaphore, #tpu.memory_space<semaphore_mem>>
      %dma_start3A_79 = arith.constant 0 : i32
      %dma_start3A_80 = tpu.memref_slice %arg6[%run_scoped3A_7, %mul3A_6, %dma_start3A_79] : memref<2x2560x125xi32, #tpu.memory_space<hbm>> -> memref<1x80x125xi32, #tpu.memory_space<hbm>>
      %dma_start3A_81 = tpu.memref_squeeze %dma_start3A_80 : memref<1x80x125xi32, #tpu.memory_space<hbm>> -> memref<80x125xi32, #tpu.memory_space<hbm>>
      %dma_start3A_82 = arith.constant 0 : i32
      %dma_start3A_83 = tpu.memref_slice %arg6[%run_scoped3A_7, %mul3A_6, %dma_start3A_82] : memref<2x2560x125xi32, #tpu.memory_space<hbm>> -> memref<1x80x125xi32, #tpu.memory_space<hbm>>
      %dma_start3A_84 = tpu.memref_squeeze %dma_start3A_83 : memref<1x80x125xi32, #tpu.memory_space<hbm>> -> memref<80x125xi32, #tpu.memory_space<hbm>>
      tpu.enqueue_dma source(%dma_start3A_84 : memref<80x125xi32, #tpu.memory_space<hbm>>) target(%arg10 : memref<80x125xi32, #tpu.memory_space<vmem>>) target_semaphore(%run_scoped3A_78 : memref<!tpu.dma_semaphore, #tpu.memory_space<semaphore_mem>>)
      %dma_wait3A_85 = arith.constant 0 : i32
      %dma_wait3A_86 = tpu.memref_slice %arg6[%run_scoped3A_7, %mul3A_6, %dma_wait3A_85] : memref<2x2560x125xi32, #tpu.memory_space<hbm>> -> memref<1x80x125xi32, #tpu.memory_space<hbm>>
      %dma_wait3A_87 = tpu.memref_squeeze %dma_wait3A_86 : memref<1x80x125xi32, #tpu.memory_space<hbm>> -> memref<80x125xi32, #tpu.memory_space<hbm>>
      %dma_wait3A_88 = arith.constant 0 : i32
      %dma_wait3A_89 = tpu.memref_slice %arg6[%run_scoped3A_7, %mul3A_6, %dma_wait3A_88] : memref<2x2560x125xi32, #tpu.memory_space<hbm>> -> memref<1x80x125xi32, #tpu.memory_space<hbm>>
      %dma_wait3A_90 = tpu.memref_squeeze %dma_wait3A_89 : memref<1x80x125xi32, #tpu.memory_space<hbm>> -> memref<80x125xi32, #tpu.memory_space<hbm>>
      tpu.wait_dma2 semaphore(%run_scoped3A_78 : memref<!tpu.dma_semaphore, #tpu.memory_space<semaphore_mem>>) src(%dma_wait3A_90 : memref<80x125xi32, #tpu.memory_space<hbm>>) dst(%arg10 : memref<80x125xi32, #tpu.memory_space<vmem>>)
      tpu.yield
    }) : () -> ()
    %run_scoped3A_8 = arith.constant 0 : i32
    "tpu.region"() ({
      %run_scoped3A_78 = tpu.sem_alloc : memref<!tpu.dma_semaphore, #tpu.memory_space<semaphore_mem>>
      %dma_start3A_79 = arith.constant 0 : i32
      %dma_start3A_80 = tpu.memref_slice %arg2[%run_scoped3A_8, %mul3A_2, %dma_start3A_79] : memref<2x10112x16xf32, #tpu.memory_space<hbm>> -> memref<1x632x16xf32, #tpu.memory_space<hbm>>
      %dma_start3A_81 = tpu.memref_squeeze %dma_start3A_80 : memref<1x632x16xf32, #tpu.memory_space<hbm>> -> memref<632x16xf32, #tpu.memory_space<hbm>>
      %dma_start3A_82 = arith.constant 0 : i32
      %dma_start3A_83 = tpu.memref_slice %arg2[%run_scoped3A_8, %mul3A_2, %dma_start3A_82] : memref<2x10112x16xf32, #tpu.memory_space<hbm>> -> memref<1x632x16xf32, #tpu.memory_space<hbm>>
      %dma_start3A_84 = tpu.memref_squeeze %dma_start3A_83 : memref<1x632x16xf32, #tpu.memory_space<hbm>> -> memref<632x16xf32, #tpu.memory_space<hbm>>
      tpu.enqueue_dma source(%dma_start3A_84 : memref<632x16xf32, #tpu.memory_space<hbm>>) target(%arg19 : memref<632x16xf32, #tpu.memory_space<vmem>>) target_semaphore(%run_scoped3A_78 : memref<!tpu.dma_semaphore, #tpu.memory_space<semaphore_mem>>)
      %dma_wait3A_85 = arith.constant 0 : i32
      %dma_wait3A_86 = tpu.memref_slice %arg2[%run_scoped3A_8, %mul3A_2, %dma_wait3A_85] : memref<2x10112x16xf32, #tpu.memory_space<hbm>> -> memref<1x632x16xf32, #tpu.memory_space<hbm>>
      %dma_wait3A_87 = tpu.memref_squeeze %dma_wait3A_86 : memref<1x632x16xf32, #tpu.memory_space<hbm>> -> memref<632x16xf32, #tpu.memory_space<hbm>>
      %dma_wait3A_88 = arith.constant 0 : i32
      %dma_wait3A_89 = tpu.memref_slice %arg2[%run_scoped3A_8, %mul3A_2, %dma_wait3A_88] : memref<2x10112x16xf32, #tpu.memory_space<hbm>> -> memref<1x632x16xf32, #tpu.memory_space<hbm>>
      %dma_wait3A_90 = tpu.memref_squeeze %dma_wait3A_89 : memref<1x632x16xf32, #tpu.memory_space<hbm>> -> memref<632x16xf32, #tpu.memory_space<hbm>>
      tpu.wait_dma2 semaphore(%run_scoped3A_78 : memref<!tpu.dma_semaphore, #tpu.memory_space<semaphore_mem>>) src(%dma_wait3A_90 : memref<632x16xf32, #tpu.memory_space<hbm>>) dst(%arg19 : memref<632x16xf32, #tpu.memory_space<vmem>>)
      tpu.yield
    }) : () -> ()
    %run_scoped3A_9 = arith.constant 1 : i32
    "tpu.region"() ({
      %run_scoped3A_78 = tpu.sem_alloc : memref<!tpu.dma_semaphore, #tpu.memory_space<semaphore_mem>>
      %dma_start3A_79 = arith.constant 0 : i32
      %dma_start3A_80 = tpu.memref_slice %arg2[%run_scoped3A_9, %mul3A_2, %dma_start3A_79] : memref<2x10112x16xf32, #tpu.memory_space<hbm>> -> memref<1x632x16xf32, #tpu.memory_space<hbm>>
      %dma_start3A_81 = tpu.memref_squeeze %dma_start3A_80 : memref<1x632x16xf32, #tpu.memory_space<hbm>> -> memref<632x16xf32, #tpu.memory_space<hbm>>
      %dma_start3A_82 = arith.constant 0 : i32
      %dma_start3A_83 = tpu.memref_slice %arg2[%run_scoped3A_9, %mul3A_2, %dma_start3A_82] : memref<2x10112x16xf32, #tpu.memory_space<hbm>> -> memref<1x632x16xf32, #tpu.memory_space<hbm>>
      %dma_start3A_84 = tpu.memref_squeeze %dma_start3A_83 : memref<1x632x16xf32, #tpu.memory_space<hbm>> -> memref<632x16xf32, #tpu.memory_space<hbm>>
      tpu.enqueue_dma source(%dma_start3A_84 : memref<632x16xf32, #tpu.memory_space<hbm>>) target(%arg20 : memref<632x16xf32, #tpu.memory_space<vmem>>) target_semaphore(%run_scoped3A_78 : memref<!tpu.dma_semaphore, #tpu.memory_space<semaphore_mem>>)
      %dma_wait3A_85 = arith.constant 0 : i32
      %dma_wait3A_86 = tpu.memref_slice %arg2[%run_scoped3A_9, %mul3A_2, %dma_wait3A_85] : memref<2x10112x16xf32, #tpu.memory_space<hbm>> -> memref<1x632x16xf32, #tpu.memory_space<hbm>>
      %dma_wait3A_87 = tpu.memref_squeeze %dma_wait3A_86 : memref<1x632x16xf32, #tpu.memory_space<hbm>> -> memref<632x16xf32, #tpu.memory_space<hbm>>
      %dma_wait3A_88 = arith.constant 0 : i32
      %dma_wait3A_89 = tpu.memref_slice %arg2[%run_scoped3A_9, %mul3A_2, %dma_wait3A_88] : memref<2x10112x16xf32, #tpu.memory_space<hbm>> -> memref<1x632x16xf32, #tpu.memory_space<hbm>>
      %dma_wait3A_90 = tpu.memref_squeeze %dma_wait3A_89 : memref<1x632x16xf32, #tpu.memory_space<hbm>> -> memref<632x16xf32, #tpu.memory_space<hbm>>
      tpu.wait_dma2 semaphore(%run_scoped3A_78 : memref<!tpu.dma_semaphore, #tpu.memory_space<semaphore_mem>>) src(%dma_wait3A_90 : memref<632x16xf32, #tpu.memory_space<hbm>>) dst(%arg20 : memref<632x16xf32, #tpu.memory_space<vmem>>)
      tpu.yield
    }) : () -> ()
    "tpu.region"() ({
      %run_scoped3A_78 = tpu.sem_alloc : memref<!tpu.dma_semaphore, #tpu.memory_space<semaphore_mem>>
      %dma_start3A_79 = arith.constant 0 : i32
      %dma_start3A_80 = tpu.memref_slice %arg3[%mul3A_2, %dma_start3A_79] : memref<10112x16xf32, #tpu.memory_space<hbm>> -> memref<632x16xf32, #tpu.memory_space<hbm>>
      %dma_start3A_81 = arith.constant 0 : i32
      %dma_start3A_82 = tpu.memref_slice %arg3[%mul3A_2, %dma_start3A_81] : memref<10112x16xf32, #tpu.memory_space<hbm>> -> memref<632x16xf32, #tpu.memory_space<hbm>>
      tpu.enqueue_dma source(%dma_start3A_82 : memref<632x16xf32, #tpu.memory_space<hbm>>) target(%arg21 : memref<632x16xf32, #tpu.memory_space<vmem>>) target_semaphore(%run_scoped3A_78 : memref<!tpu.dma_semaphore, #tpu.memory_space<semaphore_mem>>)
      %dma_wait3A_83 = arith.constant 0 : i32
      %dma_wait3A_84 = tpu.memref_slice %arg3[%mul3A_2, %dma_wait3A_83] : memref<10112x16xf32, #tpu.memory_space<hbm>> -> memref<632x16xf32, #tpu.memory_space<hbm>>
      %dma_wait3A_85 = arith.constant 0 : i32
      %dma_wait3A_86 = tpu.memref_slice %arg3[%mul3A_2, %dma_wait3A_85] : memref<10112x16xf32, #tpu.memory_space<hbm>> -> memref<632x16xf32, #tpu.memory_space<hbm>>
      tpu.wait_dma2 semaphore(%run_scoped3A_78 : memref<!tpu.dma_semaphore, #tpu.memory_space<semaphore_mem>>) src(%dma_wait3A_86 : memref<632x16xf32, #tpu.memory_space<hbm>>) dst(%arg21 : memref<632x16xf32, #tpu.memory_space<vmem>>)
      tpu.yield
    }) : () -> ()
    "tpu.region"() ({
      %run_scoped3A_78 = tpu.sem_alloc : memref<!tpu.dma_semaphore, #tpu.memory_space<semaphore_mem>>
      %dma_start3A_79 = arith.constant 0 : i32
      %dma_start3A_80 = tpu.memref_slice %arg4[%mul3A_2, %dma_start3A_79] : memref<10112x16xf32, #tpu.memory_space<hbm>> -> memref<632x16xf32, #tpu.memory_space<hbm>>
      %dma_start3A_81 = arith.constant 0 : i32
      %dma_start3A_82 = tpu.memref_slice %arg4[%mul3A_2, %dma_start3A_81] : memref<10112x16xf32, #tpu.memory_space<hbm>> -> memref<632x16xf32, #tpu.memory_space<hbm>>
      tpu.enqueue_dma source(%dma_start3A_82 : memref<632x16xf32, #tpu.memory_space<hbm>>) target(%arg22 : memref<632x16xf32, #tpu.memory_space<vmem>>) target_semaphore(%run_scoped3A_78 : memref<!tpu.dma_semaphore, #tpu.memory_space<semaphore_mem>>)
      %dma_wait3A_83 = arith.constant 0 : i32
      %dma_wait3A_84 = tpu.memref_slice %arg4[%mul3A_2, %dma_wait3A_83] : memref<10112x16xf32, #tpu.memory_space<hbm>> -> memref<632x16xf32, #tpu.memory_space<hbm>>
      %dma_wait3A_85 = arith.constant 0 : i32
      %dma_wait3A_86 = tpu.memref_slice %arg4[%mul3A_2, %dma_wait3A_85] : memref<10112x16xf32, #tpu.memory_space<hbm>> -> memref<632x16xf32, #tpu.memory_space<hbm>>
      tpu.wait_dma2 semaphore(%run_scoped3A_78 : memref<!tpu.dma_semaphore, #tpu.memory_space<semaphore_mem>>) src(%dma_wait3A_86 : memref<632x16xf32, #tpu.memory_space<hbm>>) dst(%arg22 : memref<632x16xf32, #tpu.memory_space<vmem>>)
      tpu.yield
    }) : () -> ()
    "tpu.region"() ({
      %run_scoped3A_78 = tpu.sem_alloc : memref<!tpu.dma_semaphore, #tpu.memory_space<semaphore_mem>>
      tpu.enqueue_dma source(%arg5 : memref<16xf32, #tpu.memory_space<hbm>>) target(%arg24 : memref<16xf32, #tpu.memory_space<vmem>>) target_semaphore(%run_scoped3A_78 : memref<!tpu.dma_semaphore, #tpu.memory_space<semaphore_mem>>)
      tpu.wait_dma2 semaphore(%run_scoped3A_78 : memref<!tpu.dma_semaphore, #tpu.memory_space<semaphore_mem>>) src(%arg5 : memref<16xf32, #tpu.memory_space<hbm>>) dst(%arg24 : memref<16xf32, #tpu.memory_space<vmem>>)
      tpu.yield
    }) : () -> ()
    %get3A = arith.constant 0 : index
    %get3A_10 = tpu.vector_load %arg24[%get3A] {strides = array<i32>} : memref<16xf32, #tpu.memory_space<vmem>>, vector<16xf32>,
    %get3A_11 = vector.shape_cast %get3A_10 : vector<16xf32> to vector<16xf32>
    %scan3A = arith.constant 0 : i32
    %scan3A_12 = arith.constant 0 : i32
    %scan3A_13 = arith.constant 632 : i32
    %scan3A_14 = arith.addi %scan3A_12, %scan3A_13 : i32
    %scan3A_15 = arith.constant 1 : i32
    scf.for %scan3A_78 = %scan3A_12 to %scan3A_14 step %scan3A_15  : i32 {
      %get3A_79 = arith.index_cast %scan3A_78 : i32 to index
      %get3A_80 = arith.constant 0 : index
      %get3A_81 = tpu.vector_load %arg22[%get3A_79, %get3A_80] {strides = array<i32>} : memref<632x16xf32, #tpu.memory_space<vmem>>, vector<1x16xf32>,
      %get3A_82 = vector.shape_cast %get3A_81 : vector<1x16xf32> to vector<16xf32>
      %get3A_83 = arith.index_cast %scan3A_78 : i32 to index
      %get3A_84 = arith.constant 0 : index
      %get3A_85 = tpu.vector_load %arg19[%get3A_83, %get3A_84] {strides = array<i32>} : memref<632x16xf32, #tpu.memory_space<vmem>>, vector<1x16xf32>,
      %get3A_86 = vector.shape_cast %get3A_85 : vector<1x16xf32> to vector<16xf32>
      %get3A_87 = arith.index_cast %scan3A_78 : i32 to index
      %get3A_88 = arith.constant 0 : index
      %get3A_89 = tpu.vector_load %arg20[%get3A_87, %get3A_88] {strides = array<i32>} : memref<632x16xf32, #tpu.memory_space<vmem>>, vector<1x16xf32>,
      %get3A_90 = vector.shape_cast %get3A_89 : vector<1x16xf32> to vector<16xf32>
      %add3A_91 = arith.addf %get3A_86, %get3A_90 : vector<16xf32>
      %get3A_92 = arith.index_cast %scan3A_78 : i32 to index
      %get3A_93 = arith.constant 0 : index
      %get3A_94 = tpu.vector_load %arg21[%get3A_92, %get3A_93] {strides = array<i32>} : memref<632x16xf32, #tpu.memory_space<vmem>>, vector<1x16xf32>,
      %get3A_95 = vector.shape_cast %get3A_94 : vector<1x16xf32> to vector<16xf32>
      %sub3A = arith.subf %add3A_91, %get3A_95 : vector<16xf32>
      %mul3A_96 = arith.mulf %sub3A, %get3A_82 : vector<16xf32>
      %add3A_97 = arith.addf %mul3A_96, %get3A_11 : vector<16xf32>
      %gt3A = arith.constant 0.000000e+00 : f32
      %gt3A_98 = vector.broadcast %gt3A : f32 to vector<16xf32>
      %gt3A_99 = arith.cmpf ogt, %add3A_97, %gt3A_98 : vector<16xf32>
      %min3A = arith.constant 0.000000e+00 : f32
      %min3A_100 = vector.broadcast %min3A : f32 to vector<16xf32>
      %min3A_101 = arith.minimumf %add3A_97, %min3A_100 : vector<16xf32>
      %exp3A = math.exp %min3A_101 : vector<16xf32>
      %sub3A_102 = arith.constant 1.000000e+00 : f32
      %sub3A_103 = vector.broadcast %sub3A_102 : f32 to vector<16xf32>
      %sub3A_104 = arith.subf %exp3A, %sub3A_103 : vector<16xf32>
      %select_n3A = arith.select %gt3A_99, %add3A_97, %sub3A_104 : vector<16xi1>, vector<16xf32>
      %mul3A_105 = arith.mulf %select_n3A, %get3A_82 : vector<16xf32>
      %swap3A = arith.index_cast %scan3A_78 : i32 to index
      %swap3A_106 = arith.constant 0 : index
      %swap3A_107 = tpu.vector_load %arg23[%swap3A, %swap3A_106] {strides = array<i32>} : memref<632x16xf32, #tpu.memory_space<vmem>>, vector<1x16xf32>,
      %swap3A_108 = vector.shape_cast %swap3A_107 : vector<1x16xf32> to vector<16xf32>
      %swap3A_109 = vector.shape_cast %mul3A_105 : vector<16xf32> to vector<1x16xf32>
      tpu.vector_store %arg23[%swap3A, %swap3A_106], %swap3A_109 {strides = array<i32>} : memref<632x16xf32, #tpu.memory_space<vmem>>, vector<1x16xf32>,
    }
    %scan3A_16 = arith.constant 632 : i32
    "tpu.region"() ({
      %run_scoped3A_78 = tpu.sem_alloc : memref<!tpu.dma_semaphore, #tpu.memory_space<semaphore_mem>>
      %dma_start3A_79 = arith.constant 0 : i32
      %dma_start3A_80 = tpu.memref_slice %arg25[%mul3A_2, %dma_start3A_79] : memref<10112x16xf32, #tpu.memory_space<vmem_shared>> -> memref<632x16xf32, #tpu.memory_space<vmem_shared>>
      %dma_start3A_81 = arith.constant 0 : i32
      %dma_start3A_82 = tpu.memref_slice %arg25[%mul3A_2, %dma_start3A_81] : memref<10112x16xf32, #tpu.memory_space<vmem_shared>> -> memref<632x16xf32, #tpu.memory_space<vmem_shared>>
      tpu.enqueue_dma source(%arg23 : memref<632x16xf32, #tpu.memory_space<vmem>>) target(%dma_start3A_82 : memref<632x16xf32, #tpu.memory_space<vmem_shared>>) target_semaphore(%run_scoped3A_78 : memref<!tpu.dma_semaphore, #tpu.memory_space<semaphore_mem>>)
      %dma_wait3A_83 = arith.constant 0 : i32
      %dma_wait3A_84 = tpu.memref_slice %arg25[%mul3A_2, %dma_wait3A_83] : memref<10112x16xf32, #tpu.memory_space<vmem_shared>> -> memref<632x16xf32, #tpu.memory_space<vmem_shared>>
      %dma_wait3A_85 = arith.constant 0 : i32
      %dma_wait3A_86 = tpu.memref_slice %arg25[%mul3A_2, %dma_wait3A_85] : memref<10112x16xf32, #tpu.memory_space<vmem_shared>> -> memref<632x16xf32, #tpu.memory_space<vmem_shared>>
      tpu.wait_dma2 semaphore(%run_scoped3A_78 : memref<!tpu.dma_semaphore, #tpu.memory_space<semaphore_mem>>) src(%arg23 : memref<632x16xf32, #tpu.memory_space<vmem>>) dst(%dma_wait3A_86 : memref<632x16xf32, #tpu.memory_space<vmem_shared>>)
      tpu.yield
    }) : () -> ()
    "tpu.region"() ({
      %run_scoped3A_78 = tpu.sem_alloc : memref<!tpu.dma_semaphore, #tpu.memory_space<semaphore_mem>>
      %dma_start3A_79 = arith.constant 0 : i32
      %dma_start3A_80 = tpu.memref_slice %arg26[%mul3A_2, %dma_start3A_79] : memref<10112x16xf32, #tpu.memory_space<vmem_shared>> -> memref<632x16xf32, #tpu.memory_space<vmem_shared>>
      %dma_start3A_81 = arith.constant 0 : i32
      %dma_start3A_82 = tpu.memref_slice %arg26[%mul3A_2, %dma_start3A_81] : memref<10112x16xf32, #tpu.memory_space<vmem_shared>> -> memref<632x16xf32, #tpu.memory_space<vmem_shared>>
      tpu.enqueue_dma source(%arg23 : memref<632x16xf32, #tpu.memory_space<vmem>>) target(%dma_start3A_82 : memref<632x16xf32, #tpu.memory_space<vmem_shared>>) target_semaphore(%run_scoped3A_78 : memref<!tpu.dma_semaphore, #tpu.memory_space<semaphore_mem>>)
      %dma_wait3A_83 = arith.constant 0 : i32
      %dma_wait3A_84 = tpu.memref_slice %arg26[%mul3A_2, %dma_wait3A_83] : memref<10112x16xf32, #tpu.memory_space<vmem_shared>> -> memref<632x16xf32, #tpu.memory_space<vmem_shared>>
      %dma_wait3A_85 = arith.constant 0 : i32
      %dma_wait3A_86 = tpu.memref_slice %arg26[%mul3A_2, %dma_wait3A_85] : memref<10112x16xf32, #tpu.memory_space<vmem_shared>> -> memref<632x16xf32, #tpu.memory_space<vmem_shared>>
      tpu.wait_dma2 semaphore(%run_scoped3A_78 : memref<!tpu.dma_semaphore, #tpu.memory_space<semaphore_mem>>) src(%arg23 : memref<632x16xf32, #tpu.memory_space<vmem>>) dst(%dma_wait3A_86 : memref<632x16xf32, #tpu.memory_space<vmem_shared>>)
      tpu.yield
    }) : () -> ()
    "tpu.region"() ({
      %run_scoped3A_78 = tpu.sem_alloc : memref<!tpu.dma_semaphore, #tpu.memory_space<semaphore_mem>>
      %dma_start3A_79 = arith.constant 0 : i32
      %dma_start3A_80 = tpu.memref_slice %arg8[%mul3A_2, %dma_start3A_79] : memref<10112x16xf32, #tpu.memory_space<hbm>> -> memref<632x16xf32, #tpu.memory_space<hbm>>
      %dma_start3A_81 = arith.constant 0 : i32
      %dma_start3A_82 = tpu.memref_slice %arg8[%mul3A_2, %dma_start3A_81] : memref<10112x16xf32, #tpu.memory_space<hbm>> -> memref<632x16xf32, #tpu.memory_space<hbm>>
      tpu.enqueue_dma source(%arg23 : memref<632x16xf32, #tpu.memory_space<vmem>>) target(%dma_start3A_82 : memref<632x16xf32, #tpu.memory_space<hbm>>) target_semaphore(%run_scoped3A_78 : memref<!tpu.dma_semaphore, #tpu.memory_space<semaphore_mem>>)
      %dma_wait3A_83 = arith.constant 0 : i32
      %dma_wait3A_84 = tpu.memref_slice %arg8[%mul3A_2, %dma_wait3A_83] : memref<10112x16xf32, #tpu.memory_space<hbm>> -> memref<632x16xf32, #tpu.memory_space<hbm>>
      %dma_wait3A_85 = arith.constant 0 : i32
      %dma_wait3A_86 = tpu.memref_slice %arg8[%mul3A_2, %dma_wait3A_85] : memref<10112x16xf32, #tpu.memory_space<hbm>> -> memref<632x16xf32, #tpu.memory_space<hbm>>
      tpu.wait_dma2 semaphore(%run_scoped3A_78 : memref<!tpu.dma_semaphore, #tpu.memory_space<semaphore_mem>>) src(%arg23 : memref<632x16xf32, #tpu.memory_space<vmem>>) dst(%dma_wait3A_86 : memref<632x16xf32, #tpu.memory_space<hbm>>)
      tpu.yield
    }) : () -> ()
    %barrier3A = arith.constant 0 : index
    tpu.barrier barrier_id(%barrier3A)
    %dma_start3A = arith.constant 0 : i32
    %dma_start3A_17 = arith.constant 0 : i32
    %dma_start3A_18 = tpu.memref_slice %arg9[%dma_start3A, %dma_start3A_17] : memref<80x125xi32, #tpu.memory_space<vmem>> -> memref<1x125xi32, #tpu.memory_space<vmem>>
    %dma_start3A_19 = tpu.memref_squeeze %dma_start3A_18 : memref<1x125xi32, #tpu.memory_space<vmem>> -> memref<125xi32, #tpu.memory_space<vmem>>
    %dma_start3A_20 = arith.constant 0 : i32
    %dma_start3A_21 = arith.constant 0 : i32
    %dma_start3A_22 = tpu.memref_slice %arg25[%dma_start3A_20, %dma_start3A_21] : memref<10112x16xf32, #tpu.memory_space<vmem_shared>> -> memref<10112x16xf32, #tpu.memory_space<vmem_shared>>
    tpu.enqueue_indirect_dma source(%dma_start3A_22 : memref<10112x16xf32, #tpu.memory_space<vmem_shared>>) target(%arg11 : memref<125x16xf32, #tpu.memory_space<vmem>>) offsets(%dma_start3A_19 : memref<125xi32, #tpu.memory_space<vmem>>) semaphore(%arg27 : memref<!tpu.dma_semaphore, #tpu.memory_space<semaphore_mem>>)
    %dma_start3A_23 = arith.constant 1 : i32
    %dma_start3A_24 = arith.constant 0 : i32
    %dma_start3A_25 = tpu.memref_slice %arg9[%dma_start3A_23, %dma_start3A_24] : memref<80x125xi32, #tpu.memory_space<vmem>> -> memref<1x125xi32, #tpu.memory_space<vmem>>
    %dma_start3A_26 = tpu.memref_squeeze %dma_start3A_25 : memref<1x125xi32, #tpu.memory_space<vmem>> -> memref<125xi32, #tpu.memory_space<vmem>>
    %dma_start3A_27 = arith.constant 0 : i32
    %dma_start3A_28 = arith.constant 0 : i32
    %dma_start3A_29 = tpu.memref_slice %arg25[%dma_start3A_27, %dma_start3A_28] : memref<10112x16xf32, #tpu.memory_space<vmem_shared>> -> memref<10112x16xf32, #tpu.memory_space<vmem_shared>>
    tpu.enqueue_indirect_dma source(%dma_start3A_29 : memref<10112x16xf32, #tpu.memory_space<vmem_shared>>) target(%arg12 : memref<125x16xf32, #tpu.memory_space<vmem>>) offsets(%dma_start3A_26 : memref<125xi32, #tpu.memory_space<vmem>>) semaphore(%arg28 : memref<!tpu.dma_semaphore, #tpu.memory_space<semaphore_mem>>)
    %dma_start3A_30 = arith.constant 2 : i32
    %dma_start3A_31 = arith.constant 0 : i32
    %dma_start3A_32 = tpu.memref_slice %arg9[%dma_start3A_30, %dma_start3A_31] : memref<80x125xi32, #tpu.memory_space<vmem>> -> memref<1x125xi32, #tpu.memory_space<vmem>>
    %dma_start3A_33 = tpu.memref_squeeze %dma_start3A_32 : memref<1x125xi32, #tpu.memory_space<vmem>> -> memref<125xi32, #tpu.memory_space<vmem>>
    %dma_start3A_34 = arith.constant 0 : i32
    %dma_start3A_35 = arith.constant 0 : i32
    %dma_start3A_36 = tpu.memref_slice %arg25[%dma_start3A_34, %dma_start3A_35] : memref<10112x16xf32, #tpu.memory_space<vmem_shared>> -> memref<10112x16xf32, #tpu.memory_space<vmem_shared>>
    tpu.enqueue_indirect_dma source(%dma_start3A_36 : memref<10112x16xf32, #tpu.memory_space<vmem_shared>>) target(%arg13 : memref<125x16xf32, #tpu.memory_space<vmem>>) offsets(%dma_start3A_33 : memref<125xi32, #tpu.memory_space<vmem>>) semaphore(%arg29 : memref<!tpu.dma_semaphore, #tpu.memory_space<semaphore_mem>>)
    %dma_start3A_37 = arith.constant 3 : i32
    %dma_start3A_38 = arith.constant 0 : i32
    %dma_start3A_39 = tpu.memref_slice %arg9[%dma_start3A_37, %dma_start3A_38] : memref<80x125xi32, #tpu.memory_space<vmem>> -> memref<1x125xi32, #tpu.memory_space<vmem>>
    %dma_start3A_40 = tpu.memref_squeeze %dma_start3A_39 : memref<1x125xi32, #tpu.memory_space<vmem>> -> memref<125xi32, #tpu.memory_space<vmem>>
    %dma_start3A_41 = arith.constant 0 : i32
    %dma_start3A_42 = arith.constant 0 : i32
    %dma_start3A_43 = tpu.memref_slice %arg25[%dma_start3A_41, %dma_start3A_42] : memref<10112x16xf32, #tpu.memory_space<vmem_shared>> -> memref<10112x16xf32, #tpu.memory_space<vmem_shared>>
    tpu.enqueue_indirect_dma source(%dma_start3A_43 : memref<10112x16xf32, #tpu.memory_space<vmem_shared>>) target(%arg14 : memref<125x16xf32, #tpu.memory_space<vmem>>) offsets(%dma_start3A_40 : memref<125xi32, #tpu.memory_space<vmem>>) semaphore(%arg30 : memref<!tpu.dma_semaphore, #tpu.memory_space<semaphore_mem>>)
    %scan3A_44 = arith.constant 0 : i32
    %scan3A_45 = arith.constant 0 : i32
    %scan3A_46 = arith.constant 10 : i32
    %scan3A_47 = arith.addi %scan3A_45, %scan3A_46 : i32
    %scan3A_48 = arith.constant 1 : i32
    scf.for %scan3A_78 = %scan3A_45 to %scan3A_47 step %scan3A_48  : i32 {
      %mul3A_79 = arith.constant 8 : i32
      %mul3A_80 = arith.muli %scan3A_78, %mul3A_79 : i32
      %add3A_81 = arith.constant 0 : i32
      %add3A_82 = arith.addi %mul3A_80, %add3A_81 : i32
      %dma_wait3A_83 = arith.constant 0 : i32
      %dma_wait3A_84 = tpu.memref_slice %arg9[%add3A_82, %dma_wait3A_83] : memref<80x125xi32, #tpu.memory_space<vmem>> -> memref<1x125xi32, #tpu.memory_space<vmem>>
      %dma_wait3A_85 = tpu.memref_squeeze %dma_wait3A_84 : memref<1x125xi32, #tpu.memory_space<vmem>> -> memref<125xi32, #tpu.memory_space<vmem>>
      %dma_wait3A_86 = arith.constant 0 : i32
      %dma_wait3A_87 = arith.constant 0 : i32
      %dma_wait3A_88 = tpu.memref_slice %arg25[%dma_wait3A_86, %dma_wait3A_87] : memref<10112x16xf32, #tpu.memory_space<vmem_shared>> -> memref<10112x16xf32, #tpu.memory_space<vmem_shared>>
      tpu.wait_indirect_dma semaphore(%arg27 : memref<!tpu.dma_semaphore, #tpu.memory_space<semaphore_mem>>) src(%dma_wait3A_88 : memref<10112x16xf32, #tpu.memory_space<vmem_shared>>) dst(%arg11 : memref<125x16xf32, #tpu.memory_space<vmem>>)
      %dma_start3A_89 = arith.constant 0 : i32
      %dma_start3A_90 = tpu.memref_slice %arg10[%add3A_82, %dma_start3A_89] : memref<80x125xi32, #tpu.memory_space<vmem>> -> memref<1x125xi32, #tpu.memory_space<vmem>>
      %dma_start3A_91 = tpu.memref_squeeze %dma_start3A_90 : memref<1x125xi32, #tpu.memory_space<vmem>> -> memref<125xi32, #tpu.memory_space<vmem>>
      %dma_start3A_92 = arith.constant 0 : i32
      %dma_start3A_93 = arith.constant 0 : i32
      %dma_start3A_94 = tpu.memref_slice %arg26[%dma_start3A_92, %dma_start3A_93] : memref<10112x16xf32, #tpu.memory_space<vmem_shared>> -> memref<10112x16xf32, #tpu.memory_space<vmem_shared>>
      tpu.enqueue_indirect_dma source(%arg11 : memref<125x16xf32, #tpu.memory_space<vmem>>) target(%dma_start3A_94 : memref<10112x16xf32, #tpu.memory_space<vmem_shared>>) offsets(%dma_start3A_91 : memref<125xi32, #tpu.memory_space<vmem>>) semaphore(%arg35 : memref<!tpu.dma_semaphore, #tpu.memory_space<semaphore_mem>>) {add = true}
      %ge3A = arith.constant 4 : i32
      %ge3A_95 = arith.cmpi sge, %add3A_82, %ge3A : i32
      %convert_element_type3A = arith.extui %ge3A_95 : i1 to i32
      %cond3A = arith.constant 0 : i32
      %cond3A_96 = arith.cmpi ne, %convert_element_type3A, %cond3A : i32
      scf.if %cond3A_96 {
        %sub3A = arith.constant 4 : i32
        %sub3A_299 = arith.subi %add3A_82, %sub3A : i32
        %dma_wait3A_300 = arith.constant 0 : i32
        %dma_wait3A_301 = tpu.memref_slice %arg10[%sub3A_299, %dma_wait3A_300] : memref<80x125xi32, #tpu.memory_space<vmem>> -> memref<1x125xi32, #tpu.memory_space<vmem>>
        %dma_wait3A_302 = tpu.memref_squeeze %dma_wait3A_301 : memref<1x125xi32, #tpu.memory_space<vmem>> -> memref<125xi32, #tpu.memory_space<vmem>>
        %dma_wait3A_303 = arith.constant 0 : i32
        %dma_wait3A_304 = arith.constant 0 : i32
        %dma_wait3A_305 = tpu.memref_slice %arg26[%dma_wait3A_303, %dma_wait3A_304] : memref<10112x16xf32, #tpu.memory_space<vmem_shared>> -> memref<10112x16xf32, #tpu.memory_space<vmem_shared>>
        tpu.wait_indirect_dma semaphore(%arg39 : memref<!tpu.dma_semaphore, #tpu.memory_space<semaphore_mem>>) src(%arg15 : memref<125x16xf32, #tpu.memory_space<vmem>>) dst(%dma_wait3A_305 : memref<10112x16xf32, #tpu.memory_space<vmem_shared>>)
      } else {
      }
      %add3A_97 = arith.constant 4 : i32
      %add3A_98 = arith.addi %add3A_82, %add3A_97 : i32
      %lt3A = arith.constant 80 : i32
      %lt3A_99 = arith.cmpi slt, %add3A_98, %lt3A : i32
      %convert_element_type3A_100 = arith.extui %lt3A_99 : i1 to i32
      %cond3A_101 = arith.constant 0 : i32
      %cond3A_102 = arith.cmpi ne, %convert_element_type3A_100, %cond3A_101 : i32
      scf.if %cond3A_102 {
        %add3A_299 = arith.constant 4 : i32
        %add3A_300 = arith.addi %add3A_82, %add3A_299 : i32
        %dma_start3A_301 = arith.constant 0 : i32
        %dma_start3A_302 = tpu.memref_slice %arg9[%add3A_300, %dma_start3A_301] : memref<80x125xi32, #tpu.memory_space<vmem>> -> memref<1x125xi32, #tpu.memory_space<vmem>>
        %dma_start3A_303 = tpu.memref_squeeze %dma_start3A_302 : memref<1x125xi32, #tpu.memory_space<vmem>> -> memref<125xi32, #tpu.memory_space<vmem>>
        %dma_start3A_304 = arith.constant 0 : i32
        %dma_start3A_305 = arith.constant 0 : i32
        %dma_start3A_306 = tpu.memref_slice %arg25[%dma_start3A_304, %dma_start3A_305] : memref<10112x16xf32, #tpu.memory_space<vmem_shared>> -> memref<10112x16xf32, #tpu.memory_space<vmem_shared>>
        tpu.enqueue_indirect_dma source(%dma_start3A_306 : memref<10112x16xf32, #tpu.memory_space<vmem_shared>>) target(%arg15 : memref<125x16xf32, #tpu.memory_space<vmem>>) offsets(%dma_start3A_303 : memref<125xi32, #tpu.memory_space<vmem>>) semaphore(%arg31 : memref<!tpu.dma_semaphore, #tpu.memory_space<semaphore_mem>>)
      } else {
      }
      %mul3A_103 = arith.constant 8 : i32
      %mul3A_104 = arith.muli %scan3A_78, %mul3A_103 : i32
      %add3A_105 = arith.constant 1 : i32
      %add3A_106 = arith.addi %mul3A_104, %add3A_105 : i32
      %dma_wait3A_107 = arith.constant 0 : i32
      %dma_wait3A_108 = tpu.memref_slice %arg9[%add3A_106, %dma_wait3A_107] : memref<80x125xi32, #tpu.memory_space<vmem>> -> memref<1x125xi32, #tpu.memory_space<vmem>>
      %dma_wait3A_109 = tpu.memref_squeeze %dma_wait3A_108 : memref<1x125xi32, #tpu.memory_space<vmem>> -> memref<125xi32, #tpu.memory_space<vmem>>
      %dma_wait3A_110 = arith.constant 0 : i32
      %dma_wait3A_111 = arith.constant 0 : i32
      %dma_wait3A_112 = tpu.memref_slice %arg25[%dma_wait3A_110, %dma_wait3A_111] : memref<10112x16xf32, #tpu.memory_space<vmem_shared>> -> memref<10112x16xf32, #tpu.memory_space<vmem_shared>>
      tpu.wait_indirect_dma semaphore(%arg28 : memref<!tpu.dma_semaphore, #tpu.memory_space<semaphore_mem>>) src(%dma_wait3A_112 : memref<10112x16xf32, #tpu.memory_space<vmem_shared>>) dst(%arg12 : memref<125x16xf32, #tpu.memory_space<vmem>>)
      %dma_start3A_113 = arith.constant 0 : i32
      %dma_start3A_114 = tpu.memref_slice %arg10[%add3A_106, %dma_start3A_113] : memref<80x125xi32, #tpu.memory_space<vmem>> -> memref<1x125xi32, #tpu.memory_space<vmem>>
      %dma_start3A_115 = tpu.memref_squeeze %dma_start3A_114 : memref<1x125xi32, #tpu.memory_space<vmem>> -> memref<125xi32, #tpu.memory_space<vmem>>
      %dma_start3A_116 = arith.constant 0 : i32
      %dma_start3A_117 = arith.constant 0 : i32
      %dma_start3A_118 = tpu.memref_slice %arg26[%dma_start3A_116, %dma_start3A_117] : memref<10112x16xf32, #tpu.memory_space<vmem_shared>> -> memref<10112x16xf32, #tpu.memory_space<vmem_shared>>
      tpu.enqueue_indirect_dma source(%arg12 : memref<125x16xf32, #tpu.memory_space<vmem>>) target(%dma_start3A_118 : memref<10112x16xf32, #tpu.memory_space<vmem_shared>>) offsets(%dma_start3A_115 : memref<125xi32, #tpu.memory_space<vmem>>) semaphore(%arg36 : memref<!tpu.dma_semaphore, #tpu.memory_space<semaphore_mem>>) {add = true}
      %ge3A_119 = arith.constant 4 : i32
      %ge3A_120 = arith.cmpi sge, %add3A_106, %ge3A_119 : i32
      %convert_element_type3A_121 = arith.extui %ge3A_120 : i1 to i32
      %cond3A_122 = arith.constant 0 : i32
      %cond3A_123 = arith.cmpi ne, %convert_element_type3A_121, %cond3A_122 : i32
      scf.if %cond3A_123 {
        %sub3A = arith.constant 4 : i32
        %sub3A_299 = arith.subi %add3A_106, %sub3A : i32
        %dma_wait3A_300 = arith.constant 0 : i32
        %dma_wait3A_301 = tpu.memref_slice %arg10[%sub3A_299, %dma_wait3A_300] : memref<80x125xi32, #tpu.memory_space<vmem>> -> memref<1x125xi32, #tpu.memory_space<vmem>>
        %dma_wait3A_302 = tpu.memref_squeeze %dma_wait3A_301 : memref<1x125xi32, #tpu.memory_space<vmem>> -> memref<125xi32, #tpu.memory_space<vmem>>
        %dma_wait3A_303 = arith.constant 0 : i32
        %dma_wait3A_304 = arith.constant 0 : i32
        %dma_wait3A_305 = tpu.memref_slice %arg26[%dma_wait3A_303, %dma_wait3A_304] : memref<10112x16xf32, #tpu.memory_space<vmem_shared>> -> memref<10112x16xf32, #tpu.memory_space<vmem_shared>>
        tpu.wait_indirect_dma semaphore(%arg40 : memref<!tpu.dma_semaphore, #tpu.memory_space<semaphore_mem>>) src(%arg16 : memref<125x16xf32, #tpu.memory_space<vmem>>) dst(%dma_wait3A_305 : memref<10112x16xf32, #tpu.memory_space<vmem_shared>>)
      } else {
      }
      %add3A_124 = arith.constant 4 : i32
      %add3A_125 = arith.addi %add3A_106, %add3A_124 : i32
      %lt3A_126 = arith.constant 80 : i32
      %lt3A_127 = arith.cmpi slt, %add3A_125, %lt3A_126 : i32
      %convert_element_type3A_128 = arith.extui %lt3A_127 : i1 to i32
      %cond3A_129 = arith.constant 0 : i32
      %cond3A_130 = arith.cmpi ne, %convert_element_type3A_128, %cond3A_129 : i32
      scf.if %cond3A_130 {
        %add3A_299 = arith.constant 4 : i32
        %add3A_300 = arith.addi %add3A_106, %add3A_299 : i32
        %dma_start3A_301 = arith.constant 0 : i32
        %dma_start3A_302 = tpu.memref_slice %arg9[%add3A_300, %dma_start3A_301] : memref<80x125xi32, #tpu.memory_space<vmem>> -> memref<1x125xi32, #tpu.memory_space<vmem>>
        %dma_start3A_303 = tpu.memref_squeeze %dma_start3A_302 : memref<1x125xi32, #tpu.memory_space<vmem>> -> memref<125xi32, #tpu.memory_space<vmem>>
        %dma_start3A_304 = arith.constant 0 : i32
        %dma_start3A_305 = arith.constant 0 : i32
        %dma_start3A_306 = tpu.memref_slice %arg25[%dma_start3A_304, %dma_start3A_305] : memref<10112x16xf32, #tpu.memory_space<vmem_shared>> -> memref<10112x16xf32, #tpu.memory_space<vmem_shared>>
        tpu.enqueue_indirect_dma source(%dma_start3A_306 : memref<10112x16xf32, #tpu.memory_space<vmem_shared>>) target(%arg16 : memref<125x16xf32, #tpu.memory_space<vmem>>) offsets(%dma_start3A_303 : memref<125xi32, #tpu.memory_space<vmem>>) semaphore(%arg32 : memref<!tpu.dma_semaphore, #tpu.memory_space<semaphore_mem>>)
      } else {
      }
      %mul3A_131 = arith.constant 8 : i32
      %mul3A_132 = arith.muli %scan3A_78, %mul3A_131 : i32
      %add3A_133 = arith.constant 2 : i32
      %add3A_134 = arith.addi %mul3A_132, %add3A_133 : i32
      %dma_wait3A_135 = arith.constant 0 : i32
      %dma_wait3A_136 = tpu.memref_slice %arg9[%add3A_134, %dma_wait3A_135] : memref<80x125xi32, #tpu.memory_space<vmem>> -> memref<1x125xi32, #tpu.memory_space<vmem>>
      %dma_wait3A_137 = tpu.memref_squeeze %dma_wait3A_136 : memref<1x125xi32, #tpu.memory_space<vmem>> -> memref<125xi32, #tpu.memory_space<vmem>>
      %dma_wait3A_138 = arith.constant 0 : i32
      %dma_wait3A_139 = arith.constant 0 : i32
      %dma_wait3A_140 = tpu.memref_slice %arg25[%dma_wait3A_138, %dma_wait3A_139] : memref<10112x16xf32, #tpu.memory_space<vmem_shared>> -> memref<10112x16xf32, #tpu.memory_space<vmem_shared>>
      tpu.wait_indirect_dma semaphore(%arg29 : memref<!tpu.dma_semaphore, #tpu.memory_space<semaphore_mem>>) src(%dma_wait3A_140 : memref<10112x16xf32, #tpu.memory_space<vmem_shared>>) dst(%arg13 : memref<125x16xf32, #tpu.memory_space<vmem>>)
      %dma_start3A_141 = arith.constant 0 : i32
      %dma_start3A_142 = tpu.memref_slice %arg10[%add3A_134, %dma_start3A_141] : memref<80x125xi32, #tpu.memory_space<vmem>> -> memref<1x125xi32, #tpu.memory_space<vmem>>
      %dma_start3A_143 = tpu.memref_squeeze %dma_start3A_142 : memref<1x125xi32, #tpu.memory_space<vmem>> -> memref<125xi32, #tpu.memory_space<vmem>>
      %dma_start3A_144 = arith.constant 0 : i32
      %dma_start3A_145 = arith.constant 0 : i32
      %dma_start3A_146 = tpu.memref_slice %arg26[%dma_start3A_144, %dma_start3A_145] : memref<10112x16xf32, #tpu.memory_space<vmem_shared>> -> memref<10112x16xf32, #tpu.memory_space<vmem_shared>>
      tpu.enqueue_indirect_dma source(%arg13 : memref<125x16xf32, #tpu.memory_space<vmem>>) target(%dma_start3A_146 : memref<10112x16xf32, #tpu.memory_space<vmem_shared>>) offsets(%dma_start3A_143 : memref<125xi32, #tpu.memory_space<vmem>>) semaphore(%arg37 : memref<!tpu.dma_semaphore, #tpu.memory_space<semaphore_mem>>) {add = true}
      %ge3A_147 = arith.constant 4 : i32
      %ge3A_148 = arith.cmpi sge, %add3A_134, %ge3A_147 : i32
      %convert_element_type3A_149 = arith.extui %ge3A_148 : i1 to i32
      %cond3A_150 = arith.constant 0 : i32
      %cond3A_151 = arith.cmpi ne, %convert_element_type3A_149, %cond3A_150 : i32
      scf.if %cond3A_151 {
        %sub3A = arith.constant 4 : i32
        %sub3A_299 = arith.subi %add3A_134, %sub3A : i32
        %dma_wait3A_300 = arith.constant 0 : i32
        %dma_wait3A_301 = tpu.memref_slice %arg10[%sub3A_299, %dma_wait3A_300] : memref<80x125xi32, #tpu.memory_space<vmem>> -> memref<1x125xi32, #tpu.memory_space<vmem>>
        %dma_wait3A_302 = tpu.memref_squeeze %dma_wait3A_301 : memref<1x125xi32, #tpu.memory_space<vmem>> -> memref<125xi32, #tpu.memory_space<vmem>>
        %dma_wait3A_303 = arith.constant 0 : i32
        %dma_wait3A_304 = arith.constant 0 : i32
        %dma_wait3A_305 = tpu.memref_slice %arg26[%dma_wait3A_303, %dma_wait3A_304] : memref<10112x16xf32, #tpu.memory_space<vmem_shared>> -> memref<10112x16xf32, #tpu.memory_space<vmem_shared>>
        tpu.wait_indirect_dma semaphore(%arg41 : memref<!tpu.dma_semaphore, #tpu.memory_space<semaphore_mem>>) src(%arg17 : memref<125x16xf32, #tpu.memory_space<vmem>>) dst(%dma_wait3A_305 : memref<10112x16xf32, #tpu.memory_space<vmem_shared>>)
      } else {
      }
      %add3A_152 = arith.constant 4 : i32
      %add3A_153 = arith.addi %add3A_134, %add3A_152 : i32
      %lt3A_154 = arith.constant 80 : i32
      %lt3A_155 = arith.cmpi slt, %add3A_153, %lt3A_154 : i32
      %convert_element_type3A_156 = arith.extui %lt3A_155 : i1 to i32
      %cond3A_157 = arith.constant 0 : i32
      %cond3A_158 = arith.cmpi ne, %convert_element_type3A_156, %cond3A_157 : i32
      scf.if %cond3A_158 {
        %add3A_299 = arith.constant 4 : i32
        %add3A_300 = arith.addi %add3A_134, %add3A_299 : i32
        %dma_start3A_301 = arith.constant 0 : i32
        %dma_start3A_302 = tpu.memref_slice %arg9[%add3A_300, %dma_start3A_301] : memref<80x125xi32, #tpu.memory_space<vmem>> -> memref<1x125xi32, #tpu.memory_space<vmem>>
        %dma_start3A_303 = tpu.memref_squeeze %dma_start3A_302 : memref<1x125xi32, #tpu.memory_space<vmem>> -> memref<125xi32, #tpu.memory_space<vmem>>
        %dma_start3A_304 = arith.constant 0 : i32
        %dma_start3A_305 = arith.constant 0 : i32
        %dma_start3A_306 = tpu.memref_slice %arg25[%dma_start3A_304, %dma_start3A_305] : memref<10112x16xf32, #tpu.memory_space<vmem_shared>> -> memref<10112x16xf32, #tpu.memory_space<vmem_shared>>
        tpu.enqueue_indirect_dma source(%dma_start3A_306 : memref<10112x16xf32, #tpu.memory_space<vmem_shared>>) target(%arg17 : memref<125x16xf32, #tpu.memory_space<vmem>>) offsets(%dma_start3A_303 : memref<125xi32, #tpu.memory_space<vmem>>) semaphore(%arg33 : memref<!tpu.dma_semaphore, #tpu.memory_space<semaphore_mem>>)
      } else {
      }
      %mul3A_159 = arith.constant 8 : i32
      %mul3A_160 = arith.muli %scan3A_78, %mul3A_159 : i32
      %add3A_161 = arith.constant 3 : i32
      %add3A_162 = arith.addi %mul3A_160, %add3A_161 : i32
      %dma_wait3A_163 = arith.constant 0 : i32
      %dma_wait3A_164 = tpu.memref_slice %arg9[%add3A_162, %dma_wait3A_163] : memref<80x125xi32, #tpu.memory_space<vmem>> -> memref<1x125xi32, #tpu.memory_space<vmem>>
      %dma_wait3A_165 = tpu.memref_squeeze %dma_wait3A_164 : memref<1x125xi32, #tpu.memory_space<vmem>> -> memref<125xi32, #tpu.memory_space<vmem>>
      %dma_wait3A_166 = arith.constant 0 : i32
      %dma_wait3A_167 = arith.constant 0 : i32
      %dma_wait3A_168 = tpu.memref_slice %arg25[%dma_wait3A_166, %dma_wait3A_167] : memref<10112x16xf32, #tpu.memory_space<vmem_shared>> -> memref<10112x16xf32, #tpu.memory_space<vmem_shared>>
      tpu.wait_indirect_dma semaphore(%arg30 : memref<!tpu.dma_semaphore, #tpu.memory_space<semaphore_mem>>) src(%dma_wait3A_168 : memref<10112x16xf32, #tpu.memory_space<vmem_shared>>) dst(%arg14 : memref<125x16xf32, #tpu.memory_space<vmem>>)
      %dma_start3A_169 = arith.constant 0 : i32
      %dma_start3A_170 = tpu.memref_slice %arg10[%add3A_162, %dma_start3A_169] : memref<80x125xi32, #tpu.memory_space<vmem>> -> memref<1x125xi32, #tpu.memory_space<vmem>>
      %dma_start3A_171 = tpu.memref_squeeze %dma_start3A_170 : memref<1x125xi32, #tpu.memory_space<vmem>> -> memref<125xi32, #tpu.memory_space<vmem>>
      %dma_start3A_172 = arith.constant 0 : i32
      %dma_start3A_173 = arith.constant 0 : i32
      %dma_start3A_174 = tpu.memref_slice %arg26[%dma_start3A_172, %dma_start3A_173] : memref<10112x16xf32, #tpu.memory_space<vmem_shared>> -> memref<10112x16xf32, #tpu.memory_space<vmem_shared>>
      tpu.enqueue_indirect_dma source(%arg14 : memref<125x16xf32, #tpu.memory_space<vmem>>) target(%dma_start3A_174 : memref<10112x16xf32, #tpu.memory_space<vmem_shared>>) offsets(%dma_start3A_171 : memref<125xi32, #tpu.memory_space<vmem>>) semaphore(%arg38 : memref<!tpu.dma_semaphore, #tpu.memory_space<semaphore_mem>>) {add = true}
      %ge3A_175 = arith.constant 4 : i32
      %ge3A_176 = arith.cmpi sge, %add3A_162, %ge3A_175 : i32
      %convert_element_type3A_177 = arith.extui %ge3A_176 : i1 to i32
      %cond3A_178 = arith.constant 0 : i32
      %cond3A_179 = arith.cmpi ne, %convert_element_type3A_177, %cond3A_178 : i32
      scf.if %cond3A_179 {
        %sub3A = arith.constant 4 : i32
        %sub3A_299 = arith.subi %add3A_162, %sub3A : i32
        %dma_wait3A_300 = arith.constant 0 : i32
        %dma_wait3A_301 = tpu.memref_slice %arg10[%sub3A_299, %dma_wait3A_300] : memref<80x125xi32, #tpu.memory_space<vmem>> -> memref<1x125xi32, #tpu.memory_space<vmem>>
        %dma_wait3A_302 = tpu.memref_squeeze %dma_wait3A_301 : memref<1x125xi32, #tpu.memory_space<vmem>> -> memref<125xi32, #tpu.memory_space<vmem>>
        %dma_wait3A_303 = arith.constant 0 : i32
        %dma_wait3A_304 = arith.constant 0 : i32
        %dma_wait3A_305 = tpu.memref_slice %arg26[%dma_wait3A_303, %dma_wait3A_304] : memref<10112x16xf32, #tpu.memory_space<vmem_shared>> -> memref<10112x16xf32, #tpu.memory_space<vmem_shared>>
        tpu.wait_indirect_dma semaphore(%arg42 : memref<!tpu.dma_semaphore, #tpu.memory_space<semaphore_mem>>) src(%arg18 : memref<125x16xf32, #tpu.memory_space<vmem>>) dst(%dma_wait3A_305 : memref<10112x16xf32, #tpu.memory_space<vmem_shared>>)
      } else {
      }
      %add3A_180 = arith.constant 4 : i32
      %add3A_181 = arith.addi %add3A_162, %add3A_180 : i32
      %lt3A_182 = arith.constant 80 : i32
      %lt3A_183 = arith.cmpi slt, %add3A_181, %lt3A_182 : i32
      %convert_element_type3A_184 = arith.extui %lt3A_183 : i1 to i32
      %cond3A_185 = arith.constant 0 : i32
      %cond3A_186 = arith.cmpi ne, %convert_element_type3A_184, %cond3A_185 : i32
      scf.if %cond3A_186 {
        %add3A_299 = arith.constant 4 : i32
        %add3A_300 = arith.addi %add3A_162, %add3A_299 : i32
        %dma_start3A_301 = arith.constant 0 : i32
        %dma_start3A_302 = tpu.memref_slice %arg9[%add3A_300, %dma_start3A_301] : memref<80x125xi32, #tpu.memory_space<vmem>> -> memref<1x125xi32, #tpu.memory_space<vmem>>
        %dma_start3A_303 = tpu.memref_squeeze %dma_start3A_302 : memref<1x125xi32, #tpu.memory_space<vmem>> -> memref<125xi32, #tpu.memory_space<vmem>>
        %dma_start3A_304 = arith.constant 0 : i32
        %dma_start3A_305 = arith.constant 0 : i32
        %dma_start3A_306 = tpu.memref_slice %arg25[%dma_start3A_304, %dma_start3A_305] : memref<10112x16xf32, #tpu.memory_space<vmem_shared>> -> memref<10112x16xf32, #tpu.memory_space<vmem_shared>>
        tpu.enqueue_indirect_dma source(%dma_start3A_306 : memref<10112x16xf32, #tpu.memory_space<vmem_shared>>) target(%arg18 : memref<125x16xf32, #tpu.memory_space<vmem>>) offsets(%dma_start3A_303 : memref<125xi32, #tpu.memory_space<vmem>>) semaphore(%arg34 : memref<!tpu.dma_semaphore, #tpu.memory_space<semaphore_mem>>)
      } else {
      }
      %mul3A_187 = arith.constant 8 : i32
      %mul3A_188 = arith.muli %scan3A_78, %mul3A_187 : i32
      %add3A_189 = arith.constant 4 : i32
      %add3A_190 = arith.addi %mul3A_188, %add3A_189 : i32
      %dma_wait3A_191 = arith.constant 0 : i32
      %dma_wait3A_192 = tpu.memref_slice %arg9[%add3A_190, %dma_wait3A_191] : memref<80x125xi32, #tpu.memory_space<vmem>> -> memref<1x125xi32, #tpu.memory_space<vmem>>
      %dma_wait3A_193 = tpu.memref_squeeze %dma_wait3A_192 : memref<1x125xi32, #tpu.memory_space<vmem>> -> memref<125xi32, #tpu.memory_space<vmem>>
      %dma_wait3A_194 = arith.constant 0 : i32
      %dma_wait3A_195 = arith.constant 0 : i32
      %dma_wait3A_196 = tpu.memref_slice %arg25[%dma_wait3A_194, %dma_wait3A_195] : memref<10112x16xf32, #tpu.memory_space<vmem_shared>> -> memref<10112x16xf32, #tpu.memory_space<vmem_shared>>
      tpu.wait_indirect_dma semaphore(%arg31 : memref<!tpu.dma_semaphore, #tpu.memory_space<semaphore_mem>>) src(%dma_wait3A_196 : memref<10112x16xf32, #tpu.memory_space<vmem_shared>>) dst(%arg15 : memref<125x16xf32, #tpu.memory_space<vmem>>)
      %dma_start3A_197 = arith.constant 0 : i32
      %dma_start3A_198 = tpu.memref_slice %arg10[%add3A_190, %dma_start3A_197] : memref<80x125xi32, #tpu.memory_space<vmem>> -> memref<1x125xi32, #tpu.memory_space<vmem>>
      %dma_start3A_199 = tpu.memref_squeeze %dma_start3A_198 : memref<1x125xi32, #tpu.memory_space<vmem>> -> memref<125xi32, #tpu.memory_space<vmem>>
      %dma_start3A_200 = arith.constant 0 : i32
      %dma_start3A_201 = arith.constant 0 : i32
      %dma_start3A_202 = tpu.memref_slice %arg26[%dma_start3A_200, %dma_start3A_201] : memref<10112x16xf32, #tpu.memory_space<vmem_shared>> -> memref<10112x16xf32, #tpu.memory_space<vmem_shared>>
      tpu.enqueue_indirect_dma source(%arg15 : memref<125x16xf32, #tpu.memory_space<vmem>>) target(%dma_start3A_202 : memref<10112x16xf32, #tpu.memory_space<vmem_shared>>) offsets(%dma_start3A_199 : memref<125xi32, #tpu.memory_space<vmem>>) semaphore(%arg39 : memref<!tpu.dma_semaphore, #tpu.memory_space<semaphore_mem>>) {add = true}
      %ge3A_203 = arith.constant 4 : i32
      %ge3A_204 = arith.cmpi sge, %add3A_190, %ge3A_203 : i32
      %convert_element_type3A_205 = arith.extui %ge3A_204 : i1 to i32
      %cond3A_206 = arith.constant 0 : i32
      %cond3A_207 = arith.cmpi ne, %convert_element_type3A_205, %cond3A_206 : i32
      scf.if %cond3A_207 {
        %sub3A = arith.constant 4 : i32
        %sub3A_299 = arith.subi %add3A_190, %sub3A : i32
        %dma_wait3A_300 = arith.constant 0 : i32
        %dma_wait3A_301 = tpu.memref_slice %arg10[%sub3A_299, %dma_wait3A_300] : memref<80x125xi32, #tpu.memory_space<vmem>> -> memref<1x125xi32, #tpu.memory_space<vmem>>
        %dma_wait3A_302 = tpu.memref_squeeze %dma_wait3A_301 : memref<1x125xi32, #tpu.memory_space<vmem>> -> memref<125xi32, #tpu.memory_space<vmem>>
        %dma_wait3A_303 = arith.constant 0 : i32
        %dma_wait3A_304 = arith.constant 0 : i32
        %dma_wait3A_305 = tpu.memref_slice %arg26[%dma_wait3A_303, %dma_wait3A_304] : memref<10112x16xf32, #tpu.memory_space<vmem_shared>> -> memref<10112x16xf32, #tpu.memory_space<vmem_shared>>
        tpu.wait_indirect_dma semaphore(%arg35 : memref<!tpu.dma_semaphore, #tpu.memory_space<semaphore_mem>>) src(%arg11 : memref<125x16xf32, #tpu.memory_space<vmem>>) dst(%dma_wait3A_305 : memref<10112x16xf32, #tpu.memory_space<vmem_shared>>)
      } else {
      }
      %add3A_208 = arith.constant 4 : i32
      %add3A_209 = arith.addi %add3A_190, %add3A_208 : i32
      %lt3A_210 = arith.constant 80 : i32
      %lt3A_211 = arith.cmpi slt, %add3A_209, %lt3A_210 : i32
      %convert_element_type3A_212 = arith.extui %lt3A_211 : i1 to i32
      %cond3A_213 = arith.constant 0 : i32
      %cond3A_214 = arith.cmpi ne, %convert_element_type3A_212, %cond3A_213 : i32
      scf.if %cond3A_214 {
        %add3A_299 = arith.constant 4 : i32
        %add3A_300 = arith.addi %add3A_190, %add3A_299 : i32
        %dma_start3A_301 = arith.constant 0 : i32
        %dma_start3A_302 = tpu.memref_slice %arg9[%add3A_300, %dma_start3A_301] : memref<80x125xi32, #tpu.memory_space<vmem>> -> memref<1x125xi32, #tpu.memory_space<vmem>>
        %dma_start3A_303 = tpu.memref_squeeze %dma_start3A_302 : memref<1x125xi32, #tpu.memory_space<vmem>> -> memref<125xi32, #tpu.memory_space<vmem>>
        %dma_start3A_304 = arith.constant 0 : i32
        %dma_start3A_305 = arith.constant 0 : i32
        %dma_start3A_306 = tpu.memref_slice %arg25[%dma_start3A_304, %dma_start3A_305] : memref<10112x16xf32, #tpu.memory_space<vmem_shared>> -> memref<10112x16xf32, #tpu.memory_space<vmem_shared>>
        tpu.enqueue_indirect_dma source(%dma_start3A_306 : memref<10112x16xf32, #tpu.memory_space<vmem_shared>>) target(%arg11 : memref<125x16xf32, #tpu.memory_space<vmem>>) offsets(%dma_start3A_303 : memref<125xi32, #tpu.memory_space<vmem>>) semaphore(%arg27 : memref<!tpu.dma_semaphore, #tpu.memory_space<semaphore_mem>>)
      } else {
      }
      %mul3A_215 = arith.constant 8 : i32
      %mul3A_216 = arith.muli %scan3A_78, %mul3A_215 : i32
      %add3A_217 = arith.constant 5 : i32
      %add3A_218 = arith.addi %mul3A_216, %add3A_217 : i32
      %dma_wait3A_219 = arith.constant 0 : i32
      %dma_wait3A_220 = tpu.memref_slice %arg9[%add3A_218, %dma_wait3A_219] : memref<80x125xi32, #tpu.memory_space<vmem>> -> memref<1x125xi32, #tpu.memory_space<vmem>>
      %dma_wait3A_221 = tpu.memref_squeeze %dma_wait3A_220 : memref<1x125xi32, #tpu.memory_space<vmem>> -> memref<125xi32, #tpu.memory_space<vmem>>
      %dma_wait3A_222 = arith.constant 0 : i32
      %dma_wait3A_223 = arith.constant 0 : i32
      %dma_wait3A_224 = tpu.memref_slice %arg25[%dma_wait3A_222, %dma_wait3A_223] : memref<10112x16xf32, #tpu.memory_space<vmem_shared>> -> memref<10112x16xf32, #tpu.memory_space<vmem_shared>>
      tpu.wait_indirect_dma semaphore(%arg32 : memref<!tpu.dma_semaphore, #tpu.memory_space<semaphore_mem>>) src(%dma_wait3A_224 : memref<10112x16xf32, #tpu.memory_space<vmem_shared>>) dst(%arg16 : memref<125x16xf32, #tpu.memory_space<vmem>>)
      %dma_start3A_225 = arith.constant 0 : i32
      %dma_start3A_226 = tpu.memref_slice %arg10[%add3A_218, %dma_start3A_225] : memref<80x125xi32, #tpu.memory_space<vmem>> -> memref<1x125xi32, #tpu.memory_space<vmem>>
      %dma_start3A_227 = tpu.memref_squeeze %dma_start3A_226 : memref<1x125xi32, #tpu.memory_space<vmem>> -> memref<125xi32, #tpu.memory_space<vmem>>
      %dma_start3A_228 = arith.constant 0 : i32
      %dma_start3A_229 = arith.constant 0 : i32
      %dma_start3A_230 = tpu.memref_slice %arg26[%dma_start3A_228, %dma_start3A_229] : memref<10112x16xf32, #tpu.memory_space<vmem_shared>> -> memref<10112x16xf32, #tpu.memory_space<vmem_shared>>
      tpu.enqueue_indirect_dma source(%arg16 : memref<125x16xf32, #tpu.memory_space<vmem>>) target(%dma_start3A_230 : memref<10112x16xf32, #tpu.memory_space<vmem_shared>>) offsets(%dma_start3A_227 : memref<125xi32, #tpu.memory_space<vmem>>) semaphore(%arg40 : memref<!tpu.dma_semaphore, #tpu.memory_space<semaphore_mem>>) {add = true}
      %ge3A_231 = arith.constant 4 : i32
      %ge3A_232 = arith.cmpi sge, %add3A_218, %ge3A_231 : i32
      %convert_element_type3A_233 = arith.extui %ge3A_232 : i1 to i32
      %cond3A_234 = arith.constant 0 : i32
      %cond3A_235 = arith.cmpi ne, %convert_element_type3A_233, %cond3A_234 : i32
      scf.if %cond3A_235 {
        %sub3A = arith.constant 4 : i32
        %sub3A_299 = arith.subi %add3A_218, %sub3A : i32
        %dma_wait3A_300 = arith.constant 0 : i32
        %dma_wait3A_301 = tpu.memref_slice %arg10[%sub3A_299, %dma_wait3A_300] : memref<80x125xi32, #tpu.memory_space<vmem>> -> memref<1x125xi32, #tpu.memory_space<vmem>>
        %dma_wait3A_302 = tpu.memref_squeeze %dma_wait3A_301 : memref<1x125xi32, #tpu.memory_space<vmem>> -> memref<125xi32, #tpu.memory_space<vmem>>
        %dma_wait3A_303 = arith.constant 0 : i32
        %dma_wait3A_304 = arith.constant 0 : i32
        %dma_wait3A_305 = tpu.memref_slice %arg26[%dma_wait3A_303, %dma_wait3A_304] : memref<10112x16xf32, #tpu.memory_space<vmem_shared>> -> memref<10112x16xf32, #tpu.memory_space<vmem_shared>>
        tpu.wait_indirect_dma semaphore(%arg36 : memref<!tpu.dma_semaphore, #tpu.memory_space<semaphore_mem>>) src(%arg12 : memref<125x16xf32, #tpu.memory_space<vmem>>) dst(%dma_wait3A_305 : memref<10112x16xf32, #tpu.memory_space<vmem_shared>>)
      } else {
      }
      %add3A_236 = arith.constant 4 : i32
      %add3A_237 = arith.addi %add3A_218, %add3A_236 : i32
      %lt3A_238 = arith.constant 80 : i32
      %lt3A_239 = arith.cmpi slt, %add3A_237, %lt3A_238 : i32
      %convert_element_type3A_240 = arith.extui %lt3A_239 : i1 to i32
      %cond3A_241 = arith.constant 0 : i32
      %cond3A_242 = arith.cmpi ne, %convert_element_type3A_240, %cond3A_241 : i32
      scf.if %cond3A_242 {
        %add3A_299 = arith.constant 4 : i32
        %add3A_300 = arith.addi %add3A_218, %add3A_299 : i32
        %dma_start3A_301 = arith.constant 0 : i32
        %dma_start3A_302 = tpu.memref_slice %arg9[%add3A_300, %dma_start3A_301] : memref<80x125xi32, #tpu.memory_space<vmem>> -> memref<1x125xi32, #tpu.memory_space<vmem>>
        %dma_start3A_303 = tpu.memref_squeeze %dma_start3A_302 : memref<1x125xi32, #tpu.memory_space<vmem>> -> memref<125xi32, #tpu.memory_space<vmem>>
        %dma_start3A_304 = arith.constant 0 : i32
        %dma_start3A_305 = arith.constant 0 : i32
        %dma_start3A_306 = tpu.memref_slice %arg25[%dma_start3A_304, %dma_start3A_305] : memref<10112x16xf32, #tpu.memory_space<vmem_shared>> -> memref<10112x16xf32, #tpu.memory_space<vmem_shared>>
        tpu.enqueue_indirect_dma source(%dma_start3A_306 : memref<10112x16xf32, #tpu.memory_space<vmem_shared>>) target(%arg12 : memref<125x16xf32, #tpu.memory_space<vmem>>) offsets(%dma_start3A_303 : memref<125xi32, #tpu.memory_space<vmem>>) semaphore(%arg28 : memref<!tpu.dma_semaphore, #tpu.memory_space<semaphore_mem>>)
      } else {
      }
      %mul3A_243 = arith.constant 8 : i32
      %mul3A_244 = arith.muli %scan3A_78, %mul3A_243 : i32
      %add3A_245 = arith.constant 6 : i32
      %add3A_246 = arith.addi %mul3A_244, %add3A_245 : i32
      %dma_wait3A_247 = arith.constant 0 : i32
      %dma_wait3A_248 = tpu.memref_slice %arg9[%add3A_246, %dma_wait3A_247] : memref<80x125xi32, #tpu.memory_space<vmem>> -> memref<1x125xi32, #tpu.memory_space<vmem>>
      %dma_wait3A_249 = tpu.memref_squeeze %dma_wait3A_248 : memref<1x125xi32, #tpu.memory_space<vmem>> -> memref<125xi32, #tpu.memory_space<vmem>>
      %dma_wait3A_250 = arith.constant 0 : i32
      %dma_wait3A_251 = arith.constant 0 : i32
      %dma_wait3A_252 = tpu.memref_slice %arg25[%dma_wait3A_250, %dma_wait3A_251] : memref<10112x16xf32, #tpu.memory_space<vmem_shared>> -> memref<10112x16xf32, #tpu.memory_space<vmem_shared>>
      tpu.wait_indirect_dma semaphore(%arg33 : memref<!tpu.dma_semaphore, #tpu.memory_space<semaphore_mem>>) src(%dma_wait3A_252 : memref<10112x16xf32, #tpu.memory_space<vmem_shared>>) dst(%arg17 : memref<125x16xf32, #tpu.memory_space<vmem>>)
      %dma_start3A_253 = arith.constant 0 : i32
      %dma_start3A_254 = tpu.memref_slice %arg10[%add3A_246, %dma_start3A_253] : memref<80x125xi32, #tpu.memory_space<vmem>> -> memref<1x125xi32, #tpu.memory_space<vmem>>
      %dma_start3A_255 = tpu.memref_squeeze %dma_start3A_254 : memref<1x125xi32, #tpu.memory_space<vmem>> -> memref<125xi32, #tpu.memory_space<vmem>>
      %dma_start3A_256 = arith.constant 0 : i32
      %dma_start3A_257 = arith.constant 0 : i32
      %dma_start3A_258 = tpu.memref_slice %arg26[%dma_start3A_256, %dma_start3A_257] : memref<10112x16xf32, #tpu.memory_space<vmem_shared>> -> memref<10112x16xf32, #tpu.memory_space<vmem_shared>>
      tpu.enqueue_indirect_dma source(%arg17 : memref<125x16xf32, #tpu.memory_space<vmem>>) target(%dma_start3A_258 : memref<10112x16xf32, #tpu.memory_space<vmem_shared>>) offsets(%dma_start3A_255 : memref<125xi32, #tpu.memory_space<vmem>>) semaphore(%arg41 : memref<!tpu.dma_semaphore, #tpu.memory_space<semaphore_mem>>) {add = true}
      %ge3A_259 = arith.constant 4 : i32
      %ge3A_260 = arith.cmpi sge, %add3A_246, %ge3A_259 : i32
      %convert_element_type3A_261 = arith.extui %ge3A_260 : i1 to i32
      %cond3A_262 = arith.constant 0 : i32
      %cond3A_263 = arith.cmpi ne, %convert_element_type3A_261, %cond3A_262 : i32
      scf.if %cond3A_263 {
        %sub3A = arith.constant 4 : i32
        %sub3A_299 = arith.subi %add3A_246, %sub3A : i32
        %dma_wait3A_300 = arith.constant 0 : i32
        %dma_wait3A_301 = tpu.memref_slice %arg10[%sub3A_299, %dma_wait3A_300] : memref<80x125xi32, #tpu.memory_space<vmem>> -> memref<1x125xi32, #tpu.memory_space<vmem>>
        %dma_wait3A_302 = tpu.memref_squeeze %dma_wait3A_301 : memref<1x125xi32, #tpu.memory_space<vmem>> -> memref<125xi32, #tpu.memory_space<vmem>>
        %dma_wait3A_303 = arith.constant 0 : i32
        %dma_wait3A_304 = arith.constant 0 : i32
        %dma_wait3A_305 = tpu.memref_slice %arg26[%dma_wait3A_303, %dma_wait3A_304] : memref<10112x16xf32, #tpu.memory_space<vmem_shared>> -> memref<10112x16xf32, #tpu.memory_space<vmem_shared>>
        tpu.wait_indirect_dma semaphore(%arg37 : memref<!tpu.dma_semaphore, #tpu.memory_space<semaphore_mem>>) src(%arg13 : memref<125x16xf32, #tpu.memory_space<vmem>>) dst(%dma_wait3A_305 : memref<10112x16xf32, #tpu.memory_space<vmem_shared>>)
      } else {
      }
      %add3A_264 = arith.constant 4 : i32
      %add3A_265 = arith.addi %add3A_246, %add3A_264 : i32
      %lt3A_266 = arith.constant 80 : i32
      %lt3A_267 = arith.cmpi slt, %add3A_265, %lt3A_266 : i32
      %convert_element_type3A_268 = arith.extui %lt3A_267 : i1 to i32
      %cond3A_269 = arith.constant 0 : i32
      %cond3A_270 = arith.cmpi ne, %convert_element_type3A_268, %cond3A_269 : i32
      scf.if %cond3A_270 {
        %add3A_299 = arith.constant 4 : i32
        %add3A_300 = arith.addi %add3A_246, %add3A_299 : i32
        %dma_start3A_301 = arith.constant 0 : i32
        %dma_start3A_302 = tpu.memref_slice %arg9[%add3A_300, %dma_start3A_301] : memref<80x125xi32, #tpu.memory_space<vmem>> -> memref<1x125xi32, #tpu.memory_space<vmem>>
        %dma_start3A_303 = tpu.memref_squeeze %dma_start3A_302 : memref<1x125xi32, #tpu.memory_space<vmem>> -> memref<125xi32, #tpu.memory_space<vmem>>
        %dma_start3A_304 = arith.constant 0 : i32
        %dma_start3A_305 = arith.constant 0 : i32
        %dma_start3A_306 = tpu.memref_slice %arg25[%dma_start3A_304, %dma_start3A_305] : memref<10112x16xf32, #tpu.memory_space<vmem_shared>> -> memref<10112x16xf32, #tpu.memory_space<vmem_shared>>
        tpu.enqueue_indirect_dma source(%dma_start3A_306 : memref<10112x16xf32, #tpu.memory_space<vmem_shared>>) target(%arg13 : memref<125x16xf32, #tpu.memory_space<vmem>>) offsets(%dma_start3A_303 : memref<125xi32, #tpu.memory_space<vmem>>) semaphore(%arg29 : memref<!tpu.dma_semaphore, #tpu.memory_space<semaphore_mem>>)
      } else {
      }
      %mul3A_271 = arith.constant 8 : i32
      %mul3A_272 = arith.muli %scan3A_78, %mul3A_271 : i32
      %add3A_273 = arith.constant 7 : i32
      %add3A_274 = arith.addi %mul3A_272, %add3A_273 : i32
      %dma_wait3A_275 = arith.constant 0 : i32
      %dma_wait3A_276 = tpu.memref_slice %arg9[%add3A_274, %dma_wait3A_275] : memref<80x125xi32, #tpu.memory_space<vmem>> -> memref<1x125xi32, #tpu.memory_space<vmem>>
      %dma_wait3A_277 = tpu.memref_squeeze %dma_wait3A_276 : memref<1x125xi32, #tpu.memory_space<vmem>> -> memref<125xi32, #tpu.memory_space<vmem>>
      %dma_wait3A_278 = arith.constant 0 : i32
      %dma_wait3A_279 = arith.constant 0 : i32
      %dma_wait3A_280 = tpu.memref_slice %arg25[%dma_wait3A_278, %dma_wait3A_279] : memref<10112x16xf32, #tpu.memory_space<vmem_shared>> -> memref<10112x16xf32, #tpu.memory_space<vmem_shared>>
      tpu.wait_indirect_dma semaphore(%arg34 : memref<!tpu.dma_semaphore, #tpu.memory_space<semaphore_mem>>) src(%dma_wait3A_280 : memref<10112x16xf32, #tpu.memory_space<vmem_shared>>) dst(%arg18 : memref<125x16xf32, #tpu.memory_space<vmem>>)
      %dma_start3A_281 = arith.constant 0 : i32
      %dma_start3A_282 = tpu.memref_slice %arg10[%add3A_274, %dma_start3A_281] : memref<80x125xi32, #tpu.memory_space<vmem>> -> memref<1x125xi32, #tpu.memory_space<vmem>>
      %dma_start3A_283 = tpu.memref_squeeze %dma_start3A_282 : memref<1x125xi32, #tpu.memory_space<vmem>> -> memref<125xi32, #tpu.memory_space<vmem>>
      %dma_start3A_284 = arith.constant 0 : i32
      %dma_start3A_285 = arith.constant 0 : i32
      %dma_start3A_286 = tpu.memref_slice %arg26[%dma_start3A_284, %dma_start3A_285] : memref<10112x16xf32, #tpu.memory_space<vmem_shared>> -> memref<10112x16xf32, #tpu.memory_space<vmem_shared>>
      tpu.enqueue_indirect_dma source(%arg18 : memref<125x16xf32, #tpu.memory_space<vmem>>) target(%dma_start3A_286 : memref<10112x16xf32, #tpu.memory_space<vmem_shared>>) offsets(%dma_start3A_283 : memref<125xi32, #tpu.memory_space<vmem>>) semaphore(%arg42 : memref<!tpu.dma_semaphore, #tpu.memory_space<semaphore_mem>>) {add = true}
      %ge3A_287 = arith.constant 4 : i32
      %ge3A_288 = arith.cmpi sge, %add3A_274, %ge3A_287 : i32
      %convert_element_type3A_289 = arith.extui %ge3A_288 : i1 to i32
      %cond3A_290 = arith.constant 0 : i32
      %cond3A_291 = arith.cmpi ne, %convert_element_type3A_289, %cond3A_290 : i32
      scf.if %cond3A_291 {
        %sub3A = arith.constant 4 : i32
        %sub3A_299 = arith.subi %add3A_274, %sub3A : i32
        %dma_wait3A_300 = arith.constant 0 : i32
        %dma_wait3A_301 = tpu.memref_slice %arg10[%sub3A_299, %dma_wait3A_300] : memref<80x125xi32, #tpu.memory_space<vmem>> -> memref<1x125xi32, #tpu.memory_space<vmem>>
        %dma_wait3A_302 = tpu.memref_squeeze %dma_wait3A_301 : memref<1x125xi32, #tpu.memory_space<vmem>> -> memref<125xi32, #tpu.memory_space<vmem>>
        %dma_wait3A_303 = arith.constant 0 : i32
        %dma_wait3A_304 = arith.constant 0 : i32
        %dma_wait3A_305 = tpu.memref_slice %arg26[%dma_wait3A_303, %dma_wait3A_304] : memref<10112x16xf32, #tpu.memory_space<vmem_shared>> -> memref<10112x16xf32, #tpu.memory_space<vmem_shared>>
        tpu.wait_indirect_dma semaphore(%arg38 : memref<!tpu.dma_semaphore, #tpu.memory_space<semaphore_mem>>) src(%arg14 : memref<125x16xf32, #tpu.memory_space<vmem>>) dst(%dma_wait3A_305 : memref<10112x16xf32, #tpu.memory_space<vmem_shared>>)
      } else {
      }
      %add3A_292 = arith.constant 4 : i32
      %add3A_293 = arith.addi %add3A_274, %add3A_292 : i32
      %lt3A_294 = arith.constant 80 : i32
      %lt3A_295 = arith.cmpi slt, %add3A_293, %lt3A_294 : i32
      %convert_element_type3A_296 = arith.extui %lt3A_295 : i1 to i32
      %cond3A_297 = arith.constant 0 : i32
      %cond3A_298 = arith.cmpi ne, %convert_element_type3A_296, %cond3A_297 : i32
      scf.if %cond3A_298 {
        %add3A_299 = arith.constant 4 : i32
        %add3A_300 = arith.addi %add3A_274, %add3A_299 : i32
        %dma_start3A_301 = arith.constant 0 : i32
        %dma_start3A_302 = tpu.memref_slice %arg9[%add3A_300, %dma_start3A_301] : memref<80x125xi32, #tpu.memory_space<vmem>> -> memref<1x125xi32, #tpu.memory_space<vmem>>
        %dma_start3A_303 = tpu.memref_squeeze %dma_start3A_302 : memref<1x125xi32, #tpu.memory_space<vmem>> -> memref<125xi32, #tpu.memory_space<vmem>>
        %dma_start3A_304 = arith.constant 0 : i32
        %dma_start3A_305 = arith.constant 0 : i32
        %dma_start3A_306 = tpu.memref_slice %arg25[%dma_start3A_304, %dma_start3A_305] : memref<10112x16xf32, #tpu.memory_space<vmem_shared>> -> memref<10112x16xf32, #tpu.memory_space<vmem_shared>>
        tpu.enqueue_indirect_dma source(%dma_start3A_306 : memref<10112x16xf32, #tpu.memory_space<vmem_shared>>) target(%arg14 : memref<125x16xf32, #tpu.memory_space<vmem>>) offsets(%dma_start3A_303 : memref<125xi32, #tpu.memory_space<vmem>>) semaphore(%arg30 : memref<!tpu.dma_semaphore, #tpu.memory_space<semaphore_mem>>)
      } else {
      }
    }
    %scan3A_49 = arith.constant 10 : i32
    %dma_wait3A = arith.constant 76 : i32
    %dma_wait3A_50 = arith.constant 0 : i32
    %dma_wait3A_51 = tpu.memref_slice %arg10[%dma_wait3A, %dma_wait3A_50] : memref<80x125xi32, #tpu.memory_space<vmem>> -> memref<1x125xi32, #tpu.memory_space<vmem>>
    %dma_wait3A_52 = tpu.memref_squeeze %dma_wait3A_51 : memref<1x125xi32, #tpu.memory_space<vmem>> -> memref<125xi32, #tpu.memory_space<vmem>>
    %dma_wait3A_53 = arith.constant 0 : i32
    %dma_wait3A_54 = arith.constant 0 : i32
    %dma_wait3A_55 = tpu.memref_slice %arg26[%dma_wait3A_53, %dma_wait3A_54] : memref<10112x16xf32, #tpu.memory_space<vmem_shared>> -> memref<10112x16xf32, #tpu.memory_space<vmem_shared>>
    tpu.wait_indirect_dma semaphore(%arg39 : memref<!tpu.dma_semaphore, #tpu.memory_space<semaphore_mem>>) src(%arg15 : memref<125x16xf32, #tpu.memory_space<vmem>>) dst(%dma_wait3A_55 : memref<10112x16xf32, #tpu.memory_space<vmem_shared>>)
    %dma_wait3A_56 = arith.constant 77 : i32
    %dma_wait3A_57 = arith.constant 0 : i32
    %dma_wait3A_58 = tpu.memref_slice %arg10[%dma_wait3A_56, %dma_wait3A_57] : memref<80x125xi32, #tpu.memory_space<vmem>> -> memref<1x125xi32, #tpu.memory_space<vmem>>
    %dma_wait3A_59 = tpu.memref_squeeze %dma_wait3A_58 : memref<1x125xi32, #tpu.memory_space<vmem>> -> memref<125xi32, #tpu.memory_space<vmem>>
    %dma_wait3A_60 = arith.constant 0 : i32
    %dma_wait3A_61 = arith.constant 0 : i32
    %dma_wait3A_62 = tpu.memref_slice %arg26[%dma_wait3A_60, %dma_wait3A_61] : memref<10112x16xf32, #tpu.memory_space<vmem_shared>> -> memref<10112x16xf32, #tpu.memory_space<vmem_shared>>
    tpu.wait_indirect_dma semaphore(%arg40 : memref<!tpu.dma_semaphore, #tpu.memory_space<semaphore_mem>>) src(%arg16 : memref<125x16xf32, #tpu.memory_space<vmem>>) dst(%dma_wait3A_62 : memref<10112x16xf32, #tpu.memory_space<vmem_shared>>)
    %dma_wait3A_63 = arith.constant 78 : i32
    %dma_wait3A_64 = arith.constant 0 : i32
    %dma_wait3A_65 = tpu.memref_slice %arg10[%dma_wait3A_63, %dma_wait3A_64] : memref<80x125xi32, #tpu.memory_space<vmem>> -> memref<1x125xi32, #tpu.memory_space<vmem>>
    %dma_wait3A_66 = tpu.memref_squeeze %dma_wait3A_65 : memref<1x125xi32, #tpu.memory_space<vmem>> -> memref<125xi32, #tpu.memory_space<vmem>>
    %dma_wait3A_67 = arith.constant 0 : i32
    %dma_wait3A_68 = arith.constant 0 : i32
    %dma_wait3A_69 = tpu.memref_slice %arg26[%dma_wait3A_67, %dma_wait3A_68] : memref<10112x16xf32, #tpu.memory_space<vmem_shared>> -> memref<10112x16xf32, #tpu.memory_space<vmem_shared>>
    tpu.wait_indirect_dma semaphore(%arg41 : memref<!tpu.dma_semaphore, #tpu.memory_space<semaphore_mem>>) src(%arg17 : memref<125x16xf32, #tpu.memory_space<vmem>>) dst(%dma_wait3A_69 : memref<10112x16xf32, #tpu.memory_space<vmem_shared>>)
    %dma_wait3A_70 = arith.constant 79 : i32
    %dma_wait3A_71 = arith.constant 0 : i32
    %dma_wait3A_72 = tpu.memref_slice %arg10[%dma_wait3A_70, %dma_wait3A_71] : memref<80x125xi32, #tpu.memory_space<vmem>> -> memref<1x125xi32, #tpu.memory_space<vmem>>
    %dma_wait3A_73 = tpu.memref_squeeze %dma_wait3A_72 : memref<1x125xi32, #tpu.memory_space<vmem>> -> memref<125xi32, #tpu.memory_space<vmem>>
    %dma_wait3A_74 = arith.constant 0 : i32
    %dma_wait3A_75 = arith.constant 0 : i32
    %dma_wait3A_76 = tpu.memref_slice %arg26[%dma_wait3A_74, %dma_wait3A_75] : memref<10112x16xf32, #tpu.memory_space<vmem_shared>> -> memref<10112x16xf32, #tpu.memory_space<vmem_shared>>
    tpu.wait_indirect_dma semaphore(%arg42 : memref<!tpu.dma_semaphore, #tpu.memory_space<semaphore_mem>>) src(%arg18 : memref<125x16xf32, #tpu.memory_space<vmem>>) dst(%dma_wait3A_76 : memref<10112x16xf32, #tpu.memory_space<vmem_shared>>)
    %barrier3A_77 = arith.constant 0 : index
    tpu.barrier barrier_id(%barrier3A_77)
    "tpu.region"() ({
      %run_scoped3A_78 = tpu.sem_alloc : memref<!tpu.dma_semaphore, #tpu.memory_space<semaphore_mem>>
      %dma_start3A_79 = arith.constant 0 : i32
      %dma_start3A_80 = tpu.memref_slice %arg26[%mul3A_2, %dma_start3A_79] : memref<10112x16xf32, #tpu.memory_space<vmem_shared>> -> memref<632x16xf32, #tpu.memory_space<vmem_shared>>
      %dma_start3A_81 = arith.constant 0 : i32
      %dma_start3A_82 = tpu.memref_slice %arg26[%mul3A_2, %dma_start3A_81] : memref<10112x16xf32, #tpu.memory_space<vmem_shared>> -> memref<632x16xf32, #tpu.memory_space<vmem_shared>>
      tpu.enqueue_dma source(%dma_start3A_82 : memref<632x16xf32, #tpu.memory_space<vmem_shared>>) target(%arg19 : memref<632x16xf32, #tpu.memory_space<vmem>>) target_semaphore(%run_scoped3A_78 : memref<!tpu.dma_semaphore, #tpu.memory_space<semaphore_mem>>)
      %dma_wait3A_83 = arith.constant 0 : i32
      %dma_wait3A_84 = tpu.memref_slice %arg26[%mul3A_2, %dma_wait3A_83] : memref<10112x16xf32, #tpu.memory_space<vmem_shared>> -> memref<632x16xf32, #tpu.memory_space<vmem_shared>>
      %dma_wait3A_85 = arith.constant 0 : i32
      %dma_wait3A_86 = tpu.memref_slice %arg26[%mul3A_2, %dma_wait3A_85] : memref<10112x16xf32, #tpu.memory_space<vmem_shared>> -> memref<632x16xf32, #tpu.memory_space<vmem_shared>>
      tpu.wait_dma2 semaphore(%run_scoped3A_78 : memref<!tpu.dma_semaphore, #tpu.memory_space<semaphore_mem>>) src(%dma_wait3A_86 : memref<632x16xf32, #tpu.memory_space<vmem_shared>>) dst(%arg19 : memref<632x16xf32, #tpu.memory_space<vmem>>)
      tpu.yield
    }) : () -> ()
    "tpu.region"() ({
      %run_scoped3A_78 = tpu.sem_alloc : memref<!tpu.dma_semaphore, #tpu.memory_space<semaphore_mem>>
      %dma_start3A_79 = arith.constant 0 : i32
      %dma_start3A_80 = tpu.memref_slice %arg7[%arg0, %mul3A_2, %dma_start3A_79] : memref<2x10112x16xf32, #tpu.memory_space<hbm>> -> memref<1x632x16xf32, #tpu.memory_space<hbm>>
      %dma_start3A_81 = tpu.memref_squeeze %dma_start3A_80 : memref<1x632x16xf32, #tpu.memory_space<hbm>> -> memref<632x16xf32, #tpu.memory_space<hbm>>
      %dma_start3A_82 = arith.constant 0 : i32
      %dma_start3A_83 = tpu.memref_slice %arg7[%arg0, %mul3A_2, %dma_start3A_82] : memref<2x10112x16xf32, #tpu.memory_space<hbm>> -> memref<1x632x16xf32, #tpu.memory_space<hbm>>
      %dma_start3A_84 = tpu.memref_squeeze %dma_start3A_83 : memref<1x632x16xf32, #tpu.memory_space<hbm>> -> memref<632x16xf32, #tpu.memory_space<hbm>>
      tpu.enqueue_dma source(%arg19 : memref<632x16xf32, #tpu.memory_space<vmem>>) target(%dma_start3A_84 : memref<632x16xf32, #tpu.memory_space<hbm>>) target_semaphore(%run_scoped3A_78 : memref<!tpu.dma_semaphore, #tpu.memory_space<semaphore_mem>>)
      %dma_wait3A_85 = arith.constant 0 : i32
      %dma_wait3A_86 = tpu.memref_slice %arg7[%arg0, %mul3A_2, %dma_wait3A_85] : memref<2x10112x16xf32, #tpu.memory_space<hbm>> -> memref<1x632x16xf32, #tpu.memory_space<hbm>>
      %dma_wait3A_87 = tpu.memref_squeeze %dma_wait3A_86 : memref<1x632x16xf32, #tpu.memory_space<hbm>> -> memref<632x16xf32, #tpu.memory_space<hbm>>
      %dma_wait3A_88 = arith.constant 0 : i32
      %dma_wait3A_89 = tpu.memref_slice %arg7[%arg0, %mul3A_2, %dma_wait3A_88] : memref<2x10112x16xf32, #tpu.memory_space<hbm>> -> memref<1x632x16xf32, #tpu.memory_space<hbm>>
      %dma_wait3A_90 = tpu.memref_squeeze %dma_wait3A_89 : memref<1x632x16xf32, #tpu.memory_space<hbm>> -> memref<632x16xf32, #tpu.memory_space<hbm>>
      tpu.wait_dma2 semaphore(%run_scoped3A_78 : memref<!tpu.dma_semaphore, #tpu.memory_space<semaphore_mem>>) src(%arg19 : memref<632x16xf32, #tpu.memory_space<vmem>>) dst(%dma_wait3A_90 : memref<632x16xf32, #tpu.memory_space<hbm>>)
      tpu.yield
    }) : () -> ()
    return
  }
}

#map = affine_map<(d0, d1) -> (0, 0)>
#map1 = affine_map<(d0, d1) -> (0, 0, 0)>
module attributes {stable_mosaic.version = 14 : i64} {
  func.func @sweep(%arg0: i32, %arg1: i32, %arg2: memref<10112x8xf32, #tpu.memory_space<hbm>>, %arg3: memref<2x2560x125xi32, #tpu.memory_space<hbm>>, %arg4: memref<2x10112x8xf32, #tpu.memory_space<hbm>>, %arg5: memref<80x125xi32, #tpu.memory_space<vmem>>, %arg6: memref<125x8xf32, #tpu.memory_space<vmem>>, %arg7: memref<632x8xf32, #tpu.memory_space<vmem>>, %arg8: memref<10112x8xf32, #tpu.memory_space<vmem_shared>>, %arg9: memref<!tpu.dma_semaphore, #tpu.memory_space<semaphore_mem>>) attributes {dimension_semantics = [#tpu.dimension_semantics<core_parallel>, #tpu.dimension_semantics<subcore_parallel>], iteration_bounds = array<i64: 2, 16>, scalar_prefetch = 0 : i64, scratch_operands = 5 : i64, tpu.core_type = #tpu.core_type<sc_vector_subcore>, window_params = [{transform_indices = #map}, {transform_indices = #map1}, {transform_indices = #map1}]} {
    %mul3A = arith.constant 16 : i32
    %mul3A_0 = arith.muli %arg0, %mul3A : i32
    %add3A = arith.addi %mul3A_0, %arg1 : i32
    %mul3A_1 = arith.constant 632 : i32
    %mul3A_2 = arith.muli %arg1, %mul3A_1 : i32
    %mul3A_3 = arith.constant 80 : i32
    %mul3A_4 = arith.muli %add3A, %mul3A_3 : i32
    %run_scoped3A = arith.constant 1 : i32
    "tpu.region"() ({
      %run_scoped3A_17 = tpu.sem_alloc : memref<!tpu.dma_semaphore, #tpu.memory_space<semaphore_mem>>
      %dma_start3A = arith.constant 0 : i32
      %dma_start3A_18 = tpu.memref_slice %arg3[%run_scoped3A, %mul3A_4, %dma_start3A] : memref<2x2560x125xi32, #tpu.memory_space<hbm>> -> memref<1x80x125xi32, #tpu.memory_space<hbm>>
      %dma_start3A_19 = tpu.memref_squeeze %dma_start3A_18 : memref<1x80x125xi32, #tpu.memory_space<hbm>> -> memref<80x125xi32, #tpu.memory_space<hbm>>
      %dma_start3A_20 = arith.constant 0 : i32
      %dma_start3A_21 = tpu.memref_slice %arg3[%run_scoped3A, %mul3A_4, %dma_start3A_20] : memref<2x2560x125xi32, #tpu.memory_space<hbm>> -> memref<1x80x125xi32, #tpu.memory_space<hbm>>
      %dma_start3A_22 = tpu.memref_squeeze %dma_start3A_21 : memref<1x80x125xi32, #tpu.memory_space<hbm>> -> memref<80x125xi32, #tpu.memory_space<hbm>>
      tpu.enqueue_dma source(%dma_start3A_22 : memref<80x125xi32, #tpu.memory_space<hbm>>) target(%arg5 : memref<80x125xi32, #tpu.memory_space<vmem>>) target_semaphore(%run_scoped3A_17 : memref<!tpu.dma_semaphore, #tpu.memory_space<semaphore_mem>>)
      %dma_wait3A = arith.constant 0 : i32
      %dma_wait3A_23 = tpu.memref_slice %arg3[%run_scoped3A, %mul3A_4, %dma_wait3A] : memref<2x2560x125xi32, #tpu.memory_space<hbm>> -> memref<1x80x125xi32, #tpu.memory_space<hbm>>
      %dma_wait3A_24 = tpu.memref_squeeze %dma_wait3A_23 : memref<1x80x125xi32, #tpu.memory_space<hbm>> -> memref<80x125xi32, #tpu.memory_space<hbm>>
      %dma_wait3A_25 = arith.constant 0 : i32
      %dma_wait3A_26 = tpu.memref_slice %arg3[%run_scoped3A, %mul3A_4, %dma_wait3A_25] : memref<2x2560x125xi32, #tpu.memory_space<hbm>> -> memref<1x80x125xi32, #tpu.memory_space<hbm>>
      %dma_wait3A_27 = tpu.memref_squeeze %dma_wait3A_26 : memref<1x80x125xi32, #tpu.memory_space<hbm>> -> memref<80x125xi32, #tpu.memory_space<hbm>>
      tpu.wait_dma2 semaphore(%run_scoped3A_17 : memref<!tpu.dma_semaphore, #tpu.memory_space<semaphore_mem>>) src(%dma_wait3A_27 : memref<80x125xi32, #tpu.memory_space<hbm>>) dst(%arg5 : memref<80x125xi32, #tpu.memory_space<vmem>>)
      tpu.yield
    }) : () -> ()
    "tpu.region"() ({
      %run_scoped3A_17 = tpu.sem_alloc : memref<!tpu.dma_semaphore, #tpu.memory_space<semaphore_mem>>
      %dma_start3A = arith.constant 0 : i32
      %dma_start3A_18 = arith.constant 0 : i32
      %dma_start3A_19 = tpu.memref_slice %arg2[%dma_start3A, %dma_start3A_18] : memref<10112x8xf32, #tpu.memory_space<hbm>> -> memref<125x8xf32, #tpu.memory_space<hbm>>
      %dma_start3A_20 = arith.constant 0 : i32
      %dma_start3A_21 = arith.constant 0 : i32
      %dma_start3A_22 = tpu.memref_slice %arg2[%dma_start3A_20, %dma_start3A_21] : memref<10112x8xf32, #tpu.memory_space<hbm>> -> memref<125x8xf32, #tpu.memory_space<hbm>>
      tpu.enqueue_dma source(%dma_start3A_22 : memref<125x8xf32, #tpu.memory_space<hbm>>) target(%arg6 : memref<125x8xf32, #tpu.memory_space<vmem>>) target_semaphore(%run_scoped3A_17 : memref<!tpu.dma_semaphore, #tpu.memory_space<semaphore_mem>>)
      %dma_wait3A = arith.constant 0 : i32
      %dma_wait3A_23 = arith.constant 0 : i32
      %dma_wait3A_24 = tpu.memref_slice %arg2[%dma_wait3A, %dma_wait3A_23] : memref<10112x8xf32, #tpu.memory_space<hbm>> -> memref<125x8xf32, #tpu.memory_space<hbm>>
      %dma_wait3A_25 = arith.constant 0 : i32
      %dma_wait3A_26 = arith.constant 0 : i32
      %dma_wait3A_27 = tpu.memref_slice %arg2[%dma_wait3A_25, %dma_wait3A_26] : memref<10112x8xf32, #tpu.memory_space<hbm>> -> memref<125x8xf32, #tpu.memory_space<hbm>>
      tpu.wait_dma2 semaphore(%run_scoped3A_17 : memref<!tpu.dma_semaphore, #tpu.memory_space<semaphore_mem>>) src(%dma_wait3A_27 : memref<125x8xf32, #tpu.memory_space<hbm>>) dst(%arg6 : memref<125x8xf32, #tpu.memory_space<vmem>>)
      tpu.yield
    }) : () -> ()
    "tpu.region"() ({
      %run_scoped3A_17 = tpu.sem_alloc : memref<!tpu.dma_semaphore, #tpu.memory_space<semaphore_mem>>
      %dma_start3A = arith.constant 0 : i32
      %dma_start3A_18 = tpu.memref_slice %arg2[%mul3A_2, %dma_start3A] : memref<10112x8xf32, #tpu.memory_space<hbm>> -> memref<632x8xf32, #tpu.memory_space<hbm>>
      %dma_start3A_19 = arith.constant 0 : i32
      %dma_start3A_20 = tpu.memref_slice %arg2[%mul3A_2, %dma_start3A_19] : memref<10112x8xf32, #tpu.memory_space<hbm>> -> memref<632x8xf32, #tpu.memory_space<hbm>>
      tpu.enqueue_dma source(%dma_start3A_20 : memref<632x8xf32, #tpu.memory_space<hbm>>) target(%arg7 : memref<632x8xf32, #tpu.memory_space<vmem>>) target_semaphore(%run_scoped3A_17 : memref<!tpu.dma_semaphore, #tpu.memory_space<semaphore_mem>>)
      %dma_wait3A = arith.constant 0 : i32
      %dma_wait3A_21 = tpu.memref_slice %arg2[%mul3A_2, %dma_wait3A] : memref<10112x8xf32, #tpu.memory_space<hbm>> -> memref<632x8xf32, #tpu.memory_space<hbm>>
      %dma_wait3A_22 = arith.constant 0 : i32
      %dma_wait3A_23 = tpu.memref_slice %arg2[%mul3A_2, %dma_wait3A_22] : memref<10112x8xf32, #tpu.memory_space<hbm>> -> memref<632x8xf32, #tpu.memory_space<hbm>>
      tpu.wait_dma2 semaphore(%run_scoped3A_17 : memref<!tpu.dma_semaphore, #tpu.memory_space<semaphore_mem>>) src(%dma_wait3A_23 : memref<632x8xf32, #tpu.memory_space<hbm>>) dst(%arg7 : memref<632x8xf32, #tpu.memory_space<vmem>>)
      tpu.yield
    }) : () -> ()
    "tpu.region"() ({
      %run_scoped3A_17 = tpu.sem_alloc : memref<!tpu.dma_semaphore, #tpu.memory_space<semaphore_mem>>
      %dma_start3A = arith.constant 0 : i32
      %dma_start3A_18 = tpu.memref_slice %arg8[%mul3A_2, %dma_start3A] : memref<10112x8xf32, #tpu.memory_space<vmem_shared>> -> memref<632x8xf32, #tpu.memory_space<vmem_shared>>
      %dma_start3A_19 = arith.constant 0 : i32
      %dma_start3A_20 = tpu.memref_slice %arg8[%mul3A_2, %dma_start3A_19] : memref<10112x8xf32, #tpu.memory_space<vmem_shared>> -> memref<632x8xf32, #tpu.memory_space<vmem_shared>>
      tpu.enqueue_dma source(%arg7 : memref<632x8xf32, #tpu.memory_space<vmem>>) target(%dma_start3A_20 : memref<632x8xf32, #tpu.memory_space<vmem_shared>>) target_semaphore(%run_scoped3A_17 : memref<!tpu.dma_semaphore, #tpu.memory_space<semaphore_mem>>)
      %dma_wait3A = arith.constant 0 : i32
      %dma_wait3A_21 = tpu.memref_slice %arg8[%mul3A_2, %dma_wait3A] : memref<10112x8xf32, #tpu.memory_space<vmem_shared>> -> memref<632x8xf32, #tpu.memory_space<vmem_shared>>
      %dma_wait3A_22 = arith.constant 0 : i32
      %dma_wait3A_23 = tpu.memref_slice %arg8[%mul3A_2, %dma_wait3A_22] : memref<10112x8xf32, #tpu.memory_space<vmem_shared>> -> memref<632x8xf32, #tpu.memory_space<vmem_shared>>
      tpu.wait_dma2 semaphore(%run_scoped3A_17 : memref<!tpu.dma_semaphore, #tpu.memory_space<semaphore_mem>>) src(%arg7 : memref<632x8xf32, #tpu.memory_space<vmem>>) dst(%dma_wait3A_23 : memref<632x8xf32, #tpu.memory_space<vmem_shared>>)
      tpu.yield
    }) : () -> ()
    %barrier3A = arith.constant 0 : index
    tpu.barrier barrier_id(%barrier3A)
    %scan3A = arith.constant 0 : i32
    %scan3A_5 = arith.constant 0 : i32
    %scan3A_6 = arith.constant 80 : i32
    %scan3A_7 = arith.addi %scan3A_5, %scan3A_6 : i32
    %scan3A_8 = arith.constant 1 : i32
    scf.for %scan3A_17 = %scan3A_5 to %scan3A_7 step %scan3A_8  : i32 {
      %dma_start3A = arith.constant 0 : i32
      %dma_start3A_18 = tpu.memref_slice %arg5[%scan3A_17, %dma_start3A] : memref<80x125xi32, #tpu.memory_space<vmem>> -> memref<1x125xi32, #tpu.memory_space<vmem>>
      %dma_start3A_19 = tpu.memref_squeeze %dma_start3A_18 : memref<1x125xi32, #tpu.memory_space<vmem>> -> memref<125xi32, #tpu.memory_space<vmem>>
      %dma_start3A_20 = arith.constant 0 : i32
      %dma_start3A_21 = arith.constant 0 : i32
      %dma_start3A_22 = tpu.memref_slice %arg8[%dma_start3A_20, %dma_start3A_21] : memref<10112x8xf32, #tpu.memory_space<vmem_shared>> -> memref<10112x8xf32, #tpu.memory_space<vmem_shared>>
      tpu.enqueue_indirect_dma source(%arg6 : memref<125x8xf32, #tpu.memory_space<vmem>>) target(%dma_start3A_22 : memref<10112x8xf32, #tpu.memory_space<vmem_shared>>) offsets(%dma_start3A_19 : memref<125xi32, #tpu.memory_space<vmem>>) semaphore(%arg9 : memref<!tpu.dma_semaphore, #tpu.memory_space<semaphore_mem>>) {add = true}
      %ge3A = arith.constant 8 : i32
      %ge3A_23 = arith.cmpi sge, %scan3A_17, %ge3A : i32
      %convert_element_type3A = arith.extui %ge3A_23 : i1 to i32
      %cond3A = arith.constant 0 : i32
      %cond3A_24 = arith.cmpi ne, %convert_element_type3A, %cond3A : i32
      scf.if %cond3A_24 {
        %sub3A = arith.constant 8 : i32
        %sub3A_25 = arith.subi %scan3A_17, %sub3A : i32
        %dma_wait3A = arith.constant 0 : i32
        %dma_wait3A_26 = tpu.memref_slice %arg5[%sub3A_25, %dma_wait3A] : memref<80x125xi32, #tpu.memory_space<vmem>> -> memref<1x125xi32, #tpu.memory_space<vmem>>
        %dma_wait3A_27 = tpu.memref_squeeze %dma_wait3A_26 : memref<1x125xi32, #tpu.memory_space<vmem>> -> memref<125xi32, #tpu.memory_space<vmem>>
        %dma_wait3A_28 = arith.constant 0 : i32
        %dma_wait3A_29 = arith.constant 0 : i32
        %dma_wait3A_30 = tpu.memref_slice %arg8[%dma_wait3A_28, %dma_wait3A_29] : memref<10112x8xf32, #tpu.memory_space<vmem_shared>> -> memref<10112x8xf32, #tpu.memory_space<vmem_shared>>
        tpu.wait_indirect_dma semaphore(%arg9 : memref<!tpu.dma_semaphore, #tpu.memory_space<semaphore_mem>>) src(%arg6 : memref<125x8xf32, #tpu.memory_space<vmem>>) dst(%dma_wait3A_30 : memref<10112x8xf32, #tpu.memory_space<vmem_shared>>)
      } else {
      }
    }
    %scan3A_9 = arith.constant 80 : i32
    %scan3A_10 = arith.constant 0 : i32
    %scan3A_11 = arith.constant 72 : i32
    %scan3A_12 = arith.constant 8 : i32
    %scan3A_13 = arith.addi %scan3A_11, %scan3A_12 : i32
    %scan3A_14 = arith.constant 1 : i32
    scf.for %scan3A_17 = %scan3A_11 to %scan3A_13 step %scan3A_14  : i32 {
      %dma_wait3A = arith.constant 0 : i32
      %dma_wait3A_18 = tpu.memref_slice %arg5[%scan3A_17, %dma_wait3A] : memref<80x125xi32, #tpu.memory_space<vmem>> -> memref<1x125xi32, #tpu.memory_space<vmem>>
      %dma_wait3A_19 = tpu.memref_squeeze %dma_wait3A_18 : memref<1x125xi32, #tpu.memory_space<vmem>> -> memref<125xi32, #tpu.memory_space<vmem>>
      %dma_wait3A_20 = arith.constant 0 : i32
      %dma_wait3A_21 = arith.constant 0 : i32
      %dma_wait3A_22 = tpu.memref_slice %arg8[%dma_wait3A_20, %dma_wait3A_21] : memref<10112x8xf32, #tpu.memory_space<vmem_shared>> -> memref<10112x8xf32, #tpu.memory_space<vmem_shared>>
      tpu.wait_indirect_dma semaphore(%arg9 : memref<!tpu.dma_semaphore, #tpu.memory_space<semaphore_mem>>) src(%arg6 : memref<125x8xf32, #tpu.memory_space<vmem>>) dst(%dma_wait3A_22 : memref<10112x8xf32, #tpu.memory_space<vmem_shared>>)
    }
    %scan3A_15 = arith.constant 8 : i32
    %barrier3A_16 = arith.constant 0 : index
    tpu.barrier barrier_id(%barrier3A_16)
    "tpu.region"() ({
      %run_scoped3A_17 = tpu.sem_alloc : memref<!tpu.dma_semaphore, #tpu.memory_space<semaphore_mem>>
      %dma_start3A = arith.constant 0 : i32
      %dma_start3A_18 = tpu.memref_slice %arg8[%mul3A_2, %dma_start3A] : memref<10112x8xf32, #tpu.memory_space<vmem_shared>> -> memref<632x8xf32, #tpu.memory_space<vmem_shared>>
      %dma_start3A_19 = arith.constant 0 : i32
      %dma_start3A_20 = tpu.memref_slice %arg8[%mul3A_2, %dma_start3A_19] : memref<10112x8xf32, #tpu.memory_space<vmem_shared>> -> memref<632x8xf32, #tpu.memory_space<vmem_shared>>
      tpu.enqueue_dma source(%dma_start3A_20 : memref<632x8xf32, #tpu.memory_space<vmem_shared>>) target(%arg7 : memref<632x8xf32, #tpu.memory_space<vmem>>) target_semaphore(%run_scoped3A_17 : memref<!tpu.dma_semaphore, #tpu.memory_space<semaphore_mem>>)
      %dma_wait3A = arith.constant 0 : i32
      %dma_wait3A_21 = tpu.memref_slice %arg8[%mul3A_2, %dma_wait3A] : memref<10112x8xf32, #tpu.memory_space<vmem_shared>> -> memref<632x8xf32, #tpu.memory_space<vmem_shared>>
      %dma_wait3A_22 = arith.constant 0 : i32
      %dma_wait3A_23 = tpu.memref_slice %arg8[%mul3A_2, %dma_wait3A_22] : memref<10112x8xf32, #tpu.memory_space<vmem_shared>> -> memref<632x8xf32, #tpu.memory_space<vmem_shared>>
      tpu.wait_dma2 semaphore(%run_scoped3A_17 : memref<!tpu.dma_semaphore, #tpu.memory_space<semaphore_mem>>) src(%dma_wait3A_23 : memref<632x8xf32, #tpu.memory_space<vmem_shared>>) dst(%arg7 : memref<632x8xf32, #tpu.memory_space<vmem>>)
      tpu.yield
    }) : () -> ()
    "tpu.region"() ({
      %run_scoped3A_17 = tpu.sem_alloc : memref<!tpu.dma_semaphore, #tpu.memory_space<semaphore_mem>>
      %dma_start3A = arith.constant 0 : i32
      %dma_start3A_18 = tpu.memref_slice %arg4[%arg0, %mul3A_2, %dma_start3A] : memref<2x10112x8xf32, #tpu.memory_space<hbm>> -> memref<1x632x8xf32, #tpu.memory_space<hbm>>
      %dma_start3A_19 = tpu.memref_squeeze %dma_start3A_18 : memref<1x632x8xf32, #tpu.memory_space<hbm>> -> memref<632x8xf32, #tpu.memory_space<hbm>>
      %dma_start3A_20 = arith.constant 0 : i32
      %dma_start3A_21 = tpu.memref_slice %arg4[%arg0, %mul3A_2, %dma_start3A_20] : memref<2x10112x8xf32, #tpu.memory_space<hbm>> -> memref<1x632x8xf32, #tpu.memory_space<hbm>>
      %dma_start3A_22 = tpu.memref_squeeze %dma_start3A_21 : memref<1x632x8xf32, #tpu.memory_space<hbm>> -> memref<632x8xf32, #tpu.memory_space<hbm>>
      tpu.enqueue_dma source(%arg7 : memref<632x8xf32, #tpu.memory_space<vmem>>) target(%dma_start3A_22 : memref<632x8xf32, #tpu.memory_space<hbm>>) target_semaphore(%run_scoped3A_17 : memref<!tpu.dma_semaphore, #tpu.memory_space<semaphore_mem>>)
      %dma_wait3A = arith.constant 0 : i32
      %dma_wait3A_23 = tpu.memref_slice %arg4[%arg0, %mul3A_2, %dma_wait3A] : memref<2x10112x8xf32, #tpu.memory_space<hbm>> -> memref<1x632x8xf32, #tpu.memory_space<hbm>>
      %dma_wait3A_24 = tpu.memref_squeeze %dma_wait3A_23 : memref<1x632x8xf32, #tpu.memory_space<hbm>> -> memref<632x8xf32, #tpu.memory_space<hbm>>
      %dma_wait3A_25 = arith.constant 0 : i32
      %dma_wait3A_26 = tpu.memref_slice %arg4[%arg0, %mul3A_2, %dma_wait3A_25] : memref<2x10112x8xf32, #tpu.memory_space<hbm>> -> memref<1x632x8xf32, #tpu.memory_space<hbm>>
      %dma_wait3A_27 = tpu.memref_squeeze %dma_wait3A_26 : memref<1x632x8xf32, #tpu.memory_space<hbm>> -> memref<632x8xf32, #tpu.memory_space<hbm>>
      tpu.wait_dma2 semaphore(%run_scoped3A_17 : memref<!tpu.dma_semaphore, #tpu.memory_space<semaphore_mem>>) src(%arg7 : memref<632x8xf32, #tpu.memory_space<vmem>>) dst(%dma_wait3A_27 : memref<632x8xf32, #tpu.memory_space<hbm>>)
      tpu.yield
    }) : () -> ()
    return
  }
}

#map = affine_map<(d0, d1) -> (0, 0)>
#map1 = affine_map<(d0, d1) -> (0, 0, 0)>
module attributes {stable_mosaic.version = 14 : i64} {
  func.func @sweep(%arg0: i32, %arg1: i32, %arg2: memref<10112x16xf32, #tpu.memory_space<hbm>>, %arg3: memref<2x2560x125xi32, #tpu.memory_space<hbm>>, %arg4: memref<2x10112x16xf32, #tpu.memory_space<hbm>>, %arg5: memref<80x125xi32, #tpu.memory_space<vmem>>, %arg6: memref<80x125xi32, #tpu.memory_space<vmem>>, %arg7: memref<125x16xf32, #tpu.memory_space<vmem>>, %arg8: memref<125x16xf32, #tpu.memory_space<vmem>>, %arg9: memref<125x16xf32, #tpu.memory_space<vmem>>, %arg10: memref<125x16xf32, #tpu.memory_space<vmem>>, %arg11: memref<125x16xf32, #tpu.memory_space<vmem>>, %arg12: memref<125x16xf32, #tpu.memory_space<vmem>>, %arg13: memref<125x16xf32, #tpu.memory_space<vmem>>, %arg14: memref<125x16xf32, #tpu.memory_space<vmem>>, %arg15: memref<632x16xf32, #tpu.memory_space<vmem>>, %arg16: memref<10112x16xf32, #tpu.memory_space<vmem_shared>>, %arg17: memref<10112x16xf32, #tpu.memory_space<vmem_shared>>, %arg18: memref<!tpu.dma_semaphore, #tpu.memory_space<semaphore_mem>>, %arg19: memref<!tpu.dma_semaphore, #tpu.memory_space<semaphore_mem>>, %arg20: memref<!tpu.dma_semaphore, #tpu.memory_space<semaphore_mem>>, %arg21: memref<!tpu.dma_semaphore, #tpu.memory_space<semaphore_mem>>, %arg22: memref<!tpu.dma_semaphore, #tpu.memory_space<semaphore_mem>>, %arg23: memref<!tpu.dma_semaphore, #tpu.memory_space<semaphore_mem>>, %arg24: memref<!tpu.dma_semaphore, #tpu.memory_space<semaphore_mem>>, %arg25: memref<!tpu.dma_semaphore, #tpu.memory_space<semaphore_mem>>, %arg26: memref<!tpu.dma_semaphore, #tpu.memory_space<semaphore_mem>>, %arg27: memref<!tpu.dma_semaphore, #tpu.memory_space<semaphore_mem>>, %arg28: memref<!tpu.dma_semaphore, #tpu.memory_space<semaphore_mem>>, %arg29: memref<!tpu.dma_semaphore, #tpu.memory_space<semaphore_mem>>, %arg30: memref<!tpu.dma_semaphore, #tpu.memory_space<semaphore_mem>>, %arg31: memref<!tpu.dma_semaphore, #tpu.memory_space<semaphore_mem>>, %arg32: memref<!tpu.dma_semaphore, #tpu.memory_space<semaphore_mem>>, %arg33: memref<!tpu.dma_semaphore, #tpu.memory_space<semaphore_mem>>) attributes {dimension_semantics = [#tpu.dimension_semantics<core_parallel>, #tpu.dimension_semantics<subcore_parallel>], iteration_bounds = array<i64: 2, 16>, scalar_prefetch = 0 : i64, scratch_operands = 29 : i64, tpu.core_type = #tpu.core_type<sc_vector_subcore>, window_params = [{transform_indices = #map}, {transform_indices = #map1}, {transform_indices = #map1}]} {
    %mul3A = arith.constant 16 : i32
    %mul3A_0 = arith.muli %arg0, %mul3A : i32
    %add3A = arith.addi %mul3A_0, %arg1 : i32
    %mul3A_1 = arith.constant 632 : i32
    %mul3A_2 = arith.muli %arg1, %mul3A_1 : i32
    %mul3A_3 = arith.constant 80 : i32
    %mul3A_4 = arith.muli %add3A, %mul3A_3 : i32
    %run_scoped3A = arith.constant 0 : i32
    "tpu.region"() ({
      %run_scoped3A_68 = tpu.sem_alloc : memref<!tpu.dma_semaphore, #tpu.memory_space<semaphore_mem>>
      %dma_start3A_69 = arith.constant 0 : i32
      %dma_start3A_70 = tpu.memref_slice %arg3[%run_scoped3A, %mul3A_4, %dma_start3A_69] : memref<2x2560x125xi32, #tpu.memory_space<hbm>> -> memref<1x80x125xi32, #tpu.memory_space<hbm>>
      %dma_start3A_71 = tpu.memref_squeeze %dma_start3A_70 : memref<1x80x125xi32, #tpu.memory_space<hbm>> -> memref<80x125xi32, #tpu.memory_space<hbm>>
      %dma_start3A_72 = arith.constant 0 : i32
      %dma_start3A_73 = tpu.memref_slice %arg3[%run_scoped3A, %mul3A_4, %dma_start3A_72] : memref<2x2560x125xi32, #tpu.memory_space<hbm>> -> memref<1x80x125xi32, #tpu.memory_space<hbm>>
      %dma_start3A_74 = tpu.memref_squeeze %dma_start3A_73 : memref<1x80x125xi32, #tpu.memory_space<hbm>> -> memref<80x125xi32, #tpu.memory_space<hbm>>
      tpu.enqueue_dma source(%dma_start3A_74 : memref<80x125xi32, #tpu.memory_space<hbm>>) target(%arg5 : memref<80x125xi32, #tpu.memory_space<vmem>>) target_semaphore(%run_scoped3A_68 : memref<!tpu.dma_semaphore, #tpu.memory_space<semaphore_mem>>)
      %dma_wait3A_75 = arith.constant 0 : i32
      %dma_wait3A_76 = tpu.memref_slice %arg3[%run_scoped3A, %mul3A_4, %dma_wait3A_75] : memref<2x2560x125xi32, #tpu.memory_space<hbm>> -> memref<1x80x125xi32, #tpu.memory_space<hbm>>
      %dma_wait3A_77 = tpu.memref_squeeze %dma_wait3A_76 : memref<1x80x125xi32, #tpu.memory_space<hbm>> -> memref<80x125xi32, #tpu.memory_space<hbm>>
      %dma_wait3A_78 = arith.constant 0 : i32
      %dma_wait3A_79 = tpu.memref_slice %arg3[%run_scoped3A, %mul3A_4, %dma_wait3A_78] : memref<2x2560x125xi32, #tpu.memory_space<hbm>> -> memref<1x80x125xi32, #tpu.memory_space<hbm>>
      %dma_wait3A_80 = tpu.memref_squeeze %dma_wait3A_79 : memref<1x80x125xi32, #tpu.memory_space<hbm>> -> memref<80x125xi32, #tpu.memory_space<hbm>>
      tpu.wait_dma2 semaphore(%run_scoped3A_68 : memref<!tpu.dma_semaphore, #tpu.memory_space<semaphore_mem>>) src(%dma_wait3A_80 : memref<80x125xi32, #tpu.memory_space<hbm>>) dst(%arg5 : memref<80x125xi32, #tpu.memory_space<vmem>>)
      tpu.yield
    }) : () -> ()
    %mul3A_5 = arith.constant 80 : i32
    %mul3A_6 = arith.muli %add3A, %mul3A_5 : i32
    %run_scoped3A_7 = arith.constant 1 : i32
    "tpu.region"() ({
      %run_scoped3A_68 = tpu.sem_alloc : memref<!tpu.dma_semaphore, #tpu.memory_space<semaphore_mem>>
      %dma_start3A_69 = arith.constant 0 : i32
      %dma_start3A_70 = tpu.memref_slice %arg3[%run_scoped3A_7, %mul3A_6, %dma_start3A_69] : memref<2x2560x125xi32, #tpu.memory_space<hbm>> -> memref<1x80x125xi32, #tpu.memory_space<hbm>>
      %dma_start3A_71 = tpu.memref_squeeze %dma_start3A_70 : memref<1x80x125xi32, #tpu.memory_space<hbm>> -> memref<80x125xi32, #tpu.memory_space<hbm>>
      %dma_start3A_72 = arith.constant 0 : i32
      %dma_start3A_73 = tpu.memref_slice %arg3[%run_scoped3A_7, %mul3A_6, %dma_start3A_72] : memref<2x2560x125xi32, #tpu.memory_space<hbm>> -> memref<1x80x125xi32, #tpu.memory_space<hbm>>
      %dma_start3A_74 = tpu.memref_squeeze %dma_start3A_73 : memref<1x80x125xi32, #tpu.memory_space<hbm>> -> memref<80x125xi32, #tpu.memory_space<hbm>>
      tpu.enqueue_dma source(%dma_start3A_74 : memref<80x125xi32, #tpu.memory_space<hbm>>) target(%arg6 : memref<80x125xi32, #tpu.memory_space<vmem>>) target_semaphore(%run_scoped3A_68 : memref<!tpu.dma_semaphore, #tpu.memory_space<semaphore_mem>>)
      %dma_wait3A_75 = arith.constant 0 : i32
      %dma_wait3A_76 = tpu.memref_slice %arg3[%run_scoped3A_7, %mul3A_6, %dma_wait3A_75] : memref<2x2560x125xi32, #tpu.memory_space<hbm>> -> memref<1x80x125xi32, #tpu.memory_space<hbm>>
      %dma_wait3A_77 = tpu.memref_squeeze %dma_wait3A_76 : memref<1x80x125xi32, #tpu.memory_space<hbm>> -> memref<80x125xi32, #tpu.memory_space<hbm>>
      %dma_wait3A_78 = arith.constant 0 : i32
      %dma_wait3A_79 = tpu.memref_slice %arg3[%run_scoped3A_7, %mul3A_6, %dma_wait3A_78] : memref<2x2560x125xi32, #tpu.memory_space<hbm>> -> memref<1x80x125xi32, #tpu.memory_space<hbm>>
      %dma_wait3A_80 = tpu.memref_squeeze %dma_wait3A_79 : memref<1x80x125xi32, #tpu.memory_space<hbm>> -> memref<80x125xi32, #tpu.memory_space<hbm>>
      tpu.wait_dma2 semaphore(%run_scoped3A_68 : memref<!tpu.dma_semaphore, #tpu.memory_space<semaphore_mem>>) src(%dma_wait3A_80 : memref<80x125xi32, #tpu.memory_space<hbm>>) dst(%arg6 : memref<80x125xi32, #tpu.memory_space<vmem>>)
      tpu.yield
    }) : () -> ()
    "tpu.region"() ({
      %run_scoped3A_68 = tpu.sem_alloc : memref<!tpu.dma_semaphore, #tpu.memory_space<semaphore_mem>>
      %dma_start3A_69 = arith.constant 0 : i32
      %dma_start3A_70 = tpu.memref_slice %arg2[%mul3A_2, %dma_start3A_69] : memref<10112x16xf32, #tpu.memory_space<hbm>> -> memref<632x16xf32, #tpu.memory_space<hbm>>
      %dma_start3A_71 = arith.constant 0 : i32
      %dma_start3A_72 = tpu.memref_slice %arg2[%mul3A_2, %dma_start3A_71] : memref<10112x16xf32, #tpu.memory_space<hbm>> -> memref<632x16xf32, #tpu.memory_space<hbm>>
      tpu.enqueue_dma source(%dma_start3A_72 : memref<632x16xf32, #tpu.memory_space<hbm>>) target(%arg15 : memref<632x16xf32, #tpu.memory_space<vmem>>) target_semaphore(%run_scoped3A_68 : memref<!tpu.dma_semaphore, #tpu.memory_space<semaphore_mem>>)
      %dma_wait3A_73 = arith.constant 0 : i32
      %dma_wait3A_74 = tpu.memref_slice %arg2[%mul3A_2, %dma_wait3A_73] : memref<10112x16xf32, #tpu.memory_space<hbm>> -> memref<632x16xf32, #tpu.memory_space<hbm>>
      %dma_wait3A_75 = arith.constant 0 : i32
      %dma_wait3A_76 = tpu.memref_slice %arg2[%mul3A_2, %dma_wait3A_75] : memref<10112x16xf32, #tpu.memory_space<hbm>> -> memref<632x16xf32, #tpu.memory_space<hbm>>
      tpu.wait_dma2 semaphore(%run_scoped3A_68 : memref<!tpu.dma_semaphore, #tpu.memory_space<semaphore_mem>>) src(%dma_wait3A_76 : memref<632x16xf32, #tpu.memory_space<hbm>>) dst(%arg15 : memref<632x16xf32, #tpu.memory_space<vmem>>)
      tpu.yield
    }) : () -> ()
    "tpu.region"() ({
      %run_scoped3A_68 = tpu.sem_alloc : memref<!tpu.dma_semaphore, #tpu.memory_space<semaphore_mem>>
      %dma_start3A_69 = arith.constant 0 : i32
      %dma_start3A_70 = tpu.memref_slice %arg16[%mul3A_2, %dma_start3A_69] : memref<10112x16xf32, #tpu.memory_space<vmem_shared>> -> memref<632x16xf32, #tpu.memory_space<vmem_shared>>
      %dma_start3A_71 = arith.constant 0 : i32
      %dma_start3A_72 = tpu.memref_slice %arg16[%mul3A_2, %dma_start3A_71] : memref<10112x16xf32, #tpu.memory_space<vmem_shared>> -> memref<632x16xf32, #tpu.memory_space<vmem_shared>>
      tpu.enqueue_dma source(%arg15 : memref<632x16xf32, #tpu.memory_space<vmem>>) target(%dma_start3A_72 : memref<632x16xf32, #tpu.memory_space<vmem_shared>>) target_semaphore(%run_scoped3A_68 : memref<!tpu.dma_semaphore, #tpu.memory_space<semaphore_mem>>)
      %dma_wait3A_73 = arith.constant 0 : i32
      %dma_wait3A_74 = tpu.memref_slice %arg16[%mul3A_2, %dma_wait3A_73] : memref<10112x16xf32, #tpu.memory_space<vmem_shared>> -> memref<632x16xf32, #tpu.memory_space<vmem_shared>>
      %dma_wait3A_75 = arith.constant 0 : i32
      %dma_wait3A_76 = tpu.memref_slice %arg16[%mul3A_2, %dma_wait3A_75] : memref<10112x16xf32, #tpu.memory_space<vmem_shared>> -> memref<632x16xf32, #tpu.memory_space<vmem_shared>>
      tpu.wait_dma2 semaphore(%run_scoped3A_68 : memref<!tpu.dma_semaphore, #tpu.memory_space<semaphore_mem>>) src(%arg15 : memref<632x16xf32, #tpu.memory_space<vmem>>) dst(%dma_wait3A_76 : memref<632x16xf32, #tpu.memory_space<vmem_shared>>)
      tpu.yield
    }) : () -> ()
    "tpu.region"() ({
      %run_scoped3A_68 = tpu.sem_alloc : memref<!tpu.dma_semaphore, #tpu.memory_space<semaphore_mem>>
      %dma_start3A_69 = arith.constant 0 : i32
      %dma_start3A_70 = tpu.memref_slice %arg17[%mul3A_2, %dma_start3A_69] : memref<10112x16xf32, #tpu.memory_space<vmem_shared>> -> memref<632x16xf32, #tpu.memory_space<vmem_shared>>
      %dma_start3A_71 = arith.constant 0 : i32
      %dma_start3A_72 = tpu.memref_slice %arg17[%mul3A_2, %dma_start3A_71] : memref<10112x16xf32, #tpu.memory_space<vmem_shared>> -> memref<632x16xf32, #tpu.memory_space<vmem_shared>>
      tpu.enqueue_dma source(%arg15 : memref<632x16xf32, #tpu.memory_space<vmem>>) target(%dma_start3A_72 : memref<632x16xf32, #tpu.memory_space<vmem_shared>>) target_semaphore(%run_scoped3A_68 : memref<!tpu.dma_semaphore, #tpu.memory_space<semaphore_mem>>)
      %dma_wait3A_73 = arith.constant 0 : i32
      %dma_wait3A_74 = tpu.memref_slice %arg17[%mul3A_2, %dma_wait3A_73] : memref<10112x16xf32, #tpu.memory_space<vmem_shared>> -> memref<632x16xf32, #tpu.memory_space<vmem_shared>>
      %dma_wait3A_75 = arith.constant 0 : i32
      %dma_wait3A_76 = tpu.memref_slice %arg17[%mul3A_2, %dma_wait3A_75] : memref<10112x16xf32, #tpu.memory_space<vmem_shared>> -> memref<632x16xf32, #tpu.memory_space<vmem_shared>>
      tpu.wait_dma2 semaphore(%run_scoped3A_68 : memref<!tpu.dma_semaphore, #tpu.memory_space<semaphore_mem>>) src(%arg15 : memref<632x16xf32, #tpu.memory_space<vmem>>) dst(%dma_wait3A_76 : memref<632x16xf32, #tpu.memory_space<vmem_shared>>)
      tpu.yield
    }) : () -> ()
    %barrier3A = arith.constant 0 : index
    tpu.barrier barrier_id(%barrier3A)
    %dma_start3A = arith.constant 0 : i32
    %dma_start3A_8 = arith.constant 0 : i32
    %dma_start3A_9 = tpu.memref_slice %arg5[%dma_start3A, %dma_start3A_8] : memref<80x125xi32, #tpu.memory_space<vmem>> -> memref<1x125xi32, #tpu.memory_space<vmem>>
    %dma_start3A_10 = tpu.memref_squeeze %dma_start3A_9 : memref<1x125xi32, #tpu.memory_space<vmem>> -> memref<125xi32, #tpu.memory_space<vmem>>
    %dma_start3A_11 = arith.constant 0 : i32
    %dma_start3A_12 = arith.constant 0 : i32
    %dma_start3A_13 = tpu.memref_slice %arg16[%dma_start3A_11, %dma_start3A_12] : memref<10112x16xf32, #tpu.memory_space<vmem_shared>> -> memref<10112x16xf32, #tpu.memory_space<vmem_shared>>
    tpu.enqueue_indirect_dma source(%dma_start3A_13 : memref<10112x16xf32, #tpu.memory_space<vmem_shared>>) target(%arg7 : memref<125x16xf32, #tpu.memory_space<vmem>>) offsets(%dma_start3A_10 : memref<125xi32, #tpu.memory_space<vmem>>) semaphore(%arg18 : memref<!tpu.dma_semaphore, #tpu.memory_space<semaphore_mem>>)
    %dma_start3A_14 = arith.constant 1 : i32
    %dma_start3A_15 = arith.constant 0 : i32
    %dma_start3A_16 = tpu.memref_slice %arg5[%dma_start3A_14, %dma_start3A_15] : memref<80x125xi32, #tpu.memory_space<vmem>> -> memref<1x125xi32, #tpu.memory_space<vmem>>
    %dma_start3A_17 = tpu.memref_squeeze %dma_start3A_16 : memref<1x125xi32, #tpu.memory_space<vmem>> -> memref<125xi32, #tpu.memory_space<vmem>>
    %dma_start3A_18 = arith.constant 0 : i32
    %dma_start3A_19 = arith.constant 0 : i32
    %dma_start3A_20 = tpu.memref_slice %arg16[%dma_start3A_18, %dma_start3A_19] : memref<10112x16xf32, #tpu.memory_space<vmem_shared>> -> memref<10112x16xf32, #tpu.memory_space<vmem_shared>>
    tpu.enqueue_indirect_dma source(%dma_start3A_20 : memref<10112x16xf32, #tpu.memory_space<vmem_shared>>) target(%arg8 : memref<125x16xf32, #tpu.memory_space<vmem>>) offsets(%dma_start3A_17 : memref<125xi32, #tpu.memory_space<vmem>>) semaphore(%arg19 : memref<!tpu.dma_semaphore, #tpu.memory_space<semaphore_mem>>)
    %dma_start3A_21 = arith.constant 2 : i32
    %dma_start3A_22 = arith.constant 0 : i32
    %dma_start3A_23 = tpu.memref_slice %arg5[%dma_start3A_21, %dma_start3A_22] : memref<80x125xi32, #tpu.memory_space<vmem>> -> memref<1x125xi32, #tpu.memory_space<vmem>>
    %dma_start3A_24 = tpu.memref_squeeze %dma_start3A_23 : memref<1x125xi32, #tpu.memory_space<vmem>> -> memref<125xi32, #tpu.memory_space<vmem>>
    %dma_start3A_25 = arith.constant 0 : i32
    %dma_start3A_26 = arith.constant 0 : i32
    %dma_start3A_27 = tpu.memref_slice %arg16[%dma_start3A_25, %dma_start3A_26] : memref<10112x16xf32, #tpu.memory_space<vmem_shared>> -> memref<10112x16xf32, #tpu.memory_space<vmem_shared>>
    tpu.enqueue_indirect_dma source(%dma_start3A_27 : memref<10112x16xf32, #tpu.memory_space<vmem_shared>>) target(%arg9 : memref<125x16xf32, #tpu.memory_space<vmem>>) offsets(%dma_start3A_24 : memref<125xi32, #tpu.memory_space<vmem>>) semaphore(%arg20 : memref<!tpu.dma_semaphore, #tpu.memory_space<semaphore_mem>>)
    %dma_start3A_28 = arith.constant 3 : i32
    %dma_start3A_29 = arith.constant 0 : i32
    %dma_start3A_30 = tpu.memref_slice %arg5[%dma_start3A_28, %dma_start3A_29] : memref<80x125xi32, #tpu.memory_space<vmem>> -> memref<1x125xi32, #tpu.memory_space<vmem>>
    %dma_start3A_31 = tpu.memref_squeeze %dma_start3A_30 : memref<1x125xi32, #tpu.memory_space<vmem>> -> memref<125xi32, #tpu.memory_space<vmem>>
    %dma_start3A_32 = arith.constant 0 : i32
    %dma_start3A_33 = arith.constant 0 : i32
    %dma_start3A_34 = tpu.memref_slice %arg16[%dma_start3A_32, %dma_start3A_33] : memref<10112x16xf32, #tpu.memory_space<vmem_shared>> -> memref<10112x16xf32, #tpu.memory_space<vmem_shared>>
    tpu.enqueue_indirect_dma source(%dma_start3A_34 : memref<10112x16xf32, #tpu.memory_space<vmem_shared>>) target(%arg10 : memref<125x16xf32, #tpu.memory_space<vmem>>) offsets(%dma_start3A_31 : memref<125xi32, #tpu.memory_space<vmem>>) semaphore(%arg21 : memref<!tpu.dma_semaphore, #tpu.memory_space<semaphore_mem>>)
    %scan3A = arith.constant 0 : i32
    %scan3A_35 = arith.constant 0 : i32
    %scan3A_36 = arith.constant 10 : i32
    %scan3A_37 = arith.addi %scan3A_35, %scan3A_36 : i32
    %scan3A_38 = arith.constant 1 : i32
    scf.for %scan3A_68 = %scan3A_35 to %scan3A_37 step %scan3A_38  : i32 {
      %mul3A_69 = arith.constant 8 : i32
      %mul3A_70 = arith.muli %scan3A_68, %mul3A_69 : i32
      %add3A_71 = arith.constant 0 : i32
      %add3A_72 = arith.addi %mul3A_70, %add3A_71 : i32
      %dma_wait3A_73 = arith.constant 0 : i32
      %dma_wait3A_74 = tpu.memref_slice %arg5[%add3A_72, %dma_wait3A_73] : memref<80x125xi32, #tpu.memory_space<vmem>> -> memref<1x125xi32, #tpu.memory_space<vmem>>
      %dma_wait3A_75 = tpu.memref_squeeze %dma_wait3A_74 : memref<1x125xi32, #tpu.memory_space<vmem>> -> memref<125xi32, #tpu.memory_space<vmem>>
      %dma_wait3A_76 = arith.constant 0 : i32
      %dma_wait3A_77 = arith.constant 0 : i32
      %dma_wait3A_78 = tpu.memref_slice %arg16[%dma_wait3A_76, %dma_wait3A_77] : memref<10112x16xf32, #tpu.memory_space<vmem_shared>> -> memref<10112x16xf32, #tpu.memory_space<vmem_shared>>
      tpu.wait_indirect_dma semaphore(%arg18 : memref<!tpu.dma_semaphore, #tpu.memory_space<semaphore_mem>>) src(%dma_wait3A_78 : memref<10112x16xf32, #tpu.memory_space<vmem_shared>>) dst(%arg7 : memref<125x16xf32, #tpu.memory_space<vmem>>)
      %dma_start3A_79 = arith.constant 0 : i32
      %dma_start3A_80 = tpu.memref_slice %arg6[%add3A_72, %dma_start3A_79] : memref<80x125xi32, #tpu.memory_space<vmem>> -> memref<1x125xi32, #tpu.memory_space<vmem>>
      %dma_start3A_81 = tpu.memref_squeeze %dma_start3A_80 : memref<1x125xi32, #tpu.memory_space<vmem>> -> memref<125xi32, #tpu.memory_space<vmem>>
      %dma_start3A_82 = arith.constant 0 : i32
      %dma_start3A_83 = arith.constant 0 : i32
      %dma_start3A_84 = tpu.memref_slice %arg17[%dma_start3A_82, %dma_start3A_83] : memref<10112x16xf32, #tpu.memory_space<vmem_shared>> -> memref<10112x16xf32, #tpu.memory_space<vmem_shared>>
      tpu.enqueue_indirect_dma source(%arg7 : memref<125x16xf32, #tpu.memory_space<vmem>>) target(%dma_start3A_84 : memref<10112x16xf32, #tpu.memory_space<vmem_shared>>) offsets(%dma_start3A_81 : memref<125xi32, #tpu.memory_space<vmem>>) semaphore(%arg26 : memref<!tpu.dma_semaphore, #tpu.memory_space<semaphore_mem>>) {add = true}
      %ge3A = arith.constant 4 : i32
      %ge3A_85 = arith.cmpi sge, %add3A_72, %ge3A : i32
      %convert_element_type3A = arith.extui %ge3A_85 : i1 to i32
      %cond3A = arith.constant 0 : i32
      %cond3A_86 = arith.cmpi ne, %convert_element_type3A, %cond3A : i32
      scf.if %cond3A_86 {
        %sub3A = arith.constant 4 : i32
        %sub3A_289 = arith.subi %add3A_72, %sub3A : i32
        %dma_wait3A_290 = arith.constant 0 : i32
        %dma_wait3A_291 = tpu.memref_slice %arg6[%sub3A_289, %dma_wait3A_290] : memref<80x125xi32, #tpu.memory_space<vmem>> -> memref<1x125xi32, #tpu.memory_space<vmem>>
        %dma_wait3A_292 = tpu.memref_squeeze %dma_wait3A_291 : memref<1x125xi32, #tpu.memory_space<vmem>> -> memref<125xi32, #tpu.memory_space<vmem>>
        %dma_wait3A_293 = arith.constant 0 : i32
        %dma_wait3A_294 = arith.constant 0 : i32
        %dma_wait3A_295 = tpu.memref_slice %arg17[%dma_wait3A_293, %dma_wait3A_294] : memref<10112x16xf32, #tpu.memory_space<vmem_shared>> -> memref<10112x16xf32, #tpu.memory_space<vmem_shared>>
        tpu.wait_indirect_dma semaphore(%arg30 : memref<!tpu.dma_semaphore, #tpu.memory_space<semaphore_mem>>) src(%arg11 : memref<125x16xf32, #tpu.memory_space<vmem>>) dst(%dma_wait3A_295 : memref<10112x16xf32, #tpu.memory_space<vmem_shared>>)
      } else {
      }
      %add3A_87 = arith.constant 4 : i32
      %add3A_88 = arith.addi %add3A_72, %add3A_87 : i32
      %lt3A = arith.constant 80 : i32
      %lt3A_89 = arith.cmpi slt, %add3A_88, %lt3A : i32
      %convert_element_type3A_90 = arith.extui %lt3A_89 : i1 to i32
      %cond3A_91 = arith.constant 0 : i32
      %cond3A_92 = arith.cmpi ne, %convert_element_type3A_90, %cond3A_91 : i32
      scf.if %cond3A_92 {
        %add3A_289 = arith.constant 4 : i32
        %add3A_290 = arith.addi %add3A_72, %add3A_289 : i32
        %dma_start3A_291 = arith.constant 0 : i32
        %dma_start3A_292 = tpu.memref_slice %arg5[%add3A_290, %dma_start3A_291] : memref<80x125xi32, #tpu.memory_space<vmem>> -> memref<1x125xi32, #tpu.memory_space<vmem>>
        %dma_start3A_293 = tpu.memref_squeeze %dma_start3A_292 : memref<1x125xi32, #tpu.memory_space<vmem>> -> memref<125xi32, #tpu.memory_space<vmem>>
        %dma_start3A_294 = arith.constant 0 : i32
        %dma_start3A_295 = arith.constant 0 : i32
        %dma_start3A_296 = tpu.memref_slice %arg16[%dma_start3A_294, %dma_start3A_295] : memref<10112x16xf32, #tpu.memory_space<vmem_shared>> -> memref<10112x16xf32, #tpu.memory_space<vmem_shared>>
        tpu.enqueue_indirect_dma source(%dma_start3A_296 : memref<10112x16xf32, #tpu.memory_space<vmem_shared>>) target(%arg11 : memref<125x16xf32, #tpu.memory_space<vmem>>) offsets(%dma_start3A_293 : memref<125xi32, #tpu.memory_space<vmem>>) semaphore(%arg22 : memref<!tpu.dma_semaphore, #tpu.memory_space<semaphore_mem>>)
      } else {
      }
      %mul3A_93 = arith.constant 8 : i32
      %mul3A_94 = arith.muli %scan3A_68, %mul3A_93 : i32
      %add3A_95 = arith.constant 1 : i32
      %add3A_96 = arith.addi %mul3A_94, %add3A_95 : i32
      %dma_wait3A_97 = arith.constant 0 : i32
      %dma_wait3A_98 = tpu.memref_slice %arg5[%add3A_96, %dma_wait3A_97] : memref<80x125xi32, #tpu.memory_space<vmem>> -> memref<1x125xi32, #tpu.memory_space<vmem>>
      %dma_wait3A_99 = tpu.memref_squeeze %dma_wait3A_98 : memref<1x125xi32, #tpu.memory_space<vmem>> -> memref<125xi32, #tpu.memory_space<vmem>>
      %dma_wait3A_100 = arith.constant 0 : i32
      %dma_wait3A_101 = arith.constant 0 : i32
      %dma_wait3A_102 = tpu.memref_slice %arg16[%dma_wait3A_100, %dma_wait3A_101] : memref<10112x16xf32, #tpu.memory_space<vmem_shared>> -> memref<10112x16xf32, #tpu.memory_space<vmem_shared>>
      tpu.wait_indirect_dma semaphore(%arg19 : memref<!tpu.dma_semaphore, #tpu.memory_space<semaphore_mem>>) src(%dma_wait3A_102 : memref<10112x16xf32, #tpu.memory_space<vmem_shared>>) dst(%arg8 : memref<125x16xf32, #tpu.memory_space<vmem>>)
      %dma_start3A_103 = arith.constant 0 : i32
      %dma_start3A_104 = tpu.memref_slice %arg6[%add3A_96, %dma_start3A_103] : memref<80x125xi32, #tpu.memory_space<vmem>> -> memref<1x125xi32, #tpu.memory_space<vmem>>
      %dma_start3A_105 = tpu.memref_squeeze %dma_start3A_104 : memref<1x125xi32, #tpu.memory_space<vmem>> -> memref<125xi32, #tpu.memory_space<vmem>>
      %dma_start3A_106 = arith.constant 0 : i32
      %dma_start3A_107 = arith.constant 0 : i32
      %dma_start3A_108 = tpu.memref_slice %arg17[%dma_start3A_106, %dma_start3A_107] : memref<10112x16xf32, #tpu.memory_space<vmem_shared>> -> memref<10112x16xf32, #tpu.memory_space<vmem_shared>>
      tpu.enqueue_indirect_dma source(%arg8 : memref<125x16xf32, #tpu.memory_space<vmem>>) target(%dma_start3A_108 : memref<10112x16xf32, #tpu.memory_space<vmem_shared>>) offsets(%dma_start3A_105 : memref<125xi32, #tpu.memory_space<vmem>>) semaphore(%arg27 : memref<!tpu.dma_semaphore, #tpu.memory_space<semaphore_mem>>) {add = true}
      %ge3A_109 = arith.constant 4 : i32
      %ge3A_110 = arith.cmpi sge, %add3A_96, %ge3A_109 : i32
      %convert_element_type3A_111 = arith.extui %ge3A_110 : i1 to i32
      %cond3A_112 = arith.constant 0 : i32
      %cond3A_113 = arith.cmpi ne, %convert_element_type3A_111, %cond3A_112 : i32
      scf.if %cond3A_113 {
        %sub3A = arith.constant 4 : i32
        %sub3A_289 = arith.subi %add3A_96, %sub3A : i32
        %dma_wait3A_290 = arith.constant 0 : i32
        %dma_wait3A_291 = tpu.memref_slice %arg6[%sub3A_289, %dma_wait3A_290] : memref<80x125xi32, #tpu.memory_space<vmem>> -> memref<1x125xi32, #tpu.memory_space<vmem>>
        %dma_wait3A_292 = tpu.memref_squeeze %dma_wait3A_291 : memref<1x125xi32, #tpu.memory_space<vmem>> -> memref<125xi32, #tpu.memory_space<vmem>>
        %dma_wait3A_293 = arith.constant 0 : i32
        %dma_wait3A_294 = arith.constant 0 : i32
        %dma_wait3A_295 = tpu.memref_slice %arg17[%dma_wait3A_293, %dma_wait3A_294] : memref<10112x16xf32, #tpu.memory_space<vmem_shared>> -> memref<10112x16xf32, #tpu.memory_space<vmem_shared>>
        tpu.wait_indirect_dma semaphore(%arg31 : memref<!tpu.dma_semaphore, #tpu.memory_space<semaphore_mem>>) src(%arg12 : memref<125x16xf32, #tpu.memory_space<vmem>>) dst(%dma_wait3A_295 : memref<10112x16xf32, #tpu.memory_space<vmem_shared>>)
      } else {
      }
      %add3A_114 = arith.constant 4 : i32
      %add3A_115 = arith.addi %add3A_96, %add3A_114 : i32
      %lt3A_116 = arith.constant 80 : i32
      %lt3A_117 = arith.cmpi slt, %add3A_115, %lt3A_116 : i32
      %convert_element_type3A_118 = arith.extui %lt3A_117 : i1 to i32
      %cond3A_119 = arith.constant 0 : i32
      %cond3A_120 = arith.cmpi ne, %convert_element_type3A_118, %cond3A_119 : i32
      scf.if %cond3A_120 {
        %add3A_289 = arith.constant 4 : i32
        %add3A_290 = arith.addi %add3A_96, %add3A_289 : i32
        %dma_start3A_291 = arith.constant 0 : i32
        %dma_start3A_292 = tpu.memref_slice %arg5[%add3A_290, %dma_start3A_291] : memref<80x125xi32, #tpu.memory_space<vmem>> -> memref<1x125xi32, #tpu.memory_space<vmem>>
        %dma_start3A_293 = tpu.memref_squeeze %dma_start3A_292 : memref<1x125xi32, #tpu.memory_space<vmem>> -> memref<125xi32, #tpu.memory_space<vmem>>
        %dma_start3A_294 = arith.constant 0 : i32
        %dma_start3A_295 = arith.constant 0 : i32
        %dma_start3A_296 = tpu.memref_slice %arg16[%dma_start3A_294, %dma_start3A_295] : memref<10112x16xf32, #tpu.memory_space<vmem_shared>> -> memref<10112x16xf32, #tpu.memory_space<vmem_shared>>
        tpu.enqueue_indirect_dma source(%dma_start3A_296 : memref<10112x16xf32, #tpu.memory_space<vmem_shared>>) target(%arg12 : memref<125x16xf32, #tpu.memory_space<vmem>>) offsets(%dma_start3A_293 : memref<125xi32, #tpu.memory_space<vmem>>) semaphore(%arg23 : memref<!tpu.dma_semaphore, #tpu.memory_space<semaphore_mem>>)
      } else {
      }
      %mul3A_121 = arith.constant 8 : i32
      %mul3A_122 = arith.muli %scan3A_68, %mul3A_121 : i32
      %add3A_123 = arith.constant 2 : i32
      %add3A_124 = arith.addi %mul3A_122, %add3A_123 : i32
      %dma_wait3A_125 = arith.constant 0 : i32
      %dma_wait3A_126 = tpu.memref_slice %arg5[%add3A_124, %dma_wait3A_125] : memref<80x125xi32, #tpu.memory_space<vmem>> -> memref<1x125xi32, #tpu.memory_space<vmem>>
      %dma_wait3A_127 = tpu.memref_squeeze %dma_wait3A_126 : memref<1x125xi32, #tpu.memory_space<vmem>> -> memref<125xi32, #tpu.memory_space<vmem>>
      %dma_wait3A_128 = arith.constant 0 : i32
      %dma_wait3A_129 = arith.constant 0 : i32
      %dma_wait3A_130 = tpu.memref_slice %arg16[%dma_wait3A_128, %dma_wait3A_129] : memref<10112x16xf32, #tpu.memory_space<vmem_shared>> -> memref<10112x16xf32, #tpu.memory_space<vmem_shared>>
      tpu.wait_indirect_dma semaphore(%arg20 : memref<!tpu.dma_semaphore, #tpu.memory_space<semaphore_mem>>) src(%dma_wait3A_130 : memref<10112x16xf32, #tpu.memory_space<vmem_shared>>) dst(%arg9 : memref<125x16xf32, #tpu.memory_space<vmem>>)
      %dma_start3A_131 = arith.constant 0 : i32
      %dma_start3A_132 = tpu.memref_slice %arg6[%add3A_124, %dma_start3A_131] : memref<80x125xi32, #tpu.memory_space<vmem>> -> memref<1x125xi32, #tpu.memory_space<vmem>>
      %dma_start3A_133 = tpu.memref_squeeze %dma_start3A_132 : memref<1x125xi32, #tpu.memory_space<vmem>> -> memref<125xi32, #tpu.memory_space<vmem>>
      %dma_start3A_134 = arith.constant 0 : i32
      %dma_start3A_135 = arith.constant 0 : i32
      %dma_start3A_136 = tpu.memref_slice %arg17[%dma_start3A_134, %dma_start3A_135] : memref<10112x16xf32, #tpu.memory_space<vmem_shared>> -> memref<10112x16xf32, #tpu.memory_space<vmem_shared>>
      tpu.enqueue_indirect_dma source(%arg9 : memref<125x16xf32, #tpu.memory_space<vmem>>) target(%dma_start3A_136 : memref<10112x16xf32, #tpu.memory_space<vmem_shared>>) offsets(%dma_start3A_133 : memref<125xi32, #tpu.memory_space<vmem>>) semaphore(%arg28 : memref<!tpu.dma_semaphore, #tpu.memory_space<semaphore_mem>>) {add = true}
      %ge3A_137 = arith.constant 4 : i32
      %ge3A_138 = arith.cmpi sge, %add3A_124, %ge3A_137 : i32
      %convert_element_type3A_139 = arith.extui %ge3A_138 : i1 to i32
      %cond3A_140 = arith.constant 0 : i32
      %cond3A_141 = arith.cmpi ne, %convert_element_type3A_139, %cond3A_140 : i32
      scf.if %cond3A_141 {
        %sub3A = arith.constant 4 : i32
        %sub3A_289 = arith.subi %add3A_124, %sub3A : i32
        %dma_wait3A_290 = arith.constant 0 : i32
        %dma_wait3A_291 = tpu.memref_slice %arg6[%sub3A_289, %dma_wait3A_290] : memref<80x125xi32, #tpu.memory_space<vmem>> -> memref<1x125xi32, #tpu.memory_space<vmem>>
        %dma_wait3A_292 = tpu.memref_squeeze %dma_wait3A_291 : memref<1x125xi32, #tpu.memory_space<vmem>> -> memref<125xi32, #tpu.memory_space<vmem>>
        %dma_wait3A_293 = arith.constant 0 : i32
        %dma_wait3A_294 = arith.constant 0 : i32
        %dma_wait3A_295 = tpu.memref_slice %arg17[%dma_wait3A_293, %dma_wait3A_294] : memref<10112x16xf32, #tpu.memory_space<vmem_shared>> -> memref<10112x16xf32, #tpu.memory_space<vmem_shared>>
        tpu.wait_indirect_dma semaphore(%arg32 : memref<!tpu.dma_semaphore, #tpu.memory_space<semaphore_mem>>) src(%arg13 : memref<125x16xf32, #tpu.memory_space<vmem>>) dst(%dma_wait3A_295 : memref<10112x16xf32, #tpu.memory_space<vmem_shared>>)
      } else {
      }
      %add3A_142 = arith.constant 4 : i32
      %add3A_143 = arith.addi %add3A_124, %add3A_142 : i32
      %lt3A_144 = arith.constant 80 : i32
      %lt3A_145 = arith.cmpi slt, %add3A_143, %lt3A_144 : i32
      %convert_element_type3A_146 = arith.extui %lt3A_145 : i1 to i32
      %cond3A_147 = arith.constant 0 : i32
      %cond3A_148 = arith.cmpi ne, %convert_element_type3A_146, %cond3A_147 : i32
      scf.if %cond3A_148 {
        %add3A_289 = arith.constant 4 : i32
        %add3A_290 = arith.addi %add3A_124, %add3A_289 : i32
        %dma_start3A_291 = arith.constant 0 : i32
        %dma_start3A_292 = tpu.memref_slice %arg5[%add3A_290, %dma_start3A_291] : memref<80x125xi32, #tpu.memory_space<vmem>> -> memref<1x125xi32, #tpu.memory_space<vmem>>
        %dma_start3A_293 = tpu.memref_squeeze %dma_start3A_292 : memref<1x125xi32, #tpu.memory_space<vmem>> -> memref<125xi32, #tpu.memory_space<vmem>>
        %dma_start3A_294 = arith.constant 0 : i32
        %dma_start3A_295 = arith.constant 0 : i32
        %dma_start3A_296 = tpu.memref_slice %arg16[%dma_start3A_294, %dma_start3A_295] : memref<10112x16xf32, #tpu.memory_space<vmem_shared>> -> memref<10112x16xf32, #tpu.memory_space<vmem_shared>>
        tpu.enqueue_indirect_dma source(%dma_start3A_296 : memref<10112x16xf32, #tpu.memory_space<vmem_shared>>) target(%arg13 : memref<125x16xf32, #tpu.memory_space<vmem>>) offsets(%dma_start3A_293 : memref<125xi32, #tpu.memory_space<vmem>>) semaphore(%arg24 : memref<!tpu.dma_semaphore, #tpu.memory_space<semaphore_mem>>)
      } else {
      }
      %mul3A_149 = arith.constant 8 : i32
      %mul3A_150 = arith.muli %scan3A_68, %mul3A_149 : i32
      %add3A_151 = arith.constant 3 : i32
      %add3A_152 = arith.addi %mul3A_150, %add3A_151 : i32
      %dma_wait3A_153 = arith.constant 0 : i32
      %dma_wait3A_154 = tpu.memref_slice %arg5[%add3A_152, %dma_wait3A_153] : memref<80x125xi32, #tpu.memory_space<vmem>> -> memref<1x125xi32, #tpu.memory_space<vmem>>
      %dma_wait3A_155 = tpu.memref_squeeze %dma_wait3A_154 : memref<1x125xi32, #tpu.memory_space<vmem>> -> memref<125xi32, #tpu.memory_space<vmem>>
      %dma_wait3A_156 = arith.constant 0 : i32
      %dma_wait3A_157 = arith.constant 0 : i32
      %dma_wait3A_158 = tpu.memref_slice %arg16[%dma_wait3A_156, %dma_wait3A_157] : memref<10112x16xf32, #tpu.memory_space<vmem_shared>> -> memref<10112x16xf32, #tpu.memory_space<vmem_shared>>
      tpu.wait_indirect_dma semaphore(%arg21 : memref<!tpu.dma_semaphore, #tpu.memory_space<semaphore_mem>>) src(%dma_wait3A_158 : memref<10112x16xf32, #tpu.memory_space<vmem_shared>>) dst(%arg10 : memref<125x16xf32, #tpu.memory_space<vmem>>)
      %dma_start3A_159 = arith.constant 0 : i32
      %dma_start3A_160 = tpu.memref_slice %arg6[%add3A_152, %dma_start3A_159] : memref<80x125xi32, #tpu.memory_space<vmem>> -> memref<1x125xi32, #tpu.memory_space<vmem>>
      %dma_start3A_161 = tpu.memref_squeeze %dma_start3A_160 : memref<1x125xi32, #tpu.memory_space<vmem>> -> memref<125xi32, #tpu.memory_space<vmem>>
      %dma_start3A_162 = arith.constant 0 : i32
      %dma_start3A_163 = arith.constant 0 : i32
      %dma_start3A_164 = tpu.memref_slice %arg17[%dma_start3A_162, %dma_start3A_163] : memref<10112x16xf32, #tpu.memory_space<vmem_shared>> -> memref<10112x16xf32, #tpu.memory_space<vmem_shared>>
      tpu.enqueue_indirect_dma source(%arg10 : memref<125x16xf32, #tpu.memory_space<vmem>>) target(%dma_start3A_164 : memref<10112x16xf32, #tpu.memory_space<vmem_shared>>) offsets(%dma_start3A_161 : memref<125xi32, #tpu.memory_space<vmem>>) semaphore(%arg29 : memref<!tpu.dma_semaphore, #tpu.memory_space<semaphore_mem>>) {add = true}
      %ge3A_165 = arith.constant 4 : i32
      %ge3A_166 = arith.cmpi sge, %add3A_152, %ge3A_165 : i32
      %convert_element_type3A_167 = arith.extui %ge3A_166 : i1 to i32
      %cond3A_168 = arith.constant 0 : i32
      %cond3A_169 = arith.cmpi ne, %convert_element_type3A_167, %cond3A_168 : i32
      scf.if %cond3A_169 {
        %sub3A = arith.constant 4 : i32
        %sub3A_289 = arith.subi %add3A_152, %sub3A : i32
        %dma_wait3A_290 = arith.constant 0 : i32
        %dma_wait3A_291 = tpu.memref_slice %arg6[%sub3A_289, %dma_wait3A_290] : memref<80x125xi32, #tpu.memory_space<vmem>> -> memref<1x125xi32, #tpu.memory_space<vmem>>
        %dma_wait3A_292 = tpu.memref_squeeze %dma_wait3A_291 : memref<1x125xi32, #tpu.memory_space<vmem>> -> memref<125xi32, #tpu.memory_space<vmem>>
        %dma_wait3A_293 = arith.constant 0 : i32
        %dma_wait3A_294 = arith.constant 0 : i32
        %dma_wait3A_295 = tpu.memref_slice %arg17[%dma_wait3A_293, %dma_wait3A_294] : memref<10112x16xf32, #tpu.memory_space<vmem_shared>> -> memref<10112x16xf32, #tpu.memory_space<vmem_shared>>
        tpu.wait_indirect_dma semaphore(%arg33 : memref<!tpu.dma_semaphore, #tpu.memory_space<semaphore_mem>>) src(%arg14 : memref<125x16xf32, #tpu.memory_space<vmem>>) dst(%dma_wait3A_295 : memref<10112x16xf32, #tpu.memory_space<vmem_shared>>)
      } else {
      }
      %add3A_170 = arith.constant 4 : i32
      %add3A_171 = arith.addi %add3A_152, %add3A_170 : i32
      %lt3A_172 = arith.constant 80 : i32
      %lt3A_173 = arith.cmpi slt, %add3A_171, %lt3A_172 : i32
      %convert_element_type3A_174 = arith.extui %lt3A_173 : i1 to i32
      %cond3A_175 = arith.constant 0 : i32
      %cond3A_176 = arith.cmpi ne, %convert_element_type3A_174, %cond3A_175 : i32
      scf.if %cond3A_176 {
        %add3A_289 = arith.constant 4 : i32
        %add3A_290 = arith.addi %add3A_152, %add3A_289 : i32
        %dma_start3A_291 = arith.constant 0 : i32
        %dma_start3A_292 = tpu.memref_slice %arg5[%add3A_290, %dma_start3A_291] : memref<80x125xi32, #tpu.memory_space<vmem>> -> memref<1x125xi32, #tpu.memory_space<vmem>>
        %dma_start3A_293 = tpu.memref_squeeze %dma_start3A_292 : memref<1x125xi32, #tpu.memory_space<vmem>> -> memref<125xi32, #tpu.memory_space<vmem>>
        %dma_start3A_294 = arith.constant 0 : i32
        %dma_start3A_295 = arith.constant 0 : i32
        %dma_start3A_296 = tpu.memref_slice %arg16[%dma_start3A_294, %dma_start3A_295] : memref<10112x16xf32, #tpu.memory_space<vmem_shared>> -> memref<10112x16xf32, #tpu.memory_space<vmem_shared>>
        tpu.enqueue_indirect_dma source(%dma_start3A_296 : memref<10112x16xf32, #tpu.memory_space<vmem_shared>>) target(%arg14 : memref<125x16xf32, #tpu.memory_space<vmem>>) offsets(%dma_start3A_293 : memref<125xi32, #tpu.memory_space<vmem>>) semaphore(%arg25 : memref<!tpu.dma_semaphore, #tpu.memory_space<semaphore_mem>>)
      } else {
      }
      %mul3A_177 = arith.constant 8 : i32
      %mul3A_178 = arith.muli %scan3A_68, %mul3A_177 : i32
      %add3A_179 = arith.constant 4 : i32
      %add3A_180 = arith.addi %mul3A_178, %add3A_179 : i32
      %dma_wait3A_181 = arith.constant 0 : i32
      %dma_wait3A_182 = tpu.memref_slice %arg5[%add3A_180, %dma_wait3A_181] : memref<80x125xi32, #tpu.memory_space<vmem>> -> memref<1x125xi32, #tpu.memory_space<vmem>>
      %dma_wait3A_183 = tpu.memref_squeeze %dma_wait3A_182 : memref<1x125xi32, #tpu.memory_space<vmem>> -> memref<125xi32, #tpu.memory_space<vmem>>
      %dma_wait3A_184 = arith.constant 0 : i32
      %dma_wait3A_185 = arith.constant 0 : i32
      %dma_wait3A_186 = tpu.memref_slice %arg16[%dma_wait3A_184, %dma_wait3A_185] : memref<10112x16xf32, #tpu.memory_space<vmem_shared>> -> memref<10112x16xf32, #tpu.memory_space<vmem_shared>>
      tpu.wait_indirect_dma semaphore(%arg22 : memref<!tpu.dma_semaphore, #tpu.memory_space<semaphore_mem>>) src(%dma_wait3A_186 : memref<10112x16xf32, #tpu.memory_space<vmem_shared>>) dst(%arg11 : memref<125x16xf32, #tpu.memory_space<vmem>>)
      %dma_start3A_187 = arith.constant 0 : i32
      %dma_start3A_188 = tpu.memref_slice %arg6[%add3A_180, %dma_start3A_187] : memref<80x125xi32, #tpu.memory_space<vmem>> -> memref<1x125xi32, #tpu.memory_space<vmem>>
      %dma_start3A_189 = tpu.memref_squeeze %dma_start3A_188 : memref<1x125xi32, #tpu.memory_space<vmem>> -> memref<125xi32, #tpu.memory_space<vmem>>
      %dma_start3A_190 = arith.constant 0 : i32
      %dma_start3A_191 = arith.constant 0 : i32
      %dma_start3A_192 = tpu.memref_slice %arg17[%dma_start3A_190, %dma_start3A_191] : memref<10112x16xf32, #tpu.memory_space<vmem_shared>> -> memref<10112x16xf32, #tpu.memory_space<vmem_shared>>
      tpu.enqueue_indirect_dma source(%arg11 : memref<125x16xf32, #tpu.memory_space<vmem>>) target(%dma_start3A_192 : memref<10112x16xf32, #tpu.memory_space<vmem_shared>>) offsets(%dma_start3A_189 : memref<125xi32, #tpu.memory_space<vmem>>) semaphore(%arg30 : memref<!tpu.dma_semaphore, #tpu.memory_space<semaphore_mem>>) {add = true}
      %ge3A_193 = arith.constant 4 : i32
      %ge3A_194 = arith.cmpi sge, %add3A_180, %ge3A_193 : i32
      %convert_element_type3A_195 = arith.extui %ge3A_194 : i1 to i32
      %cond3A_196 = arith.constant 0 : i32
      %cond3A_197 = arith.cmpi ne, %convert_element_type3A_195, %cond3A_196 : i32
      scf.if %cond3A_197 {
        %sub3A = arith.constant 4 : i32
        %sub3A_289 = arith.subi %add3A_180, %sub3A : i32
        %dma_wait3A_290 = arith.constant 0 : i32
        %dma_wait3A_291 = tpu.memref_slice %arg6[%sub3A_289, %dma_wait3A_290] : memref<80x125xi32, #tpu.memory_space<vmem>> -> memref<1x125xi32, #tpu.memory_space<vmem>>
        %dma_wait3A_292 = tpu.memref_squeeze %dma_wait3A_291 : memref<1x125xi32, #tpu.memory_space<vmem>> -> memref<125xi32, #tpu.memory_space<vmem>>
        %dma_wait3A_293 = arith.constant 0 : i32
        %dma_wait3A_294 = arith.constant 0 : i32
        %dma_wait3A_295 = tpu.memref_slice %arg17[%dma_wait3A_293, %dma_wait3A_294] : memref<10112x16xf32, #tpu.memory_space<vmem_shared>> -> memref<10112x16xf32, #tpu.memory_space<vmem_shared>>
        tpu.wait_indirect_dma semaphore(%arg26 : memref<!tpu.dma_semaphore, #tpu.memory_space<semaphore_mem>>) src(%arg7 : memref<125x16xf32, #tpu.memory_space<vmem>>) dst(%dma_wait3A_295 : memref<10112x16xf32, #tpu.memory_space<vmem_shared>>)
      } else {
      }
      %add3A_198 = arith.constant 4 : i32
      %add3A_199 = arith.addi %add3A_180, %add3A_198 : i32
      %lt3A_200 = arith.constant 80 : i32
      %lt3A_201 = arith.cmpi slt, %add3A_199, %lt3A_200 : i32
      %convert_element_type3A_202 = arith.extui %lt3A_201 : i1 to i32
      %cond3A_203 = arith.constant 0 : i32
      %cond3A_204 = arith.cmpi ne, %convert_element_type3A_202, %cond3A_203 : i32
      scf.if %cond3A_204 {
        %add3A_289 = arith.constant 4 : i32
        %add3A_290 = arith.addi %add3A_180, %add3A_289 : i32
        %dma_start3A_291 = arith.constant 0 : i32
        %dma_start3A_292 = tpu.memref_slice %arg5[%add3A_290, %dma_start3A_291] : memref<80x125xi32, #tpu.memory_space<vmem>> -> memref<1x125xi32, #tpu.memory_space<vmem>>
        %dma_start3A_293 = tpu.memref_squeeze %dma_start3A_292 : memref<1x125xi32, #tpu.memory_space<vmem>> -> memref<125xi32, #tpu.memory_space<vmem>>
        %dma_start3A_294 = arith.constant 0 : i32
        %dma_start3A_295 = arith.constant 0 : i32
        %dma_start3A_296 = tpu.memref_slice %arg16[%dma_start3A_294, %dma_start3A_295] : memref<10112x16xf32, #tpu.memory_space<vmem_shared>> -> memref<10112x16xf32, #tpu.memory_space<vmem_shared>>
        tpu.enqueue_indirect_dma source(%dma_start3A_296 : memref<10112x16xf32, #tpu.memory_space<vmem_shared>>) target(%arg7 : memref<125x16xf32, #tpu.memory_space<vmem>>) offsets(%dma_start3A_293 : memref<125xi32, #tpu.memory_space<vmem>>) semaphore(%arg18 : memref<!tpu.dma_semaphore, #tpu.memory_space<semaphore_mem>>)
      } else {
      }
      %mul3A_205 = arith.constant 8 : i32
      %mul3A_206 = arith.muli %scan3A_68, %mul3A_205 : i32
      %add3A_207 = arith.constant 5 : i32
      %add3A_208 = arith.addi %mul3A_206, %add3A_207 : i32
      %dma_wait3A_209 = arith.constant 0 : i32
      %dma_wait3A_210 = tpu.memref_slice %arg5[%add3A_208, %dma_wait3A_209] : memref<80x125xi32, #tpu.memory_space<vmem>> -> memref<1x125xi32, #tpu.memory_space<vmem>>
      %dma_wait3A_211 = tpu.memref_squeeze %dma_wait3A_210 : memref<1x125xi32, #tpu.memory_space<vmem>> -> memref<125xi32, #tpu.memory_space<vmem>>
      %dma_wait3A_212 = arith.constant 0 : i32
      %dma_wait3A_213 = arith.constant 0 : i32
      %dma_wait3A_214 = tpu.memref_slice %arg16[%dma_wait3A_212, %dma_wait3A_213] : memref<10112x16xf32, #tpu.memory_space<vmem_shared>> -> memref<10112x16xf32, #tpu.memory_space<vmem_shared>>
      tpu.wait_indirect_dma semaphore(%arg23 : memref<!tpu.dma_semaphore, #tpu.memory_space<semaphore_mem>>) src(%dma_wait3A_214 : memref<10112x16xf32, #tpu.memory_space<vmem_shared>>) dst(%arg12 : memref<125x16xf32, #tpu.memory_space<vmem>>)
      %dma_start3A_215 = arith.constant 0 : i32
      %dma_start3A_216 = tpu.memref_slice %arg6[%add3A_208, %dma_start3A_215] : memref<80x125xi32, #tpu.memory_space<vmem>> -> memref<1x125xi32, #tpu.memory_space<vmem>>
      %dma_start3A_217 = tpu.memref_squeeze %dma_start3A_216 : memref<1x125xi32, #tpu.memory_space<vmem>> -> memref<125xi32, #tpu.memory_space<vmem>>
      %dma_start3A_218 = arith.constant 0 : i32
      %dma_start3A_219 = arith.constant 0 : i32
      %dma_start3A_220 = tpu.memref_slice %arg17[%dma_start3A_218, %dma_start3A_219] : memref<10112x16xf32, #tpu.memory_space<vmem_shared>> -> memref<10112x16xf32, #tpu.memory_space<vmem_shared>>
      tpu.enqueue_indirect_dma source(%arg12 : memref<125x16xf32, #tpu.memory_space<vmem>>) target(%dma_start3A_220 : memref<10112x16xf32, #tpu.memory_space<vmem_shared>>) offsets(%dma_start3A_217 : memref<125xi32, #tpu.memory_space<vmem>>) semaphore(%arg31 : memref<!tpu.dma_semaphore, #tpu.memory_space<semaphore_mem>>) {add = true}
      %ge3A_221 = arith.constant 4 : i32
      %ge3A_222 = arith.cmpi sge, %add3A_208, %ge3A_221 : i32
      %convert_element_type3A_223 = arith.extui %ge3A_222 : i1 to i32
      %cond3A_224 = arith.constant 0 : i32
      %cond3A_225 = arith.cmpi ne, %convert_element_type3A_223, %cond3A_224 : i32
      scf.if %cond3A_225 {
        %sub3A = arith.constant 4 : i32
        %sub3A_289 = arith.subi %add3A_208, %sub3A : i32
        %dma_wait3A_290 = arith.constant 0 : i32
        %dma_wait3A_291 = tpu.memref_slice %arg6[%sub3A_289, %dma_wait3A_290] : memref<80x125xi32, #tpu.memory_space<vmem>> -> memref<1x125xi32, #tpu.memory_space<vmem>>
        %dma_wait3A_292 = tpu.memref_squeeze %dma_wait3A_291 : memref<1x125xi32, #tpu.memory_space<vmem>> -> memref<125xi32, #tpu.memory_space<vmem>>
        %dma_wait3A_293 = arith.constant 0 : i32
        %dma_wait3A_294 = arith.constant 0 : i32
        %dma_wait3A_295 = tpu.memref_slice %arg17[%dma_wait3A_293, %dma_wait3A_294] : memref<10112x16xf32, #tpu.memory_space<vmem_shared>> -> memref<10112x16xf32, #tpu.memory_space<vmem_shared>>
        tpu.wait_indirect_dma semaphore(%arg27 : memref<!tpu.dma_semaphore, #tpu.memory_space<semaphore_mem>>) src(%arg8 : memref<125x16xf32, #tpu.memory_space<vmem>>) dst(%dma_wait3A_295 : memref<10112x16xf32, #tpu.memory_space<vmem_shared>>)
      } else {
      }
      %add3A_226 = arith.constant 4 : i32
      %add3A_227 = arith.addi %add3A_208, %add3A_226 : i32
      %lt3A_228 = arith.constant 80 : i32
      %lt3A_229 = arith.cmpi slt, %add3A_227, %lt3A_228 : i32
      %convert_element_type3A_230 = arith.extui %lt3A_229 : i1 to i32
      %cond3A_231 = arith.constant 0 : i32
      %cond3A_232 = arith.cmpi ne, %convert_element_type3A_230, %cond3A_231 : i32
      scf.if %cond3A_232 {
        %add3A_289 = arith.constant 4 : i32
        %add3A_290 = arith.addi %add3A_208, %add3A_289 : i32
        %dma_start3A_291 = arith.constant 0 : i32
        %dma_start3A_292 = tpu.memref_slice %arg5[%add3A_290, %dma_start3A_291] : memref<80x125xi32, #tpu.memory_space<vmem>> -> memref<1x125xi32, #tpu.memory_space<vmem>>
        %dma_start3A_293 = tpu.memref_squeeze %dma_start3A_292 : memref<1x125xi32, #tpu.memory_space<vmem>> -> memref<125xi32, #tpu.memory_space<vmem>>
        %dma_start3A_294 = arith.constant 0 : i32
        %dma_start3A_295 = arith.constant 0 : i32
        %dma_start3A_296 = tpu.memref_slice %arg16[%dma_start3A_294, %dma_start3A_295] : memref<10112x16xf32, #tpu.memory_space<vmem_shared>> -> memref<10112x16xf32, #tpu.memory_space<vmem_shared>>
        tpu.enqueue_indirect_dma source(%dma_start3A_296 : memref<10112x16xf32, #tpu.memory_space<vmem_shared>>) target(%arg8 : memref<125x16xf32, #tpu.memory_space<vmem>>) offsets(%dma_start3A_293 : memref<125xi32, #tpu.memory_space<vmem>>) semaphore(%arg19 : memref<!tpu.dma_semaphore, #tpu.memory_space<semaphore_mem>>)
      } else {
      }
      %mul3A_233 = arith.constant 8 : i32
      %mul3A_234 = arith.muli %scan3A_68, %mul3A_233 : i32
      %add3A_235 = arith.constant 6 : i32
      %add3A_236 = arith.addi %mul3A_234, %add3A_235 : i32
      %dma_wait3A_237 = arith.constant 0 : i32
      %dma_wait3A_238 = tpu.memref_slice %arg5[%add3A_236, %dma_wait3A_237] : memref<80x125xi32, #tpu.memory_space<vmem>> -> memref<1x125xi32, #tpu.memory_space<vmem>>
      %dma_wait3A_239 = tpu.memref_squeeze %dma_wait3A_238 : memref<1x125xi32, #tpu.memory_space<vmem>> -> memref<125xi32, #tpu.memory_space<vmem>>
      %dma_wait3A_240 = arith.constant 0 : i32
      %dma_wait3A_241 = arith.constant 0 : i32
      %dma_wait3A_242 = tpu.memref_slice %arg16[%dma_wait3A_240, %dma_wait3A_241] : memref<10112x16xf32, #tpu.memory_space<vmem_shared>> -> memref<10112x16xf32, #tpu.memory_space<vmem_shared>>
      tpu.wait_indirect_dma semaphore(%arg24 : memref<!tpu.dma_semaphore, #tpu.memory_space<semaphore_mem>>) src(%dma_wait3A_242 : memref<10112x16xf32, #tpu.memory_space<vmem_shared>>) dst(%arg13 : memref<125x16xf32, #tpu.memory_space<vmem>>)
      %dma_start3A_243 = arith.constant 0 : i32
      %dma_start3A_244 = tpu.memref_slice %arg6[%add3A_236, %dma_start3A_243] : memref<80x125xi32, #tpu.memory_space<vmem>> -> memref<1x125xi32, #tpu.memory_space<vmem>>
      %dma_start3A_245 = tpu.memref_squeeze %dma_start3A_244 : memref<1x125xi32, #tpu.memory_space<vmem>> -> memref<125xi32, #tpu.memory_space<vmem>>
      %dma_start3A_246 = arith.constant 0 : i32
      %dma_start3A_247 = arith.constant 0 : i32
      %dma_start3A_248 = tpu.memref_slice %arg17[%dma_start3A_246, %dma_start3A_247] : memref<10112x16xf32, #tpu.memory_space<vmem_shared>> -> memref<10112x16xf32, #tpu.memory_space<vmem_shared>>
      tpu.enqueue_indirect_dma source(%arg13 : memref<125x16xf32, #tpu.memory_space<vmem>>) target(%dma_start3A_248 : memref<10112x16xf32, #tpu.memory_space<vmem_shared>>) offsets(%dma_start3A_245 : memref<125xi32, #tpu.memory_space<vmem>>) semaphore(%arg32 : memref<!tpu.dma_semaphore, #tpu.memory_space<semaphore_mem>>) {add = true}
      %ge3A_249 = arith.constant 4 : i32
      %ge3A_250 = arith.cmpi sge, %add3A_236, %ge3A_249 : i32
      %convert_element_type3A_251 = arith.extui %ge3A_250 : i1 to i32
      %cond3A_252 = arith.constant 0 : i32
      %cond3A_253 = arith.cmpi ne, %convert_element_type3A_251, %cond3A_252 : i32
      scf.if %cond3A_253 {
        %sub3A = arith.constant 4 : i32
        %sub3A_289 = arith.subi %add3A_236, %sub3A : i32
        %dma_wait3A_290 = arith.constant 0 : i32
        %dma_wait3A_291 = tpu.memref_slice %arg6[%sub3A_289, %dma_wait3A_290] : memref<80x125xi32, #tpu.memory_space<vmem>> -> memref<1x125xi32, #tpu.memory_space<vmem>>
        %dma_wait3A_292 = tpu.memref_squeeze %dma_wait3A_291 : memref<1x125xi32, #tpu.memory_space<vmem>> -> memref<125xi32, #tpu.memory_space<vmem>>
        %dma_wait3A_293 = arith.constant 0 : i32
        %dma_wait3A_294 = arith.constant 0 : i32
        %dma_wait3A_295 = tpu.memref_slice %arg17[%dma_wait3A_293, %dma_wait3A_294] : memref<10112x16xf32, #tpu.memory_space<vmem_shared>> -> memref<10112x16xf32, #tpu.memory_space<vmem_shared>>
        tpu.wait_indirect_dma semaphore(%arg28 : memref<!tpu.dma_semaphore, #tpu.memory_space<semaphore_mem>>) src(%arg9 : memref<125x16xf32, #tpu.memory_space<vmem>>) dst(%dma_wait3A_295 : memref<10112x16xf32, #tpu.memory_space<vmem_shared>>)
      } else {
      }
      %add3A_254 = arith.constant 4 : i32
      %add3A_255 = arith.addi %add3A_236, %add3A_254 : i32
      %lt3A_256 = arith.constant 80 : i32
      %lt3A_257 = arith.cmpi slt, %add3A_255, %lt3A_256 : i32
      %convert_element_type3A_258 = arith.extui %lt3A_257 : i1 to i32
      %cond3A_259 = arith.constant 0 : i32
      %cond3A_260 = arith.cmpi ne, %convert_element_type3A_258, %cond3A_259 : i32
      scf.if %cond3A_260 {
        %add3A_289 = arith.constant 4 : i32
        %add3A_290 = arith.addi %add3A_236, %add3A_289 : i32
        %dma_start3A_291 = arith.constant 0 : i32
        %dma_start3A_292 = tpu.memref_slice %arg5[%add3A_290, %dma_start3A_291] : memref<80x125xi32, #tpu.memory_space<vmem>> -> memref<1x125xi32, #tpu.memory_space<vmem>>
        %dma_start3A_293 = tpu.memref_squeeze %dma_start3A_292 : memref<1x125xi32, #tpu.memory_space<vmem>> -> memref<125xi32, #tpu.memory_space<vmem>>
        %dma_start3A_294 = arith.constant 0 : i32
        %dma_start3A_295 = arith.constant 0 : i32
        %dma_start3A_296 = tpu.memref_slice %arg16[%dma_start3A_294, %dma_start3A_295] : memref<10112x16xf32, #tpu.memory_space<vmem_shared>> -> memref<10112x16xf32, #tpu.memory_space<vmem_shared>>
        tpu.enqueue_indirect_dma source(%dma_start3A_296 : memref<10112x16xf32, #tpu.memory_space<vmem_shared>>) target(%arg9 : memref<125x16xf32, #tpu.memory_space<vmem>>) offsets(%dma_start3A_293 : memref<125xi32, #tpu.memory_space<vmem>>) semaphore(%arg20 : memref<!tpu.dma_semaphore, #tpu.memory_space<semaphore_mem>>)
      } else {
      }
      %mul3A_261 = arith.constant 8 : i32
      %mul3A_262 = arith.muli %scan3A_68, %mul3A_261 : i32
      %add3A_263 = arith.constant 7 : i32
      %add3A_264 = arith.addi %mul3A_262, %add3A_263 : i32
      %dma_wait3A_265 = arith.constant 0 : i32
      %dma_wait3A_266 = tpu.memref_slice %arg5[%add3A_264, %dma_wait3A_265] : memref<80x125xi32, #tpu.memory_space<vmem>> -> memref<1x125xi32, #tpu.memory_space<vmem>>
      %dma_wait3A_267 = tpu.memref_squeeze %dma_wait3A_266 : memref<1x125xi32, #tpu.memory_space<vmem>> -> memref<125xi32, #tpu.memory_space<vmem>>
      %dma_wait3A_268 = arith.constant 0 : i32
      %dma_wait3A_269 = arith.constant 0 : i32
      %dma_wait3A_270 = tpu.memref_slice %arg16[%dma_wait3A_268, %dma_wait3A_269] : memref<10112x16xf32, #tpu.memory_space<vmem_shared>> -> memref<10112x16xf32, #tpu.memory_space<vmem_shared>>
      tpu.wait_indirect_dma semaphore(%arg25 : memref<!tpu.dma_semaphore, #tpu.memory_space<semaphore_mem>>) src(%dma_wait3A_270 : memref<10112x16xf32, #tpu.memory_space<vmem_shared>>) dst(%arg14 : memref<125x16xf32, #tpu.memory_space<vmem>>)
      %dma_start3A_271 = arith.constant 0 : i32
      %dma_start3A_272 = tpu.memref_slice %arg6[%add3A_264, %dma_start3A_271] : memref<80x125xi32, #tpu.memory_space<vmem>> -> memref<1x125xi32, #tpu.memory_space<vmem>>
      %dma_start3A_273 = tpu.memref_squeeze %dma_start3A_272 : memref<1x125xi32, #tpu.memory_space<vmem>> -> memref<125xi32, #tpu.memory_space<vmem>>
      %dma_start3A_274 = arith.constant 0 : i32
      %dma_start3A_275 = arith.constant 0 : i32
      %dma_start3A_276 = tpu.memref_slice %arg17[%dma_start3A_274, %dma_start3A_275] : memref<10112x16xf32, #tpu.memory_space<vmem_shared>> -> memref<10112x16xf32, #tpu.memory_space<vmem_shared>>
      tpu.enqueue_indirect_dma source(%arg14 : memref<125x16xf32, #tpu.memory_space<vmem>>) target(%dma_start3A_276 : memref<10112x16xf32, #tpu.memory_space<vmem_shared>>) offsets(%dma_start3A_273 : memref<125xi32, #tpu.memory_space<vmem>>) semaphore(%arg33 : memref<!tpu.dma_semaphore, #tpu.memory_space<semaphore_mem>>) {add = true}
      %ge3A_277 = arith.constant 4 : i32
      %ge3A_278 = arith.cmpi sge, %add3A_264, %ge3A_277 : i32
      %convert_element_type3A_279 = arith.extui %ge3A_278 : i1 to i32
      %cond3A_280 = arith.constant 0 : i32
      %cond3A_281 = arith.cmpi ne, %convert_element_type3A_279, %cond3A_280 : i32
      scf.if %cond3A_281 {
        %sub3A = arith.constant 4 : i32
        %sub3A_289 = arith.subi %add3A_264, %sub3A : i32
        %dma_wait3A_290 = arith.constant 0 : i32
        %dma_wait3A_291 = tpu.memref_slice %arg6[%sub3A_289, %dma_wait3A_290] : memref<80x125xi32, #tpu.memory_space<vmem>> -> memref<1x125xi32, #tpu.memory_space<vmem>>
        %dma_wait3A_292 = tpu.memref_squeeze %dma_wait3A_291 : memref<1x125xi32, #tpu.memory_space<vmem>> -> memref<125xi32, #tpu.memory_space<vmem>>
        %dma_wait3A_293 = arith.constant 0 : i32
        %dma_wait3A_294 = arith.constant 0 : i32
        %dma_wait3A_295 = tpu.memref_slice %arg17[%dma_wait3A_293, %dma_wait3A_294] : memref<10112x16xf32, #tpu.memory_space<vmem_shared>> -> memref<10112x16xf32, #tpu.memory_space<vmem_shared>>
        tpu.wait_indirect_dma semaphore(%arg29 : memref<!tpu.dma_semaphore, #tpu.memory_space<semaphore_mem>>) src(%arg10 : memref<125x16xf32, #tpu.memory_space<vmem>>) dst(%dma_wait3A_295 : memref<10112x16xf32, #tpu.memory_space<vmem_shared>>)
      } else {
      }
      %add3A_282 = arith.constant 4 : i32
      %add3A_283 = arith.addi %add3A_264, %add3A_282 : i32
      %lt3A_284 = arith.constant 80 : i32
      %lt3A_285 = arith.cmpi slt, %add3A_283, %lt3A_284 : i32
      %convert_element_type3A_286 = arith.extui %lt3A_285 : i1 to i32
      %cond3A_287 = arith.constant 0 : i32
      %cond3A_288 = arith.cmpi ne, %convert_element_type3A_286, %cond3A_287 : i32
      scf.if %cond3A_288 {
        %add3A_289 = arith.constant 4 : i32
        %add3A_290 = arith.addi %add3A_264, %add3A_289 : i32
        %dma_start3A_291 = arith.constant 0 : i32
        %dma_start3A_292 = tpu.memref_slice %arg5[%add3A_290, %dma_start3A_291] : memref<80x125xi32, #tpu.memory_space<vmem>> -> memref<1x125xi32, #tpu.memory_space<vmem>>
        %dma_start3A_293 = tpu.memref_squeeze %dma_start3A_292 : memref<1x125xi32, #tpu.memory_space<vmem>> -> memref<125xi32, #tpu.memory_space<vmem>>
        %dma_start3A_294 = arith.constant 0 : i32
        %dma_start3A_295 = arith.constant 0 : i32
        %dma_start3A_296 = tpu.memref_slice %arg16[%dma_start3A_294, %dma_start3A_295] : memref<10112x16xf32, #tpu.memory_space<vmem_shared>> -> memref<10112x16xf32, #tpu.memory_space<vmem_shared>>
        tpu.enqueue_indirect_dma source(%dma_start3A_296 : memref<10112x16xf32, #tpu.memory_space<vmem_shared>>) target(%arg10 : memref<125x16xf32, #tpu.memory_space<vmem>>) offsets(%dma_start3A_293 : memref<125xi32, #tpu.memory_space<vmem>>) semaphore(%arg21 : memref<!tpu.dma_semaphore, #tpu.memory_space<semaphore_mem>>)
      } else {
      }
    }
    %scan3A_39 = arith.constant 10 : i32
    %dma_wait3A = arith.constant 76 : i32
    %dma_wait3A_40 = arith.constant 0 : i32
    %dma_wait3A_41 = tpu.memref_slice %arg6[%dma_wait3A, %dma_wait3A_40] : memref<80x125xi32, #tpu.memory_space<vmem>> -> memref<1x125xi32, #tpu.memory_space<vmem>>
    %dma_wait3A_42 = tpu.memref_squeeze %dma_wait3A_41 : memref<1x125xi32, #tpu.memory_space<vmem>> -> memref<125xi32, #tpu.memory_space<vmem>>
    %dma_wait3A_43 = arith.constant 0 : i32
    %dma_wait3A_44 = arith.constant 0 : i32
    %dma_wait3A_45 = tpu.memref_slice %arg17[%dma_wait3A_43, %dma_wait3A_44] : memref<10112x16xf32, #tpu.memory_space<vmem_shared>> -> memref<10112x16xf32, #tpu.memory_space<vmem_shared>>
    tpu.wait_indirect_dma semaphore(%arg30 : memref<!tpu.dma_semaphore, #tpu.memory_space<semaphore_mem>>) src(%arg11 : memref<125x16xf32, #tpu.memory_space<vmem>>) dst(%dma_wait3A_45 : memref<10112x16xf32, #tpu.memory_space<vmem_shared>>)
    %dma_wait3A_46 = arith.constant 77 : i32
    %dma_wait3A_47 = arith.constant 0 : i32
    %dma_wait3A_48 = tpu.memref_slice %arg6[%dma_wait3A_46, %dma_wait3A_47] : memref<80x125xi32, #tpu.memory_space<vmem>> -> memref<1x125xi32, #tpu.memory_space<vmem>>
    %dma_wait3A_49 = tpu.memref_squeeze %dma_wait3A_48 : memref<1x125xi32, #tpu.memory_space<vmem>> -> memref<125xi32, #tpu.memory_space<vmem>>
    %dma_wait3A_50 = arith.constant 0 : i32
    %dma_wait3A_51 = arith.constant 0 : i32
    %dma_wait3A_52 = tpu.memref_slice %arg17[%dma_wait3A_50, %dma_wait3A_51] : memref<10112x16xf32, #tpu.memory_space<vmem_shared>> -> memref<10112x16xf32, #tpu.memory_space<vmem_shared>>
    tpu.wait_indirect_dma semaphore(%arg31 : memref<!tpu.dma_semaphore, #tpu.memory_space<semaphore_mem>>) src(%arg12 : memref<125x16xf32, #tpu.memory_space<vmem>>) dst(%dma_wait3A_52 : memref<10112x16xf32, #tpu.memory_space<vmem_shared>>)
    %dma_wait3A_53 = arith.constant 78 : i32
    %dma_wait3A_54 = arith.constant 0 : i32
    %dma_wait3A_55 = tpu.memref_slice %arg6[%dma_wait3A_53, %dma_wait3A_54] : memref<80x125xi32, #tpu.memory_space<vmem>> -> memref<1x125xi32, #tpu.memory_space<vmem>>
    %dma_wait3A_56 = tpu.memref_squeeze %dma_wait3A_55 : memref<1x125xi32, #tpu.memory_space<vmem>> -> memref<125xi32, #tpu.memory_space<vmem>>
    %dma_wait3A_57 = arith.constant 0 : i32
    %dma_wait3A_58 = arith.constant 0 : i32
    %dma_wait3A_59 = tpu.memref_slice %arg17[%dma_wait3A_57, %dma_wait3A_58] : memref<10112x16xf32, #tpu.memory_space<vmem_shared>> -> memref<10112x16xf32, #tpu.memory_space<vmem_shared>>
    tpu.wait_indirect_dma semaphore(%arg32 : memref<!tpu.dma_semaphore, #tpu.memory_space<semaphore_mem>>) src(%arg13 : memref<125x16xf32, #tpu.memory_space<vmem>>) dst(%dma_wait3A_59 : memref<10112x16xf32, #tpu.memory_space<vmem_shared>>)
    %dma_wait3A_60 = arith.constant 79 : i32
    %dma_wait3A_61 = arith.constant 0 : i32
    %dma_wait3A_62 = tpu.memref_slice %arg6[%dma_wait3A_60, %dma_wait3A_61] : memref<80x125xi32, #tpu.memory_space<vmem>> -> memref<1x125xi32, #tpu.memory_space<vmem>>
    %dma_wait3A_63 = tpu.memref_squeeze %dma_wait3A_62 : memref<1x125xi32, #tpu.memory_space<vmem>> -> memref<125xi32, #tpu.memory_space<vmem>>
    %dma_wait3A_64 = arith.constant 0 : i32
    %dma_wait3A_65 = arith.constant 0 : i32
    %dma_wait3A_66 = tpu.memref_slice %arg17[%dma_wait3A_64, %dma_wait3A_65] : memref<10112x16xf32, #tpu.memory_space<vmem_shared>> -> memref<10112x16xf32, #tpu.memory_space<vmem_shared>>
    tpu.wait_indirect_dma semaphore(%arg33 : memref<!tpu.dma_semaphore, #tpu.memory_space<semaphore_mem>>) src(%arg14 : memref<125x16xf32, #tpu.memory_space<vmem>>) dst(%dma_wait3A_66 : memref<10112x16xf32, #tpu.memory_space<vmem_shared>>)
    %barrier3A_67 = arith.constant 0 : index
    tpu.barrier barrier_id(%barrier3A_67)
    "tpu.region"() ({
      %run_scoped3A_68 = tpu.sem_alloc : memref<!tpu.dma_semaphore, #tpu.memory_space<semaphore_mem>>
      %dma_start3A_69 = arith.constant 0 : i32
      %dma_start3A_70 = tpu.memref_slice %arg17[%mul3A_2, %dma_start3A_69] : memref<10112x16xf32, #tpu.memory_space<vmem_shared>> -> memref<632x16xf32, #tpu.memory_space<vmem_shared>>
      %dma_start3A_71 = arith.constant 0 : i32
      %dma_start3A_72 = tpu.memref_slice %arg17[%mul3A_2, %dma_start3A_71] : memref<10112x16xf32, #tpu.memory_space<vmem_shared>> -> memref<632x16xf32, #tpu.memory_space<vmem_shared>>
      tpu.enqueue_dma source(%dma_start3A_72 : memref<632x16xf32, #tpu.memory_space<vmem_shared>>) target(%arg15 : memref<632x16xf32, #tpu.memory_space<vmem>>) target_semaphore(%run_scoped3A_68 : memref<!tpu.dma_semaphore, #tpu.memory_space<semaphore_mem>>)
      %dma_wait3A_73 = arith.constant 0 : i32
      %dma_wait3A_74 = tpu.memref_slice %arg17[%mul3A_2, %dma_wait3A_73] : memref<10112x16xf32, #tpu.memory_space<vmem_shared>> -> memref<632x16xf32, #tpu.memory_space<vmem_shared>>
      %dma_wait3A_75 = arith.constant 0 : i32
      %dma_wait3A_76 = tpu.memref_slice %arg17[%mul3A_2, %dma_wait3A_75] : memref<10112x16xf32, #tpu.memory_space<vmem_shared>> -> memref<632x16xf32, #tpu.memory_space<vmem_shared>>
      tpu.wait_dma2 semaphore(%run_scoped3A_68 : memref<!tpu.dma_semaphore, #tpu.memory_space<semaphore_mem>>) src(%dma_wait3A_76 : memref<632x16xf32, #tpu.memory_space<vmem_shared>>) dst(%arg15 : memref<632x16xf32, #tpu.memory_space<vmem>>)
      tpu.yield
    }) : () -> ()
    "tpu.region"() ({
      %run_scoped3A_68 = tpu.sem_alloc : memref<!tpu.dma_semaphore, #tpu.memory_space<semaphore_mem>>
      %dma_start3A_69 = arith.constant 0 : i32
      %dma_start3A_70 = tpu.memref_slice %arg4[%arg0, %mul3A_2, %dma_start3A_69] : memref<2x10112x16xf32, #tpu.memory_space<hbm>> -> memref<1x632x16xf32, #tpu.memory_space<hbm>>
      %dma_start3A_71 = tpu.memref_squeeze %dma_start3A_70 : memref<1x632x16xf32, #tpu.memory_space<hbm>> -> memref<632x16xf32, #tpu.memory_space<hbm>>
      %dma_start3A_72 = arith.constant 0 : i32
      %dma_start3A_73 = tpu.memref_slice %arg4[%arg0, %mul3A_2, %dma_start3A_72] : memref<2x10112x16xf32, #tpu.memory_space<hbm>> -> memref<1x632x16xf32, #tpu.memory_space<hbm>>
      %dma_start3A_74 = tpu.memref_squeeze %dma_start3A_73 : memref<1x632x16xf32, #tpu.memory_space<hbm>> -> memref<632x16xf32, #tpu.memory_space<hbm>>
      tpu.enqueue_dma source(%arg15 : memref<632x16xf32, #tpu.memory_space<vmem>>) target(%dma_start3A_74 : memref<632x16xf32, #tpu.memory_space<hbm>>) target_semaphore(%run_scoped3A_68 : memref<!tpu.dma_semaphore, #tpu.memory_space<semaphore_mem>>)
      %dma_wait3A_75 = arith.constant 0 : i32
      %dma_wait3A_76 = tpu.memref_slice %arg4[%arg0, %mul3A_2, %dma_wait3A_75] : memref<2x10112x16xf32, #tpu.memory_space<hbm>> -> memref<1x632x16xf32, #tpu.memory_space<hbm>>
      %dma_wait3A_77 = tpu.memref_squeeze %dma_wait3A_76 : memref<1x632x16xf32, #tpu.memory_space<hbm>> -> memref<632x16xf32, #tpu.memory_space<hbm>>
      %dma_wait3A_78 = arith.constant 0 : i32
      %dma_wait3A_79 = tpu.memref_slice %arg4[%arg0, %mul3A_2, %dma_wait3A_78] : memref<2x10112x16xf32, #tpu.memory_space<hbm>> -> memref<1x632x16xf32, #tpu.memory_space<hbm>>
      %dma_wait3A_80 = tpu.memref_squeeze %dma_wait3A_79 : memref<1x632x16xf32, #tpu.memory_space<hbm>> -> memref<632x16xf32, #tpu.memory_space<hbm>>
      tpu.wait_dma2 semaphore(%run_scoped3A_68 : memref<!tpu.dma_semaphore, #tpu.memory_space<semaphore_mem>>) src(%arg15 : memref<632x16xf32, #tpu.memory_space<vmem>>) dst(%dma_wait3A_80 : memref<632x16xf32, #tpu.memory_space<hbm>>)
      tpu.yield
    }) : () -> ()
    return
  }
}

module attributes {stable_mosaic.version = 14 : i64} {
  func.func @_t1_body(%arg0: memref<10000x128xf32, #tpu.memory_space<vmem>>, %arg1: memref<128x16xf32, #tpu.memory_space<vmem>>, %arg2: memref<2x10112x8xf32, #tpu.memory_space<vmem>>, %arg3: memref<10112x16xf32, #tpu.memory_space<vmem>>, %arg4: memref<10112x16xf32, #tpu.memory_space<vmem>>) attributes {dimension_semantics = [], scalar_prefetch = 0 : i64, scratch_operands = 0 : i64, tpu.core_type = #tpu.core_type<tc>} {
    %get3A = arith.constant 0 : index
    %get3A_0 = arith.constant 0 : index
    %get3A_1 = arith.constant 0 : index
    %get3A_2 = vector.load %arg2[%get3A, %get3A_0, %get3A_1] : memref<2x10112x8xf32, #tpu.memory_space<vmem>>, vector<1x10112x8xf32>
    %get3A_3 = vector.shape_cast %get3A_2 : vector<1x10112x8xf32> to vector<10112x8xf32>
    %get3A_4 = arith.constant 1 : index
    %get3A_5 = arith.constant 0 : index
    %get3A_6 = arith.constant 0 : index
    %get3A_7 = vector.load %arg2[%get3A_4, %get3A_5, %get3A_6] : memref<2x10112x8xf32, #tpu.memory_space<vmem>>, vector<1x10112x8xf32>
    %get3A_8 = vector.shape_cast %get3A_7 : vector<1x10112x8xf32> to vector<10112x8xf32>
    %slice3A = vector.extract_strided_slice %get3A_3 {offsets = [0, 0], sizes = [10112, 1], strides = [1, 1]} : vector<10112x8xf32> to vector<10112x1xf32>
    %slice3A_9 = vector.extract_strided_slice %get3A_8 {offsets = [0, 0], sizes = [10112, 1], strides = [1, 1]} : vector<10112x8xf32> to vector<10112x1xf32>
    %add3A = arith.addf %slice3A, %slice3A_9 : vector<10112x1xf32>
    %sub3A = arith.constant 1.000000e+00 : f32
    %sub3A_10 = vector.broadcast %sub3A : f32 to vector<10112x1xf32>
    %sub3A_11 = arith.subf %add3A, %sub3A_10 : vector<10112x1xf32>
    %max3A = arith.constant 1.000000e+00 : f32
    %max3A_12 = vector.broadcast %max3A : f32 to vector<10112x1xf32>
    %max3A_13 = arith.maximumf %sub3A_11, %max3A_12 : vector<10112x1xf32>
    %rsqrt3A = math.rsqrt %max3A_13 : vector<10112x1xf32>
    %get3A_14 = arith.constant 0 : index
    %get3A_15 = arith.constant 0 : index
    %get3A_16 = vector.load %arg0[%get3A_14, %get3A_15] : memref<10000x128xf32, #tpu.memory_space<vmem>>, vector<10000x128xf32>
    %get3A_17 = arith.constant 0 : index
    %get3A_18 = arith.constant 0 : index
    %get3A_19 = vector.load %arg1[%get3A_17, %get3A_18] : memref<128x16xf32, #tpu.memory_space<vmem>>, vector<128x16xf32>
    %dot_general3A = arith.constant dense<0.000000e+00> : vector<10000x16xf32>
    %dot_general3A_20 = tpu.matmul %get3A_16, %get3A_19, %dot_general3A {dimension_numbers = #tpu.dot_dimension_numbers<[1], [0], [0], [1], [0, 0, 1, 1], [], []>, transpose_lhs_hint = false} : vector<10000x128xf32>, vector<128x16xf32>, vector<10000x16xf32> -> vector<10000x16xf32>
    %slice3A_21 = vector.extract_strided_slice %rsqrt3A {offsets = [0, 0], sizes = [10000, 1], strides = [1, 1]} : vector<10112x1xf32> to vector<10000x1xf32>
    %mul3A = vector.broadcast %slice3A_21 : vector<10000x1xf32> to vector<10000x16xf32>
    %mul3A_22 = arith.mulf %dot_general3A_20, %mul3A : vector<10000x16xf32>
    %swap3A = arith.constant 0 : index
    %swap3A_23 = arith.constant 0 : index
    %swap3A_24 = vector.load %arg3[%swap3A, %swap3A_23] : memref<10112x16xf32, #tpu.memory_space<vmem>>, vector<10000x16xf32>
    tpu.vector_store %arg3[%swap3A, %swap3A_23], %mul3A_22 {strides = array<i32>} : memref<10112x16xf32, #tpu.memory_space<vmem>>, vector<10000x16xf32>,
    %broadcast_in_dim3A = arith.constant 0.000000e+00 : f32
    %broadcast_in_dim3A_25 = vector.broadcast %broadcast_in_dim3A : f32 to vector<112x16xf32>
    %swap3A_26 = arith.constant 10000 : index
    %swap3A_27 = arith.constant 0 : index
    %swap3A_28 = vector.load %arg3[%swap3A_26, %swap3A_27] : memref<10112x16xf32, #tpu.memory_space<vmem>>, vector<112x16xf32>
    tpu.vector_store %arg3[%swap3A_26, %swap3A_27], %broadcast_in_dim3A_25 {strides = array<i32>} : memref<10112x16xf32, #tpu.memory_space<vmem>>, vector<112x16xf32>,
    %broadcast_in_dim3A_29 = vector.shape_cast %rsqrt3A : vector<10112x1xf32> to vector<10112x1xf32>
    %broadcast_in_dim3A_30 = vector.broadcast %broadcast_in_dim3A_29 : vector<10112x1xf32> to vector<10112x16xf32>
    %swap3A_31 = arith.constant 0 : index
    %swap3A_32 = arith.constant 0 : index
    %swap3A_33 = vector.load %arg4[%swap3A_31, %swap3A_32] : memref<10112x16xf32, #tpu.memory_space<vmem>>, vector<10112x16xf32>
    tpu.vector_store %arg4[%swap3A_31, %swap3A_32], %broadcast_in_dim3A_30 {strides = array<i32>} : memref<10112x16xf32, #tpu.memory_space<vmem>>, vector<10112x16xf32>,
    return
  }
}

module attributes {stable_mosaic.version = 14 : i64} {
  func.func @_t3_body(%arg0: memref<2x10112x16xf32, #tpu.memory_space<vmem>>, %arg1: memref<10112x16xf32, #tpu.memory_space<vmem>>, %arg2: memref<10112x16xf32, #tpu.memory_space<vmem>>, %arg3: memref<16xf32, #tpu.memory_space<vmem>>, %arg4: memref<16x16xf32, #tpu.memory_space<vmem>>, %arg5: memref<10112x16xf32, #tpu.memory_space<vmem>>) attributes {dimension_semantics = [], scalar_prefetch = 0 : i64, scratch_operands = 0 : i64, tpu.core_type = #tpu.core_type<tc>} {
    %get3A = arith.constant 0 : index
    %get3A_0 = arith.constant 0 : index
    %get3A_1 = vector.load %arg2[%get3A, %get3A_0] : memref<10112x16xf32, #tpu.memory_space<vmem>>, vector<10112x16xf32>
    %get3A_2 = arith.constant 0 : index
    %get3A_3 = arith.constant 0 : index
    %get3A_4 = arith.constant 0 : index
    %get3A_5 = vector.load %arg0[%get3A_2, %get3A_3, %get3A_4] : memref<2x10112x16xf32, #tpu.memory_space<vmem>>, vector<1x10112x16xf32>
    %get3A_6 = vector.shape_cast %get3A_5 : vector<1x10112x16xf32> to vector<10112x16xf32>
    %get3A_7 = arith.constant 1 : index
    %get3A_8 = arith.constant 0 : index
    %get3A_9 = arith.constant 0 : index
    %get3A_10 = vector.load %arg0[%get3A_7, %get3A_8, %get3A_9] : memref<2x10112x16xf32, #tpu.memory_space<vmem>>, vector<1x10112x16xf32>
    %get3A_11 = vector.shape_cast %get3A_10 : vector<1x10112x16xf32> to vector<10112x16xf32>
    %add3A = arith.addf %get3A_6, %get3A_11 : vector<10112x16xf32>
    %get3A_12 = arith.constant 0 : index
    %get3A_13 = arith.constant 0 : index
    %get3A_14 = vector.load %arg1[%get3A_12, %get3A_13] : memref<10112x16xf32, #tpu.memory_space<vmem>>, vector<10112x16xf32>
    %sub3A = arith.subf %add3A, %get3A_14 : vector<10112x16xf32>
    %mul3A = arith.mulf %sub3A, %get3A_1 : vector<10112x16xf32>
    %get3A_15 = arith.constant 0 : index
    %get3A_16 = arith.constant 0 : index
    %get3A_17 = vector.load %arg4[%get3A_15, %get3A_16] : memref<16x16xf32, #tpu.memory_space<vmem>>, vector<16x16xf32>
    %dot_general3A = arith.constant dense<0.000000e+00> : vector<10112x16xf32>
    %dot_general3A_18 = tpu.matmul %mul3A, %get3A_17, %dot_general3A {dimension_numbers = #tpu.dot_dimension_numbers<[1], [0], [0], [1], [0, 0, 1, 1], [], []>, transpose_lhs_hint = false} : vector<10112x16xf32>, vector<16x16xf32>, vector<10112x16xf32> -> vector<10112x16xf32>
    %get3A_19 = arith.constant 0 : index
    %get3A_20 = vector.load %arg3[%get3A_19] : memref<16xf32, #tpu.memory_space<vmem>>, vector<16xf32>
    %broadcast_in_dim3A = vector.shape_cast %get3A_20 : vector<16xf32> to vector<1x16xf32>
    %add3A_21 = vector.broadcast %broadcast_in_dim3A : vector<1x16xf32> to vector<10112x16xf32>
    %add3A_22 = arith.addf %dot_general3A_18, %add3A_21 : vector<10112x16xf32>
    %gt3A = arith.constant 0.000000e+00 : f32
    %gt3A_23 = vector.broadcast %gt3A : f32 to vector<10112x16xf32>
    %gt3A_24 = arith.cmpf ogt, %add3A_22, %gt3A_23 : vector<10112x16xf32>
    %min3A = arith.constant 0.000000e+00 : f32
    %min3A_25 = vector.broadcast %min3A : f32 to vector<10112x16xf32>
    %min3A_26 = arith.minimumf %add3A_22, %min3A_25 : vector<10112x16xf32>
    %exp3A = math.exp %min3A_26 : vector<10112x16xf32>
    %sub3A_27 = arith.constant 1.000000e+00 : f32
    %sub3A_28 = vector.broadcast %sub3A_27 : f32 to vector<10112x16xf32>
    %sub3A_29 = arith.subf %exp3A, %sub3A_28 : vector<10112x16xf32>
    %select_n3A = arith.select %gt3A_24, %add3A_22, %sub3A_29 : vector<10112x16xi1>, vector<10112x16xf32>
    %mul3A_30 = arith.mulf %select_n3A, %get3A_1 : vector<10112x16xf32>
    %iota3A = tpu.iota {dimensions = array<i32: 0>} : vector<10112x1xi32>
    %lt3A = arith.constant 10000 : i32
    %lt3A_31 = vector.broadcast %lt3A : i32 to vector<10112x1xi32>
    %lt3A_32 = arith.cmpi slt, %iota3A, %lt3A_31 : vector<10112x1xi32>
    %jit3A = arith.constant 0.000000e+00 : f32
    %broadcast_in_dim3A_33 = vector.shape_cast %lt3A_32 : vector<10112x1xi1> to vector<10112x1xi1>
    %broadcast_in_dim3A_34 = vector.broadcast %broadcast_in_dim3A_33 : vector<10112x1xi1> to vector<10112x16xi1>
    %broadcast_in_dim3A_35 = vector.broadcast %jit3A : f32 to vector<10112x16xf32>
    %select_n3A_36 = arith.select %broadcast_in_dim3A_34, %mul3A_30, %broadcast_in_dim3A_35 : vector<10112x16xi1>, vector<10112x16xf32>
    %swap3A = arith.constant 0 : index
    %swap3A_37 = arith.constant 0 : index
    %swap3A_38 = vector.load %arg5[%swap3A, %swap3A_37] : memref<10112x16xf32, #tpu.memory_space<vmem>>, vector<10112x16xf32>
    tpu.vector_store %arg5[%swap3A, %swap3A_37], %select_n3A_36 {strides = array<i32>} : memref<10112x16xf32, #tpu.memory_space<vmem>>, vector<10112x16xf32>,
    return
  }
}

module attributes {stable_mosaic.version = 14 : i64} {
  func.func @_t4_body(%arg0: memref<2x10112x16xf32, #tpu.memory_space<vmem>>, %arg1: memref<10112x16xf32, #tpu.memory_space<vmem>>, %arg2: memref<10112x16xf32, #tpu.memory_space<vmem>>, %arg3: memref<16x40xf32, #tpu.memory_space<vmem>>, %arg4: memref<40xf32, #tpu.memory_space<vmem>>, %arg5: memref<10000x40xf32, #tpu.memory_space<vmem>>) attributes {dimension_semantics = [], scalar_prefetch = 0 : i64, scratch_operands = 0 : i64, tpu.core_type = #tpu.core_type<tc>} {
    %get3A = arith.constant 0 : index
    %get3A_0 = arith.constant 0 : index
    %get3A_1 = arith.constant 0 : index
    %get3A_2 = vector.load %arg0[%get3A, %get3A_0, %get3A_1] : memref<2x10112x16xf32, #tpu.memory_space<vmem>>, vector<1x10112x16xf32>
    %get3A_3 = vector.shape_cast %get3A_2 : vector<1x10112x16xf32> to vector<10112x16xf32>
    %get3A_4 = arith.constant 1 : index
    %get3A_5 = arith.constant 0 : index
    %get3A_6 = arith.constant 0 : index
    %get3A_7 = vector.load %arg0[%get3A_4, %get3A_5, %get3A_6] : memref<2x10112x16xf32, #tpu.memory_space<vmem>>, vector<1x10112x16xf32>
    %get3A_8 = vector.shape_cast %get3A_7 : vector<1x10112x16xf32> to vector<10112x16xf32>
    %add3A = arith.addf %get3A_3, %get3A_8 : vector<10112x16xf32>
    %get3A_9 = arith.constant 0 : index
    %get3A_10 = arith.constant 0 : index
    %get3A_11 = vector.load %arg1[%get3A_9, %get3A_10] : memref<10112x16xf32, #tpu.memory_space<vmem>>, vector<10112x16xf32>
    %sub3A = arith.subf %add3A, %get3A_11 : vector<10112x16xf32>
    %get3A_12 = arith.constant 0 : index
    %get3A_13 = arith.constant 0 : index
    %get3A_14 = vector.load %arg2[%get3A_12, %get3A_13] : memref<10112x16xf32, #tpu.memory_space<vmem>>, vector<10112x16xf32>
    %mul3A = arith.mulf %sub3A, %get3A_14 : vector<10112x16xf32>
    %slice3A = vector.extract_strided_slice %mul3A {offsets = [0, 0], sizes = [10000, 16], strides = [1, 1]} : vector<10112x16xf32> to vector<10000x16xf32>
    %get3A_15 = arith.constant 0 : index
    %get3A_16 = arith.constant 0 : index
    %get3A_17 = vector.load %arg3[%get3A_15, %get3A_16] : memref<16x40xf32, #tpu.memory_space<vmem>>, vector<16x40xf32>
    %dot_general3A = arith.constant dense<0.000000e+00> : vector<10000x40xf32>
    %dot_general3A_18 = tpu.matmul %slice3A, %get3A_17, %dot_general3A {dimension_numbers = #tpu.dot_dimension_numbers<[1], [0], [0], [1], [0, 0, 1, 1], [], []>, transpose_lhs_hint = false} : vector<10000x16xf32>, vector<16x40xf32>, vector<10000x40xf32> -> vector<10000x40xf32>
    %get3A_19 = arith.constant 0 : index
    %get3A_20 = vector.load %arg4[%get3A_19] : memref<40xf32, #tpu.memory_space<vmem>>, vector<40xf32>
    %broadcast_in_dim3A = vector.shape_cast %get3A_20 : vector<40xf32> to vector<1x40xf32>
    %add3A_21 = vector.broadcast %broadcast_in_dim3A : vector<1x40xf32> to vector<10000x40xf32>
    %add3A_22 = arith.addf %dot_general3A_18, %add3A_21 : vector<10000x40xf32>
    %gt3A = arith.constant 0.000000e+00 : f32
    %gt3A_23 = vector.broadcast %gt3A : f32 to vector<10000x40xf32>
    %gt3A_24 = arith.cmpf ogt, %add3A_22, %gt3A_23 : vector<10000x40xf32>
    %min3A = arith.constant 0.000000e+00 : f32
    %min3A_25 = vector.broadcast %min3A : f32 to vector<10000x40xf32>
    %min3A_26 = arith.minimumf %add3A_22, %min3A_25 : vector<10000x40xf32>
    %exp3A = math.exp %min3A_26 : vector<10000x40xf32>
    %sub3A_27 = arith.constant 1.000000e+00 : f32
    %sub3A_28 = vector.broadcast %sub3A_27 : f32 to vector<10000x40xf32>
    %sub3A_29 = arith.subf %exp3A, %sub3A_28 : vector<10000x40xf32>
    %select_n3A = arith.select %gt3A_24, %add3A_22, %sub3A_29 : vector<10000x40xi1>, vector<10000x40xf32>
    %reduce_max3A = arith.constant dense<0xFF800000> : vector<10000xf32>
    %reduce_max3A_30 = vector.multi_reduction <maximumf>, %select_n3A, %reduce_max3A [1] : vector<10000x40xf32> to vector<10000xf32>
    %broadcast_in_dim3A_31 = vector.shape_cast %reduce_max3A_30 : vector<10000xf32> to vector<10000x1xf32>
    %sub3A_32 = vector.broadcast %broadcast_in_dim3A_31 : vector<10000x1xf32> to vector<10000x40xf32>
    %sub3A_33 = arith.subf %select_n3A, %sub3A_32 : vector<10000x40xf32>
    %exp3A_34 = math.exp %sub3A_33 : vector<10000x40xf32>
    %reduce_sum3A = arith.constant dense<0.000000e+00> : vector<10000xf32>
    %reduce_sum3A_35 = vector.multi_reduction <add>, %exp3A_34, %reduce_sum3A [1] : vector<10000x40xf32> to vector<10000xf32>
    %broadcast_in_dim3A_36 = vector.shape_cast %reduce_sum3A_35 : vector<10000xf32> to vector<10000x1xf32>
    %log3A = math.log %broadcast_in_dim3A_36 : vector<10000x1xf32>
    %sub3A_37 = vector.broadcast %log3A : vector<10000x1xf32> to vector<10000x40xf32>
    %sub3A_38 = arith.subf %sub3A_33, %sub3A_37 : vector<10000x40xf32>
    %swap3A = arith.constant 0 : index
    %swap3A_39 = arith.constant 0 : index
    %swap3A_40 = vector.load %arg5[%swap3A, %swap3A_39] : memref<10000x40xf32, #tpu.memory_space<vmem>>, vector<10000x40xf32>
    tpu.vector_store %arg5[%swap3A, %swap3A_39], %sub3A_38 {strides = array<i32>} : memref<10000x40xf32, #tpu.memory_space<vmem>>, vector<10000x40xf32>,
    return
  }
}

</mosaic_0001>

<sc_bundles>
// kernel: kernel.12.cloned.1.call-start
scs
__scs_entry_jumppad:
0x0: {  	(pc) =	sbr.rel $0x88, $3  }
0x1: {  	(tag) =	ssettag $0x0;
	lr =	simm.s32 $0x1  }
0x2: {  	[smem:$0x3F99] =	sst lr;
	_ =	strace $0xD0000000  }
0x3: {  	_ = 	snop  }
0x4: {  	_ = 	snop  }
0x5: {  	_ = 	snop  }
0x6: {  	_ = 	snop  }
0x7: {  	_ = 	snop  }
__scs_overlays_trampoline_lowered:
0x8: {  	[smem:$0x3FA8] =	sst s0  }
0x9: {  	[smem:$0x3FA9] =	sst s1  }
0xa: {  	[smem:$0x3FAA] =	sst s2  }
0xb: {  	[smem:$0x3FAB] =	sst s3  }
0xc: {  	[smem:$0x3FAC] =	sst s4  }
0xd: {  	[smem:$0x3FAD] =	sst s5  }
0xe: {  	[smem:$0x3FAE] =	sst s6  }
0xf: {  	[smem:$0x3FAF] =	sst s7  }
0x10: {  	[smem:$0x3FB0] =	sst s8  }
0x11: {  	[smem:$0x3FB1] =	sst s9;
	s0 =	simm.s32 @!p0 $0x0  }
0x12: {  	s1 =	sld [smem:$0x3F97];
	s0 =	simm.s32 @p0 $0x1  }
0x13: {  	[smem:$0x3FB2] =	sst s0;
	s0 =	simm.s32 @!p1 $0x0  }
0x14: {  	s2 =	sld [smem:$0x3F96];
	s0 =	simm.s32 @p1 $0x1  }
0x15: {  	[smem:$0x3FB3] =	sst s0;
	s0 =	simm.s32 @!p2 $0x0  }
0x16: {  	s3 =	sld [smem:$0x3FDB];
	s0 =	simm.s32 @p2 $0x1  }
0x17: {  	s4 =	simm.s32 $0x1BF5;
	[smem:$0x3FB5] =	sst s0  }
0x18: {  	s0 =	sld [smem:$0x3F98];
	_ =	swait.ge [sflag:s4], $0x0  }
0x19: {  	s7 =	sld [smem:$0x3F99]  }
0x1a: {  	s8 =	sadd.s32 $0xFFFFE003, lr  }
0x1b: {  	s9 =	sadd.s32 $0xFFFFFEF7, lr;
	s5 =	simm.s32 $0xFFFFFFFF;
	p2 =	slt.u32 s8, $0xFFFFF086  }
0x1c: {  	p1 =	slt.u32 s9, $0xF7A;
	s5 =	simm.s32 @!p2 $0x0  }
0x1d: {  	s5 =	simm.s32 @p1 $0x1;
	p0 =	seq.s32 s7, s2  }
0x1e: {  	s7 =	smul.u32 @!p0 $0xF7A, s2;
	p2 =	seq.s32 @!p0 s5, $0x0  }
0x1f: {  	s9 =	smul.u32 $0xF7A, s1;
	s8 =	simm.s32 @!p0 $0x1BF5;
	p2 =	por !p2, p0  }
0x20: {  	[sflag:s8] =	ssyncset.s32 @!p0 $0xFFFFF086;
	s6 =	sadd.s32 @!p0 s3, s7;
	s7 =	simm.s32 @!p0 $0x108  }
0x21: {  	s3 =	sadd.s32 s3, s9;
	s6 =	sadd.s32 @!p0 $0x88, s6;
	s7 =	simm.s32 @p2 $0x1082  }
0x22: {  	[simem:s7], [sflag:s8] =	dma.local @!p0 [hbm:s6], $0xF7A  }
0x23: {  	s9 =	sor.u32 $0xD0000000, s2;
	s6 =	simm.s32 $0x108;
	_ =	swait.ge @!p0 [sflag:s8], $0x0  }
0x24: {  	s3 =	sadd.s32 $0x88, s3;
	s6 =	simm.s32 @!p1 $0x1082;
	[sflag:s4] =	ssyncset.s32 $0xFFFFF086  }
0x25: {  	[simem:s6], [sflag:s4] =	dma.local [hbm:s3], $0xF7A  }
0x26: {  	[smem:$0x3F99] =	sst s1;
	(tag) =	ssettag s2;
	_ =	strace s9  }
0x27: {  	s1 =	sld [smem:$0x3FA9]  }
0x28: {  	s2 =	sld [smem:$0x3FAA]  }
0x29: {  	s4 =	sld [smem:$0x3FAC]  }
0x2a: {  	p0 =	seq.s32 s5, $0x0;
	s5 =	sld [smem:$0x3FAD]  }
0x2b: {  	s6 =	sld [smem:$0x3FAE]  }
0x2c: {  	s7 =	sld [smem:$0x3FAF]  }
0x2d: {  	s3 =	simm.s32 $0x108;
	s8 =	sld [smem:$0x3FB0]  }
0x2e: {  	s3 =	simm.s32 @!p0 $0x1082;
	s9 =	sld [smem:$0x3FB1]  }
0x2f: {  	lr =	sadd.s32 s0, s3;
	s0 =	sld [smem:$0x3FA8]  }
0x30: {  	s3 =	sld [smem:$0x3FAB]  }
0x31: {  	[smem:$0x3FB4] =	sst s10  }
0x32: {  	s10 =	sld [smem:$0x3FB2];
	_ =	sdelay $0x3  }
0x33: {  	p0 =	seq.s32 s10, $0x1;
	s10 =	sld [smem:$0x3FB4];
	_ =	sdelay $0x3  }
0x34: {  	[smem:$0x3FB4] =	sst s10  }
0x35: {  	s10 =	sld [smem:$0x3FB3];
	_ =	sdelay $0x3  }
0x36: {  	p1 =	seq.s32 s10, $0x1;
	s10 =	sld [smem:$0x3FB4];
	_ =	sdelay $0x3  }
0x37: {  	[smem:$0x3FB4] =	sst s10  }
0x38: {  	s10 =	sld [smem:$0x3FB5]  }
0x39: {  	_ = 	snop;
	(pc) =	sbr.ind lr, $3  }
0x3a: {  	_ = 	snop  }
0x3b: {  	_ = 	snop  }
0x3c: {  	p2 =	seq.s32 s10, $0x1;
	s10 =	sld [smem:$0x3FB4]  }
0x3d: {  	_ =	shalt  }
0x3e: {  	_ =	shalt  }
0x3f: {  	_ =	shalt  }
0x40: {  	_ =	shalt  }
0x41: {  	_ =	shalt  }
0x42: {  	_ =	shalt  }
0x43: {  	_ =	shalt  }
0x44: {  	_ =	shalt  }
0x45: {  	_ =	shalt  }
0x46: {  	_ =	shalt  }
0x47: {  	_ =	shalt  }
0x48: {  	_ =	shalt  }
0x49: {  	_ =	shalt  }
0x4a: {  	_ =	shalt  }
0x4b: {  	_ =	shalt  }
0x4c: {  	_ =	shalt  }
0x4d: {  	_ =	shalt  }
0x4e: {  	_ =	shalt  }
0x4f: {  	_ =	shalt  }
0x50: {  	_ =	shalt  }
0x51: {  	_ =	shalt  }
0x52: {  	_ =	shalt  }
0x53: {  	_ =	shalt  }
0x54: {  	_ =	shalt  }
0x55: {  	_ =	shalt  }
0x56: {  	_ =	shalt  }
0x57: {  	_ =	shalt  }
0x58: {  	_ =	shalt  }
0x59: {  	_ =	shalt  }
0x5a: {  	_ =	shalt  }
0x5b: {  	_ =	shalt  }
0x5c: {  	_ =	shalt  }
0x5d: {  	_ =	shalt  }
0x5e: {  	_ =	shalt  }
0x5f: {  	_ =	shalt  }
0x60: {  	_ =	shalt  }
0x61: {  	_ =	shalt  }
0x62: {  	_ =	shalt  }
0x63: {  	_ =	shalt  }
0x64: {  	_ =	shalt  }
0x65: {  	_ =	shalt  }
0x66: {  	_ =	shalt  }
0x67: {  	_ =	shalt  }
0x68: {  	_ =	shalt  }
0x69: {  	_ =	shalt  }
0x6a: {  	_ =	shalt  }
0x6b: {  	_ =	shalt  }
0x6c: {  	_ =	shalt  }
0x6d: {  	_ =	shalt  }
0x6e: {  	_ =	shalt  }
0x6f: {  	_ =	shalt  }
0x70: {  	_ =	shalt  }
0x71: {  	_ =	shalt  }
0x72: {  	_ =	shalt  }
0x73: {  	_ =	shalt  }
0x74: {  	_ =	shalt  }
0x75: {  	_ =	shalt  }
0x76: {  	_ =	shalt  }
0x77: {  	_ =	shalt  }
0x78: {  	_ =	shalt  }
0x79: {  	_ =	shalt  }
0x7a: {  	_ =	shalt  }
0x7b: {  	_ =	shalt  }
0x7c: {  	_ =	shalt  }
0x7d: {  	_ =	shalt  }
0x7e: {  	_ =	shalt  }
0x7f: {  	_ =	shalt  }
0x80: {  	_ =	shalt  }
0x81: {  	_ =	shalt  }
0x82: {  	_ =	shalt  }
0x83: {  	_ =	shalt  }
0x84: {  	_ =	shalt  }
0x85: {  	_ =	shalt  }
0x86: {  	_ =	shalt  }
0x87: {  	_ =	shalt  }
.Lfunc_end0:
.L_simem_size_0:
called_computation.1_lowered:
.L_overlay_start_0:
0x88: {  	s2 =	sld [smem:$0x3FD9]  }
0x89: {  	s3 =	sld [smem:$0x3FFE];
	_ =	sdelay $0x1  }
0x8a: {  	s1 =	srdreg.scid  }
0x8b: {  	s0 =	sand.u32 $0x1, s1  }
0x8c: {  	s16 =	sshll.u32 s0, $0xA;
	s2 =	sadd.s32 s3, s2  }
0x8d: {  	s2 =	sadd.s32 s2, s16  }
0x8e: {  	[smem:$0x3FC0] =	sst s2  }
0x8f: {  	_ = 	snop  }
0x90: {  	(tm) =	ssettm $0x1  }
0x91: {  	s17 =	sld [smem:$0x3FFB];
	_ =	sdelay $0x3  }
0x92: {  	_ =	strace s17  }
0x93: {  	s2 =	sld [smem:$0x3FFC];
	_ =	sdelay $0x3  }
0x94: {  	_ =	strace s2  }
0x95: {  	s2 =	sld [smem:$0x3FFD];
	_ =	sdelay $0x3  }
0x96: {  	_ =	strace s2  }
0x97: {  	_ =	strace $0x8FFFFFFF  }
0x98: {  	s18 =	sld [smem:$0x3FDB];
	_ =	sdelay $0x1  }
0x99: {  	s19 =	simm.s32 $_scs_section_size  }
0x9a: {  	s4 =	simm.s32 $_size__tile_overlayer_lowered;
	s5 =	simm.s32 $_tile_overlayer_lowered  }
0x9b: {  	s22 =	simm.s32 $0x1BFF;
	s21 =	sshll.u32 s5, $0x1;
	s2 =	sadd.s32 s19, s18  }
0x9c: {  	s6 =	simm.s32 $0x0;
	s20 =	sshll.u32 s4, $0x1;
	s4 =	sadd.s32 s21, s2  }
0x9d: {  	[timem:s6], [sflag:s22] =	dma.local [hbm:s4], s20  }
0x9e: {  	_ =	swait.ge [sflag:s22], s20  }
0x9f: {  	s3 =	ssub.s32 $0x0, s20;
	[sflag:s22] =	ssyncset.done $0x0  }
0xa0: {  	[sflag:s22] =	ssyncadd.s32 s3;
	_ =	sdelay $0x1  }
0xa1: {  	s23 =	simm.s32 $0x1B8B  }
0xa2: {  	_ =	swait.ge [sflag:s23], $0x1  }
0xa3: {  	[sflag:s23] =	ssyncset.done $0x0  }
0xa4: {  	s25 =	simm.s32 $0x1B8E;
	s24 =	sld [smem:$0x3FFE];
	[sflag:s23] =	ssyncadd.s32 $0xFFFFFFFF  }
0xa5: {  	s26 =	simm.s32 $execute0_lowered;
	[smem:$0x3FD2] =	sst s25  }
0xa6: {  	s4 =	sshll.u32 s26, $0x1;
	_ =	strace $0x80000049;
	[dreg:$0x1] =	wrdreg $0xFFFFFFFF  }
0xa7: {  	s28 =	simm.s32 $_size_execute0_lowered;
	s2 =	sadd.s32 s2, s4;
	[dreg:$0x0] =	wrdreg $0x0  }
0xa8: {  	s4 =	sshll.u32 s28, $0x1;
	[dreg:$0x2] =	wrdreg s2  }
0xa9: {  	[dreg:$0x3] =	wrdreg s4  }
0xaa: {  	[dreg:$0x4] =	wrdreg $0xC0  }
0xab: {  	_ =	task [dreg:s6], $0x5FFFF  }
0xac: {  	[dreg:$0x1] =	wrdreg $0xFFFFFFFF  }
0xad: {  	[dreg:$0x0] =	wrdreg $0x60  }
0xae: {  	[dreg:$0x2] =	wrdreg s24  }
0xaf: {  	[dreg:$0x3] =	wrdreg $0xB6000  }
0xb0: {  	[dreg:$0x4] =	wrdreg $0xDD800  }
0xb1: {  	[dreg:$0x5] =	wrdreg $0x9  }
0xb2: {  	_ =	task.clear_ibuf [dreg:s6], $0x6FFFF;
	_ =	strace $0x90000049  }
0xb3: {  	s29 =	simm.s32 $0x9;
	_ =	strace $0x8000004B  }
0xb4: {  	_ =	swait.ge [sflag:s29], $0x1  }
0xb5: {  	[sflag:s29] =	ssyncadd.s32 $0xFFFFFFFF  }
0xb6: {  	_ =	strace $0x9000004B  }
0xb7: {  	_ =	sfence  }
0xb8: {  	s30 =	sld [smem:$0x0];
	_ =	sdelay $0x2  }
0xb9: {  	s31 =	sshll.u32 s1, $0xD;
	s1 =	sshrl.u32 s1, $0x2  }
0xba: {  	s3 =	sand.u32 $0x4000, s31;
	s1 =	sadd.s32 s1, s30  }
0xbb: {  	s0 =	sor.u32 s3, s0;
	s1 =	sshll.u32 s1, $0x11  }
0xbc: {  	s0 =	sor.u32 s1, s0  }
0xbd: {  	s0 =	sadd.s32 $0x8F2B, s0  }
0xbe: {  	[sflag:s0] =	ssyncadd.remote.s32 $0x1  }
0xbf: {  	_ =	sfence.sel $0xFFFF  }
0xc0: {  	[dreg:$0x0] =	wrdreg $0xFFFFFFFF;
	(pc) =	sbr.abs _section_cstart, $3  }
0xc1: {  	[dreg:$0x1] =	wrdreg $0xFFFFFFFF  }
0xc2: {  	_ =	task.clear_ibuf [dreg:s6], $0x2FFFF;
	_ =	strace $0x9FFFFFFF  }
0xc3: {  	(tm) =	ssettm $0x7FFFFFFF  }
tec
execute0_lowered:
.L_overlay_start_1:
0x0: {  	(tag) =	ssettag $0x1  }
0x1: {  	s1 =	rddreg [dreg:$0x0]  }
0x2: {  	s0 =	srdreg.scid;
	s2 =	rddreg [dreg:$0x1]  }
0x3: {  	s6 =	stileid.u32;
	s3 =	rddreg [dreg:$0x2];
	s11 =	simm.s32 $0x0  }
0x4: {  	s12 =	simm.s32 $0x11;
	s14 =	simm.s32 $0x8E80;
	s15 =	simm.s32 $0x7D  }
0x5: {  	s16 =	simm.s32 $0x5000;
	s18 =	simm.s32 $0x57D0;
	s20 =	simm.s32 $0x5FA0  }
0x6: {  	s22 =	simm.s32 $0x6770;
	s23 =	simm.s32 $0x1;
	s28 =	simm.s32 $0x3  }
0x7: {  	s29 =	simm.s32 $0x7EE0;
	s30 =	simm.s32 $0x4;
	s31 =	simm.s32 $0x86B0  }
0x8: {  	s13 =	simm.s32 $0x7;
	s17 =	simm.s32 $0xB;
	s19 =	simm.s32 $0x8  }
0x9: {  	s21 =	simm.s32 $0xC;
	s10 =	simm.s32 $0x0;
	s0 =	sand.u32 $0x1, s0  }
0xa: {  	s5 =	smul.u32 $0x2780, s6;
	[smem:$0x7FF] =	sst s11;
	s4 =	sshll.u32 s0, $0x4  }
0xb: {  	s8 =	smul.u32 $0x27800, s0;
	_ =	strace $0x8000004A;
	s0 =	ssub.s32 $0x2, s0  }
0xc: {  	s6 =	sor.u32 s6, s4;
	s7 =	sshrl.u32 s5, $0x3;
	s9 =	sshrl.u32 s0, $0x1  }
0xd: {  	s26 =	sadd.s32 s5, s2;
	s6 =	smul.u32 $0x2800, s6;
	s7 =	sadd.s32 s7, s1  }
0xe: {  	s8 =	sadd.s32 s5, s8;
	s0 =	ssub.s32 s0, s9;
	[dreg:$0x7] =	wrdreg s26  }
0xf: {  	s26 =	simm.s32 $0x7710;
	s8 =	sshrl.u32 s8, $0x3;
	s25 =	sadd.s32 $0x16A00, s7  }
0x10: {  	s0 =	smax.u32 s0, $0x1;
	s6 =	sshrl.u32 s6, $0x3;
	[dreg:$0x6] =	wrdreg s25  }
.Ltmp0:
0x11: {  	[dreg:$0x9] =	wrdreg s0;
	s6 =	sadd.s32 s6, s1;
	(pc) =	sbr.rel .LBB2_1-.Ltmp0, $4  }
0x12: {  	s25 =	simm.s32 $0x2;
	s0 =	simm.s32 $0x9;
	s24 =	sadd.s32 $0x2A00, s6  }
0x13: {  	s1 =	sadd.s32 s8, s1;
	s6 =	sadd.s32 $0xCA00, s6;
	[dreg:$0x4] =	wrdreg s24  }
0x14: {  	s1 =	sadd.s32 $0x1BA00, s1;
	[dreg:$0x5] =	wrdreg s6;
	s6 =	sadd.s32 s5, s3  }
0x15: {  	[dreg:$0x8] =	wrdreg s1;
	s24 =	simm.s32 $0x6F40;
	s1 =	simm.s32 $0x5  }
.LBB2_4:
0x16: {  	_ =	swait.ge [sflag:s19], $0x7D0  }
0x17: {  	[sflag:s19] =	ssyncset.done $0x0  }
0x18: {  	[sflag:s19] =	ssyncadd.s32 $0xFFFFF830  }
0x19: {  	[spmem:s3] =	stream.indirect.scatter.add.f32 [tilespmem:s31], [sflag:$0x10], $0x10, s6, s15, $0xb8;
	[tilespmem:$0x10500] =	vst v63  }
0x1a: {  	_ =	swait.ge [sflag:s21], $0x7D0  }
0x1b: {  	[sflag:s21] =	ssyncset.done $0x0  }
0x1c: {  	s5 =	simm.s32 $0xD;
	[sflag:s21] =	ssyncadd.s32 $0xFFFFF830  }
0x1d: {  	_ =	swait.ge [sflag:s5], $0x7D0  }
0x1e: {  	[sflag:s5] =	ssyncset.done $0x0  }
0x1f: {  	s11 =	simm.s32 $0xE;
	[sflag:s5] =	ssyncadd.s32 $0xFFFFF830  }
0x20: {  	_ =	swait.ge [sflag:s11], $0x7D0  }
0x21: {  	[sflag:s11] =	ssyncset.done $0x0  }
0x22: {  	s6 =	simm.s32 $0xF;
	[sflag:s11] =	ssyncadd.s32 $0xFFFFF830  }
0x23: {  	_ =	swait.ge [sflag:s6], $0x7D0  }
0x24: {  	[sflag:s6] =	ssyncset.done $0x0  }
0x25: {  	s7 =	simm.s32 $0x10;
	[sflag:s6] =	ssyncadd.s32 $0xFFFFF830  }
0x26: {  	_ =	swait.ge [sflag:s7], $0x7D0  }
0x27: {  	[sflag:s7] =	ssyncset.done $0x0  }
0x28: {  	[sflag:s7] =	ssyncadd.s32 $0xFFFFF830  }
0x29: {  	[bflag:$0x0] =	sbarrier.arrive $0xFFFF  }
0x2a: {  	[tilespmem:s14], [sflag:$0x11] =	stream.linear.gather [spmem:s4], $0x2780, $0x38;
	[tilespmem:$0x10500] =	vst v63  }
0x2b: {  	_ =	swait.ge [sflag:s12], $0x2780  }
0x2c: {  	[sflag:s12] =	ssyncset.done $0x0  }
0x2d: {  	s11 =	simm.s32 $0x0;
	s8 =	rddreg [dreg:$0x8];
	[sflag:s12] =	ssyncadd.s32 $0xFFFFD880  }
0x2e: {  	[hbm4b:s8+s11] =	stream.linear.scatter [tilespmem:s14], [sflag:$0x11], $0x2780, $0x38;
	[tilespmem:$0x10500] =	vst v63  }
0x2f: {  	_ =	swait.ge [sflag:s12], $0x2780  }
0x30: {  	s10 =	sadd.s32 $0x1, s10;
	s9 =	rddreg [dreg:$0x9]  }
0x31: {  	p0 =	sne.s32 s10, s9  }
.Ltmp1:
0x32: {  	_ = 	snop;
	(pc) =	sbr.rel @!p0 .LBB2_5-.Ltmp1, $3  }
0x33: {  	_ =	sdelay $0x1  }
0x34: {  	[sflag:s12] =	ssyncset.done $0x0  }
0x35: {  	s6 =	smov.u32 s4;
	[sflag:s12] =	ssyncadd.s32 $0xFFFFD880  }
.LBB2_1:
0x36: {  	s5 =	rddreg [dreg:$0x4]  }
0x37: {  	[tilespmem:s11], [sflag:$0x11] =	stream.linear.gather [hbm4b:s5+s11], $0x2800, $0x38;
	[tilespmem:$0x10500] =	vst v63  }
0x38: {  	_ =	swait.ge [sflag:s12], $0x2800  }
0x39: {  	[sflag:s12] =	ssyncset.done $0x0  }
0x3a: {  	s4 =	simm.s32 $0x2800;
	s9 =	rddreg [dreg:$0x5];
	[sflag:s12] =	ssyncadd.s32 $0xFFFFD800  }
0x3b: {  	[tilespmem:s4], [sflag:$0x11] =	stream.linear.gather [hbm4b:s9+s11], $0x2800, $0x38;
	[tilespmem:$0x10500] =	vst v63  }
0x3c: {  	_ =	swait.ge [sflag:s12], $0x2800  }
0x3d: {  	[sflag:s12] =	ssyncset.done $0x0  }
0x3e: {  	s4 =	rddreg [dreg:$0x6];
	[sflag:s12] =	ssyncadd.s32 $0xFFFFD800  }
0x3f: {  	[tilespmem:s14], [sflag:$0x11] =	stream.linear.gather [hbm4b:s4+s11], $0x2780, $0x38;
	[tilespmem:$0x10500] =	vst v63  }
0x40: {  	_ =	swait.ge [sflag:s12], $0x2780  }
0x41: {  	[sflag:s12] =	ssyncset.done $0x0  }
0x42: {  	s7 =	rddreg [dreg:$0x7];
	[sflag:s12] =	ssyncadd.s32 $0xFFFFD880  }
0x43: {  	[spmem:s7] =	stream.linear.scatter [tilespmem:s14], [sflag:$0x11], $0x2780, $0x38;
	[tilespmem:$0x10500] =	vst v63  }
0x44: {  	_ =	swait.ge [sflag:s12], $0x2780  }
0x45: {  	[sflag:s12] =	ssyncset.done $0x0  }
0x46: {  	[sflag:s12] =	ssyncadd.s32 $0xFFFFD880  }
0x47: {  	[spmem:s6] =	stream.linear.scatter [tilespmem:s14], [sflag:$0x11], $0x2780, $0x38;
	[tilespmem:$0x10500] =	vst v63  }
0x48: {  	_ =	swait.ge [sflag:s12], $0x2780  }
0x49: {  	[sflag:s12] =	ssyncset.done $0x0  }
0x4a: {  	[sflag:s12] =	ssyncadd.s32 $0xFFFFD880  }
0x4b: {  	[bflag:$0x0] =	sbarrier.arrive $0xFFFF  }
0x4c: {  	[tilespmem:s16], [sflag:$0x1] =	stream.indirect.gather [spmem:s2], $0x10, s11, s15, $0xb8;
	[tilespmem:$0x10500] =	vst v63  }
0x4d: {  	s8 =	simm.s32 $0x80  }
0x4e: {  	[tilespmem:s18], [sflag:$0x2] =	stream.indirect.gather [spmem:s2], $0x10, s8, s15, $0xb8;
	[tilespmem:$0x10500] =	vst v63  }
0x4f: {  	s9 =	simm.s32 $0x100  }
0x50: {  	[tilespmem:s20], [sflag:$0x3] =	stream.indirect.gather [spmem:s2], $0x10, s9, s15, $0xb8;
	[tilespmem:$0x10500] =	vst v63  }
0x51: {  	s11 =	simm.s32 $0x180  }
0x52: {  	[tilespmem:s22], [sflag:$0x4] =	stream.indirect.gather [spmem:s2], $0x10, s11, s15, $0xb8;
	[tilespmem:$0x10500] =	vst v63  }
0x53: {  	s4 =	smov.u32 s6;
	s11 =	simm.s32 $0x0  }
.LBB2_2:
0x54: {  	_ =	swait.ge [sflag:s23], $0x7D0  }
0x55: {  	s5 =	sshra.s32 s11, $0x2;
	[sflag:s23] =	ssyncset.done $0x0  }
0x56: {  	p0 =	seq.s32 s11, $0x0;
	s6 =	sadd.s32 $0x2800, s5;
	[sflag:s23] =	ssyncadd.s32 $0xFFFFF830  }
0x57: {  	[spmem:s3] =	stream.indirect.scatter.add.f32 [tilespmem:s16], [sflag:$0x9], $0x10, s6, s15, $0xb8;
	[tilespmem:$0x10500] =	vst v63  }
0x58: {  	s6 =	simm.s32 @!p0 $0xD  }
0x59: {  	_ =	swait.ge @!p0 [sflag:s6], $0x7D0  }
0x5a: {  	[sflag:s6] =	ssyncset.done @!p0 $0x0  }
0x5b: {  	s7 =	sadd.s32 $0x200, s5;
	[sflag:s6] =	ssyncadd.s32 @!p0 $0xFFFFF830  }
0x5c: {  	[tilespmem:s24], [sflag:$0x5] =	stream.indirect.gather [spmem:s2], $0x10, s7, s15, $0xb8;
	[tilespmem:$0x10500] =	vst v63  }
0x5d: {  	_ =	swait.ge [sflag:s25], $0x7D0  }
0x5e: {  	[sflag:s25] =	ssyncset.done $0x0  }
0x5f: {  	s8 =	sadd.s32 $0x2880, s5;
	s6 =	simm.s32 @!p0 $0xE;
	[sflag:s25] =	ssyncadd.s32 $0xFFFFF830  }
0x60: {  	[spmem:s3] =	stream.indirect.scatter.add.f32 [tilespmem:s18], [sflag:$0xA], $0x10, s8, s15, $0xb8;
	[tilespmem:$0x10500] =	vst v63  }
0x61: {  	_ =	swait.ge @!p0 [sflag:s6], $0x7D0  }
0x62: {  	[sflag:s6] =	ssyncset.done @!p0 $0x0  }
0x63: {  	s9 =	sadd.s32 $0x280, s5;
	[sflag:s6] =	ssyncadd.s32 @!p0 $0xFFFFF830  }
0x64: {  	[tilespmem:s26], [sflag:$0x6] =	stream.indirect.gather [spmem:s2], $0x10, s9, s15, $0xb8;
	[tilespmem:$0x10500] =	vst v63  }
0x65: {  	_ =	swait.ge [sflag:s28], $0x7D0  }
0x66: {  	[sflag:s28] =	ssyncset.done $0x0  }
0x67: {  	s7 =	sadd.s32 $0x2900, s5;
	s6 =	simm.s32 @!p0 $0xF;
	[sflag:s28] =	ssyncadd.s32 $0xFFFFF830  }
0x68: {  	[spmem:s3] =	stream.indirect.scatter.add.f32 [tilespmem:s20], [sflag:$0xB], $0x10, s7, s15, $0xb8;
	[tilespmem:$0x10500] =	vst v63  }
0x69: {  	_ =	swait.ge @!p0 [sflag:s6], $0x7D0  }
0x6a: {  	[sflag:s6] =	ssyncset.done @!p0 $0x0  }
0x6b: {  	s8 =	sadd.s32 $0x300, s5;
	[sflag:s6] =	ssyncadd.s32 @!p0 $0xFFFFF830  }
0x6c: {  	[tilespmem:s29], [sflag:$0x7] =	stream.indirect.gather [spmem:s2], $0x10, s8, s15, $0xb8;
	[tilespmem:$0x10500] =	vst v63  }
0x6d: {  	_ =	swait.ge [sflag:s30], $0x7D0  }
0x6e: {  	[sflag:s30] =	ssyncset.done $0x0  }
0x6f: {  	s9 =	sadd.s32 $0x2980, s5;
	s6 =	simm.s32 @!p0 $0x10;
	[sflag:s30] =	ssyncadd.s32 $0xFFFFF830  }
0x70: {  	[spmem:s3] =	stream.indirect.scatter.add.f32 [tilespmem:s22], [sflag:$0xC], $0x10, s9, s15, $0xb8;
	[tilespmem:$0x10500] =	vst v63  }
0x71: {  	_ =	swait.ge @!p0 [sflag:s6], $0x7D0  }
0x72: {  	[sflag:s6] =	ssyncset.done @!p0 $0x0  }
0x73: {  	s7 =	sadd.s32 $0x380, s5;
	[sflag:s6] =	ssyncadd.s32 @!p0 $0xFFFFF830  }
0x74: {  	[tilespmem:s31], [sflag:$0x8] =	stream.indirect.gather [spmem:s2], $0x10, s7, s15, $0xb8;
	[tilespmem:$0x10500] =	vst v63  }
0x75: {  	_ =	swait.ge [sflag:s1], $0x7D0  }
0x76: {  	[sflag:s1] =	ssyncset.done $0x0  }
0x77: {  	s8 =	sadd.s32 $0x2A00, s5;
	[sflag:s1] =	ssyncadd.s32 $0xFFFFF830  }
0x78: {  	[spmem:s3] =	stream.indirect.scatter.add.f32 [tilespmem:s24], [sflag:$0xD], $0x10, s8, s15, $0xb8;
	[tilespmem:$0x10500] =	vst v63  }
0x79: {  	_ =	swait.ge [sflag:s0], $0x7D0  }
0x7a: {  	p0 =	seq.s32 s11, $0x9000;
	[sflag:s0] =	ssyncset.done $0x0  }
0x7b: {  	s6 =	simm.s32 @p0 $0x6;
	[sflag:s0] =	ssyncadd.s32 $0xFFFFF830  }
0x7c: {  	_ =	swait.ge @p0 [sflag:s6], $0x7D0  }
0x7d: {  	[sflag:s6] =	ssyncset.done @p0 $0x0  }
0x7e: {  	[sflag:s6] =	ssyncadd.s32 @p0 $0xFFFFF830;
	s6 =	sshra.s32 @p0 s11, $0x2  }
0x7f: {  	s7 =	simm.s32 @p0 $0x7D;
	s8 =	simm.s32 @p0 $0x7710;
	s6 =	sadd.s32 @p0 $0x2A80, s6  }
0x80: {  	[spmem:s3] =	stream.indirect.scatter.add.f32 @p0 [tilespmem:s8], [sflag:$0xE], $0x10, s6, s7, $0xb8;
	[tilespmem:$0x10500] =	vst v63  }
0x81: {  	s6 =	simm.s32 @p0 $0xA  }
0x82: {  	_ =	swait.ge @p0 [sflag:s6], $0x7D0  }
0x83: {  	[sflag:s6] =	ssyncset.done @p0 $0x0  }
0x84: {  	[sflag:s6] =	ssyncadd.s32 @p0 $0xFFFFF830;
	s6 =	sshra.s32 @!p0 s11, $0x2  }
0x85: {  	s9 =	simm.s32 @!p0 $0x5000;
	s8 =	simm.s32 @!p0 $0x7D;
	s7 =	sadd.s32 @!p0 $0x400, s6  }
0x86: {  	[tilespmem:s9], [sflag:$0x1] =	stream.indirect.gather @!p0 [spmem:s2], $0x10, s7, s8, $0xb8;
	[tilespmem:$0x10500] =	vst v63  }
0x87: {  	s7 =	simm.s32 @!p0 $0x6  }
0x88: {  	_ =	swait.ge @!p0 [sflag:s7], $0x7D0  }
0x89: {  	[sflag:s7] =	ssyncset.done @!p0 $0x0  }
0x8a: {  	s9 =	simm.s32 @!p0 $0x7710;
	[sflag:s7] =	ssyncadd.s32 @!p0 $0xFFFFF830;
	s7 =	sadd.s32 @!p0 $0x2A80, s6  }
0x8b: {  	[spmem:s3] =	stream.indirect.scatter.add.f32 @!p0 [tilespmem:s9], [sflag:$0xE], $0x10, s7, s8, $0xb8;
	[tilespmem:$0x10500] =	vst v63  }
0x8c: {  	s7 =	simm.s32 @!p0 $0xA  }
0x8d: {  	_ =	swait.ge @!p0 [sflag:s7], $0x7D0  }
0x8e: {  	[sflag:s7] =	ssyncset.done @!p0 $0x0  }
0x8f: {  	s6 =	sadd.s32 @!p0 $0x480, s6;
	[sflag:s7] =	ssyncadd.s32 @!p0 $0xFFFFF830;
	s7 =	simm.s32 @!p0 $0x57D0  }
0x90: {  	[tilespmem:s7], [sflag:$0x2] =	stream.indirect.gather @!p0 [spmem:s2], $0x10, s6, s8, $0xb8;
	[tilespmem:$0x10500] =	vst v63  }
0x91: {  	_ =	swait.ge [sflag:s13], $0x7D0  }
0x92: {  	[sflag:s13] =	ssyncset.done $0x0  }
.Ltmp2:
0x93: {  	s9 =	sadd.s32 $0x2B00, s5;
	[sflag:s13] =	ssyncadd.s32 $0xFFFFF830;
	(pc) =	sbr.rel @p0 .LBB2_4-.Ltmp2, $4  }
0x94: {  	[spmem:s3] =	stream.indirect.scatter.add.f32 [tilespmem:s29], [sflag:$0xF], $0x10, s9, s15, $0xb8;
	[tilespmem:$0x10500] =	vst v63  }
0x95: {  	_ =	swait.ge [sflag:s17], $0x7D0  }
0x96: {  	[sflag:s17] =	ssyncset.done $0x0  }
0x97: {  	s6 =	sadd.s32 $0x2B80, s5;
	[sflag:s17] =	ssyncadd.s32 $0xFFFFF830  }
0x98: {  	s7 =	sadd.s32 $0x500, s5  }
0x99: {  	[tilespmem:s20], [sflag:$0x3] =	stream.indirect.gather [spmem:s2], $0x10, s7, s15, $0xb8;
	[tilespmem:$0x10500] =	vst v63  }
0x9a: {  	_ =	swait.ge [sflag:s19], $0x7D0  }
0x9b: {  	[sflag:s19] =	ssyncset.done $0x0  }
0x9c: {  	[sflag:s19] =	ssyncadd.s32 $0xFFFFF830  }
0x9d: {  	[spmem:s3] =	stream.indirect.scatter.add.f32 [tilespmem:s31], [sflag:$0x10], $0x10, s6, s15, $0xb8;
	[tilespmem:$0x10500] =	vst v63  }
.Ltmp3:
0x9e: {  	_ = 	snop;
	(pc) =	sbr.rel .LBB2_2-.Ltmp3, $4  }
0x9f: {  	_ =	swait.ge [sflag:s21], $0x7D0  }
0xa0: {  	[sflag:s21] =	ssyncset.done $0x0  }
0xa1: {  	s9 =	sadd.s32 $0x580, s5;
	s11 =	sadd.s32 $0x1000, s11;
	[sflag:s21] =	ssyncadd.s32 $0xFFFFF830  }
0xa2: {  	[tilespmem:s22], [sflag:$0x4] =	stream.indirect.gather [spmem:s2], $0x10, s9, s15, $0xb8;
	[tilespmem:$0x10500] =	vst v63  }
.LBB2_5:
0xa3: {  	_ =	sfence.sel $0x180000  }
0xa4: {  	[bflag:$0x0] =	sbarrier.arrive $0xFFFF  }
0xa5: {  	_ =	strace $0x9000004A  }
0xa6: {  	s0 =	stileid.u32;
	[bflag:$0x2] =	sbarrier.arrive $0xFFFF  }
0xa7: {  	p0 =	sne.s32 s0, $0x0;
	s0 =	rddreg [dreg:$0x3]  }
0xa8: {  	s0 =	sadd.s32 @!p0 $0x100000, s0  }
0xa9: {  	[sflag:s0] =	ssyncadd.tile.s32 @!p0 $0x1;
	_ =	shalt  }
.Lfunc_end2:
_tile_overlayer_lowered:
.L_overlay_start_2:
0xaa: {  	(tag) =	ssettag $0x2  }
0xab: {  	s0 =	rddreg [dreg:$0x0];
	s2 =	stileid.u32  }
0xac: {  	s1 =	rddreg [dreg:$0x1];
	p0 =	sne.s32 s2, $0x0  }
0xad: {  	s3 =	rddreg [dreg:$0x2];
	[bflag:$0x3] =	sbarrier.arrive $0xFFFF;
	s2 =	simm.s32 @!p0 $0x1C11  }
0xae: {  	[timem:s3], [sflag:s2] =	dma.local @!p0 [hbm:s0], s1  }
0xaf: {  	s0 =	simm.s32 @!p0 $0x11  }
0xb0: {  	_ =	swait.ge @!p0 [sflag:s0], s1  }
0xb1: {  	s1 =	ssub.s32 @!p0 $0x0, s1;
	[sflag:s0] =	ssyncset.done @!p0 $0x0  }
0xb2: {  	[sflag:s0] =	ssyncadd.s32 @!p0 s1  }
0xb3: {  	[bflag:$0x3] =	sbarrier.arrive $0xFFFF  }
0xb4: {  	_ =	shalt  }

// kernel: kernel.15.cloned.1.call-start
scs
__scs_entry_jumppad:
0x0: {  	(pc) =	sbr.rel $0x88, $3  }
0x1: {  	(tag) =	ssettag $0x0;
	lr =	simm.s32 $0x1  }
0x2: {  	[smem:$0x3F99] =	sst lr;
	_ =	strace $0xD0000000  }
0x3: {  	_ = 	snop  }
0x4: {  	_ = 	snop  }
0x5: {  	_ = 	snop  }
0x6: {  	_ = 	snop  }
0x7: {  	_ = 	snop  }
__scs_overlays_trampoline_lowered:
0x8: {  	[smem:$0x3FA8] =	sst s0  }
0x9: {  	[smem:$0x3FA9] =	sst s1  }
0xa: {  	[smem:$0x3FAA] =	sst s2  }
0xb: {  	[smem:$0x3FAB] =	sst s3  }
0xc: {  	[smem:$0x3FAC] =	sst s4  }
0xd: {  	[smem:$0x3FAD] =	sst s5  }
0xe: {  	[smem:$0x3FAE] =	sst s6  }
0xf: {  	[smem:$0x3FAF] =	sst s7  }
0x10: {  	[smem:$0x3FB0] =	sst s8  }
0x11: {  	[smem:$0x3FB1] =	sst s9;
	s0 =	simm.s32 @!p0 $0x0  }
0x12: {  	s1 =	sld [smem:$0x3F97];
	s0 =	simm.s32 @p0 $0x1  }
0x13: {  	[smem:$0x3FB2] =	sst s0;
	s0 =	simm.s32 @!p1 $0x0  }
0x14: {  	s2 =	sld [smem:$0x3F96];
	s0 =	simm.s32 @p1 $0x1  }
0x15: {  	[smem:$0x3FB3] =	sst s0;
	s0 =	simm.s32 @!p2 $0x0  }
0x16: {  	s3 =	sld [smem:$0x3FDB];
	s0 =	simm.s32 @p2 $0x1  }
0x17: {  	s4 =	simm.s32 $0x1BF5;
	[smem:$0x3FB5] =	sst s0  }
0x18: {  	s0 =	sld [smem:$0x3F98];
	_ =	swait.ge [sflag:s4], $0x0  }
0x19: {  	s7 =	sld [smem:$0x3F99]  }
0x1a: {  	s8 =	sadd.s32 $0xFFFFE003, lr  }
0x1b: {  	s9 =	sadd.s32 $0xFFFFFEF7, lr;
	s5 =	simm.s32 $0xFFFFFFFF;
	p2 =	slt.u32 s8, $0xFFFFF086  }
0x1c: {  	p1 =	slt.u32 s9, $0xF7A;
	s5 =	simm.s32 @!p2 $0x0  }
0x1d: {  	s5 =	simm.s32 @p1 $0x1;
	p0 =	seq.s32 s7, s2  }
0x1e: {  	s7 =	smul.u32 @!p0 $0xF7A, s2;
	p2 =	seq.s32 @!p0 s5, $0x0  }
0x1f: {  	s9 =	smul.u32 $0xF7A, s1;
	s8 =	simm.s32 @!p0 $0x1BF5;
	p2 =	por !p2, p0  }
0x20: {  	[sflag:s8] =	ssyncset.s32 @!p0 $0xFFFFF086;
	s6 =	sadd.s32 @!p0 s3, s7;
	s7 =	simm.s32 @!p0 $0x108  }
0x21: {  	s3 =	sadd.s32 s3, s9;
	s6 =	sadd.s32 @!p0 $0x88, s6;
	s7 =	simm.s32 @p2 $0x1082  }
0x22: {  	[simem:s7], [sflag:s8] =	dma.local @!p0 [hbm:s6], $0xF7A  }
0x23: {  	s9 =	sor.u32 $0xD0000000, s2;
	s6 =	simm.s32 $0x108;
	_ =	swait.ge @!p0 [sflag:s8], $0x0  }
0x24: {  	s3 =	sadd.s32 $0x88, s3;
	s6 =	simm.s32 @!p1 $0x1082;
	[sflag:s4] =	ssyncset.s32 $0xFFFFF086  }
0x25: {  	[simem:s6], [sflag:s4] =	dma.local [hbm:s3], $0xF7A  }
0x26: {  	[smem:$0x3F99] =	sst s1;
	(tag) =	ssettag s2;
	_ =	strace s9  }
0x27: {  	s1 =	sld [smem:$0x3FA9]  }
0x28: {  	s2 =	sld [smem:$0x3FAA]  }
0x29: {  	s4 =	sld [smem:$0x3FAC]  }
0x2a: {  	p0 =	seq.s32 s5, $0x0;
	s5 =	sld [smem:$0x3FAD]  }
0x2b: {  	s6 =	sld [smem:$0x3FAE]  }
0x2c: {  	s7 =	sld [smem:$0x3FAF]  }
0x2d: {  	s3 =	simm.s32 $0x108;
	s8 =	sld [smem:$0x3FB0]  }
0x2e: {  	s3 =	simm.s32 @!p0 $0x1082;
	s9 =	sld [smem:$0x3FB1]  }
0x2f: {  	lr =	sadd.s32 s0, s3;
	s0 =	sld [smem:$0x3FA8]  }
0x30: {  	s3 =	sld [smem:$0x3FAB]  }
0x31: {  	[smem:$0x3FB4] =	sst s10  }
0x32: {  	s10 =	sld [smem:$0x3FB2];
	_ =	sdelay $0x3  }
0x33: {  	p0 =	seq.s32 s10, $0x1;
	s10 =	sld [smem:$0x3FB4];
	_ =	sdelay $0x3  }
0x34: {  	[smem:$0x3FB4] =	sst s10  }
0x35: {  	s10 =	sld [smem:$0x3FB3];
	_ =	sdelay $0x3  }
0x36: {  	p1 =	seq.s32 s10, $0x1;
	s10 =	sld [smem:$0x3FB4];
	_ =	sdelay $0x3  }
0x37: {  	[smem:$0x3FB4] =	sst s10  }
0x38: {  	s10 =	sld [smem:$0x3FB5]  }
0x39: {  	_ = 	snop;
	(pc) =	sbr.ind lr, $3  }
0x3a: {  	_ = 	snop  }
0x3b: {  	_ = 	snop  }
0x3c: {  	p2 =	seq.s32 s10, $0x1;
	s10 =	sld [smem:$0x3FB4]  }
0x3d: {  	_ =	shalt  }
0x3e: {  	_ =	shalt  }
0x3f: {  	_ =	shalt  }
0x40: {  	_ =	shalt  }
0x41: {  	_ =	shalt  }
0x42: {  	_ =	shalt  }
0x43: {  	_ =	shalt  }
0x44: {  	_ =	shalt  }
0x45: {  	_ =	shalt  }
0x46: {  	_ =	shalt  }
0x47: {  	_ =	shalt  }
0x48: {  	_ =	shalt  }
0x49: {  	_ =	shalt  }
0x4a: {  	_ =	shalt  }
0x4b: {  	_ =	shalt  }
0x4c: {  	_ =	shalt  }
0x4d: {  	_ =	shalt  }
0x4e: {  	_ =	shalt  }
0x4f: {  	_ =	shalt  }
0x50: {  	_ =	shalt  }
0x51: {  	_ =	shalt  }
0x52: {  	_ =	shalt  }
0x53: {  	_ =	shalt  }
0x54: {  	_ =	shalt  }
0x55: {  	_ =	shalt  }
0x56: {  	_ =	shalt  }
0x57: {  	_ =	shalt  }
0x58: {  	_ =	shalt  }
0x59: {  	_ =	shalt  }
0x5a: {  	_ =	shalt  }
0x5b: {  	_ =	shalt  }
0x5c: {  	_ =	shalt  }
0x5d: {  	_ =	shalt  }
0x5e: {  	_ =	shalt  }
0x5f: {  	_ =	shalt  }
0x60: {  	_ =	shalt  }
0x61: {  	_ =	shalt  }
0x62: {  	_ =	shalt  }
0x63: {  	_ =	shalt  }
0x64: {  	_ =	shalt  }
0x65: {  	_ =	shalt  }
0x66: {  	_ =	shalt  }
0x67: {  	_ =	shalt  }
0x68: {  	_ =	shalt  }
0x69: {  	_ =	shalt  }
0x6a: {  	_ =	shalt  }
0x6b: {  	_ =	shalt  }
0x6c: {  	_ =	shalt  }
0x6d: {  	_ =	shalt  }
0x6e: {  	_ =	shalt  }
0x6f: {  	_ =	shalt  }
0x70: {  	_ =	shalt  }
0x71: {  	_ =	shalt  }
0x72: {  	_ =	shalt  }
0x73: {  	_ =	shalt  }
0x74: {  	_ =	shalt  }
0x75: {  	_ =	shalt  }
0x76: {  	_ =	shalt  }
0x77: {  	_ =	shalt  }
0x78: {  	_ =	shalt  }
0x79: {  	_ =	shalt  }
0x7a: {  	_ =	shalt  }
0x7b: {  	_ =	shalt  }
0x7c: {  	_ =	shalt  }
0x7d: {  	_ =	shalt  }
0x7e: {  	_ =	shalt  }
0x7f: {  	_ =	shalt  }
0x80: {  	_ =	shalt  }
0x81: {  	_ =	shalt  }
0x82: {  	_ =	shalt  }
0x83: {  	_ =	shalt  }
0x84: {  	_ =	shalt  }
0x85: {  	_ =	shalt  }
0x86: {  	_ =	shalt  }
0x87: {  	_ =	shalt  }
.Lfunc_end0:
.L_simem_size_0:
called_computation.2_lowered:
.L_overlay_start_0:
0x88: {  	s2 =	sld [smem:$0x3FD9]  }
0x89: {  	s3 =	sld [smem:$0x3FFE];
	_ =	sdelay $0x1  }
0x8a: {  	s1 =	srdreg.scid  }
0x8b: {  	s0 =	sand.u32 $0x1, s1  }
0x8c: {  	s17 =	sshll.u32 s0, $0xA;
	s2 =	sadd.s32 s3, s2  }
0x8d: {  	s2 =	sadd.s32 s2, s17  }
0x8e: {  	[smem:$0x3FC0] =	sst s2  }
0x8f: {  	_ = 	snop  }
0x90: {  	s2 =	sld [smem:$0x3FC6]  }
0x91: {  	s18 =	sld [smem:$0x3FD0];
	(tm) =	ssettm $0x1  }
0x92: {  	s4 =	sld [smem:$0x3FFB];
	_ =	sdelay $0x3  }
0x93: {  	_ =	strace s4  }
0x94: {  	s4 =	sld [smem:$0x3FFC];
	_ =	sdelay $0x3  }
0x95: {  	_ =	strace s4  }
0x96: {  	s4 =	sld [smem:$0x3FFD];
	_ =	sdelay $0x3  }
0x97: {  	_ =	strace s4  }
0x98: {  	_ =	strace $0x8FFFFFFF  }
0x99: {  	s19 =	sld [smem:$0x3FDB];
	_ =	sdelay $0x1  }
0x9a: {  	s5 =	simm.s32 $_scs_section_size  }
0x9b: {  	s6 =	simm.s32 $_size__tile_overlayer_lowered;
	s7 =	simm.s32 $_tile_overlayer_lowered  }
0x9c: {  	s22 =	simm.s32 $0x1BFF;
	s21 =	sshll.u32 s7, $0x1;
	s4 =	sadd.s32 s5, s19  }
0x9d: {  	s8 =	simm.s32 $0x0;
	s20 =	sshll.u32 s6, $0x1;
	s6 =	sadd.s32 s21, s4  }
0x9e: {  	[timem:s8], [sflag:s22] =	dma.local [hbm:s6], s20  }
0x9f: {  	_ =	swait.ge [sflag:s22], s20  }
0xa0: {  	s5 =	ssub.s32 $0x0, s20;
	[sflag:s22] =	ssyncset.done $0x0  }
0xa1: {  	[sflag:s22] =	ssyncadd.s32 s5;
	_ =	sdelay $0x1  }
0xa2: {  	s23 =	simm.s32 $0x1B8B  }
0xa3: {  	_ =	swait.ge [sflag:s23], $0x1  }
0xa4: {  	[sflag:s23] =	ssyncset.done $0x0  }
0xa5: {  	s25 =	simm.s32 $0x1B8E;
	s24 =	sld [smem:$0x3FFE];
	[sflag:s23] =	ssyncadd.s32 $0xFFFFFFFF  }
0xa6: {  	s26 =	simm.s32 $execute0_lowered;
	[smem:$0x3FD2] =	sst s25  }
0xa7: {  	s6 =	sshll.u32 s26, $0x1;
	_ =	strace $0x8000004C;
	[dreg:$0x1] =	wrdreg $0xFFFFFFFF  }
0xa8: {  	s28 =	simm.s32 $_size_execute0_lowered;
	s4 =	sadd.s32 s4, s6;
	[dreg:$0x0] =	wrdreg $0x0  }
0xa9: {  	s6 =	sshll.u32 s28, $0x1;
	[dreg:$0x2] =	wrdreg s4  }
0xaa: {  	[dreg:$0x3] =	wrdreg s6  }
0xab: {  	[dreg:$0x4] =	wrdreg $0xC0  }
0xac: {  	_ =	task [dreg:s8], $0x5FFFF  }
0xad: {  	[dreg:$0x1] =	wrdreg $0xFFFFFFFF  }
0xae: {  	[dreg:$0x0] =	wrdreg $0x60  }
0xaf: {  	[dreg:$0x2] =	wrdreg s24  }
0xb0: {  	[dreg:$0x3] =	wrdreg s2  }
0xb1: {  	[dreg:$0x4] =	wrdreg s18  }
0xb2: {  	[dreg:$0x5] =	wrdreg $0x154100  }
0xb3: {  	[dreg:$0x6] =	wrdreg $0x17B900  }
0xb4: {  	[dreg:$0x7] =	wrdreg $0x9  }
0xb5: {  	_ =	task.clear_ibuf [dreg:s8], $0x8FFFF;
	_ =	strace $0x9000004C  }
0xb6: {  	s29 =	simm.s32 $0x9;
	_ =	strace $0x8000004E  }
0xb7: {  	_ =	swait.ge [sflag:s29], $0x1  }
0xb8: {  	[sflag:s29] =	ssyncadd.s32 $0xFFFFFFFF  }
0xb9: {  	_ =	strace $0x9000004E  }
0xba: {  	_ =	sfence  }
0xbb: {  	s30 =	sld [smem:$0x0];
	_ =	sdelay $0x2  }
0xbc: {  	s31 =	sshll.u32 s1, $0xD;
	s1 =	sshrl.u32 s1, $0x2  }
0xbd: {  	s3 =	sand.u32 $0x4000, s31;
	s1 =	sadd.s32 s1, s30  }
0xbe: {  	s0 =	sor.u32 s3, s0;
	s1 =	sshll.u32 s1, $0x11  }
0xbf: {  	s0 =	sor.u32 s1, s0  }
0xc0: {  	s0 =	sadd.s32 $0x8F2B, s0  }
0xc1: {  	[sflag:s0] =	ssyncadd.remote.s32 $0x1  }
0xc2: {  	_ =	sfence.sel $0xFFFF  }
0xc3: {  	[dreg:$0x0] =	wrdreg $0xFFFFFFFF;
	(pc) =	sbr.abs _section_cstart, $3  }
0xc4: {  	[dreg:$0x1] =	wrdreg $0xFFFFFFFF  }
0xc5: {  	_ =	task.clear_ibuf [dreg:s8], $0x2FFFF;
	_ =	strace $0x9FFFFFFF  }
0xc6: {  	(tm) =	ssettm $0x7FFFFFFF  }
0xc7: {  	_ =	shalt  }
tec
execute0_lowered:
.L_overlay_start_1:
0x0: {  	(tag) =	ssettag $0x1  }
0x1: {  	s0 =	rddreg [dreg:$0x0]  }
0x2: {  	s1 =	srdreg.scid;
	s2 =	rddreg [dreg:$0x2]  }
0x3: {  	s3 =	rddreg [dreg:$0x3];
	s7 =	stileid.u32  }
0x4: {  	s4 =	rddreg [dreg:$0x4];
	s12 =	simm.s32 $0x0;
	s17 =	simm.s32 $0x11  }
0x5: {  	s14 =	simm.s32 $0x8E80;
	s29 =	simm.s32 $0x57D0;
	s31 =	simm.s32 $0x5FA0  }
0x6: {  	s18 =	simm.s32 $0x6F40;
	s28 =	simm.s32 $0x4;
	s30 =	simm.s32 $0x86B0  }
0x7: {  	s16 =	simm.s32 $0x0;
	s1 =	sand.u32 $0x1, s1;
	[smem:$0x7FF] =	sst s12  }
0x8: {  	s5 =	sshll.u32 s1, $0x4;
	s8 =	ssub.s32 $0x2, s1;
	s1 =	smul.u32 $0x27800, s1  }
0x9: {  	s6 =	sor.u32 s7, s5;
	s7 =	smul.u32 $0x2780, s7;
	s10 =	sshrl.u32 s8, $0x1  }
0xa: {  	_ =	strace $0x8000004D;
	s6 =	smul.u32 $0x2800, s6;
	s8 =	ssub.s32 s8, s10  }
0xb: {  	s10 =	simm.s32 $0xC;
	s9 =	sshrl.u32 s7, $0x3;
	s1 =	sadd.s32 s7, s1  }
0xc: {  	s24 =	sadd.s32 s7, s3;
	s26 =	smax.u32 s8, $0x1;
	s8 =	simm.s32 $0xB  }
0xd: {  	s6 =	sshrl.u32 s6, $0x3;
	[dreg:$0xc] =	wrdreg s24;
	s1 =	sshrl.u32 s1, $0x3  }
0xe: {  	[dreg:$0xf] =	wrdreg s26;
	s6 =	sadd.s32 s6, s0;
	s25 =	sadd.s32 s2, s1  }
0xf: {  	s24 =	sadd.s32 s7, s4;
	s19 =	sadd.s32 $0x2A00, s6;
	[dreg:$0xe] =	wrdreg s25  }
0x10: {  	s0 =	sadd.s32 s9, s0;
	s6 =	sadd.s32 $0xCA00, s6;
	[dreg:$0x6] =	wrdreg s19  }
0x11: {  	s26 =	simm.s32 $0x5000;
	s20 =	sadd.s32 $0x1BA00, s0;
	[dreg:$0x7] =	wrdreg s6  }
0x12: {  	s7 =	simm.s32 $0x7;
	s21 =	sadd.s32 $0x20900, s0;
	[dreg:$0x8] =	wrdreg s20  }
0x13: {  	s1 =	simm.s32 $0x6770;
	s22 =	sadd.s32 $0x16A00, s0;
	[dreg:$0x9] =	wrdreg s21  }
.Ltmp0:
0x14: {  	s23 =	sadd.s32 $0x25800, s0;
	[dreg:$0xa] =	wrdreg s22;
	(pc) =	sbr.rel .LBB2_1-.Ltmp0, $4  }
0x15: {  	s2 =	simm.s32 $0x5;
	s0 =	sadd.s32 $0x2A800, s0;
	[dreg:$0xb] =	wrdreg s23  }
0x16: {  	s9 =	simm.s32 $0x8;
	s25 =	simm.s32 $0x7D;
	[dreg:$0xd] =	wrdreg s0  }
0x17: {  	s0 =	simm.s32 $0x1;
	s20 =	simm.s32 $0x2;
	s21 =	simm.s32 $0x7710  }
0x18: {  	s22 =	simm.s32 $0x3;
	s23 =	simm.s32 $0x7EE0;
	s6 =	simm.s32 $0x9  }
.LBB2_6:
0x19: {  	_ =	swait.ge [sflag:s9], $0x7D0  }
0x1a: {  	[sflag:s9] =	ssyncset.done $0x0  }
0x1b: {  	[sflag:s9] =	ssyncadd.s32 $0xFFFFF830  }
0x1c: {  	[spmem:s4] =	stream.indirect.scatter.add.f32 [tilespmem:s30], [sflag:$0x10], $0x10, s12, s25, $0xb8;
	[tilespmem:$0x1A310] =	vst v63  }
0x1d: {  	_ =	swait.ge [sflag:s10], $0x7D0  }
0x1e: {  	[sflag:s10] =	ssyncset.done $0x0  }
0x1f: {  	s5 =	simm.s32 $0xD;
	[sflag:s10] =	ssyncadd.s32 $0xFFFFF830  }
0x20: {  	_ =	swait.ge [sflag:s5], $0x7D0  }
0x21: {  	[sflag:s5] =	ssyncset.done $0x0  }
0x22: {  	s12 =	simm.s32 $0xE;
	[sflag:s5] =	ssyncadd.s32 $0xFFFFF830  }
0x23: {  	_ =	swait.ge [sflag:s12], $0x7D0  }
0x24: {  	[sflag:s12] =	ssyncset.done $0x0  }
0x25: {  	s13 =	simm.s32 $0xF;
	[sflag:s12] =	ssyncadd.s32 $0xFFFFF830  }
0x26: {  	_ =	swait.ge [sflag:s13], $0x7D0  }
0x27: {  	[sflag:s13] =	ssyncset.done $0x0  }
0x28: {  	s14 =	simm.s32 $0x10;
	[sflag:s13] =	ssyncadd.s32 $0xFFFFF830  }
0x29: {  	_ =	swait.ge [sflag:s14], $0x7D0  }
0x2a: {  	[sflag:s14] =	ssyncset.done $0x0  }
0x2b: {  	[sflag:s14] =	ssyncadd.s32 $0xFFFFF830  }
0x2c: {  	s14 =	simm.s32 $0x8E80;
	[bflag:$0x0] =	sbarrier.arrive $0xFFFF  }
0x2d: {  	[tilespmem:s14], [sflag:$0x11] =	stream.linear.gather [spmem:s24], $0x2780, $0x38;
	[tilespmem:$0x1A310] =	vst v63  }
0x2e: {  	_ =	swait.ge [sflag:s17], $0x2780  }
0x2f: {  	[sflag:s17] =	ssyncset.done $0x0  }
0x30: {  	s12 =	simm.s32 $0x0;
	s15 =	rddreg [dreg:$0xe];
	[sflag:s17] =	ssyncadd.s32 $0xFFFFD880  }
0x31: {  	[hbm4b:s15+s12] =	stream.linear.scatter [tilespmem:s14], [sflag:$0x11], $0x2780, $0x38;
	[tilespmem:$0x1A310] =	vst v63  }
0x32: {  	_ =	swait.ge [sflag:s17], $0x2780  }
0x33: {  	s16 =	sadd.s32 $0x1, s16;
	s19 =	rddreg [dreg:$0xf]  }
0x34: {  	p0 =	sne.s32 s16, s19  }
.Ltmp1:
0x35: {  	_ = 	snop;
	(pc) =	sbr.rel @!p0 .LBB2_7-.Ltmp1, $3  }
0x36: {  	_ =	sdelay $0x1  }
0x37: {  	[sflag:s17] =	ssyncset.done $0x0  }
0x38: {  	[sflag:s17] =	ssyncadd.s32 $0xFFFFD880  }
.LBB2_1:
0x39: {  	s11 =	rddreg [dreg:$0x6]  }
0x3a: {  	[tilespmem:s12], [sflag:$0x11] =	stream.linear.gather [hbm4b:s11+s12], $0x2800, $0x38;
	[tilespmem:$0x1A310] =	vst v63  }
0x3b: {  	_ =	swait.ge [sflag:s17], $0x2800  }
0x3c: {  	s5 =	smov.u32 s24;
	[sflag:s17] =	ssyncset.done $0x0  }
0x3d: {  	s13 =	simm.s32 $0x2800;
	s24 =	rddreg [dreg:$0x7];
	[sflag:s17] =	ssyncadd.s32 $0xFFFFD800  }
0x3e: {  	[tilespmem:s13], [sflag:$0x11] =	stream.linear.gather [hbm4b:s24+s12], $0x2800, $0x38;
	[tilespmem:$0x1A310] =	vst v63  }
0x3f: {  	_ =	swait.ge [sflag:s17], $0x2800  }
0x40: {  	[sflag:s17] =	ssyncset.done $0x0  }
0x41: {  	s13 =	rddreg [dreg:$0x8];
	[sflag:s17] =	ssyncadd.s32 $0xFFFFD800  }
0x42: {  	[tilespmem:s14], [sflag:$0x11] =	stream.linear.gather [hbm4b:s13+s12], $0x2780, $0x38;
	[tilespmem:$0x1A310] =	vst v63  }
0x43: {  	_ =	swait.ge [sflag:s17], $0x2780  }
0x44: {  	[sflag:s17] =	ssyncset.done $0x0  }
0x45: {  	s15 =	simm.s32 $0xB600;
	s14 =	rddreg [dreg:$0x9];
	[sflag:s17] =	ssyncadd.s32 $0xFFFFD880  }
0x46: {  	[tilespmem:s15], [sflag:$0x11] =	stream.linear.gather [hbm4b:s14+s12], $0x2780, $0x38;
	[tilespmem:$0x1A310] =	vst v63  }
0x47: {  	_ =	swait.ge [sflag:s17], $0x2780  }
0x48: {  	[sflag:s17] =	ssyncset.done $0x0  }
0x49: {  	s24 =	simm.s32 $0xDD80;
	s19 =	rddreg [dreg:$0xa];
	[sflag:s17] =	ssyncadd.s32 $0xFFFFD880  }
0x4a: {  	[tilespmem:s24], [sflag:$0x11] =	stream.linear.gather [hbm4b:s19+s12], $0x2780, $0x38;
	[tilespmem:$0x1A310] =	vst v63  }
0x4b: {  	_ =	swait.ge [sflag:s17], $0x2780  }
0x4c: {  	[sflag:s17] =	ssyncset.done $0x0  }
0x4d: {  	s15 =	simm.s32 $0x10500;
	s14 =	rddreg [dreg:$0xb];
	[sflag:s17] =	ssyncadd.s32 $0xFFFFD880  }
0x4e: {  	[tilespmem:s15], [sflag:$0x11] =	stream.linear.gather [hbm4b:s14+s12], $0x2780, $0x38;
	[tilespmem:$0x1A310] =	vst v63  }
0x4f: {  	_ =	swait.ge [sflag:s17], $0x2780  }
0x50: {  	[sflag:s17] =	ssyncset.done $0x0  }
0x51: {  	[sflag:s17] =	ssyncadd.s32 $0xFFFFD880  }
0x52: {  	s24 =	simm.s32 $0x15400;
	s19 =	rddreg [dreg:$0x1]  }
0x53: {  	[tilespmem:s24], [sflag:$0x11] =	stream.linear.gather [hbm4b:s19+s12], $0x10, $0x38;
	[tilespmem:$0x1A310] =	vst v63  }
0x54: {  	_ =	swait.ge [sflag:s17], $0x10  }
0x55: {  	[sflag:s17] =	ssyncset.done $0x0  }
0x56: {  	s19 =	simm.s32 $0x0;
	[sflag:s17] =	ssyncadd.s32 $0xFFFFFFF0  }
0x57: {  	v1 =	vld [tilespmem:s19+$0x8E80]  }
0x58: {  	v2 =	vld [tilespmem:s19+$0xB600];
	_ =	sdelay $0x1  }
0x59: {  	v3 =	vld [tilespmem:s19+$0xDD80];
	_ =	sdelay $0x1  }
0x5a: {  	v0 =	vld [tilespmem:s19+$0x10500]  }
0x5b: {  	s24 =	simm.s32 $0x10;
	v4 =	vld [tilespmem:$0x15400];
	v1 =	vadd.f32 v2, v1  }
0x5c: {  	v5 =	vld [tilespmem:s24+$0x8E80]  }
0x5d: {  	v6 =	vld [tilespmem:s24+$0xB600];
	v1 =	vsub.f32 v1, v3  }
0x5e: {  	s11 =	simm.s32 $0x20;
	v7 =	vld [tilespmem:s24+$0xDD80]  }
0x5f: {  	v8 =	vld [tilespmem:s11+$0x8E80];
	v1 =	vmul.f32 v1, v0  }
0x60: {  	v9 =	vld [tilespmem:s11+$0xB600]  }
0x61: {  	v2 =	vld [tilespmem:s24+$0x10500];
	v3 =	vadd.f32 v1, v4  }
0x62: {  	v10 =	vld [tilespmem:s11+$0xDD80];
	v5 =	vadd.f32 v6, v5  }
0x63: {  	v1 =	vmin.f32 v3, $0.0e+00  }
0x64: {  	s12 =	simm.s32 $0x30;
	v5 =	vsub.f32 v5, v7;
	v6 =	vmul.f32 $1.442695020e+00, v1;
	v1 =	vld [tilespmem:s11+$0x10500]  }
0x65: {  	v7 =	vadd.f32 v9, v8;
	v8 =	vld [tilespmem:s12+$0xB600]  }
0x66: {  	v5 =	vmul.f32 v5, v2;
	(erf) = vpow2.f32 v6;
	v6 =	vld [tilespmem:s12+$0x8E80]  }
0x67: {  	v7 =	vsub.f32 v7, v10  }
0x68: {  	v5 =	vadd.f32 v5, v4  }
0x69: {  	v10 =	vmul.f32 v7, v1  }
0x6a: {  	v9 =	vld [tilespmem:s12+$0xDD80];
	v11 =	vmin.f32 v5, $0.0e+00  }
0x6b: {  	v12 =	vadd.f32 v8, v6;
	v6 =	vadd.f32 v10, v4;
	v10 =	vmul.f32 $1.442695020e+00, v11;
	_ =	sdelay $0x1  }
0x6c: {  	s14 =	simm.s32 $0x40;
	v7 =	vld [tilespmem:s12+$0x10500];
	(erf) = vpow2.f32 v10  }
0x6d: {  	v8 =	vld [tilespmem:s14+$0x8E80]  }
0x6e: {  	v13 =	vsub.f32 v12, v9;
	v9 =	vld [tilespmem:s14+$0xB600]  }
0x6f: {  	v11 =	vmin.f32 v6, $0.0e+00;
	v14 =	vpop (erf)  }
0x70: {  	v10 =	vld [tilespmem:s14+$0xDD80];
	v12 =	vmul.f32 $1.442695020e+00, v11;
	v11 =	vadd.f32 $-1.000000000e+00, v14  }
0x71: {  	s15 =	simm.s32 $0x140;
	vm0 =	vgt.f32 v3, $0.0e+00;
	v13 =	vmul.f32 v13, v7  }
.LBB2_2:
0x72: {  	s13 =	sshra.s32 s15, $0x2;
	v14 =	vld [tilespmem:s14+$0x10500];
	(erf) = vpow2.f32 v12;
	v11 =	vsel vm0, v3, v11;
	v3 =	vmovc v5;
	v5 =	vmov v6;
	p0 =	sne.s32 s15, $0x9DC0  }
.Ltmp2:
0x73: {  	s15 =	sadd.s32 $0x40, s15;
	v12 =	vadd.f32 v9, v8;
	v8 =	vld [tilespmem:s13+$0x8E80];
	v6 =	vadd.f32 v13, v4;
	v11 =	vmul.f32 v11, v0;
	v0 =	vmovc v2;
	(pc) =	sbr.rel @p0 .LBB2_2-.Ltmp2, $4  }
0x74: {  	v2 =	vmov v1;
	v1 =	vmov v7;
	v9 =	vld [tilespmem:s13+$0xB600]  }
0x75: {  	v15 =	vsub.f32 v12, v10;
	v12 =	vmin.f32 v6, $0.0e+00;
	v13 =	vpop (erf);
	[tilespmem:s19+$0x12C80] =	vst v11;
	s19 =	smov.u32 s24;
	s24 =	smov.u32 s11;
	s11 =	smov.u32 s12  }
0x76: {  	s12 =	smov.u32 s14;
	s14 =	smov.u32 s13;
	v10 =	vld [tilespmem:s13+$0xDD80];
	v12 =	vmul.f32 $1.442695020e+00, v12;
	v11 =	vadd.f32 $-1.000000000e+00, v13  }
0x77: {  	vm0 =	vgt.f32 v3, $0.0e+00;
	v13 =	vmul.f32 v15, v14;
	v7 =	vmov v14  }
0x78: {  	v14 =	vld [tilespmem:s14+$0x10500]  }
0x79: {  	v8 =	vadd.f32 v9, v8;
	_ =	sdelay $0x1  }
0x7a: {  	v8 =	vsub.f32 v8, v10;
	_ =	sdelay $0x1  }
0x7b: {  	v8 =	vmul.f32 v8, v14  }
0x7c: {  	v48 =	vadd.f32 v13, v4  }
0x7d: {  	v49 =	vadd.f32 v8, v4  }
0x7e: {  	v50 =	vmin.f32 v48, $0.0e+00  }
0x7f: {  	v8 =	vmul.f32 $1.442695020e+00, v50;
	v51 =	vmin.f32 v49, $0.0e+00  }
0x80: {  	(erf) = vpow2.f32 v12;
	v10 =	vmul.f32 $1.442695020e+00, v51  }
0x81: {  	(erf) = vpow2.f32 v8  }
0x82: {  	(erf) = vpow2.f32 v10;
	_ =	sdelay $0x5  }
0x83: {  	v52 =	vpop (erf)  }
0x84: {  	v3 =	vsel vm0, v3, v11;
	vm12 =	vgt.f32 v5, $0.0e+00;
	v8 =	vadd.f32 $-1.000000000e+00, v52;
	v53 =	vpop (erf)  }
0x85: {  	vm13 =	vgt.f32 v6, $0.0e+00;
	v0 =	vmul.f32 v3, v0;
	v55 =	vadd.f32 $-1.000000000e+00, v53;
	v56 =	vpop (erf)  }
0x86: {  	vm14 =	vgt.f32 v48, $0.0e+00;
	v54 =	vsel vm12, v5, v8;
	v57 =	vadd.f32 $-1.000000000e+00, v56;
	v58 =	vpop (erf)  }
0x87: {  	v2 =	vmul.f32 v54, v2;
	v5 =	vsel vm13, v6, v55;
	v59 =	vadd.f32 $-1.000000000e+00, v58  }
0x88: {  	[tilespmem:s19+$0x12C80] =	vst v0;
	vm15 =	vgt.f32 v49, $0.0e+00;
	v60 =	vmul.f32 v5, v1;
	v61 =	vsel vm14, v48, v57  }
0x89: {  	[tilespmem:s24+$0x12C80] =	vst v2;
	v1 =	vmul.f32 v61, v7;
	v62 =	vsel vm15, v49, v59  }
0x8a: {  	[tilespmem:s11+$0x12C80] =	vst v60;
	v63 =	vmul.f32 v62, v14  }
0x8b: {  	[tilespmem:s12+$0x12C80] =	vst v1  }
0x8c: {  	s15 =	simm.s32 $0x12C80;
	[tilespmem:s14+$0x12C80] =	vst v63;
	s14 =	rddreg [dreg:$0xc]  }
0x8d: {  	[spmem:s14] =	stream.linear.scatter [tilespmem:s15], [sflag:$0x11], $0x2780, $0x38;
	[tilespmem:$0x1A310] =	vst v63  }
0x8e: {  	_ =	swait.ge [sflag:s17], $0x2780  }
0x8f: {  	[sflag:s17] =	ssyncset.done $0x0  }
0x90: {  	[sflag:s17] =	ssyncadd.s32 $0xFFFFD880  }
0x91: {  	[spmem:s5] =	stream.linear.scatter [tilespmem:s15], [sflag:$0x11], $0x2780, $0x38;
	[tilespmem:$0x1A310] =	vst v63  }
0x92: {  	_ =	swait.ge [sflag:s17], $0x2780  }
0x93: {  	[sflag:s17] =	ssyncset.done $0x0  }
0x94: {  	s19 =	simm.s32 $0x0;
	s11 =	rddreg [dreg:$0xd];
	[sflag:s17] =	ssyncadd.s32 $0xFFFFD880  }
0x95: {  	[hbm4b:s11+s19] =	stream.linear.scatter [tilespmem:s15], [sflag:$0x11], $0x2780, $0x38;
	[tilespmem:$0x1A310] =	vst v63  }
0x96: {  	_ =	swait.ge [sflag:s17], $0x2780  }
0x97: {  	[sflag:s17] =	ssyncset.done $0x0  }
0x98: {  	[sflag:s17] =	ssyncadd.s32 $0xFFFFD880  }
0x99: {  	[bflag:$0x0] =	sbarrier.arrive $0xFFFF  }
0x9a: {  	[tilespmem:s26], [sflag:$0x1] =	stream.indirect.gather [spmem:s3], $0x10, s19, s25, $0xb8;
	[tilespmem:$0x1A310] =	vst v63  }
0x9b: {  	s13 =	simm.s32 $0x80  }
0x9c: {  	[tilespmem:s29], [sflag:$0x2] =	stream.indirect.gather [spmem:s3], $0x10, s13, s25, $0xb8;
	[tilespmem:$0x1A310] =	vst v63  }
0x9d: {  	s14 =	simm.s32 $0x100  }
0x9e: {  	[tilespmem:s31], [sflag:$0x3] =	stream.indirect.gather [spmem:s3], $0x10, s14, s25, $0xb8;
	[tilespmem:$0x1A310] =	vst v63  }
0x9f: {  	s24 =	smov.u32 s5;
	s15 =	simm.s32 $0x180  }
0xa0: {  	[tilespmem:s1], [sflag:$0x4] =	stream.indirect.gather [spmem:s3], $0x10, s15, s25, $0xb8;
	[tilespmem:$0x1A310] =	vst v63  }
.LBB2_4:
0xa1: {  	_ =	swait.ge [sflag:s0], $0x7D0  }
0xa2: {  	s11 =	sshra.s32 s19, $0x2;
	[sflag:s0] =	ssyncset.done $0x0  }
0xa3: {  	p0 =	seq.s32 s19, $0x0;
	s12 =	sadd.s32 $0x2800, s11;
	[sflag:s0] =	ssyncadd.s32 $0xFFFFF830  }
0xa4: {  	[spmem:s4] =	stream.indirect.scatter.add.f32 [tilespmem:s26], [sflag:$0x9], $0x10, s12, s25, $0xb8;
	[tilespmem:$0x1A310] =	vst v63  }
0xa5: {  	s12 =	simm.s32 @!p0 $0xD  }
0xa6: {  	_ =	swait.ge @!p0 [sflag:s12], $0x7D0  }
0xa7: {  	[sflag:s12] =	ssyncset.done @!p0 $0x0  }
0xa8: {  	s15 =	sadd.s32 $0x200, s11;
	[sflag:s12] =	ssyncadd.s32 @!p0 $0xFFFFF830  }
0xa9: {  	[tilespmem:s18], [sflag:$0x5] =	stream.indirect.gather [spmem:s3], $0x10, s15, s25, $0xb8;
	[tilespmem:$0x1A310] =	vst v63  }
0xaa: {  	_ =	swait.ge [sflag:s20], $0x7D0  }
0xab: {  	[sflag:s20] =	ssyncset.done $0x0  }
0xac: {  	s5 =	sadd.s32 $0x2880, s11;
	s12 =	simm.s32 @!p0 $0xE;
	[sflag:s20] =	ssyncadd.s32 $0xFFFFF830  }
0xad: {  	[spmem:s4] =	stream.indirect.scatter.add.f32 [tilespmem:s29], [sflag:$0xA], $0x10, s5, s25, $0xb8;
	[tilespmem:$0x1A310] =	vst v63  }
0xae: {  	_ =	swait.ge @!p0 [sflag:s12], $0x7D0  }
0xaf: {  	[sflag:s12] =	ssyncset.done @!p0 $0x0  }
0xb0: {  	s13 =	sadd.s32 $0x280, s11;
	[sflag:s12] =	ssyncadd.s32 @!p0 $0xFFFFF830  }
0xb1: {  	[tilespmem:s21], [sflag:$0x6] =	stream.indirect.gather [spmem:s3], $0x10, s13, s25, $0xb8;
	[tilespmem:$0x1A310] =	vst v63  }
0xb2: {  	_ =	swait.ge [sflag:s22], $0x7D0  }
0xb3: {  	[sflag:s22] =	ssyncset.done $0x0  }
0xb4: {  	s14 =	sadd.s32 $0x2900, s11;
	s12 =	simm.s32 @!p0 $0xF;
	[sflag:s22] =	ssyncadd.s32 $0xFFFFF830  }
0xb5: {  	[spmem:s4] =	stream.indirect.scatter.add.f32 [tilespmem:s31], [sflag:$0xB], $0x10, s14, s25, $0xb8;
	[tilespmem:$0x1A310] =	vst v63  }
0xb6: {  	_ =	swait.ge @!p0 [sflag:s12], $0x7D0  }
0xb7: {  	[sflag:s12] =	ssyncset.done @!p0 $0x0  }
0xb8: {  	s15 =	sadd.s32 $0x300, s11;
	[sflag:s12] =	ssyncadd.s32 @!p0 $0xFFFFF830  }
0xb9: {  	[tilespmem:s23], [sflag:$0x7] =	stream.indirect.gather [spmem:s3], $0x10, s15, s25, $0xb8;
	[tilespmem:$0x1A310] =	vst v63  }
0xba: {  	_ =	swait.ge [sflag:s28], $0x7D0  }
0xbb: {  	[sflag:s28] =	ssyncset.done $0x0  }
0xbc: {  	s5 =	sadd.s32 $0x2980, s11;
	s12 =	simm.s32 @!p0 $0x10;
	[sflag:s28] =	ssyncadd.s32 $0xFFFFF830  }
0xbd: {  	[spmem:s4] =	stream.indirect.scatter.add.f32 [tilespmem:s1], [sflag:$0xC], $0x10, s5, s25, $0xb8;
	[tilespmem:$0x1A310] =	vst v63  }
0xbe: {  	_ =	swait.ge @!p0 [sflag:s12], $0x7D0  }
0xbf: {  	[sflag:s12] =	ssyncset.done @!p0 $0x0  }
0xc0: {  	s13 =	sadd.s32 $0x380, s11;
	[sflag:s12] =	ssyncadd.s32 @!p0 $0xFFFFF830  }
0xc1: {  	[tilespmem:s30], [sflag:$0x8] =	stream.indirect.gather [spmem:s3], $0x10, s13, s25, $0xb8;
	[tilespmem:$0x1A310] =	vst v63  }
0xc2: {  	_ =	swait.ge [sflag:s2], $0x7D0  }
0xc3: {  	[sflag:s2] =	ssyncset.done $0x0  }
0xc4: {  	s14 =	sadd.s32 $0x2A00, s11;
	[sflag:s2] =	ssyncadd.s32 $0xFFFFF830  }
0xc5: {  	[spmem:s4] =	stream.indirect.scatter.add.f32 [tilespmem:s18], [sflag:$0xD], $0x10, s14, s25, $0xb8;
	[tilespmem:$0x1A310] =	vst v63  }
0xc6: {  	_ =	swait.ge [sflag:s6], $0x7D0  }
0xc7: {  	p0 =	seq.s32 s19, $0x9000;
	[sflag:s6] =	ssyncset.done $0x0  }
0xc8: {  	s12 =	simm.s32 @p0 $0x6;
	[sflag:s6] =	ssyncadd.s32 $0xFFFFF830  }
0xc9: {  	_ =	swait.ge @p0 [sflag:s12], $0x7D0  }
0xca: {  	[sflag:s12] =	ssyncset.done @p0 $0x0  }
0xcb: {  	[sflag:s12] =	ssyncadd.s32 @p0 $0xFFFFF830;
	s12 =	sshra.s32 @p0 s19, $0x2  }
0xcc: {  	s13 =	simm.s32 @p0 $0x7D;
	s14 =	simm.s32 @p0 $0x7710;
	s12 =	sadd.s32 @p0 $0x2A80, s12  }
0xcd: {  	[spmem:s4] =	stream.indirect.scatter.add.f32 @p0 [tilespmem:s14], [sflag:$0xE], $0x10, s12, s13, $0xb8;
	[tilespmem:$0x1A310] =	vst v63  }
0xce: {  	s12 =	simm.s32 @p0 $0xA  }
0xcf: {  	_ =	swait.ge @p0 [sflag:s12], $0x7D0  }
0xd0: {  	[sflag:s12] =	ssyncset.done @p0 $0x0  }
0xd1: {  	[sflag:s12] =	ssyncadd.s32 @p0 $0xFFFFF830;
	s12 =	sshra.s32 @!p0 s19, $0x2  }
0xd2: {  	s15 =	simm.s32 @!p0 $0x5000;
	s14 =	simm.s32 @!p0 $0x7D;
	s13 =	sadd.s32 @!p0 $0x400, s12  }
0xd3: {  	[tilespmem:s15], [sflag:$0x1] =	stream.indirect.gather @!p0 [spmem:s3], $0x10, s13, s14, $0xb8;
	[tilespmem:$0x1A310] =	vst v63  }
0xd4: {  	s13 =	simm.s32 @!p0 $0x6  }
0xd5: {  	_ =	swait.ge @!p0 [sflag:s13], $0x7D0  }
0xd6: {  	[sflag:s13] =	ssyncset.done @!p0 $0x0  }
0xd7: {  	s15 =	simm.s32 @!p0 $0x7710;
	[sflag:s13] =	ssyncadd.s32 @!p0 $0xFFFFF830;
	s13 =	sadd.s32 @!p0 $0x2A80, s12  }
0xd8: {  	[spmem:s4] =	stream.indirect.scatter.add.f32 @!p0 [tilespmem:s15], [sflag:$0xE], $0x10, s13, s14, $0xb8;
	[tilespmem:$0x1A310] =	vst v63  }
0xd9: {  	s13 =	simm.s32 @!p0 $0xA  }
0xda: {  	_ =	swait.ge @!p0 [sflag:s13], $0x7D0  }
0xdb: {  	[sflag:s13] =	ssyncset.done @!p0 $0x0  }
0xdc: {  	s12 =	sadd.s32 @!p0 $0x480, s12;
	[sflag:s13] =	ssyncadd.s32 @!p0 $0xFFFFF830;
	s13 =	simm.s32 @!p0 $0x57D0  }
0xdd: {  	[tilespmem:s13], [sflag:$0x2] =	stream.indirect.gather @!p0 [spmem:s3], $0x10, s12, s14, $0xb8;
	[tilespmem:$0x1A310] =	vst v63  }
0xde: {  	_ =	swait.ge [sflag:s7], $0x7D0  }
0xdf: {  	[sflag:s7] =	ssyncset.done $0x0  }
.Ltmp3:
0xe0: {  	s15 =	sadd.s32 $0x2B00, s11;
	[sflag:s7] =	ssyncadd.s32 $0xFFFFF830;
	(pc) =	sbr.rel @p0 .LBB2_6-.Ltmp3, $4  }
0xe1: {  	[spmem:s4] =	stream.indirect.scatter.add.f32 [tilespmem:s23], [sflag:$0xF], $0x10, s15, s25, $0xb8;
	[tilespmem:$0x1A310] =	vst v63  }
0xe2: {  	_ =	swait.ge [sflag:s8], $0x7D0  }
0xe3: {  	[sflag:s8] =	ssyncset.done $0x0  }
0xe4: {  	s12 =	sadd.s32 $0x2B80, s11;
	[sflag:s8] =	ssyncadd.s32 $0xFFFFF830  }
0xe5: {  	s13 =	sadd.s32 $0x500, s11  }
0xe6: {  	[tilespmem:s31], [sflag:$0x3] =	stream.indirect.gather [spmem:s3], $0x10, s13, s25, $0xb8;
	[tilespmem:$0x1A310] =	vst v63  }
0xe7: {  	_ =	swait.ge [sflag:s9], $0x7D0  }
0xe8: {  	[sflag:s9] =	ssyncset.done $0x0  }
0xe9: {  	[sflag:s9] =	ssyncadd.s32 $0xFFFFF830  }
0xea: {  	[spmem:s4] =	stream.indirect.scatter.add.f32 [tilespmem:s30], [sflag:$0x10], $0x10, s12, s25, $0xb8;
	[tilespmem:$0x1A310] =	vst v63  }
.Ltmp4:
0xeb: {  	_ = 	snop;
	(pc) =	sbr.rel .LBB2_4-.Ltmp4, $4  }
0xec: {  	_ =	swait.ge [sflag:s10], $0x7D0  }
0xed: {  	[sflag:s10] =	ssyncset.done $0x0  }
0xee: {  	s15 =	sadd.s32 $0x580, s11;
	s19 =	sadd.s32 $0x1000, s19;
	[sflag:s10] =	ssyncadd.s32 $0xFFFFF830  }
0xef: {  	[tilespmem:s1], [sflag:$0x4] =	stream.indirect.gather [spmem:s3], $0x10, s15, s25, $0xb8;
	[tilespmem:$0x1A310] =	vst v63  }
.LBB2_7:
0xf0: {  	_ =	sfence.sel $0x180000  }
0xf1: {  	[bflag:$0x0] =	sbarrier.arrive $0xFFFF  }
0xf2: {  	_ =	strace $0x9000004D  }
0xf3: {  	s0 =	stileid.u32;
	[bflag:$0x2] =	sbarrier.arrive $0xFFFF  }
0xf4: {  	p0 =	sne.s32 s0, $0x0;
	s0 =	rddreg [dreg:$0x5]  }
0xf5: {  	s0 =	sadd.s32 @!p0 $0x100000, s0  }
0xf6: {  	[sflag:s0] =	ssyncadd.tile.s32 @!p0 $0x1;
	_ =	shalt  }
.Lfunc_end2:
_tile_overlayer_lowered:
.L_overlay_start_2:
0xf7: {  	(tag) =	ssettag $0x2  }
0xf8: {  	s0 =	rddreg [dreg:$0x0];
	s2 =	stileid.u32  }
0xf9: {  	s1 =	rddreg [dreg:$0x1];
	p0 =	sne.s32 s2, $0x0  }
0xfa: {  	s3 =	rddreg [dreg:$0x2];
	[bflag:$0x3] =	sbarrier.arrive $0xFFFF;
	s2 =	simm.s32 @!p0 $0x1C11  }
0xfb: {  	[timem:s3], [sflag:s2] =	dma.local @!p0 [hbm:s0], s1  }
0xfc: {  	s0 =	simm.s32 @!p0 $0x11  }
0xfd: {  	_ =	swait.ge @!p0 [sflag:s0], s1  }
0xfe: {  	s1 =	ssub.s32 @!p0 $0x0, s1;
	[sflag:s0] =	ssyncset.done @!p0 $0x0  }
0xff: {  	[sflag:s0] =	ssyncadd.s32 @!p0 s1  }
0x100: {  	[bflag:$0x3] =	sbarrier.arrive $0xFFFF  }
0x101: {  	_ =	shalt  }

// kernel: kernel.18.cloned.1.call-start
scs
__scs_entry_jumppad:
0x0: {  	(pc) =	sbr.rel $0x88, $3  }
0x1: {  	(tag) =	ssettag $0x0;
	lr =	simm.s32 $0x1  }
0x2: {  	[smem:$0x3F99] =	sst lr;
	_ =	strace $0xD0000000  }
0x3: {  	_ = 	snop  }
0x4: {  	_ = 	snop  }
0x5: {  	_ = 	snop  }
0x6: {  	_ = 	snop  }
0x7: {  	_ = 	snop  }
__scs_overlays_trampoline_lowered:
0x8: {  	[smem:$0x3FA8] =	sst s0  }
0x9: {  	[smem:$0x3FA9] =	sst s1  }
0xa: {  	[smem:$0x3FAA] =	sst s2  }
0xb: {  	[smem:$0x3FAB] =	sst s3  }
0xc: {  	[smem:$0x3FAC] =	sst s4  }
0xd: {  	[smem:$0x3FAD] =	sst s5  }
0xe: {  	[smem:$0x3FAE] =	sst s6  }
0xf: {  	[smem:$0x3FAF] =	sst s7  }
0x10: {  	[smem:$0x3FB0] =	sst s8  }
0x11: {  	[smem:$0x3FB1] =	sst s9;
	s0 =	simm.s32 @!p0 $0x0  }
0x12: {  	s1 =	sld [smem:$0x3F97];
	s0 =	simm.s32 @p0 $0x1  }
0x13: {  	[smem:$0x3FB2] =	sst s0;
	s0 =	simm.s32 @!p1 $0x0  }
0x14: {  	s2 =	sld [smem:$0x3F96];
	s0 =	simm.s32 @p1 $0x1  }
0x15: {  	[smem:$0x3FB3] =	sst s0;
	s0 =	simm.s32 @!p2 $0x0  }
0x16: {  	s3 =	sld [smem:$0x3FDB];
	s0 =	simm.s32 @p2 $0x1  }
0x17: {  	s4 =	simm.s32 $0x1BF5;
	[smem:$0x3FB5] =	sst s0  }
0x18: {  	s0 =	sld [smem:$0x3F98];
	_ =	swait.ge [sflag:s4], $0x0  }
0x19: {  	s7 =	sld [smem:$0x3F99]  }
0x1a: {  	s8 =	sadd.s32 $0xFFFFE003, lr  }
0x1b: {  	s9 =	sadd.s32 $0xFFFFFEF7, lr;
	s5 =	simm.s32 $0xFFFFFFFF;
	p2 =	slt.u32 s8, $0xFFFFF086  }
0x1c: {  	p1 =	slt.u32 s9, $0xF7A;
	s5 =	simm.s32 @!p2 $0x0  }
0x1d: {  	s5 =	simm.s32 @p1 $0x1;
	p0 =	seq.s32 s7, s2  }
0x1e: {  	s7 =	smul.u32 @!p0 $0xF7A, s2;
	p2 =	seq.s32 @!p0 s5, $0x0  }
0x1f: {  	s9 =	smul.u32 $0xF7A, s1;
	s8 =	simm.s32 @!p0 $0x1BF5;
	p2 =	por !p2, p0  }
0x20: {  	[sflag:s8] =	ssyncset.s32 @!p0 $0xFFFFF086;
	s6 =	sadd.s32 @!p0 s3, s7;
	s7 =	simm.s32 @!p0 $0x108  }
0x21: {  	s3 =	sadd.s32 s3, s9;
	s6 =	sadd.s32 @!p0 $0x88, s6;
	s7 =	simm.s32 @p2 $0x1082  }
0x22: {  	[simem:s7], [sflag:s8] =	dma.local @!p0 [hbm:s6], $0xF7A  }
0x23: {  	s9 =	sor.u32 $0xD0000000, s2;
	s6 =	simm.s32 $0x108;
	_ =	swait.ge @!p0 [sflag:s8], $0x0  }
0x24: {  	s3 =	sadd.s32 $0x88, s3;
	s6 =	simm.s32 @!p1 $0x1082;
	[sflag:s4] =	ssyncset.s32 $0xFFFFF086  }
0x25: {  	[simem:s6], [sflag:s4] =	dma.local [hbm:s3], $0xF7A  }
0x26: {  	[smem:$0x3F99] =	sst s1;
	(tag) =	ssettag s2;
	_ =	strace s9  }
0x27: {  	s1 =	sld [smem:$0x3FA9]  }
0x28: {  	s2 =	sld [smem:$0x3FAA]  }
0x29: {  	s4 =	sld [smem:$0x3FAC]  }
0x2a: {  	p0 =	seq.s32 s5, $0x0;
	s5 =	sld [smem:$0x3FAD]  }
0x2b: {  	s6 =	sld [smem:$0x3FAE]  }
0x2c: {  	s7 =	sld [smem:$0x3FAF]  }
0x2d: {  	s3 =	simm.s32 $0x108;
	s8 =	sld [smem:$0x3FB0]  }
0x2e: {  	s3 =	simm.s32 @!p0 $0x1082;
	s9 =	sld [smem:$0x3FB1]  }
0x2f: {  	lr =	sadd.s32 s0, s3;
	s0 =	sld [smem:$0x3FA8]  }
0x30: {  	s3 =	sld [smem:$0x3FAB]  }
0x31: {  	[smem:$0x3FB4] =	sst s10  }
0x32: {  	s10 =	sld [smem:$0x3FB2];
	_ =	sdelay $0x3  }
0x33: {  	p0 =	seq.s32 s10, $0x1;
	s10 =	sld [smem:$0x3FB4];
	_ =	sdelay $0x3  }
0x34: {  	[smem:$0x3FB4] =	sst s10  }
0x35: {  	s10 =	sld [smem:$0x3FB3];
	_ =	sdelay $0x3  }
0x36: {  	p1 =	seq.s32 s10, $0x1;
	s10 =	sld [smem:$0x3FB4];
	_ =	sdelay $0x3  }
0x37: {  	[smem:$0x3FB4] =	sst s10  }
0x38: {  	s10 =	sld [smem:$0x3FB5]  }
0x39: {  	_ = 	snop;
	(pc) =	sbr.ind lr, $3  }
0x3a: {  	_ = 	snop  }
0x3b: {  	_ = 	snop  }
0x3c: {  	p2 =	seq.s32 s10, $0x1;
	s10 =	sld [smem:$0x3FB4]  }
0x3d: {  	_ =	shalt  }
0x3e: {  	_ =	shalt  }
0x3f: {  	_ =	shalt  }
0x40: {  	_ =	shalt  }
0x41: {  	_ =	shalt  }
0x42: {  	_ =	shalt  }
0x43: {  	_ =	shalt  }
0x44: {  	_ =	shalt  }
0x45: {  	_ =	shalt  }
0x46: {  	_ =	shalt  }
0x47: {  	_ =	shalt  }
0x48: {  	_ =	shalt  }
0x49: {  	_ =	shalt  }
0x4a: {  	_ =	shalt  }
0x4b: {  	_ =	shalt  }
0x4c: {  	_ =	shalt  }
0x4d: {  	_ =	shalt  }
0x4e: {  	_ =	shalt  }
0x4f: {  	_ =	shalt  }
0x50: {  	_ =	shalt  }
0x51: {  	_ =	shalt  }
0x52: {  	_ =	shalt  }
0x53: {  	_ =	shalt  }
0x54: {  	_ =	shalt  }
0x55: {  	_ =	shalt  }
0x56: {  	_ =	shalt  }
0x57: {  	_ =	shalt  }
0x58: {  	_ =	shalt  }
0x59: {  	_ =	shalt  }
0x5a: {  	_ =	shalt  }
0x5b: {  	_ =	shalt  }
0x5c: {  	_ =	shalt  }
0x5d: {  	_ =	shalt  }
0x5e: {  	_ =	shalt  }
0x5f: {  	_ =	shalt  }
0x60: {  	_ =	shalt  }
0x61: {  	_ =	shalt  }
0x62: {  	_ =	shalt  }
0x63: {  	_ =	shalt  }
0x64: {  	_ =	shalt  }
0x65: {  	_ =	shalt  }
0x66: {  	_ =	shalt  }
0x67: {  	_ =	shalt  }
0x68: {  	_ =	shalt  }
0x69: {  	_ =	shalt  }
0x6a: {  	_ =	shalt  }
0x6b: {  	_ =	shalt  }
0x6c: {  	_ =	shalt  }
0x6d: {  	_ =	shalt  }
0x6e: {  	_ =	shalt  }
0x6f: {  	_ =	shalt  }
0x70: {  	_ =	shalt  }
0x71: {  	_ =	shalt  }
0x72: {  	_ =	shalt  }
0x73: {  	_ =	shalt  }
0x74: {  	_ =	shalt  }
0x75: {  	_ =	shalt  }
0x76: {  	_ =	shalt  }
0x77: {  	_ =	shalt  }
0x78: {  	_ =	shalt  }
0x79: {  	_ =	shalt  }
0x7a: {  	_ =	shalt  }
0x7b: {  	_ =	shalt  }
0x7c: {  	_ =	shalt  }
0x7d: {  	_ =	shalt  }
0x7e: {  	_ =	shalt  }
0x7f: {  	_ =	shalt  }
0x80: {  	_ =	shalt  }
0x81: {  	_ =	shalt  }
0x82: {  	_ =	shalt  }
0x83: {  	_ =	shalt  }
0x84: {  	_ =	shalt  }
0x85: {  	_ =	shalt  }
0x86: {  	_ =	shalt  }
0x87: {  	_ =	shalt  }
.Lfunc_end0:
.L_simem_size_0:
called_computation.3_lowered:
.L_overlay_start_0:
0x88: {  	s2 =	sld [smem:$0x3FD9]  }
0x89: {  	s3 =	sld [smem:$0x3FFE];
	_ =	sdelay $0x1  }
0x8a: {  	s1 =	srdreg.scid  }
0x8b: {  	s0 =	sand.u32 $0x1, s1  }
0x8c: {  	s17 =	sshll.u32 s0, $0xA;
	s2 =	sadd.s32 s3, s2  }
0x8d: {  	s2 =	sadd.s32 s2, s17  }
0x8e: {  	[smem:$0x3FC0] =	sst s2  }
0x8f: {  	_ = 	snop  }
0x90: {  	s2 =	sld [smem:$0x3FD0];
	(tm) =	ssettm $0x1  }
0x91: {  	s18 =	sld [smem:$0x3FFB];
	_ =	sdelay $0x3  }
0x92: {  	_ =	strace s18  }
0x93: {  	s3 =	sld [smem:$0x3FFC];
	_ =	sdelay $0x3  }
0x94: {  	_ =	strace s3  }
0x95: {  	s3 =	sld [smem:$0x3FFD];
	_ =	sdelay $0x3  }
0x96: {  	_ =	strace s3  }
0x97: {  	_ =	strace $0x8FFFFFFF  }
0x98: {  	s19 =	sld [smem:$0x3FDB];
	_ =	sdelay $0x1  }
0x99: {  	s4 =	simm.s32 $_scs_section_size  }
0x9a: {  	s5 =	simm.s32 $_size__tile_overlayer_lowered;
	s6 =	simm.s32 $_tile_overlayer_lowered  }
0x9b: {  	s22 =	simm.s32 $0x1BFF;
	s21 =	sshll.u32 s6, $0x1;
	s3 =	sadd.s32 s4, s19  }
0x9c: {  	s7 =	simm.s32 $0x0;
	s20 =	sshll.u32 s5, $0x1;
	s5 =	sadd.s32 s21, s3  }
0x9d: {  	[timem:s7], [sflag:s22] =	dma.local [hbm:s5], s20  }
0x9e: {  	_ =	swait.ge [sflag:s22], s20  }
0x9f: {  	s4 =	ssub.s32 $0x0, s20;
	[sflag:s22] =	ssyncset.done $0x0  }
0xa0: {  	[sflag:s22] =	ssyncadd.s32 s4;
	_ =	sdelay $0x1  }
0xa1: {  	s23 =	simm.s32 $0x1B8B  }
0xa2: {  	_ =	swait.ge [sflag:s23], $0x1  }
0xa3: {  	[sflag:s23] =	ssyncset.done $0x0  }
0xa4: {  	s25 =	simm.s32 $0x1B8E;
	s24 =	sld [smem:$0x3FFE];
	[sflag:s23] =	ssyncadd.s32 $0xFFFFFFFF  }
0xa5: {  	s26 =	simm.s32 $execute0_lowered;
	[smem:$0x3FD2] =	sst s25  }
0xa6: {  	s5 =	sshll.u32 s26, $0x1;
	_ =	strace $0x8000004F;
	[dreg:$0x1] =	wrdreg $0xFFFFFFFF  }
0xa7: {  	s28 =	simm.s32 $_size_execute0_lowered;
	s3 =	sadd.s32 s3, s5;
	[dreg:$0x0] =	wrdreg $0x0  }
0xa8: {  	s5 =	sshll.u32 s28, $0x1;
	[dreg:$0x2] =	wrdreg s3  }
0xa9: {  	[dreg:$0x3] =	wrdreg s5  }
0xaa: {  	[dreg:$0x4] =	wrdreg $0xC0  }
0xab: {  	_ =	task [dreg:s7], $0x5FFFF  }
0xac: {  	[dreg:$0x1] =	wrdreg $0xFFFFFFFF  }
0xad: {  	[dreg:$0x0] =	wrdreg $0x60  }
0xae: {  	[dreg:$0x2] =	wrdreg s24  }
0xaf: {  	[dreg:$0x3] =	wrdreg s2  }
0xb0: {  	[dreg:$0x4] =	wrdreg $0xB6000  }
0xb1: {  	[dreg:$0x5] =	wrdreg $0xDD800  }
0xb2: {  	[dreg:$0x6] =	wrdreg $0x9  }
0xb3: {  	_ =	task.clear_ibuf [dreg:s7], $0x7FFFF;
	_ =	strace $0x9000004F  }
0xb4: {  	s29 =	simm.s32 $0x9;
	_ =	strace $0x80000051  }
0xb5: {  	_ =	swait.ge [sflag:s29], $0x1  }
0xb6: {  	[sflag:s29] =	ssyncadd.s32 $0xFFFFFFFF  }
0xb7: {  	_ =	strace $0x90000051  }
0xb8: {  	_ =	sfence  }
0xb9: {  	s30 =	sld [smem:$0x0];
	_ =	sdelay $0x2  }
0xba: {  	s31 =	sshll.u32 s1, $0xD;
	s1 =	sshrl.u32 s1, $0x2  }
0xbb: {  	s3 =	sand.u32 $0x4000, s31;
	s1 =	sadd.s32 s1, s30  }
0xbc: {  	s0 =	sor.u32 s3, s0;
	s1 =	sshll.u32 s1, $0x11  }
0xbd: {  	s0 =	sor.u32 s1, s0  }
0xbe: {  	s0 =	sadd.s32 $0x8F2B, s0  }
0xbf: {  	[sflag:s0] =	ssyncadd.remote.s32 $0x1  }
0xc0: {  	_ =	sfence.sel $0xFFFF  }
0xc1: {  	[dreg:$0x0] =	wrdreg $0xFFFFFFFF;
	(pc) =	sbr.abs _section_cstart, $3  }
0xc2: {  	[dreg:$0x1] =	wrdreg $0xFFFFFFFF  }
0xc3: {  	_ =	task.clear_ibuf [dreg:s7], $0x2FFFF;
	_ =	strace $0x9FFFFFFF  }
0xc4: {  	(tm) =	ssettm $0x7FFFFFFF  }
0xc5: {  	_ =	shalt  }
tec
execute0_lowered:
.L_overlay_start_1:
0x0: {  	(tag) =	ssettag $0x1  }
0x1: {  	s0 =	rddreg [dreg:$0x0]  }
0x2: {  	s2 =	rddreg [dreg:$0x1]  }
0x3: {  	s1 =	rddreg [dreg:$0x2];
	s4 =	srdreg.scid  }
0x4: {  	s3 =	rddreg [dreg:$0x3];
	s8 =	stileid.u32  }
0x5: {  	s11 =	simm.s32 $0x0;
	s12 =	simm.s32 $0x11;
	s14 =	simm.s32 $0x8E80  }
0x6: {  	s15 =	simm.s32 $0x7D;
	s16 =	simm.s32 $0x5000;
	s18 =	simm.s32 $0x57D0  }
0x7: {  	s28 =	simm.s32 $0x3;
	s29 =	simm.s32 $0x7EE0;
	s30 =	simm.s32 $0x4  }
0x8: {  	s31 =	simm.s32 $0x86B0;
	s13 =	simm.s32 $0x7;
	s17 =	simm.s32 $0xB  }
0x9: {  	s19 =	simm.s32 $0x8;
	s5 =	sand.u32 $0x1, s4;
	[smem:$0x7FF] =	sst s11  }
0xa: {  	s7 =	smul.u32 $0x2780, s8;
	s6 =	sshll.u32 s5, $0x4;
	_ =	strace $0x80000050  }
0xb: {  	s9 =	ssub.s32 $0x2, s5;
	s5 =	smul.u32 $0x27800, s5;
	s6 =	sor.u32 s8, s6  }
0xc: {  	s20 =	sshrl.u32 s7, $0x3;
	s10 =	sshrl.u32 s9, $0x1;
	s25 =	sadd.s32 s7, s1  }
0xd: {  	s6 =	smul.u32 $0x2800, s6;
	s8 =	sadd.s32 s20, s0;
	s21 =	ssub.s32 s9, s10  }
0xe: {  	s23 =	sadd.s32 s7, s5;
	[dreg:$0x8] =	wrdreg s25;
	s7 =	sadd.s32 s7, s3  }
0xf: {  	s20 =	simm.s32 $0x5FA0;
	s25 =	simm.s32 $0x2;
	s10 =	simm.s32 $0x0  }
0x10: {  	s24 =	sadd.s32 $0x16A00, s8;
	s26 =	smax.u32 s21, $0x1;
	s6 =	sshrl.u32 s6, $0x3  }
0x11: {  	s21 =	simm.s32 $0xC;
	[dreg:$0x7] =	wrdreg s24;
	s0 =	sadd.s32 s6, s0  }
.Ltmp0:
0x12: {  	[dreg:$0xa] =	wrdreg s26;
	s22 =	sadd.s32 $0x2A00, s0;
	(pc) =	sbr.rel .LBB2_1-.Ltmp0, $4  }
0x13: {  	s24 =	simm.s32 $0x6F40;
	s0 =	sadd.s32 $0xCA00, s0;
	[dreg:$0x5] =	wrdreg s22  }
0x14: {  	s26 =	simm.s32 $0x7710;
	[dreg:$0x6] =	wrdreg s0;
	s0 =	sshrl.u32 s23, $0x3  }
0x15: {  	s22 =	simm.s32 $0x6770;
	s23 =	simm.s32 $0x1;
	s0 =	sadd.s32 s2, s0  }
0x16: {  	s2 =	simm.s32 $0x9;
	[dreg:$0x9] =	wrdreg s0;
	s0 =	simm.s32 $0x5  }
.LBB2_4:
0x17: {  	_ =	swait.ge [sflag:s19], $0x7D0  }
0x18: {  	[sflag:s19] =	ssyncset.done $0x0  }
0x19: {  	[sflag:s19] =	ssyncadd.s32 $0xFFFFF830  }
0x1a: {  	[spmem:s3] =	stream.indirect.scatter.add.f32 [tilespmem:s31], [sflag:$0x10], $0x10, s6, s15, $0xb8;
	[tilespmem:$0x10500] =	vst v63  }
0x1b: {  	_ =	swait.ge [sflag:s21], $0x7D0  }
0x1c: {  	[sflag:s21] =	ssyncset.done $0x0  }
0x1d: {  	s5 =	simm.s32 $0xD;
	[sflag:s21] =	ssyncadd.s32 $0xFFFFF830  }
0x1e: {  	_ =	swait.ge [sflag:s5], $0x7D0  }
0x1f: {  	[sflag:s5] =	ssyncset.done $0x0  }
0x20: {  	s11 =	simm.s32 $0xE;
	[sflag:s5] =	ssyncadd.s32 $0xFFFFF830  }
0x21: {  	_ =	swait.ge [sflag:s11], $0x7D0  }
0x22: {  	[sflag:s11] =	ssyncset.done $0x0  }
0x23: {  	s6 =	simm.s32 $0xF;
	[sflag:s11] =	ssyncadd.s32 $0xFFFFF830  }
0x24: {  	_ =	swait.ge [sflag:s6], $0x7D0  }
0x25: {  	[sflag:s6] =	ssyncset.done $0x0  }
0x26: {  	s7 =	simm.s32 $0x10;
	[sflag:s6] =	ssyncadd.s32 $0xFFFFF830  }
0x27: {  	_ =	swait.ge [sflag:s7], $0x7D0  }
0x28: {  	[sflag:s7] =	ssyncset.done $0x0  }
0x29: {  	[sflag:s7] =	ssyncadd.s32 $0xFFFFF830  }
0x2a: {  	[bflag:$0x0] =	sbarrier.arrive $0xFFFF  }
0x2b: {  	[tilespmem:s14], [sflag:$0x11] =	stream.linear.gather [spmem:s4], $0x2780, $0x38;
	[tilespmem:$0x10500] =	vst v63  }
0x2c: {  	_ =	swait.ge [sflag:s12], $0x2780  }
0x2d: {  	[sflag:s12] =	ssyncset.done $0x0  }
0x2e: {  	s11 =	simm.s32 $0x0;
	s8 =	rddreg [dreg:$0x9];
	[sflag:s12] =	ssyncadd.s32 $0xFFFFD880  }
0x2f: {  	[hbm4b:s8+s11] =	stream.linear.scatter [tilespmem:s14], [sflag:$0x11], $0x2780, $0x38;
	[tilespmem:$0x10500] =	vst v63  }
0x30: {  	_ =	swait.ge [sflag:s12], $0x2780  }
0x31: {  	s10 =	sadd.s32 $0x1, s10;
	s9 =	rddreg [dreg:$0xa]  }
0x32: {  	p0 =	sne.s32 s10, s9  }
.Ltmp1:
0x33: {  	_ = 	snop;
	(pc) =	sbr.rel @!p0 .LBB2_5-.Ltmp1, $3  }
0x34: {  	_ =	sdelay $0x1  }
0x35: {  	[sflag:s12] =	ssyncset.done $0x0  }
0x36: {  	s7 =	smov.u32 s4;
	[sflag:s12] =	ssyncadd.s32 $0xFFFFD880  }
.LBB2_1:
0x37: {  	s5 =	rddreg [dreg:$0x5]  }
0x38: {  	[tilespmem:s11], [sflag:$0x11] =	stream.linear.gather [hbm4b:s5+s11], $0x2800, $0x38;
	[tilespmem:$0x10500] =	vst v63  }
0x39: {  	_ =	swait.ge [sflag:s12], $0x2800  }
0x3a: {  	[sflag:s12] =	ssyncset.done $0x0  }
0x3b: {  	s4 =	simm.s32 $0x2800;
	s9 =	rddreg [dreg:$0x6];
	[sflag:s12] =	ssyncadd.s32 $0xFFFFD800  }
0x3c: {  	[tilespmem:s4], [sflag:$0x11] =	stream.linear.gather [hbm4b:s9+s11], $0x2800, $0x38;
	[tilespmem:$0x10500] =	vst v63  }
0x3d: {  	_ =	swait.ge [sflag:s12], $0x2800  }
0x3e: {  	[sflag:s12] =	ssyncset.done $0x0  }
0x3f: {  	s4 =	rddreg [dreg:$0x7];
	[sflag:s12] =	ssyncadd.s32 $0xFFFFD800  }
0x40: {  	[tilespmem:s14], [sflag:$0x11] =	stream.linear.gather [hbm4b:s4+s11], $0x2780, $0x38;
	[tilespmem:$0x10500] =	vst v63  }
0x41: {  	_ =	swait.ge [sflag:s12], $0x2780  }
0x42: {  	[sflag:s12] =	ssyncset.done $0x0  }
0x43: {  	s6 =	rddreg [dreg:$0x8];
	[sflag:s12] =	ssyncadd.s32 $0xFFFFD880  }
0x44: {  	[spmem:s6] =	stream.linear.scatter [tilespmem:s14], [sflag:$0x11], $0x2780, $0x38;
	[tilespmem:$0x10500] =	vst v63  }
0x45: {  	_ =	swait.ge [sflag:s12], $0x2780  }
0x46: {  	[sflag:s12] =	ssyncset.done $0x0  }
0x47: {  	[sflag:s12] =	ssyncadd.s32 $0xFFFFD880  }
0x48: {  	[spmem:s7] =	stream.linear.scatter [tilespmem:s14], [sflag:$0x11], $0x2780, $0x38;
	[tilespmem:$0x10500] =	vst v63  }
0x49: {  	_ =	swait.ge [sflag:s12], $0x2780  }
0x4a: {  	[sflag:s12] =	ssyncset.done $0x0  }
0x4b: {  	[sflag:s12] =	ssyncadd.s32 $0xFFFFD880  }
0x4c: {  	[bflag:$0x0] =	sbarrier.arrive $0xFFFF  }
0x4d: {  	[tilespmem:s16], [sflag:$0x1] =	stream.indirect.gather [spmem:s1], $0x10, s11, s15, $0xb8;
	[tilespmem:$0x10500] =	vst v63  }
0x4e: {  	s8 =	simm.s32 $0x80  }
0x4f: {  	[tilespmem:s18], [sflag:$0x2] =	stream.indirect.gather [spmem:s1], $0x10, s8, s15, $0xb8;
	[tilespmem:$0x10500] =	vst v63  }
0x50: {  	s9 =	simm.s32 $0x100  }
0x51: {  	[tilespmem:s20], [sflag:$0x3] =	stream.indirect.gather [spmem:s1], $0x10, s9, s15, $0xb8;
	[tilespmem:$0x10500] =	vst v63  }
0x52: {  	s11 =	simm.s32 $0x180  }
0x53: {  	[tilespmem:s22], [sflag:$0x4] =	stream.indirect.gather [spmem:s1], $0x10, s11, s15, $0xb8;
	[tilespmem:$0x10500] =	vst v63  }
0x54: {  	s4 =	smov.u32 s7;
	s11 =	simm.s32 $0x0  }
.LBB2_2:
0x55: {  	_ =	swait.ge [sflag:s23], $0x7D0  }
0x56: {  	s5 =	sshra.s32 s11, $0x2;
	[sflag:s23] =	ssyncset.done $0x0  }
0x57: {  	p0 =	seq.s32 s11, $0x0;
	s6 =	sadd.s32 $0x2800, s5;
	[sflag:s23] =	ssyncadd.s32 $0xFFFFF830  }
0x58: {  	[spmem:s3] =	stream.indirect.scatter.add.f32 [tilespmem:s16], [sflag:$0x9], $0x10, s6, s15, $0xb8;
	[tilespmem:$0x10500] =	vst v63  }
0x59: {  	s6 =	simm.s32 @!p0 $0xD  }
0x5a: {  	_ =	swait.ge @!p0 [sflag:s6], $0x7D0  }
0x5b: {  	[sflag:s6] =	ssyncset.done @!p0 $0x0  }
0x5c: {  	s7 =	sadd.s32 $0x200, s5;
	[sflag:s6] =	ssyncadd.s32 @!p0 $0xFFFFF830  }
0x5d: {  	[tilespmem:s24], [sflag:$0x5] =	stream.indirect.gather [spmem:s1], $0x10, s7, s15, $0xb8;
	[tilespmem:$0x10500] =	vst v63  }
0x5e: {  	_ =	swait.ge [sflag:s25], $0x7D0  }
0x5f: {  	[sflag:s25] =	ssyncset.done $0x0  }
0x60: {  	s8 =	sadd.s32 $0x2880, s5;
	s6 =	simm.s32 @!p0 $0xE;
	[sflag:s25] =	ssyncadd.s32 $0xFFFFF830  }
0x61: {  	[spmem:s3] =	stream.indirect.scatter.add.f32 [tilespmem:s18], [sflag:$0xA], $0x10, s8, s15, $0xb8;
	[tilespmem:$0x10500] =	vst v63  }
0x62: {  	_ =	swait.ge @!p0 [sflag:s6], $0x7D0  }
0x63: {  	[sflag:s6] =	ssyncset.done @!p0 $0x0  }
0x64: {  	s9 =	sadd.s32 $0x280, s5;
	[sflag:s6] =	ssyncadd.s32 @!p0 $0xFFFFF830  }
0x65: {  	[tilespmem:s26], [sflag:$0x6] =	stream.indirect.gather [spmem:s1], $0x10, s9, s15, $0xb8;
	[tilespmem:$0x10500] =	vst v63  }
0x66: {  	_ =	swait.ge [sflag:s28], $0x7D0  }
0x67: {  	[sflag:s28] =	ssyncset.done $0x0  }
0x68: {  	s7 =	sadd.s32 $0x2900, s5;
	s6 =	simm.s32 @!p0 $0xF;
	[sflag:s28] =	ssyncadd.s32 $0xFFFFF830  }
0x69: {  	[spmem:s3] =	stream.indirect.scatter.add.f32 [tilespmem:s20], [sflag:$0xB], $0x10, s7, s15, $0xb8;
	[tilespmem:$0x10500] =	vst v63  }
0x6a: {  	_ =	swait.ge @!p0 [sflag:s6], $0x7D0  }
0x6b: {  	[sflag:s6] =	ssyncset.done @!p0 $0x0  }
0x6c: {  	s8 =	sadd.s32 $0x300, s5;
	[sflag:s6] =	ssyncadd.s32 @!p0 $0xFFFFF830  }
0x6d: {  	[tilespmem:s29], [sflag:$0x7] =	stream.indirect.gather [spmem:s1], $0x10, s8, s15, $0xb8;
	[tilespmem:$0x10500] =	vst v63  }
0x6e: {  	_ =	swait.ge [sflag:s30], $0x7D0  }
0x6f: {  	[sflag:s30] =	ssyncset.done $0x0  }
0x70: {  	s9 =	sadd.s32 $0x2980, s5;
	s6 =	simm.s32 @!p0 $0x10;
	[sflag:s30] =	ssyncadd.s32 $0xFFFFF830  }
0x71: {  	[spmem:s3] =	stream.indirect.scatter.add.f32 [tilespmem:s22], [sflag:$0xC], $0x10, s9, s15, $0xb8;
	[tilespmem:$0x10500] =	vst v63  }
0x72: {  	_ =	swait.ge @!p0 [sflag:s6], $0x7D0  }
0x73: {  	[sflag:s6] =	ssyncset.done @!p0 $0x0  }
0x74: {  	s7 =	sadd.s32 $0x380, s5;
	[sflag:s6] =	ssyncadd.s32 @!p0 $0xFFFFF830  }
0x75: {  	[tilespmem:s31], [sflag:$0x8] =	stream.indirect.gather [spmem:s1], $0x10, s7, s15, $0xb8;
	[tilespmem:$0x10500] =	vst v63  }
0x76: {  	_ =	swait.ge [sflag:s0], $0x7D0  }
0x77: {  	[sflag:s0] =	ssyncset.done $0x0  }
0x78: {  	s8 =	sadd.s32 $0x2A00, s5;
	[sflag:s0] =	ssyncadd.s32 $0xFFFFF830  }
0x79: {  	[spmem:s3] =	stream.indirect.scatter.add.f32 [tilespmem:s24], [sflag:$0xD], $0x10, s8, s15, $0xb8;
	[tilespmem:$0x10500] =	vst v63  }
0x7a: {  	_ =	swait.ge [sflag:s2], $0x7D0  }
0x7b: {  	p0 =	seq.s32 s11, $0x9000;
	[sflag:s2] =	ssyncset.done $0x0  }
0x7c: {  	s6 =	simm.s32 @p0 $0x6;
	[sflag:s2] =	ssyncadd.s32 $0xFFFFF830  }
0x7d: {  	_ =	swait.ge @p0 [sflag:s6], $0x7D0  }
0x7e: {  	[sflag:s6] =	ssyncset.done @p0 $0x0  }
0x7f: {  	[sflag:s6] =	ssyncadd.s32 @p0 $0xFFFFF830;
	s6 =	sshra.s32 @p0 s11, $0x2  }
0x80: {  	s7 =	simm.s32 @p0 $0x7D;
	s8 =	simm.s32 @p0 $0x7710;
	s6 =	sadd.s32 @p0 $0x2A80, s6  }
0x81: {  	[spmem:s3] =	stream.indirect.scatter.add.f32 @p0 [tilespmem:s8], [sflag:$0xE], $0x10, s6, s7, $0xb8;
	[tilespmem:$0x10500] =	vst v63  }
0x82: {  	s6 =	simm.s32 @p0 $0xA  }
0x83: {  	_ =	swait.ge @p0 [sflag:s6], $0x7D0  }
0x84: {  	[sflag:s6] =	ssyncset.done @p0 $0x0  }
0x85: {  	[sflag:s6] =	ssyncadd.s32 @p0 $0xFFFFF830;
	s6 =	sshra.s32 @!p0 s11, $0x2  }
0x86: {  	s9 =	simm.s32 @!p0 $0x5000;
	s8 =	simm.s32 @!p0 $0x7D;
	s7 =	sadd.s32 @!p0 $0x400, s6  }
0x87: {  	[tilespmem:s9], [sflag:$0x1] =	stream.indirect.gather @!p0 [spmem:s1], $0x10, s7, s8, $0xb8;
	[tilespmem:$0x10500] =	vst v63  }
0x88: {  	s7 =	simm.s32 @!p0 $0x6  }
0x89: {  	_ =	swait.ge @!p0 [sflag:s7], $0x7D0  }
0x8a: {  	[sflag:s7] =	ssyncset.done @!p0 $0x0  }
0x8b: {  	s9 =	simm.s32 @!p0 $0x7710;
	[sflag:s7] =	ssyncadd.s32 @!p0 $0xFFFFF830;
	s7 =	sadd.s32 @!p0 $0x2A80, s6  }
0x8c: {  	[spmem:s3] =	stream.indirect.scatter.add.f32 @!p0 [tilespmem:s9], [sflag:$0xE], $0x10, s7, s8, $0xb8;
	[tilespmem:$0x10500] =	vst v63  }
0x8d: {  	s7 =	simm.s32 @!p0 $0xA  }
0x8e: {  	_ =	swait.ge @!p0 [sflag:s7], $0x7D0  }
0x8f: {  	[sflag:s7] =	ssyncset.done @!p0 $0x0  }
0x90: {  	s6 =	sadd.s32 @!p0 $0x480, s6;
	[sflag:s7] =	ssyncadd.s32 @!p0 $0xFFFFF830;
	s7 =	simm.s32 @!p0 $0x57D0  }
0x91: {  	[tilespmem:s7], [sflag:$0x2] =	stream.indirect.gather @!p0 [spmem:s1], $0x10, s6, s8, $0xb8;
	[tilespmem:$0x10500] =	vst v63  }
0x92: {  	_ =	swait.ge [sflag:s13], $0x7D0  }
0x93: {  	[sflag:s13] =	ssyncset.done $0x0  }
.Ltmp2:
0x94: {  	s9 =	sadd.s32 $0x2B00, s5;
	[sflag:s13] =	ssyncadd.s32 $0xFFFFF830;
	(pc) =	sbr.rel @p0 .LBB2_4-.Ltmp2, $4  }
0x95: {  	[spmem:s3] =	stream.indirect.scatter.add.f32 [tilespmem:s29], [sflag:$0xF], $0x10, s9, s15, $0xb8;
	[tilespmem:$0x10500] =	vst v63  }
0x96: {  	_ =	swait.ge [sflag:s17], $0x7D0  }
0x97: {  	[sflag:s17] =	ssyncset.done $0x0  }
0x98: {  	s6 =	sadd.s32 $0x2B80, s5;
	[sflag:s17] =	ssyncadd.s32 $0xFFFFF830  }
0x99: {  	s7 =	sadd.s32 $0x500, s5  }
0x9a: {  	[tilespmem:s20], [sflag:$0x3] =	stream.indirect.gather [spmem:s1], $0x10, s7, s15, $0xb8;
	[tilespmem:$0x10500] =	vst v63  }
0x9b: {  	_ =	swait.ge [sflag:s19], $0x7D0  }
0x9c: {  	[sflag:s19] =	ssyncset.done $0x0  }
0x9d: {  	[sflag:s19] =	ssyncadd.s32 $0xFFFFF830  }
0x9e: {  	[spmem:s3] =	stream.indirect.scatter.add.f32 [tilespmem:s31], [sflag:$0x10], $0x10, s6, s15, $0xb8;
	[tilespmem:$0x10500] =	vst v63  }
.Ltmp3:
0x9f: {  	_ = 	snop;
	(pc) =	sbr.rel .LBB2_2-.Ltmp3, $4  }
0xa0: {  	_ =	swait.ge [sflag:s21], $0x7D0  }
0xa1: {  	[sflag:s21] =	ssyncset.done $0x0  }
0xa2: {  	s9 =	sadd.s32 $0x580, s5;
	s11 =	sadd.s32 $0x1000, s11;
	[sflag:s21] =	ssyncadd.s32 $0xFFFFF830  }
0xa3: {  	[tilespmem:s22], [sflag:$0x4] =	stream.indirect.gather [spmem:s1], $0x10, s9, s15, $0xb8;
	[tilespmem:$0x10500] =	vst v63  }
.LBB2_5:
0xa4: {  	_ =	sfence.sel $0x180000  }
0xa5: {  	[bflag:$0x0] =	sbarrier.arrive $0xFFFF  }
0xa6: {  	_ =	strace $0x90000050  }
0xa7: {  	s0 =	stileid.u32;
	[bflag:$0x2] =	sbarrier.arrive $0xFFFF  }
0xa8: {  	p0 =	sne.s32 s0, $0x0;
	s0 =	rddreg [dreg:$0x4]  }
0xa9: {  	s0 =	sadd.s32 @!p0 $0x100000, s0  }
0xaa: {  	[sflag:s0] =	ssyncadd.tile.s32 @!p0 $0x1;
	_ =	shalt  }
.Lfunc_end2:
_tile_overlayer_lowered:
.L_overlay_start_2:
0xab: {  	(tag) =	ssettag $0x2  }
0xac: {  	s0 =	rddreg [dreg:$0x0];
	s2 =	stileid.u32  }
0xad: {  	s1 =	rddreg [dreg:$0x1];
	p0 =	sne.s32 s2, $0x0  }
0xae: {  	s3 =	rddreg [dreg:$0x2];
	[bflag:$0x3] =	sbarrier.arrive $0xFFFF;
	s2 =	simm.s32 @!p0 $0x1C11  }
0xaf: {  	[timem:s3], [sflag:s2] =	dma.local @!p0 [hbm:s0], s1  }
0xb0: {  	s0 =	simm.s32 @!p0 $0x11  }
0xb1: {  	_ =	swait.ge @!p0 [sflag:s0], s1  }
0xb2: {  	s1 =	ssub.s32 @!p0 $0x0, s1;
	[sflag:s0] =	ssyncset.done @!p0 $0x0  }
0xb3: {  	[sflag:s0] =	ssyncadd.s32 @!p0 s1  }
0xb4: {  	[bflag:$0x3] =	sbarrier.arrive $0xFFFF  }
0xb5: {  	_ =	shalt  }

// kernel: kernel.9.cloned.1.call-start
scs
__scs_entry_jumppad:
0x0: {  	(pc) =	sbr.rel $0x88, $3  }
0x1: {  	(tag) =	ssettag $0x0;
	lr =	simm.s32 $0x1  }
0x2: {  	[smem:$0x3F99] =	sst lr;
	_ =	strace $0xD0000000  }
0x3: {  	_ = 	snop  }
0x4: {  	_ = 	snop  }
0x5: {  	_ = 	snop  }
0x6: {  	_ = 	snop  }
0x7: {  	_ = 	snop  }
__scs_overlays_trampoline_lowered:
0x8: {  	[smem:$0x3FA8] =	sst s0  }
0x9: {  	[smem:$0x3FA9] =	sst s1  }
0xa: {  	[smem:$0x3FAA] =	sst s2  }
0xb: {  	[smem:$0x3FAB] =	sst s3  }
0xc: {  	[smem:$0x3FAC] =	sst s4  }
0xd: {  	[smem:$0x3FAD] =	sst s5  }
0xe: {  	[smem:$0x3FAE] =	sst s6  }
0xf: {  	[smem:$0x3FAF] =	sst s7  }
0x10: {  	[smem:$0x3FB0] =	sst s8  }
0x11: {  	[smem:$0x3FB1] =	sst s9;
	s0 =	simm.s32 @!p0 $0x0  }
0x12: {  	s1 =	sld [smem:$0x3F97];
	s0 =	simm.s32 @p0 $0x1  }
0x13: {  	[smem:$0x3FB2] =	sst s0;
	s0 =	simm.s32 @!p1 $0x0  }
0x14: {  	s2 =	sld [smem:$0x3F96];
	s0 =	simm.s32 @p1 $0x1  }
0x15: {  	[smem:$0x3FB3] =	sst s0;
	s0 =	simm.s32 @!p2 $0x0  }
0x16: {  	s3 =	sld [smem:$0x3FDB];
	s0 =	simm.s32 @p2 $0x1  }
0x17: {  	s4 =	simm.s32 $0x1BF5;
	[smem:$0x3FB5] =	sst s0  }
0x18: {  	s0 =	sld [smem:$0x3F98];
	_ =	swait.ge [sflag:s4], $0x0  }
0x19: {  	s7 =	sld [smem:$0x3F99]  }
0x1a: {  	s8 =	sadd.s32 $0xFFFFE003, lr  }
0x1b: {  	s9 =	sadd.s32 $0xFFFFFEF7, lr;
	s5 =	simm.s32 $0xFFFFFFFF;
	p2 =	slt.u32 s8, $0xFFFFF086  }
0x1c: {  	p1 =	slt.u32 s9, $0xF7A;
	s5 =	simm.s32 @!p2 $0x0  }
0x1d: {  	s5 =	simm.s32 @p1 $0x1;
	p0 =	seq.s32 s7, s2  }
0x1e: {  	s7 =	smul.u32 @!p0 $0xF7A, s2;
	p2 =	seq.s32 @!p0 s5, $0x0  }
0x1f: {  	s9 =	smul.u32 $0xF7A, s1;
	s8 =	simm.s32 @!p0 $0x1BF5;
	p2 =	por !p2, p0  }
0x20: {  	[sflag:s8] =	ssyncset.s32 @!p0 $0xFFFFF086;
	s6 =	sadd.s32 @!p0 s3, s7;
	s7 =	simm.s32 @!p0 $0x108  }
0x21: {  	s3 =	sadd.s32 s3, s9;
	s6 =	sadd.s32 @!p0 $0x88, s6;
	s7 =	simm.s32 @p2 $0x1082  }
0x22: {  	[simem:s7], [sflag:s8] =	dma.local @!p0 [hbm:s6], $0xF7A  }
0x23: {  	s9 =	sor.u32 $0xD0000000, s2;
	s6 =	simm.s32 $0x108;
	_ =	swait.ge @!p0 [sflag:s8], $0x0  }
0x24: {  	s3 =	sadd.s32 $0x88, s3;
	s6 =	simm.s32 @!p1 $0x1082;
	[sflag:s4] =	ssyncset.s32 $0xFFFFF086  }
0x25: {  	[simem:s6], [sflag:s4] =	dma.local [hbm:s3], $0xF7A  }
0x26: {  	[smem:$0x3F99] =	sst s1;
	(tag) =	ssettag s2;
	_ =	strace s9  }
0x27: {  	s1 =	sld [smem:$0x3FA9]  }
0x28: {  	s2 =	sld [smem:$0x3FAA]  }
0x29: {  	s4 =	sld [smem:$0x3FAC]  }
0x2a: {  	p0 =	seq.s32 s5, $0x0;
	s5 =	sld [smem:$0x3FAD]  }
0x2b: {  	s6 =	sld [smem:$0x3FAE]  }
0x2c: {  	s7 =	sld [smem:$0x3FAF]  }
0x2d: {  	s3 =	simm.s32 $0x108;
	s8 =	sld [smem:$0x3FB0]  }
0x2e: {  	s3 =	simm.s32 @!p0 $0x1082;
	s9 =	sld [smem:$0x3FB1]  }
0x2f: {  	lr =	sadd.s32 s0, s3;
	s0 =	sld [smem:$0x3FA8]  }
0x30: {  	s3 =	sld [smem:$0x3FAB]  }
0x31: {  	[smem:$0x3FB4] =	sst s10  }
0x32: {  	s10 =	sld [smem:$0x3FB2];
	_ =	sdelay $0x3  }
0x33: {  	p0 =	seq.s32 s10, $0x1;
	s10 =	sld [smem:$0x3FB4];
	_ =	sdelay $0x3  }
0x34: {  	[smem:$0x3FB4] =	sst s10  }
0x35: {  	s10 =	sld [smem:$0x3FB3];
	_ =	sdelay $0x3  }
0x36: {  	p1 =	seq.s32 s10, $0x1;
	s10 =	sld [smem:$0x3FB4];
	_ =	sdelay $0x3  }
0x37: {  	[smem:$0x3FB4] =	sst s10  }
0x38: {  	s10 =	sld [smem:$0x3FB5]  }
0x39: {  	_ = 	snop;
	(pc) =	sbr.ind lr, $3  }
0x3a: {  	_ = 	snop  }
0x3b: {  	_ = 	snop  }
0x3c: {  	p2 =	seq.s32 s10, $0x1;
	s10 =	sld [smem:$0x3FB4]  }
0x3d: {  	_ =	shalt  }
0x3e: {  	_ =	shalt  }
0x3f: {  	_ =	shalt  }
0x40: {  	_ =	shalt  }
0x41: {  	_ =	shalt  }
0x42: {  	_ =	shalt  }
0x43: {  	_ =	shalt  }
0x44: {  	_ =	shalt  }
0x45: {  	_ =	shalt  }
0x46: {  	_ =	shalt  }
0x47: {  	_ =	shalt  }
0x48: {  	_ =	shalt  }
0x49: {  	_ =	shalt  }
0x4a: {  	_ =	shalt  }
0x4b: {  	_ =	shalt  }
0x4c: {  	_ =	shalt  }
0x4d: {  	_ =	shalt  }
0x4e: {  	_ =	shalt  }
0x4f: {  	_ =	shalt  }
0x50: {  	_ =	shalt  }
0x51: {  	_ =	shalt  }
0x52: {  	_ =	shalt  }
0x53: {  	_ =	shalt  }
0x54: {  	_ =	shalt  }
0x55: {  	_ =	shalt  }
0x56: {  	_ =	shalt  }
0x57: {  	_ =	shalt  }
0x58: {  	_ =	shalt  }
0x59: {  	_ =	shalt  }
0x5a: {  	_ =	shalt  }
0x5b: {  	_ =	shalt  }
0x5c: {  	_ =	shalt  }
0x5d: {  	_ =	shalt  }
0x5e: {  	_ =	shalt  }
0x5f: {  	_ =	shalt  }
0x60: {  	_ =	shalt  }
0x61: {  	_ =	shalt  }
0x62: {  	_ =	shalt  }
0x63: {  	_ =	shalt  }
0x64: {  	_ =	shalt  }
0x65: {  	_ =	shalt  }
0x66: {  	_ =	shalt  }
0x67: {  	_ =	shalt  }
0x68: {  	_ =	shalt  }
0x69: {  	_ =	shalt  }
0x6a: {  	_ =	shalt  }
0x6b: {  	_ =	shalt  }
0x6c: {  	_ =	shalt  }
0x6d: {  	_ =	shalt  }
0x6e: {  	_ =	shalt  }
0x6f: {  	_ =	shalt  }
0x70: {  	_ =	shalt  }
0x71: {  	_ =	shalt  }
0x72: {  	_ =	shalt  }
0x73: {  	_ =	shalt  }
0x74: {  	_ =	shalt  }
0x75: {  	_ =	shalt  }
0x76: {  	_ =	shalt  }
0x77: {  	_ =	shalt  }
0x78: {  	_ =	shalt  }
0x79: {  	_ =	shalt  }
0x7a: {  	_ =	shalt  }
0x7b: {  	_ =	shalt  }
0x7c: {  	_ =	shalt  }
0x7d: {  	_ =	shalt  }
0x7e: {  	_ =	shalt  }
0x7f: {  	_ =	shalt  }
0x80: {  	_ =	shalt  }
0x81: {  	_ =	shalt  }
0x82: {  	_ =	shalt  }
0x83: {  	_ =	shalt  }
0x84: {  	_ =	shalt  }
0x85: {  	_ =	shalt  }
0x86: {  	_ =	shalt  }
0x87: {  	_ =	shalt  }
.Lfunc_end0:
.L_simem_size_0:
called_computation_lowered:
.L_overlay_start_0:
0x88: {  	s2 =	sld [smem:$0x3FD9]  }
0x89: {  	s3 =	sld [smem:$0x3FFE];
	_ =	sdelay $0x1  }
0x8a: {  	s1 =	srdreg.scid  }
0x8b: {  	s0 =	sand.u32 $0x1, s1  }
0x8c: {  	s17 =	sshll.u32 s0, $0xA;
	s2 =	sadd.s32 s3, s2  }
0x8d: {  	s2 =	sadd.s32 s2, s17  }
0x8e: {  	[smem:$0x3FC0] =	sst s2  }
0x8f: {  	_ = 	snop  }
0x90: {  	s2 =	sld [smem:$0x3FD0];
	(tm) =	ssettm $0x1  }
0x91: {  	s18 =	sld [smem:$0x3FFB];
	_ =	sdelay $0x3  }
0x92: {  	_ =	strace s18  }
0x93: {  	s3 =	sld [smem:$0x3FFC];
	_ =	sdelay $0x3  }
0x94: {  	_ =	strace s3  }
0x95: {  	s3 =	sld [smem:$0x3FFD];
	_ =	sdelay $0x3  }
0x96: {  	_ =	strace s3  }
0x97: {  	_ =	strace $0x8FFFFFFF  }
0x98: {  	s19 =	sld [smem:$0x3FDB];
	_ =	sdelay $0x1  }
0x99: {  	s4 =	simm.s32 $_scs_section_size  }
0x9a: {  	s5 =	simm.s32 $_size__tile_overlayer_lowered;
	s6 =	simm.s32 $_tile_overlayer_lowered  }
0x9b: {  	s22 =	simm.s32 $0x1BFF;
	s21 =	sshll.u32 s6, $0x1;
	s3 =	sadd.s32 s4, s19  }
0x9c: {  	s7 =	simm.s32 $0x0;
	s20 =	sshll.u32 s5, $0x1;
	s5 =	sadd.s32 s21, s3  }
0x9d: {  	[timem:s7], [sflag:s22] =	dma.local [hbm:s5], s20  }
0x9e: {  	_ =	swait.ge [sflag:s22], s20  }
0x9f: {  	s4 =	ssub.s32 $0x0, s20;
	[sflag:s22] =	ssyncset.done $0x0  }
0xa0: {  	[sflag:s22] =	ssyncadd.s32 s4;
	_ =	sdelay $0x1  }
0xa1: {  	s23 =	simm.s32 $0x1B8B  }
0xa2: {  	_ =	swait.ge [sflag:s23], $0x1  }
0xa3: {  	[sflag:s23] =	ssyncset.done $0x0  }
0xa4: {  	s25 =	simm.s32 $0x1B8E;
	s24 =	sld [smem:$0x3FFE];
	[sflag:s23] =	ssyncadd.s32 $0xFFFFFFFF  }
0xa5: {  	s26 =	simm.s32 $execute0_lowered;
	[smem:$0x3FD2] =	sst s25  }
0xa6: {  	s5 =	sshll.u32 s26, $0x1;
	_ =	strace $0x80000046;
	[dreg:$0x1] =	wrdreg $0xFFFFFFFF  }
0xa7: {  	s28 =	simm.s32 $_size_execute0_lowered;
	s3 =	sadd.s32 s3, s5;
	[dreg:$0x0] =	wrdreg $0x0  }
0xa8: {  	s5 =	sshll.u32 s28, $0x1;
	[dreg:$0x2] =	wrdreg s3  }
0xa9: {  	[dreg:$0x3] =	wrdreg s5  }
0xaa: {  	[dreg:$0x4] =	wrdreg $0xC0  }
0xab: {  	_ =	task [dreg:s7], $0x5FFFF  }
0xac: {  	[dreg:$0x1] =	wrdreg $0xFFFFFFFF  }
0xad: {  	[dreg:$0x0] =	wrdreg $0x60  }
0xae: {  	[dreg:$0x2] =	wrdreg s24  }
0xaf: {  	[dreg:$0x3] =	wrdreg s2  }
0xb0: {  	[dreg:$0x4] =	wrdreg $0x3FA80  }
0xb1: {  	[dreg:$0x5] =	wrdreg $0x9  }
0xb2: {  	_ =	task.clear_ibuf [dreg:s7], $0x6FFFF;
	_ =	strace $0x90000046  }
0xb3: {  	s29 =	simm.s32 $0x9;
	_ =	strace $0x80000048  }
0xb4: {  	_ =	swait.ge [sflag:s29], $0x1  }
0xb5: {  	[sflag:s29] =	ssyncadd.s32 $0xFFFFFFFF  }
0xb6: {  	_ =	strace $0x90000048  }
0xb7: {  	_ =	sfence  }
0xb8: {  	s30 =	sld [smem:$0x0];
	_ =	sdelay $0x2  }
0xb9: {  	s31 =	sshll.u32 s1, $0xD;
	s1 =	sshrl.u32 s1, $0x2  }
0xba: {  	s3 =	sand.u32 $0x4000, s31;
	s1 =	sadd.s32 s1, s30  }
0xbb: {  	s0 =	sor.u32 s3, s0;
	s1 =	sshll.u32 s1, $0x11  }
0xbc: {  	s0 =	sor.u32 s1, s0  }
0xbd: {  	s0 =	sadd.s32 $0x8F2B, s0  }
0xbe: {  	[sflag:s0] =	ssyncadd.remote.s32 $0x1  }
0xbf: {  	_ =	sfence.sel $0xFFFF  }
0xc0: {  	[dreg:$0x0] =	wrdreg $0xFFFFFFFF;
	(pc) =	sbr.abs _section_cstart, $3  }
0xc1: {  	[dreg:$0x1] =	wrdreg $0xFFFFFFFF  }
0xc2: {  	_ =	task.clear_ibuf [dreg:s7], $0x2FFFF;
	_ =	strace $0x9FFFFFFF  }
0xc3: {  	(tm) =	ssettm $0x7FFFFFFF  }
tec
execute0_lowered:
.L_overlay_start_1:
0x0: {  	(tag) =	ssettag $0x1  }
0x1: {  	s5 =	rddreg [dreg:$0x0]  }
0x2: {  	s8 =	rddreg [dreg:$0x1]  }
0x3: {  	s0 =	srdreg.scid;
	s2 =	rddreg [dreg:$0x2];
	s3 =	simm.s32 $0x0  }
0x4: {  	s12 =	simm.s32 $0x2BE8;
	s13 =	simm.s32 $0x7D;
	s14 =	simm.s32 $0x1  }
0x5: {  	s15 =	simm.s32 $0x0;
	s4 =	sand.u32 $0x1, s0;
	s0 =	stileid.u32  }
0x6: {  	[smem:$0x7FF] =	sst s3;
	s1 =	sshll.u32 s4, $0x4;
	s9 =	smul.u32 $0x13C0, s0  }
0x7: {  	s7 =	ssub.s32 $0x2, s4;
	s11 =	smul.u32 $0x13C00, s4;
	s4 =	sadd.s32 $0x16A00, s5  }
0x8: {  	s6 =	sor.u32 s0, s1;
	s1 =	rddreg [dreg:$0x3];
	s10 =	sshrl.u32 s7, $0x1  }
0x9: {  	_ =	strace $0x80000047;
	s6 =	smul.u32 $0x2800, s6;
	s10 =	ssub.s32 s7, s10  }
0xa: {  	s30 =	sshrl.u32 s9, $0x3;
	s31 =	sadd.s32 s9, s11;
	s7 =	sadd.s32 s9, s2  }
0xb: {  	s11 =	sshrl.u32 s31, $0x3;
	s9 =	smax.u32 s10, $0x1;
	s6 =	sshrl.u32 s6, $0x3  }
0xc: {  	s10 =	simm.s32 $0x2;
	s8 =	sadd.s32 s8, s11;
	s5 =	sadd.s32 s5, s6  }
0xd: {  	s11 =	simm.s32 $0x2800;
	s6 =	sadd.s32 s4, s30;
	s5 =	sadd.s32 $0xCA00, s5  }
.LBB2_1:
0xe: {  	[tilespmem:s3], [sflag:$0x2] =	stream.linear.gather [hbm4b:s5+s3], $0x2800, $0x38;
	[tilespmem:$0x5368] =	vst v63  }
0xf: {  	_ =	swait.ge [sflag:s10], $0x2800  }
0x10: {  	[sflag:s10] =	ssyncset.done $0x0  }
0x11: {  	[sflag:s10] =	ssyncadd.s32 $0xFFFFD800  }
0x12: {  	[tilespmem:s11], [sflag:$0x2] =	stream.linear.gather [hbm4b:s4+s3], $0x3E8, $0x38;
	[tilespmem:$0x5368] =	vst v63  }
0x13: {  	_ =	swait.ge [sflag:s10], $0x3E8  }
0x14: {  	[sflag:s10] =	ssyncset.done $0x0  }
0x15: {  	[sflag:s10] =	ssyncadd.s32 $0xFFFFFC18  }
0x16: {  	[tilespmem:s12], [sflag:$0x2] =	stream.linear.gather [hbm4b:s6+s3], $0x13C0, $0x38;
	[tilespmem:$0x5368] =	vst v63  }
0x17: {  	_ =	swait.ge [sflag:s10], $0x13C0  }
0x18: {  	[sflag:s10] =	ssyncset.done $0x0  }
0x19: {  	[sflag:s10] =	ssyncadd.s32 $0xFFFFEC40  }
0x1a: {  	[spmem:s7] =	stream.linear.scatter [tilespmem:s12], [sflag:$0x2], $0x13C0, $0x38;
	[tilespmem:$0x5368] =	vst v63  }
0x1b: {  	_ =	swait.ge [sflag:s10], $0x13C0  }
0x1c: {  	[sflag:s10] =	ssyncset.done $0x0  }
0x1d: {  	p0 =	por $0x1, $0x1;
	[sflag:s10] =	ssyncadd.s32 $0xFFFFEC40  }
0x1e: {  	s18 =	simm.s32 @!p0 $0x1;
	[bflag:$0x0] =	sbarrier.arrive $0xFFFF  }
0x1f: {  	[spmem:s2] =	stream.indirect.scatter.add.f32 [tilespmem:s11], [sflag:$0x1], $0x8, s3, s13, $0xb8;
	[tilespmem:$0x5368] =	vst v63  }
0x20: {  	_ =	swait.ge @!p0 [sflag:s18], $0x3E8  }
0x21: {  	s16 =	simm.s32 $0x1;
	s17 =	simm.s32 $0x0;
	[sflag:s18] =	ssyncset.done @!p0 $0x0  }
.LBB2_2:
0x22: {  	[sflag:s18] =	ssyncadd.s32 @!p0 $0xFFFFFC18  }
0x23: {  	s17 =	sadd.s32 $0x80, s17;
	s18 =	smov.u32 s16;
	s16 =	sadd.s32 $0x1, s16  }
0x24: {  	p1 =	sne.s32 s16, $0x50  }
0x25: {  	[spmem:s2] =	stream.indirect.scatter.add.f32 [tilespmem:s11], [sflag:$0x1], $0x8, s17, s13, $0xb8;
	[tilespmem:$0x5368] =	vst v63  }
.Ltmp0:
0x26: {  	_ = 	snop;
	(pc) =	sbr.rel @p1 .LBB2_2-.Ltmp0, $4  }
0x27: {  	p0 =	slt.u32 s18, $0x8  }
0x28: {  	s18 =	simm.s32 @!p0 $0x1  }
0x29: {  	_ =	swait.ge @!p0 [sflag:s18], $0x3E8  }
0x2a: {  	[sflag:s18] =	ssyncset.done @!p0 $0x0  }
0x2b: {  	[sflag:s18] =	ssyncadd.s32 @!p0 $0xFFFFFC18  }
0x2c: {  	_ =	swait.ge [sflag:s14], $0x3E8  }
0x2d: {  	[sflag:s14] =	ssyncset.done $0x0  }
0x2e: {  	[sflag:s14] =	ssyncadd.s32 $0xFFFFFC18  }
0x2f: {  	_ =	swait.ge [sflag:s14], $0x3E8  }
0x30: {  	[sflag:s14] =	ssyncset.done $0x0  }
0x31: {  	[sflag:s14] =	ssyncadd.s32 $0xFFFFFC18  }
0x32: {  	_ =	swait.ge [sflag:s14], $0x3E8  }
0x33: {  	[sflag:s14] =	ssyncset.done $0x0  }
0x34: {  	[sflag:s14] =	ssyncadd.s32 $0xFFFFFC18  }
0x35: {  	_ =	swait.ge [sflag:s14], $0x3E8  }
0x36: {  	[sflag:s14] =	ssyncset.done $0x0  }
0x37: {  	[sflag:s14] =	ssyncadd.s32 $0xFFFFFC18  }
0x38: {  	_ =	swait.ge [sflag:s14], $0x3E8  }
0x39: {  	[sflag:s14] =	ssyncset.done $0x0  }
0x3a: {  	[sflag:s14] =	ssyncadd.s32 $0xFFFFFC18  }
0x3b: {  	_ =	swait.ge [sflag:s14], $0x3E8  }
0x3c: {  	[sflag:s14] =	ssyncset.done $0x0  }
0x3d: {  	[sflag:s14] =	ssyncadd.s32 $0xFFFFFC18  }
0x3e: {  	_ =	swait.ge [sflag:s14], $0x3E8  }
0x3f: {  	[sflag:s14] =	ssyncset.done $0x0  }
0x40: {  	[sflag:s14] =	ssyncadd.s32 $0xFFFFFC18  }
0x41: {  	_ =	swait.ge [sflag:s14], $0x3E8  }
0x42: {  	[sflag:s14] =	ssyncset.done $0x0  }
0x43: {  	[sflag:s14] =	ssyncadd.s32 $0xFFFFFC18  }
0x44: {  	[bflag:$0x0] =	sbarrier.arrive $0xFFFF  }
0x45: {  	[tilespmem:s12], [sflag:$0x2] =	stream.linear.gather [spmem:s7], $0x13C0, $0x38;
	[tilespmem:$0x5368] =	vst v63  }
0x46: {  	s15 =	sadd.s32 $0x1, s15;
	_ =	swait.ge [sflag:s10], $0x13C0  }
0x47: {  	p0 =	sne.s32 s15, s9;
	[sflag:s10] =	ssyncset.done $0x0  }
.Ltmp1:
0x48: {  	[sflag:s10] =	ssyncadd.s32 $0xFFFFEC40;
	(pc) =	sbr.rel @p0 .LBB2_1-.Ltmp1, $4  }
0x49: {  	[hbm4b:s8+s3] =	stream.linear.scatter [tilespmem:s12], [sflag:$0x2], $0x13C0, $0x38;
	[tilespmem:$0x5368] =	vst v63  }
0x4a: {  	_ =	swait.ge [sflag:s10], $0x13C0  }
0x4b: {  	[sflag:s10] =	ssyncset.done $0x0  }
0x4c: {  	[sflag:s10] =	ssyncadd.s32 $0xFFFFEC40  }
0x4d: {  	_ =	sfence.sel $0x180000  }
0x4e: {  	[bflag:$0x0] =	sbarrier.arrive $0xFFFF  }
0x4f: {  	p0 =	sne.s32 s0, $0x0;
	_ =	strace $0x90000047  }
0x50: {  	s0 =	sadd.s32 @!p0 $0x100000, s1;
	[bflag:$0x2] =	sbarrier.arrive $0xFFFF  }
0x51: {  	[sflag:s0] =	ssyncadd.tile.s32 @!p0 $0x1;
	_ =	shalt  }
.Lfunc_end2:
_tile_overlayer_lowered:
.L_overlay_start_2:
0x52: {  	(tag) =	ssettag $0x2  }
0x53: {  	s0 =	rddreg [dreg:$0x0];
	s2 =	stileid.u32  }
0x54: {  	s1 =	rddreg [dreg:$0x1];
	p0 =	sne.s32 s2, $0x0  }
0x55: {  	s3 =	rddreg [dreg:$0x2];
	[bflag:$0x3] =	sbarrier.arrive $0xFFFF;
	s2 =	simm.s32 @!p0 $0x1C02  }
0x56: {  	[timem:s3], [sflag:s2] =	dma.local @!p0 [hbm:s0], s1  }
0x57: {  	s0 =	simm.s32 @!p0 $0x2  }
0x58: {  	_ =	swait.ge @!p0 [sflag:s0], s1  }
0x59: {  	s1 =	ssub.s32 @!p0 $0x0, s1;
	[sflag:s0] =	ssyncset.done @!p0 $0x0  }
0x5a: {  	[sflag:s0] =	ssyncadd.s32 @!p0 s1  }
0x5b: {  	[bflag:$0x3] =	sbarrier.arrive $0xFFFF  }
0x5c: {  	_ =	shalt  }

</sc_bundles>
